<compile_context>
chip_gen: v7x
topology: tpu7x:2x2x1
jax: 0.10.2.dev20260603
libtpu: 0.0.44.dev20260713+nightly
codegen_flags: <defaults>
</compile_context>

<pallas_src>
import jax
import jax.numpy as jnp
from jax import lax
from jax.experimental import pallas as pl
from jax.experimental.pallas import tpu as pltpu
from jax.experimental.pallas import tpu_sc as plsc

B, L, D, V = 4096, 50, 64, 100000
NC, NS = 2, 16
NW = NC * NS
S = B // NW
DEPTH = 8


def _tec_body(x_hbm, table_hbm, out_hbm, idx_v, rows_v, t_v, gsem, osem):
    wid = lax.axis_index("s") * NC + lax.axis_index("c")
    base = wid * S
    pltpu.sync_copy(x_hbm.at[pl.ds(base, S)], idx_v)
    col = lax.iota(jnp.int32, 16) * L

    def gather_issue(b, p):
        pltpu.async_copy(table_hbm.at[idx_v.at[b]], rows_v.at[p], gsem)

    def gather_wait(b, p):
        pltpu.make_async_copy(table_hbm.at[idx_v.at[b]], rows_v.at[p], gsem).wait()

    def out_issue(b, p):
        pltpu.async_copy(t_v.at[p], out_hbm.at[base + b], osem)

    def out_wait(b, p):
        pltpu.make_async_copy(t_v.at[p], out_hbm.at[base + b], osem).wait()

    for i in range(DEPTH):
        gather_issue(i, i)

    def sample_body(b, carry):
        p = lax.rem(b, DEPTH)
        gather_wait(b, p)

        @pl.when(b >= DEPTH)
        def _():
            out_wait(b - DEPTH, p)

        for j in range(L):
            for k in range(4):
                data = rows_v[p, j, pl.ds(k * 16, 16)]
                tidx = col + (j + k * 16 * L)
                plsc.store_scatter(t_v.at[p], [tidx], data)

        out_issue(b, p)
        nb = jnp.minimum(b + DEPTH, S - 1)
        gather_issue(nb, lax.rem(nb, DEPTH))
        return carry

    lax.fori_loop(0, S, sample_body, 0)
    for i in range(DEPTH):
        gather_wait(S - 1, lax.rem(jnp.int32(S - 1), DEPTH))
        out_wait(S - DEPTH + i, lax.rem(jnp.int32(S - DEPTH + i), DEPTH))


def kernel(x, table):
    x32 = x.astype(jnp.int32)
    mesh = plsc.VectorSubcoreMesh(core_axis_name="c", subcore_axis_name="s")
    f = pl.kernel(
        _tec_body,
        mesh=mesh,
        compiler_params=pltpu.CompilerParams(
            needs_layout_passes=False, use_tc_tiling_on_sc=False
        ),
        out_type=jax.ShapeDtypeStruct((B, D * L), jnp.float32),
        scratch_types=[
            pltpu.VMEM((S, L), jnp.int32),
            pltpu.VMEM((DEPTH, L, D), jnp.float32),
            pltpu.VMEM((DEPTH, D * L), jnp.float32),
            pltpu.SemaphoreType.DMA,
            pltpu.SemaphoreType.DMA,
        ],
    )
    out = f(x32, table)
    return out.reshape(B, D, L)

# --- scband reference (transcript-rebuilt; emitter-appended) ---
"""Pipeline reference for scband-encoder-12240656793835 (READ-ONLY COPY).

The authoritative reference and input builder live on the scoring server;
editing this copy changes nothing except your own understanding.
"""

import jax, jax.numpy as jnp
import numpy as np


def setup_inputs(seed: int = 0) -> dict:
    key = jax.random.key(seed)
    k1, k2 = jax.random.split(key)
    x = jax.random.randint(k1, (4096, 50), 0, 100000, dtype=jnp.int64)
    # Xavier-uniform init for embedding table [in_dim, out_dim]
    in_dim, out_dim = 100000, 64
    limit = float(np.sqrt(6.0 / (in_dim + out_dim)))
    table = jax.random.uniform(k2, (in_dim, out_dim), minval=-limit, maxval=limit, dtype=jnp.float32)
    # padding_idx=0 row zeroed
    table = table.at[0].set(0.0)
    return {"x": x, "table": table}


def reference(x, table):
    # nn.Embedding with padding_idx=0: row 0 acts as zeros
    tbl = table.at[0].set(0.0)
    emb = jnp.take(tbl, x, axis=0)  # [B, L, D]
    # transpose(1, 2) -> [B, D, L]; dropout is identity in eval / deterministic reference
    return jnp.transpose(emb, (0, 2, 1))

if __name__ == "__main__":
    import jax
    _d = setup_inputs()
    print(jax.jit(kernel)(*tuple(_d.values())))

</pallas_src>

<mosaic_0001>
#map = affine_map<(d0, d1) -> (0, 0)>
module attributes {stable_mosaic.version = 14 : i64} {
  func.func @_tec_body(%arg0: i32, %arg1: i32, %arg2: memref<4096x50xi32, #tpu.memory_space<hbm>>, %arg3: memref<100000x64xf32, #tpu.memory_space<hbm>>, %arg4: memref<4096x3200xf32, #tpu.memory_space<hbm>>, %arg5: memref<128x50xi32, #tpu.memory_space<vmem>>, %arg6: memref<8x50x64xf32, #tpu.memory_space<vmem>>, %arg7: memref<8x3200xf32, #tpu.memory_space<vmem>>, %arg8: memref<!tpu.dma_semaphore, #tpu.memory_space<semaphore_mem>>, %arg9: memref<!tpu.dma_semaphore, #tpu.memory_space<semaphore_mem>>) attributes {dimension_semantics = [#tpu.dimension_semantics<core_parallel>, #tpu.dimension_semantics<subcore_parallel>], iteration_bounds = array<i64: 2, 16>, scalar_prefetch = 0 : i64, scratch_operands = 5 : i64, tpu.core_type = #tpu.core_type<sc_vector_subcore>, window_params = [{transform_indices = #map}, {transform_indices = #map}, {transform_indices = #map}]} {
    %mul3A = arith.constant 2 : i32
    %mul3A_0 = arith.muli %arg1, %mul3A : i32
    %add3A = arith.addi %mul3A_0, %arg0 : i32
    %mul3A_1 = arith.constant 128 : i32
    %mul3A_2 = arith.muli %add3A, %mul3A_1 : i32
    "tpu.region"() ({
      %run_scoped3A = tpu.sem_alloc : memref<!tpu.dma_semaphore, #tpu.memory_space<semaphore_mem>>
      %dma_start3A_352 = arith.constant 0 : i32
      %dma_start3A_353 = tpu.memref_slice %arg2[%mul3A_2, %dma_start3A_352] : memref<4096x50xi32, #tpu.memory_space<hbm>> -> memref<128x50xi32, #tpu.memory_space<hbm>>
      %dma_start3A_354 = arith.constant 0 : i32
      %dma_start3A_355 = tpu.memref_slice %arg2[%mul3A_2, %dma_start3A_354] : memref<4096x50xi32, #tpu.memory_space<hbm>> -> memref<128x50xi32, #tpu.memory_space<hbm>>
      tpu.enqueue_dma source(%dma_start3A_355 : memref<128x50xi32, #tpu.memory_space<hbm>>) target(%arg5 : memref<128x50xi32, #tpu.memory_space<vmem>>) target_semaphore(%run_scoped3A : memref<!tpu.dma_semaphore, #tpu.memory_space<semaphore_mem>>)
      %dma_wait3A_356 = arith.constant 0 : i32
      %dma_wait3A_357 = tpu.memref_slice %arg2[%mul3A_2, %dma_wait3A_356] : memref<4096x50xi32, #tpu.memory_space<hbm>> -> memref<128x50xi32, #tpu.memory_space<hbm>>
      %dma_wait3A_358 = arith.constant 0 : i32
      %dma_wait3A_359 = tpu.memref_slice %arg2[%mul3A_2, %dma_wait3A_358] : memref<4096x50xi32, #tpu.memory_space<hbm>> -> memref<128x50xi32, #tpu.memory_space<hbm>>
      tpu.wait_dma2 semaphore(%run_scoped3A : memref<!tpu.dma_semaphore, #tpu.memory_space<semaphore_mem>>) src(%dma_wait3A_359 : memref<128x50xi32, #tpu.memory_space<hbm>>) dst(%arg5 : memref<128x50xi32, #tpu.memory_space<vmem>>)
      tpu.yield
    }) : () -> ()
    %iota3A = tpu.iota {dimensions = array<i32: 0>} : vector<16xi32>
    %mul3A_3 = arith.constant 50 : i32
    %mul3A_4 = vector.broadcast %mul3A_3 : i32 to vector<16xi32>
    %mul3A_5 = arith.muli %iota3A, %mul3A_4 : vector<16xi32>
    %dma_start3A = arith.constant 0 : i32
    %dma_start3A_6 = arith.constant 0 : i32
    %dma_start3A_7 = arith.constant 0 : i32
    %dma_start3A_8 = arith.constant 0 : i32
    %dma_start3A_9 = tpu.memref_slice %arg6[%dma_start3A_6, %dma_start3A_7, %dma_start3A_8] : memref<8x50x64xf32, #tpu.memory_space<vmem>> -> memref<1x50x64xf32, #tpu.memory_space<vmem>>
    %dma_start3A_10 = tpu.memref_squeeze %dma_start3A_9 : memref<1x50x64xf32, #tpu.memory_space<vmem>> -> memref<50x64xf32, #tpu.memory_space<vmem>>
    %dma_start3A_11 = arith.constant 0 : i32
    %dma_start3A_12 = tpu.memref_slice %arg5[%dma_start3A, %dma_start3A_11] : memref<128x50xi32, #tpu.memory_space<vmem>> -> memref<1x50xi32, #tpu.memory_space<vmem>>
    %dma_start3A_13 = tpu.memref_squeeze %dma_start3A_12 : memref<1x50xi32, #tpu.memory_space<vmem>> -> memref<50xi32, #tpu.memory_space<vmem>>
    %dma_start3A_14 = arith.constant 0 : i32
    %dma_start3A_15 = arith.constant 0 : i32
    %dma_start3A_16 = tpu.memref_slice %arg3[%dma_start3A_14, %dma_start3A_15] : memref<100000x64xf32, #tpu.memory_space<hbm>> -> memref<100000x64xf32, #tpu.memory_space<hbm>>
    tpu.enqueue_indirect_dma source(%dma_start3A_16 : memref<100000x64xf32, #tpu.memory_space<hbm>>) target(%dma_start3A_10 : memref<50x64xf32, #tpu.memory_space<vmem>>) offsets(%dma_start3A_13 : memref<50xi32, #tpu.memory_space<vmem>>) semaphore(%arg8 : memref<!tpu.dma_semaphore, #tpu.memory_space<semaphore_mem>>)
    %dma_start3A_17 = arith.constant 1 : i32
    %dma_start3A_18 = arith.constant 1 : i32
    %dma_start3A_19 = arith.constant 0 : i32
    %dma_start3A_20 = arith.constant 0 : i32
    %dma_start3A_21 = tpu.memref_slice %arg6[%dma_start3A_18, %dma_start3A_19, %dma_start3A_20] : memref<8x50x64xf32, #tpu.memory_space<vmem>> -> memref<1x50x64xf32, #tpu.memory_space<vmem>>
    %dma_start3A_22 = tpu.memref_squeeze %dma_start3A_21 : memref<1x50x64xf32, #tpu.memory_space<vmem>> -> memref<50x64xf32, #tpu.memory_space<vmem>>
    %dma_start3A_23 = arith.constant 0 : i32
    %dma_start3A_24 = tpu.memref_slice %arg5[%dma_start3A_17, %dma_start3A_23] : memref<128x50xi32, #tpu.memory_space<vmem>> -> memref<1x50xi32, #tpu.memory_space<vmem>>
    %dma_start3A_25 = tpu.memref_squeeze %dma_start3A_24 : memref<1x50xi32, #tpu.memory_space<vmem>> -> memref<50xi32, #tpu.memory_space<vmem>>
    %dma_start3A_26 = arith.constant 0 : i32
    %dma_start3A_27 = arith.constant 0 : i32
    %dma_start3A_28 = tpu.memref_slice %arg3[%dma_start3A_26, %dma_start3A_27] : memref<100000x64xf32, #tpu.memory_space<hbm>> -> memref<100000x64xf32, #tpu.memory_space<hbm>>
    tpu.enqueue_indirect_dma source(%dma_start3A_28 : memref<100000x64xf32, #tpu.memory_space<hbm>>) target(%dma_start3A_22 : memref<50x64xf32, #tpu.memory_space<vmem>>) offsets(%dma_start3A_25 : memref<50xi32, #tpu.memory_space<vmem>>) semaphore(%arg8 : memref<!tpu.dma_semaphore, #tpu.memory_space<semaphore_mem>>)
    %dma_start3A_29 = arith.constant 2 : i32
    %dma_start3A_30 = arith.constant 2 : i32
    %dma_start3A_31 = arith.constant 0 : i32
    %dma_start3A_32 = arith.constant 0 : i32
    %dma_start3A_33 = tpu.memref_slice %arg6[%dma_start3A_30, %dma_start3A_31, %dma_start3A_32] : memref<8x50x64xf32, #tpu.memory_space<vmem>> -> memref<1x50x64xf32, #tpu.memory_space<vmem>>
    %dma_start3A_34 = tpu.memref_squeeze %dma_start3A_33 : memref<1x50x64xf32, #tpu.memory_space<vmem>> -> memref<50x64xf32, #tpu.memory_space<vmem>>
    %dma_start3A_35 = arith.constant 0 : i32
    %dma_start3A_36 = tpu.memref_slice %arg5[%dma_start3A_29, %dma_start3A_35] : memref<128x50xi32, #tpu.memory_space<vmem>> -> memref<1x50xi32, #tpu.memory_space<vmem>>
    %dma_start3A_37 = tpu.memref_squeeze %dma_start3A_36 : memref<1x50xi32, #tpu.memory_space<vmem>> -> memref<50xi32, #tpu.memory_space<vmem>>
    %dma_start3A_38 = arith.constant 0 : i32
    %dma_start3A_39 = arith.constant 0 : i32
    %dma_start3A_40 = tpu.memref_slice %arg3[%dma_start3A_38, %dma_start3A_39] : memref<100000x64xf32, #tpu.memory_space<hbm>> -> memref<100000x64xf32, #tpu.memory_space<hbm>>
    tpu.enqueue_indirect_dma source(%dma_start3A_40 : memref<100000x64xf32, #tpu.memory_space<hbm>>) target(%dma_start3A_34 : memref<50x64xf32, #tpu.memory_space<vmem>>) offsets(%dma_start3A_37 : memref<50xi32, #tpu.memory_space<vmem>>) semaphore(%arg8 : memref<!tpu.dma_semaphore, #tpu.memory_space<semaphore_mem>>)
    %dma_start3A_41 = arith.constant 3 : i32
    %dma_start3A_42 = arith.constant 3 : i32
    %dma_start3A_43 = arith.constant 0 : i32
    %dma_start3A_44 = arith.constant 0 : i32
    %dma_start3A_45 = tpu.memref_slice %arg6[%dma_start3A_42, %dma_start3A_43, %dma_start3A_44] : memref<8x50x64xf32, #tpu.memory_space<vmem>> -> memref<1x50x64xf32, #tpu.memory_space<vmem>>
    %dma_start3A_46 = tpu.memref_squeeze %dma_start3A_45 : memref<1x50x64xf32, #tpu.memory_space<vmem>> -> memref<50x64xf32, #tpu.memory_space<vmem>>
    %dma_start3A_47 = arith.constant 0 : i32
    %dma_start3A_48 = tpu.memref_slice %arg5[%dma_start3A_41, %dma_start3A_47] : memref<128x50xi32, #tpu.memory_space<vmem>> -> memref<1x50xi32, #tpu.memory_space<vmem>>
    %dma_start3A_49 = tpu.memref_squeeze %dma_start3A_48 : memref<1x50xi32, #tpu.memory_space<vmem>> -> memref<50xi32, #tpu.memory_space<vmem>>
    %dma_start3A_50 = arith.constant 0 : i32
    %dma_start3A_51 = arith.constant 0 : i32
    %dma_start3A_52 = tpu.memref_slice %arg3[%dma_start3A_50, %dma_start3A_51] : memref<100000x64xf32, #tpu.memory_space<hbm>> -> memref<100000x64xf32, #tpu.memory_space<hbm>>
    tpu.enqueue_indirect_dma source(%dma_start3A_52 : memref<100000x64xf32, #tpu.memory_space<hbm>>) target(%dma_start3A_46 : memref<50x64xf32, #tpu.memory_space<vmem>>) offsets(%dma_start3A_49 : memref<50xi32, #tpu.memory_space<vmem>>) semaphore(%arg8 : memref<!tpu.dma_semaphore, #tpu.memory_space<semaphore_mem>>)
    %dma_start3A_53 = arith.constant 4 : i32
    %dma_start3A_54 = arith.constant 4 : i32
    %dma_start3A_55 = arith.constant 0 : i32
    %dma_start3A_56 = arith.constant 0 : i32
    %dma_start3A_57 = tpu.memref_slice %arg6[%dma_start3A_54, %dma_start3A_55, %dma_start3A_56] : memref<8x50x64xf32, #tpu.memory_space<vmem>> -> memref<1x50x64xf32, #tpu.memory_space<vmem>>
    %dma_start3A_58 = tpu.memref_squeeze %dma_start3A_57 : memref<1x50x64xf32, #tpu.memory_space<vmem>> -> memref<50x64xf32, #tpu.memory_space<vmem>>
    %dma_start3A_59 = arith.constant 0 : i32
    %dma_start3A_60 = tpu.memref_slice %arg5[%dma_start3A_53, %dma_start3A_59] : memref<128x50xi32, #tpu.memory_space<vmem>> -> memref<1x50xi32, #tpu.memory_space<vmem>>
    %dma_start3A_61 = tpu.memref_squeeze %dma_start3A_60 : memref<1x50xi32, #tpu.memory_space<vmem>> -> memref<50xi32, #tpu.memory_space<vmem>>
    %dma_start3A_62 = arith.constant 0 : i32
    %dma_start3A_63 = arith.constant 0 : i32
    %dma_start3A_64 = tpu.memref_slice %arg3[%dma_start3A_62, %dma_start3A_63] : memref<100000x64xf32, #tpu.memory_space<hbm>> -> memref<100000x64xf32, #tpu.memory_space<hbm>>
    tpu.enqueue_indirect_dma source(%dma_start3A_64 : memref<100000x64xf32, #tpu.memory_space<hbm>>) target(%dma_start3A_58 : memref<50x64xf32, #tpu.memory_space<vmem>>) offsets(%dma_start3A_61 : memref<50xi32, #tpu.memory_space<vmem>>) semaphore(%arg8 : memref<!tpu.dma_semaphore, #tpu.memory_space<semaphore_mem>>)
    %dma_start3A_65 = arith.constant 5 : i32
    %dma_start3A_66 = arith.constant 5 : i32
    %dma_start3A_67 = arith.constant 0 : i32
    %dma_start3A_68 = arith.constant 0 : i32
    %dma_start3A_69 = tpu.memref_slice %arg6[%dma_start3A_66, %dma_start3A_67, %dma_start3A_68] : memref<8x50x64xf32, #tpu.memory_space<vmem>> -> memref<1x50x64xf32, #tpu.memory_space<vmem>>
    %dma_start3A_70 = tpu.memref_squeeze %dma_start3A_69 : memref<1x50x64xf32, #tpu.memory_space<vmem>> -> memref<50x64xf32, #tpu.memory_space<vmem>>
    %dma_start3A_71 = arith.constant 0 : i32
    %dma_start3A_72 = tpu.memref_slice %arg5[%dma_start3A_65, %dma_start3A_71] : memref<128x50xi32, #tpu.memory_space<vmem>> -> memref<1x50xi32, #tpu.memory_space<vmem>>
    %dma_start3A_73 = tpu.memref_squeeze %dma_start3A_72 : memref<1x50xi32, #tpu.memory_space<vmem>> -> memref<50xi32, #tpu.memory_space<vmem>>
    %dma_start3A_74 = arith.constant 0 : i32
    %dma_start3A_75 = arith.constant 0 : i32
    %dma_start3A_76 = tpu.memref_slice %arg3[%dma_start3A_74, %dma_start3A_75] : memref<100000x64xf32, #tpu.memory_space<hbm>> -> memref<100000x64xf32, #tpu.memory_space<hbm>>
    tpu.enqueue_indirect_dma source(%dma_start3A_76 : memref<100000x64xf32, #tpu.memory_space<hbm>>) target(%dma_start3A_70 : memref<50x64xf32, #tpu.memory_space<vmem>>) offsets(%dma_start3A_73 : memref<50xi32, #tpu.memory_space<vmem>>) semaphore(%arg8 : memref<!tpu.dma_semaphore, #tpu.memory_space<semaphore_mem>>)
    %dma_start3A_77 = arith.constant 6 : i32
    %dma_start3A_78 = arith.constant 6 : i32
    %dma_start3A_79 = arith.constant 0 : i32
    %dma_start3A_80 = arith.constant 0 : i32
    %dma_start3A_81 = tpu.memref_slice %arg6[%dma_start3A_78, %dma_start3A_79, %dma_start3A_80] : memref<8x50x64xf32, #tpu.memory_space<vmem>> -> memref<1x50x64xf32, #tpu.memory_space<vmem>>
    %dma_start3A_82 = tpu.memref_squeeze %dma_start3A_81 : memref<1x50x64xf32, #tpu.memory_space<vmem>> -> memref<50x64xf32, #tpu.memory_space<vmem>>
    %dma_start3A_83 = arith.constant 0 : i32
    %dma_start3A_84 = tpu.memref_slice %arg5[%dma_start3A_77, %dma_start3A_83] : memref<128x50xi32, #tpu.memory_space<vmem>> -> memref<1x50xi32, #tpu.memory_space<vmem>>
    %dma_start3A_85 = tpu.memref_squeeze %dma_start3A_84 : memref<1x50xi32, #tpu.memory_space<vmem>> -> memref<50xi32, #tpu.memory_space<vmem>>
    %dma_start3A_86 = arith.constant 0 : i32
    %dma_start3A_87 = arith.constant 0 : i32
    %dma_start3A_88 = tpu.memref_slice %arg3[%dma_start3A_86, %dma_start3A_87] : memref<100000x64xf32, #tpu.memory_space<hbm>> -> memref<100000x64xf32, #tpu.memory_space<hbm>>
    tpu.enqueue_indirect_dma source(%dma_start3A_88 : memref<100000x64xf32, #tpu.memory_space<hbm>>) target(%dma_start3A_82 : memref<50x64xf32, #tpu.memory_space<vmem>>) offsets(%dma_start3A_85 : memref<50xi32, #tpu.memory_space<vmem>>) semaphore(%arg8 : memref<!tpu.dma_semaphore, #tpu.memory_space<semaphore_mem>>)
    %dma_start3A_89 = arith.constant 7 : i32
    %dma_start3A_90 = arith.constant 7 : i32
    %dma_start3A_91 = arith.constant 0 : i32
    %dma_start3A_92 = arith.constant 0 : i32
    %dma_start3A_93 = tpu.memref_slice %arg6[%dma_start3A_90, %dma_start3A_91, %dma_start3A_92] : memref<8x50x64xf32, #tpu.memory_space<vmem>> -> memref<1x50x64xf32, #tpu.memory_space<vmem>>
    %dma_start3A_94 = tpu.memref_squeeze %dma_start3A_93 : memref<1x50x64xf32, #tpu.memory_space<vmem>> -> memref<50x64xf32, #tpu.memory_space<vmem>>
    %dma_start3A_95 = arith.constant 0 : i32
    %dma_start3A_96 = tpu.memref_slice %arg5[%dma_start3A_89, %dma_start3A_95] : memref<128x50xi32, #tpu.memory_space<vmem>> -> memref<1x50xi32, #tpu.memory_space<vmem>>
    %dma_start3A_97 = tpu.memref_squeeze %dma_start3A_96 : memref<1x50xi32, #tpu.memory_space<vmem>> -> memref<50xi32, #tpu.memory_space<vmem>>
    %dma_start3A_98 = arith.constant 0 : i32
    %dma_start3A_99 = arith.constant 0 : i32
    %dma_start3A_100 = tpu.memref_slice %arg3[%dma_start3A_98, %dma_start3A_99] : memref<100000x64xf32, #tpu.memory_space<hbm>> -> memref<100000x64xf32, #tpu.memory_space<hbm>>
    tpu.enqueue_indirect_dma source(%dma_start3A_100 : memref<100000x64xf32, #tpu.memory_space<hbm>>) target(%dma_start3A_94 : memref<50x64xf32, #tpu.memory_space<vmem>>) offsets(%dma_start3A_97 : memref<50xi32, #tpu.memory_space<vmem>>) semaphore(%arg8 : memref<!tpu.dma_semaphore, #tpu.memory_space<semaphore_mem>>)
    %scan3A = arith.constant 0 : i32
    %scan3A_101 = arith.constant 0 : i32
    %scan3A_102 = arith.constant 128 : i32
    %scan3A_103 = arith.addi %scan3A_101, %scan3A_102 : i32
    %scan3A_104 = arith.constant 1 : i32
    scf.for %scan3A_352 = %scan3A_101 to %scan3A_103 step %scan3A_104  : i32 {
      %rem3A_353 = arith.constant 8 : i32
      %rem3A_354 = arith.remsi %scan3A_352, %rem3A_353 : i32
      %dma_wait3A_355 = arith.constant 0 : i32
      %dma_wait3A_356 = arith.constant 0 : i32
      %dma_wait3A_357 = tpu.memref_slice %arg6[%rem3A_354, %dma_wait3A_355, %dma_wait3A_356] : memref<8x50x64xf32, #tpu.memory_space<vmem>> -> memref<1x50x64xf32, #tpu.memory_space<vmem>>
      %dma_wait3A_358 = tpu.memref_squeeze %dma_wait3A_357 : memref<1x50x64xf32, #tpu.memory_space<vmem>> -> memref<50x64xf32, #tpu.memory_space<vmem>>
      %dma_wait3A_359 = arith.constant 0 : i32
      %dma_wait3A_360 = tpu.memref_slice %arg5[%scan3A_352, %dma_wait3A_359] : memref<128x50xi32, #tpu.memory_space<vmem>> -> memref<1x50xi32, #tpu.memory_space<vmem>>
      %dma_wait3A_361 = tpu.memref_squeeze %dma_wait3A_360 : memref<1x50xi32, #tpu.memory_space<vmem>> -> memref<50xi32, #tpu.memory_space<vmem>>
      %dma_wait3A_362 = arith.constant 0 : i32
      %dma_wait3A_363 = arith.constant 0 : i32
      %dma_wait3A_364 = tpu.memref_slice %arg3[%dma_wait3A_362, %dma_wait3A_363] : memref<100000x64xf32, #tpu.memory_space<hbm>> -> memref<100000x64xf32, #tpu.memory_space<hbm>>
      tpu.wait_indirect_dma semaphore(%arg8 : memref<!tpu.dma_semaphore, #tpu.memory_space<semaphore_mem>>) src(%dma_wait3A_364 : memref<100000x64xf32, #tpu.memory_space<hbm>>) dst(%dma_wait3A_358 : memref<50x64xf32, #tpu.memory_space<vmem>>)
      %ge3A = arith.constant 8 : i32
      %ge3A_365 = arith.cmpi sge, %scan3A_352, %ge3A : i32
      %convert_element_type3A = arith.extui %ge3A_365 : i1 to i32
      %cond3A = arith.constant 0 : i32
      %cond3A_366 = arith.cmpi ne, %convert_element_type3A, %cond3A : i32
      scf.if %cond3A_366 {
        %sub3A = arith.constant 8 : i32
        %sub3A_2593 = arith.subi %scan3A_352, %sub3A : i32
        %add3A_2594 = arith.addi %mul3A_2, %sub3A_2593 : i32
        %dma_wait3A_2595 = arith.constant 0 : i32
        %dma_wait3A_2596 = tpu.memref_slice %arg7[%rem3A_354, %dma_wait3A_2595] : memref<8x3200xf32, #tpu.memory_space<vmem>> -> memref<1x3200xf32, #tpu.memory_space<vmem>>
        %dma_wait3A_2597 = tpu.memref_squeeze %dma_wait3A_2596 : memref<1x3200xf32, #tpu.memory_space<vmem>> -> memref<3200xf32, #tpu.memory_space<vmem>>
        %dma_wait3A_2598 = arith.constant 0 : i32
        %dma_wait3A_2599 = tpu.memref_slice %arg4[%add3A_2594, %dma_wait3A_2598] : memref<4096x3200xf32, #tpu.memory_space<hbm>> -> memref<1x3200xf32, #tpu.memory_space<hbm>>
        %dma_wait3A_2600 = tpu.memref_squeeze %dma_wait3A_2599 : memref<1x3200xf32, #tpu.memory_space<hbm>> -> memref<3200xf32, #tpu.memory_space<hbm>>
        %dma_wait3A_2601 = arith.constant 0 : i32
        %dma_wait3A_2602 = tpu.memref_slice %arg4[%add3A_2594, %dma_wait3A_2601] : memref<4096x3200xf32, #tpu.memory_space<hbm>> -> memref<1x3200xf32, #tpu.memory_space<hbm>>
        %dma_wait3A_2603 = tpu.memref_squeeze %dma_wait3A_2602 : memref<1x3200xf32, #tpu.memory_space<hbm>> -> memref<3200xf32, #tpu.memory_space<hbm>>
        %dma_wait3A_2604 = arith.constant 0 : i32
        %dma_wait3A_2605 = tpu.memref_slice %arg7[%rem3A_354, %dma_wait3A_2604] : memref<8x3200xf32, #tpu.memory_space<vmem>> -> memref<1x3200xf32, #tpu.memory_space<vmem>>
        %dma_wait3A_2606 = tpu.memref_squeeze %dma_wait3A_2605 : memref<1x3200xf32, #tpu.memory_space<vmem>> -> memref<3200xf32, #tpu.memory_space<vmem>>
        tpu.wait_dma2 semaphore(%arg9 : memref<!tpu.dma_semaphore, #tpu.memory_space<semaphore_mem>>) src(%dma_wait3A_2606 : memref<3200xf32, #tpu.memory_space<vmem>>) dst(%dma_wait3A_2603 : memref<3200xf32, #tpu.memory_space<hbm>>)
      } else {
      }
      %get3A = arith.constant 0 : i32
      %get3A_367 = arith.index_cast %rem3A_354 : i32 to index
      %get3A_368 = arith.index_cast %get3A : i32 to index
      %get3A_369 = arith.constant 0 : index
      %get3A_370 = tpu.vector_load %arg6[%get3A_367, %get3A_368, %get3A_369] {strides = array<i32>} : memref<8x50x64xf32, #tpu.memory_space<vmem>>, vector<16xf32>,
      %add3A_371 = arith.constant 0 : i32
      %add3A_372 = vector.broadcast %add3A_371 : i32 to vector<16xi32>
      %add3A_373 = arith.addi %mul3A_5, %add3A_372 : vector<16xi32>
      %scatter3A = arith.constant 0 : i32
      %scatter3A_374 = tpu.memref_slice %arg7[%rem3A_354, %scatter3A] : memref<8x3200xf32, #tpu.memory_space<vmem>> -> memref<1x3200xf32, #tpu.memory_space<vmem>>
      %scatter3A_375 = tpu.memref_squeeze %scatter3A_374 : memref<1x3200xf32, #tpu.memory_space<vmem>> -> memref<3200xf32, #tpu.memory_space<vmem>>
      tpu.vector_store_idx %scatter3A_375[%add3A_373], %get3A_370 : memref<3200xf32, #tpu.memory_space<vmem>>[vector<16xi32>], vector<16xf32>,
      %get3A_376 = arith.constant 0 : i32
      %get3A_377 = arith.index_cast %rem3A_354 : i32 to index
      %get3A_378 = arith.index_cast %get3A_376 : i32 to index
      %get3A_379 = arith.constant 16 : index
      %get3A_380 = tpu.vector_load %arg6[%get3A_377, %get3A_378, %get3A_379] {strides = array<i32>} : memref<8x50x64xf32, #tpu.memory_space<vmem>>, vector<16xf32>,
      %add3A_381 = arith.constant 800 : i32
      %add3A_382 = vector.broadcast %add3A_381 : i32 to vector<16xi32>
      %add3A_383 = arith.addi %mul3A_5, %add3A_382 : vector<16xi32>
      %scatter3A_384 = arith.constant 0 : i32
      %scatter3A_385 = tpu.memref_slice %arg7[%rem3A_354, %scatter3A_384] : memref<8x3200xf32, #tpu.memory_space<vmem>> -> memref<1x3200xf32, #tpu.memory_space<vmem>>
      %scatter3A_386 = tpu.memref_squeeze %scatter3A_385 : memref<1x3200xf32, #tpu.memory_space<vmem>> -> memref<3200xf32, #tpu.memory_space<vmem>>
      tpu.vector_store_idx %scatter3A_386[%add3A_383], %get3A_380 : memref<3200xf32, #tpu.memory_space<vmem>>[vector<16xi32>], vector<16xf32>,
      %get3A_387 = arith.constant 0 : i32
      %get3A_388 = arith.index_cast %rem3A_354 : i32 to index
      %get3A_389 = arith.index_cast %get3A_387 : i32 to index
      %get3A_390 = arith.constant 32 : index
      %get3A_391 = tpu.vector_load %arg6[%get3A_388, %get3A_389, %get3A_390] {strides = array<i32>} : memref<8x50x64xf32, #tpu.memory_space<vmem>>, vector<16xf32>,
      %add3A_392 = arith.constant 1600 : i32
      %add3A_393 = vector.broadcast %add3A_392 : i32 to vector<16xi32>
      %add3A_394 = arith.addi %mul3A_5, %add3A_393 : vector<16xi32>
      %scatter3A_395 = arith.constant 0 : i32
      %scatter3A_396 = tpu.memref_slice %arg7[%rem3A_354, %scatter3A_395] : memref<8x3200xf32, #tpu.memory_space<vmem>> -> memref<1x3200xf32, #tpu.memory_space<vmem>>
      %scatter3A_397 = tpu.memref_squeeze %scatter3A_396 : memref<1x3200xf32, #tpu.memory_space<vmem>> -> memref<3200xf32, #tpu.memory_space<vmem>>
      tpu.vector_store_idx %scatter3A_397[%add3A_394], %get3A_391 : memref<3200xf32, #tpu.memory_space<vmem>>[vector<16xi32>], vector<16xf32>,
      %get3A_398 = arith.constant 0 : i32
      %get3A_399 = arith.index_cast %rem3A_354 : i32 to index
      %get3A_400 = arith.index_cast %get3A_398 : i32 to index
      %get3A_401 = arith.constant 48 : index
      %get3A_402 = tpu.vector_load %arg6[%get3A_399, %get3A_400, %get3A_401] {strides = array<i32>} : memref<8x50x64xf32, #tpu.memory_space<vmem>>, vector<16xf32>,
      %add3A_403 = arith.constant 2400 : i32
      %add3A_404 = vector.broadcast %add3A_403 : i32 to vector<16xi32>
      %add3A_405 = arith.addi %mul3A_5, %add3A_404 : vector<16xi32>
      %scatter3A_406 = arith.constant 0 : i32
      %scatter3A_407 = tpu.memref_slice %arg7[%rem3A_354, %scatter3A_406] : memref<8x3200xf32, #tpu.memory_space<vmem>> -> memref<1x3200xf32, #tpu.memory_space<vmem>>
      %scatter3A_408 = tpu.memref_squeeze %scatter3A_407 : memref<1x3200xf32, #tpu.memory_space<vmem>> -> memref<3200xf32, #tpu.memory_space<vmem>>
      tpu.vector_store_idx %scatter3A_408[%add3A_405], %get3A_402 : memref<3200xf32, #tpu.memory_space<vmem>>[vector<16xi32>], vector<16xf32>,
      %get3A_409 = arith.constant 1 : i32
      %get3A_410 = arith.index_cast %rem3A_354 : i32 to index
      %get3A_411 = arith.index_cast %get3A_409 : i32 to index
      %get3A_412 = arith.constant 0 : index
      %get3A_413 = tpu.vector_load %arg6[%get3A_410, %get3A_411, %get3A_412] {strides = array<i32>} : memref<8x50x64xf32, #tpu.memory_space<vmem>>, vector<16xf32>,
      %add3A_414 = arith.constant 1 : i32
      %add3A_415 = vector.broadcast %add3A_414 : i32 to vector<16xi32>
      %add3A_416 = arith.addi %mul3A_5, %add3A_415 : vector<16xi32>
      %scatter3A_417 = arith.constant 0 : i32
      %scatter3A_418 = tpu.memref_slice %arg7[%rem3A_354, %scatter3A_417] : memref<8x3200xf32, #tpu.memory_space<vmem>> -> memref<1x3200xf32, #tpu.memory_space<vmem>>
      %scatter3A_419 = tpu.memref_squeeze %scatter3A_418 : memref<1x3200xf32, #tpu.memory_space<vmem>> -> memref<3200xf32, #tpu.memory_space<vmem>>
      tpu.vector_store_idx %scatter3A_419[%add3A_416], %get3A_413 : memref<3200xf32, #tpu.memory_space<vmem>>[vector<16xi32>], vector<16xf32>,
      %get3A_420 = arith.constant 1 : i32
      %get3A_421 = arith.index_cast %rem3A_354 : i32 to index
      %get3A_422 = arith.index_cast %get3A_420 : i32 to index
      %get3A_423 = arith.constant 16 : index
      %get3A_424 = tpu.vector_load %arg6[%get3A_421, %get3A_422, %get3A_423] {strides = array<i32>} : memref<8x50x64xf32, #tpu.memory_space<vmem>>, vector<16xf32>,
      %add3A_425 = arith.constant 801 : i32
      %add3A_426 = vector.broadcast %add3A_425 : i32 to vector<16xi32>
      %add3A_427 = arith.addi %mul3A_5, %add3A_426 : vector<16xi32>
      %scatter3A_428 = arith.constant 0 : i32
      %scatter3A_429 = tpu.memref_slice %arg7[%rem3A_354, %scatter3A_428] : memref<8x3200xf32, #tpu.memory_space<vmem>> -> memref<1x3200xf32, #tpu.memory_space<vmem>>
      %scatter3A_430 = tpu.memref_squeeze %scatter3A_429 : memref<1x3200xf32, #tpu.memory_space<vmem>> -> memref<3200xf32, #tpu.memory_space<vmem>>
      tpu.vector_store_idx %scatter3A_430[%add3A_427], %get3A_424 : memref<3200xf32, #tpu.memory_space<vmem>>[vector<16xi32>], vector<16xf32>,
      %get3A_431 = arith.constant 1 : i32
      %get3A_432 = arith.index_cast %rem3A_354 : i32 to index
      %get3A_433 = arith.index_cast %get3A_431 : i32 to index
      %get3A_434 = arith.constant 32 : index
      %get3A_435 = tpu.vector_load %arg6[%get3A_432, %get3A_433, %get3A_434] {strides = array<i32>} : memref<8x50x64xf32, #tpu.memory_space<vmem>>, vector<16xf32>,
      %add3A_436 = arith.constant 1601 : i32
      %add3A_437 = vector.broadcast %add3A_436 : i32 to vector<16xi32>
      %add3A_438 = arith.addi %mul3A_5, %add3A_437 : vector<16xi32>
      %scatter3A_439 = arith.constant 0 : i32
      %scatter3A_440 = tpu.memref_slice %arg7[%rem3A_354, %scatter3A_439] : memref<8x3200xf32, #tpu.memory_space<vmem>> -> memref<1x3200xf32, #tpu.memory_space<vmem>>
      %scatter3A_441 = tpu.memref_squeeze %scatter3A_440 : memref<1x3200xf32, #tpu.memory_space<vmem>> -> memref<3200xf32, #tpu.memory_space<vmem>>
      tpu.vector_store_idx %scatter3A_441[%add3A_438], %get3A_435 : memref<3200xf32, #tpu.memory_space<vmem>>[vector<16xi32>], vector<16xf32>,
      %get3A_442 = arith.constant 1 : i32
      %get3A_443 = arith.index_cast %rem3A_354 : i32 to index
      %get3A_444 = arith.index_cast %get3A_442 : i32 to index
      %get3A_445 = arith.constant 48 : index
      %get3A_446 = tpu.vector_load %arg6[%get3A_443, %get3A_444, %get3A_445] {strides = array<i32>} : memref<8x50x64xf32, #tpu.memory_space<vmem>>, vector<16xf32>,
      %add3A_447 = arith.constant 2401 : i32
      %add3A_448 = vector.broadcast %add3A_447 : i32 to vector<16xi32>
      %add3A_449 = arith.addi %mul3A_5, %add3A_448 : vector<16xi32>
      %scatter3A_450 = arith.constant 0 : i32
      %scatter3A_451 = tpu.memref_slice %arg7[%rem3A_354, %scatter3A_450] : memref<8x3200xf32, #tpu.memory_space<vmem>> -> memref<1x3200xf32, #tpu.memory_space<vmem>>
      %scatter3A_452 = tpu.memref_squeeze %scatter3A_451 : memref<1x3200xf32, #tpu.memory_space<vmem>> -> memref<3200xf32, #tpu.memory_space<vmem>>
      tpu.vector_store_idx %scatter3A_452[%add3A_449], %get3A_446 : memref<3200xf32, #tpu.memory_space<vmem>>[vector<16xi32>], vector<16xf32>,
      %get3A_453 = arith.constant 2 : i32
      %get3A_454 = arith.index_cast %rem3A_354 : i32 to index
      %get3A_455 = arith.index_cast %get3A_453 : i32 to index
      %get3A_456 = arith.constant 0 : index
      %get3A_457 = tpu.vector_load %arg6[%get3A_454, %get3A_455, %get3A_456] {strides = array<i32>} : memref<8x50x64xf32, #tpu.memory_space<vmem>>, vector<16xf32>,
      %add3A_458 = arith.constant 2 : i32
      %add3A_459 = vector.broadcast %add3A_458 : i32 to vector<16xi32>
      %add3A_460 = arith.addi %mul3A_5, %add3A_459 : vector<16xi32>
      %scatter3A_461 = arith.constant 0 : i32
      %scatter3A_462 = tpu.memref_slice %arg7[%rem3A_354, %scatter3A_461] : memref<8x3200xf32, #tpu.memory_space<vmem>> -> memref<1x3200xf32, #tpu.memory_space<vmem>>
      %scatter3A_463 = tpu.memref_squeeze %scatter3A_462 : memref<1x3200xf32, #tpu.memory_space<vmem>> -> memref<3200xf32, #tpu.memory_space<vmem>>
      tpu.vector_store_idx %scatter3A_463[%add3A_460], %get3A_457 : memref<3200xf32, #tpu.memory_space<vmem>>[vector<16xi32>], vector<16xf32>,
      %get3A_464 = arith.constant 2 : i32
      %get3A_465 = arith.index_cast %rem3A_354 : i32 to index
      %get3A_466 = arith.index_cast %get3A_464 : i32 to index
      %get3A_467 = arith.constant 16 : index
      %get3A_468 = tpu.vector_load %arg6[%get3A_465, %get3A_466, %get3A_467] {strides = array<i32>} : memref<8x50x64xf32, #tpu.memory_space<vmem>>, vector<16xf32>,
      %add3A_469 = arith.constant 802 : i32
      %add3A_470 = vector.broadcast %add3A_469 : i32 to vector<16xi32>
      %add3A_471 = arith.addi %mul3A_5, %add3A_470 : vector<16xi32>
      %scatter3A_472 = arith.constant 0 : i32
      %scatter3A_473 = tpu.memref_slice %arg7[%rem3A_354, %scatter3A_472] : memref<8x3200xf32, #tpu.memory_space<vmem>> -> memref<1x3200xf32, #tpu.memory_space<vmem>>
      %scatter3A_474 = tpu.memref_squeeze %scatter3A_473 : memref<1x3200xf32, #tpu.memory_space<vmem>> -> memref<3200xf32, #tpu.memory_space<vmem>>
      tpu.vector_store_idx %scatter3A_474[%add3A_471], %get3A_468 : memref<3200xf32, #tpu.memory_space<vmem>>[vector<16xi32>], vector<16xf32>,
      %get3A_475 = arith.constant 2 : i32
      %get3A_476 = arith.index_cast %rem3A_354 : i32 to index
      %get3A_477 = arith.index_cast %get3A_475 : i32 to index
      %get3A_478 = arith.constant 32 : index
      %get3A_479 = tpu.vector_load %arg6[%get3A_476, %get3A_477, %get3A_478] {strides = array<i32>} : memref<8x50x64xf32, #tpu.memory_space<vmem>>, vector<16xf32>,
      %add3A_480 = arith.constant 1602 : i32
      %add3A_481 = vector.broadcast %add3A_480 : i32 to vector<16xi32>
      %add3A_482 = arith.addi %mul3A_5, %add3A_481 : vector<16xi32>
      %scatter3A_483 = arith.constant 0 : i32
      %scatter3A_484 = tpu.memref_slice %arg7[%rem3A_354, %scatter3A_483] : memref<8x3200xf32, #tpu.memory_space<vmem>> -> memref<1x3200xf32, #tpu.memory_space<vmem>>
      %scatter3A_485 = tpu.memref_squeeze %scatter3A_484 : memref<1x3200xf32, #tpu.memory_space<vmem>> -> memref<3200xf32, #tpu.memory_space<vmem>>
      tpu.vector_store_idx %scatter3A_485[%add3A_482], %get3A_479 : memref<3200xf32, #tpu.memory_space<vmem>>[vector<16xi32>], vector<16xf32>,
      %get3A_486 = arith.constant 2 : i32
      %get3A_487 = arith.index_cast %rem3A_354 : i32 to index
      %get3A_488 = arith.index_cast %get3A_486 : i32 to index
      %get3A_489 = arith.constant 48 : index
      %get3A_490 = tpu.vector_load %arg6[%get3A_487, %get3A_488, %get3A_489] {strides = array<i32>} : memref<8x50x64xf32, #tpu.memory_space<vmem>>, vector<16xf32>,
      %add3A_491 = arith.constant 2402 : i32
      %add3A_492 = vector.broadcast %add3A_491 : i32 to vector<16xi32>
      %add3A_493 = arith.addi %mul3A_5, %add3A_492 : vector<16xi32>
      %scatter3A_494 = arith.constant 0 : i32
      %scatter3A_495 = tpu.memref_slice %arg7[%rem3A_354, %scatter3A_494] : memref<8x3200xf32, #tpu.memory_space<vmem>> -> memref<1x3200xf32, #tpu.memory_space<vmem>>
      %scatter3A_496 = tpu.memref_squeeze %scatter3A_495 : memref<1x3200xf32, #tpu.memory_space<vmem>> -> memref<3200xf32, #tpu.memory_space<vmem>>
      tpu.vector_store_idx %scatter3A_496[%add3A_493], %get3A_490 : memref<3200xf32, #tpu.memory_space<vmem>>[vector<16xi32>], vector<16xf32>,
      %get3A_497 = arith.constant 3 : i32
      %get3A_498 = arith.index_cast %rem3A_354 : i32 to index
      %get3A_499 = arith.index_cast %get3A_497 : i32 to index
      %get3A_500 = arith.constant 0 : index
      %get3A_501 = tpu.vector_load %arg6[%get3A_498, %get3A_499, %get3A_500] {strides = array<i32>} : memref<8x50x64xf32, #tpu.memory_space<vmem>>, vector<16xf32>,
      %add3A_502 = arith.constant 3 : i32
      %add3A_503 = vector.broadcast %add3A_502 : i32 to vector<16xi32>
      %add3A_504 = arith.addi %mul3A_5, %add3A_503 : vector<16xi32>
      %scatter3A_505 = arith.constant 0 : i32
      %scatter3A_506 = tpu.memref_slice %arg7[%rem3A_354, %scatter3A_505] : memref<8x3200xf32, #tpu.memory_space<vmem>> -> memref<1x3200xf32, #tpu.memory_space<vmem>>
      %scatter3A_507 = tpu.memref_squeeze %scatter3A_506 : memref<1x3200xf32, #tpu.memory_space<vmem>> -> memref<3200xf32, #tpu.memory_space<vmem>>
      tpu.vector_store_idx %scatter3A_507[%add3A_504], %get3A_501 : memref<3200xf32, #tpu.memory_space<vmem>>[vector<16xi32>], vector<16xf32>,
      %get3A_508 = arith.constant 3 : i32
      %get3A_509 = arith.index_cast %rem3A_354 : i32 to index
      %get3A_510 = arith.index_cast %get3A_508 : i32 to index
      %get3A_511 = arith.constant 16 : index
      %get3A_512 = tpu.vector_load %arg6[%get3A_509, %get3A_510, %get3A_511] {strides = array<i32>} : memref<8x50x64xf32, #tpu.memory_space<vmem>>, vector<16xf32>,
      %add3A_513 = arith.constant 803 : i32
      %add3A_514 = vector.broadcast %add3A_513 : i32 to vector<16xi32>
      %add3A_515 = arith.addi %mul3A_5, %add3A_514 : vector<16xi32>
      %scatter3A_516 = arith.constant 0 : i32
      %scatter3A_517 = tpu.memref_slice %arg7[%rem3A_354, %scatter3A_516] : memref<8x3200xf32, #tpu.memory_space<vmem>> -> memref<1x3200xf32, #tpu.memory_space<vmem>>
      %scatter3A_518 = tpu.memref_squeeze %scatter3A_517 : memref<1x3200xf32, #tpu.memory_space<vmem>> -> memref<3200xf32, #tpu.memory_space<vmem>>
      tpu.vector_store_idx %scatter3A_518[%add3A_515], %get3A_512 : memref<3200xf32, #tpu.memory_space<vmem>>[vector<16xi32>], vector<16xf32>,
      %get3A_519 = arith.constant 3 : i32
      %get3A_520 = arith.index_cast %rem3A_354 : i32 to index
      %get3A_521 = arith.index_cast %get3A_519 : i32 to index
      %get3A_522 = arith.constant 32 : index
      %get3A_523 = tpu.vector_load %arg6[%get3A_520, %get3A_521, %get3A_522] {strides = array<i32>} : memref<8x50x64xf32, #tpu.memory_space<vmem>>, vector<16xf32>,
      %add3A_524 = arith.constant 1603 : i32
      %add3A_525 = vector.broadcast %add3A_524 : i32 to vector<16xi32>
      %add3A_526 = arith.addi %mul3A_5, %add3A_525 : vector<16xi32>
      %scatter3A_527 = arith.constant 0 : i32
      %scatter3A_528 = tpu.memref_slice %arg7[%rem3A_354, %scatter3A_527] : memref<8x3200xf32, #tpu.memory_space<vmem>> -> memref<1x3200xf32, #tpu.memory_space<vmem>>
      %scatter3A_529 = tpu.memref_squeeze %scatter3A_528 : memref<1x3200xf32, #tpu.memory_space<vmem>> -> memref<3200xf32, #tpu.memory_space<vmem>>
      tpu.vector_store_idx %scatter3A_529[%add3A_526], %get3A_523 : memref<3200xf32, #tpu.memory_space<vmem>>[vector<16xi32>], vector<16xf32>,
      %get3A_530 = arith.constant 3 : i32
      %get3A_531 = arith.index_cast %rem3A_354 : i32 to index
      %get3A_532 = arith.index_cast %get3A_530 : i32 to index
      %get3A_533 = arith.constant 48 : index
      %get3A_534 = tpu.vector_load %arg6[%get3A_531, %get3A_532, %get3A_533] {strides = array<i32>} : memref<8x50x64xf32, #tpu.memory_space<vmem>>, vector<16xf32>,
      %add3A_535 = arith.constant 2403 : i32
      %add3A_536 = vector.broadcast %add3A_535 : i32 to vector<16xi32>
      %add3A_537 = arith.addi %mul3A_5, %add3A_536 : vector<16xi32>
      %scatter3A_538 = arith.constant 0 : i32
      %scatter3A_539 = tpu.memref_slice %arg7[%rem3A_354, %scatter3A_538] : memref<8x3200xf32, #tpu.memory_space<vmem>> -> memref<1x3200xf32, #tpu.memory_space<vmem>>
      %scatter3A_540 = tpu.memref_squeeze %scatter3A_539 : memref<1x3200xf32, #tpu.memory_space<vmem>> -> memref<3200xf32, #tpu.memory_space<vmem>>
      tpu.vector_store_idx %scatter3A_540[%add3A_537], %get3A_534 : memref<3200xf32, #tpu.memory_space<vmem>>[vector<16xi32>], vector<16xf32>,
      %get3A_541 = arith.constant 4 : i32
      %get3A_542 = arith.index_cast %rem3A_354 : i32 to index
      %get3A_543 = arith.index_cast %get3A_541 : i32 to index
      %get3A_544 = arith.constant 0 : index
      %get3A_545 = tpu.vector_load %arg6[%get3A_542, %get3A_543, %get3A_544] {strides = array<i32>} : memref<8x50x64xf32, #tpu.memory_space<vmem>>, vector<16xf32>,
      %add3A_546 = arith.constant 4 : i32
      %add3A_547 = vector.broadcast %add3A_546 : i32 to vector<16xi32>
      %add3A_548 = arith.addi %mul3A_5, %add3A_547 : vector<16xi32>
      %scatter3A_549 = arith.constant 0 : i32
      %scatter3A_550 = tpu.memref_slice %arg7[%rem3A_354, %scatter3A_549] : memref<8x3200xf32, #tpu.memory_space<vmem>> -> memref<1x3200xf32, #tpu.memory_space<vmem>>
      %scatter3A_551 = tpu.memref_squeeze %scatter3A_550 : memref<1x3200xf32, #tpu.memory_space<vmem>> -> memref<3200xf32, #tpu.memory_space<vmem>>
      tpu.vector_store_idx %scatter3A_551[%add3A_548], %get3A_545 : memref<3200xf32, #tpu.memory_space<vmem>>[vector<16xi32>], vector<16xf32>,
      %get3A_552 = arith.constant 4 : i32
      %get3A_553 = arith.index_cast %rem3A_354 : i32 to index
      %get3A_554 = arith.index_cast %get3A_552 : i32 to index
      %get3A_555 = arith.constant 16 : index
      %get3A_556 = tpu.vector_load %arg6[%get3A_553, %get3A_554, %get3A_555] {strides = array<i32>} : memref<8x50x64xf32, #tpu.memory_space<vmem>>, vector<16xf32>,
      %add3A_557 = arith.constant 804 : i32
      %add3A_558 = vector.broadcast %add3A_557 : i32 to vector<16xi32>
      %add3A_559 = arith.addi %mul3A_5, %add3A_558 : vector<16xi32>
      %scatter3A_560 = arith.constant 0 : i32
      %scatter3A_561 = tpu.memref_slice %arg7[%rem3A_354, %scatter3A_560] : memref<8x3200xf32, #tpu.memory_space<vmem>> -> memref<1x3200xf32, #tpu.memory_space<vmem>>
      %scatter3A_562 = tpu.memref_squeeze %scatter3A_561 : memref<1x3200xf32, #tpu.memory_space<vmem>> -> memref<3200xf32, #tpu.memory_space<vmem>>
      tpu.vector_store_idx %scatter3A_562[%add3A_559], %get3A_556 : memref<3200xf32, #tpu.memory_space<vmem>>[vector<16xi32>], vector<16xf32>,
      %get3A_563 = arith.constant 4 : i32
      %get3A_564 = arith.index_cast %rem3A_354 : i32 to index
      %get3A_565 = arith.index_cast %get3A_563 : i32 to index
      %get3A_566 = arith.constant 32 : index
      %get3A_567 = tpu.vector_load %arg6[%get3A_564, %get3A_565, %get3A_566] {strides = array<i32>} : memref<8x50x64xf32, #tpu.memory_space<vmem>>, vector<16xf32>,
      %add3A_568 = arith.constant 1604 : i32
      %add3A_569 = vector.broadcast %add3A_568 : i32 to vector<16xi32>
      %add3A_570 = arith.addi %mul3A_5, %add3A_569 : vector<16xi32>
      %scatter3A_571 = arith.constant 0 : i32
      %scatter3A_572 = tpu.memref_slice %arg7[%rem3A_354, %scatter3A_571] : memref<8x3200xf32, #tpu.memory_space<vmem>> -> memref<1x3200xf32, #tpu.memory_space<vmem>>
      %scatter3A_573 = tpu.memref_squeeze %scatter3A_572 : memref<1x3200xf32, #tpu.memory_space<vmem>> -> memref<3200xf32, #tpu.memory_space<vmem>>
      tpu.vector_store_idx %scatter3A_573[%add3A_570], %get3A_567 : memref<3200xf32, #tpu.memory_space<vmem>>[vector<16xi32>], vector<16xf32>,
      %get3A_574 = arith.constant 4 : i32
      %get3A_575 = arith.index_cast %rem3A_354 : i32 to index
      %get3A_576 = arith.index_cast %get3A_574 : i32 to index
      %get3A_577 = arith.constant 48 : index
      %get3A_578 = tpu.vector_load %arg6[%get3A_575, %get3A_576, %get3A_577] {strides = array<i32>} : memref<8x50x64xf32, #tpu.memory_space<vmem>>, vector<16xf32>,
      %add3A_579 = arith.constant 2404 : i32
      %add3A_580 = vector.broadcast %add3A_579 : i32 to vector<16xi32>
      %add3A_581 = arith.addi %mul3A_5, %add3A_580 : vector<16xi32>
      %scatter3A_582 = arith.constant 0 : i32
      %scatter3A_583 = tpu.memref_slice %arg7[%rem3A_354, %scatter3A_582] : memref<8x3200xf32, #tpu.memory_space<vmem>> -> memref<1x3200xf32, #tpu.memory_space<vmem>>
      %scatter3A_584 = tpu.memref_squeeze %scatter3A_583 : memref<1x3200xf32, #tpu.memory_space<vmem>> -> memref<3200xf32, #tpu.memory_space<vmem>>
      tpu.vector_store_idx %scatter3A_584[%add3A_581], %get3A_578 : memref<3200xf32, #tpu.memory_space<vmem>>[vector<16xi32>], vector<16xf32>,
      %get3A_585 = arith.constant 5 : i32
      %get3A_586 = arith.index_cast %rem3A_354 : i32 to index
      %get3A_587 = arith.index_cast %get3A_585 : i32 to index
      %get3A_588 = arith.constant 0 : index
      %get3A_589 = tpu.vector_load %arg6[%get3A_586, %get3A_587, %get3A_588] {strides = array<i32>} : memref<8x50x64xf32, #tpu.memory_space<vmem>>, vector<16xf32>,
      %add3A_590 = arith.constant 5 : i32
      %add3A_591 = vector.broadcast %add3A_590 : i32 to vector<16xi32>
      %add3A_592 = arith.addi %mul3A_5, %add3A_591 : vector<16xi32>
      %scatter3A_593 = arith.constant 0 : i32
      %scatter3A_594 = tpu.memref_slice %arg7[%rem3A_354, %scatter3A_593] : memref<8x3200xf32, #tpu.memory_space<vmem>> -> memref<1x3200xf32, #tpu.memory_space<vmem>>
      %scatter3A_595 = tpu.memref_squeeze %scatter3A_594 : memref<1x3200xf32, #tpu.memory_space<vmem>> -> memref<3200xf32, #tpu.memory_space<vmem>>
      tpu.vector_store_idx %scatter3A_595[%add3A_592], %get3A_589 : memref<3200xf32, #tpu.memory_space<vmem>>[vector<16xi32>], vector<16xf32>,
      %get3A_596 = arith.constant 5 : i32
      %get3A_597 = arith.index_cast %rem3A_354 : i32 to index
      %get3A_598 = arith.index_cast %get3A_596 : i32 to index
      %get3A_599 = arith.constant 16 : index
      %get3A_600 = tpu.vector_load %arg6[%get3A_597, %get3A_598, %get3A_599] {strides = array<i32>} : memref<8x50x64xf32, #tpu.memory_space<vmem>>, vector<16xf32>,
      %add3A_601 = arith.constant 805 : i32
      %add3A_602 = vector.broadcast %add3A_601 : i32 to vector<16xi32>
      %add3A_603 = arith.addi %mul3A_5, %add3A_602 : vector<16xi32>
      %scatter3A_604 = arith.constant 0 : i32
      %scatter3A_605 = tpu.memref_slice %arg7[%rem3A_354, %scatter3A_604] : memref<8x3200xf32, #tpu.memory_space<vmem>> -> memref<1x3200xf32, #tpu.memory_space<vmem>>
      %scatter3A_606 = tpu.memref_squeeze %scatter3A_605 : memref<1x3200xf32, #tpu.memory_space<vmem>> -> memref<3200xf32, #tpu.memory_space<vmem>>
      tpu.vector_store_idx %scatter3A_606[%add3A_603], %get3A_600 : memref<3200xf32, #tpu.memory_space<vmem>>[vector<16xi32>], vector<16xf32>,
      %get3A_607 = arith.constant 5 : i32
      %get3A_608 = arith.index_cast %rem3A_354 : i32 to index
      %get3A_609 = arith.index_cast %get3A_607 : i32 to index
      %get3A_610 = arith.constant 32 : index
      %get3A_611 = tpu.vector_load %arg6[%get3A_608, %get3A_609, %get3A_610] {strides = array<i32>} : memref<8x50x64xf32, #tpu.memory_space<vmem>>, vector<16xf32>,
      %add3A_612 = arith.constant 1605 : i32
      %add3A_613 = vector.broadcast %add3A_612 : i32 to vector<16xi32>
      %add3A_614 = arith.addi %mul3A_5, %add3A_613 : vector<16xi32>
      %scatter3A_615 = arith.constant 0 : i32
      %scatter3A_616 = tpu.memref_slice %arg7[%rem3A_354, %scatter3A_615] : memref<8x3200xf32, #tpu.memory_space<vmem>> -> memref<1x3200xf32, #tpu.memory_space<vmem>>
      %scatter3A_617 = tpu.memref_squeeze %scatter3A_616 : memref<1x3200xf32, #tpu.memory_space<vmem>> -> memref<3200xf32, #tpu.memory_space<vmem>>
      tpu.vector_store_idx %scatter3A_617[%add3A_614], %get3A_611 : memref<3200xf32, #tpu.memory_space<vmem>>[vector<16xi32>], vector<16xf32>,
      %get3A_618 = arith.constant 5 : i32
      %get3A_619 = arith.index_cast %rem3A_354 : i32 to index
      %get3A_620 = arith.index_cast %get3A_618 : i32 to index
      %get3A_621 = arith.constant 48 : index
      %get3A_622 = tpu.vector_load %arg6[%get3A_619, %get3A_620, %get3A_621] {strides = array<i32>} : memref<8x50x64xf32, #tpu.memory_space<vmem>>, vector<16xf32>,
      %add3A_623 = arith.constant 2405 : i32
      %add3A_624 = vector.broadcast %add3A_623 : i32 to vector<16xi32>
      %add3A_625 = arith.addi %mul3A_5, %add3A_624 : vector<16xi32>
      %scatter3A_626 = arith.constant 0 : i32
      %scatter3A_627 = tpu.memref_slice %arg7[%rem3A_354, %scatter3A_626] : memref<8x3200xf32, #tpu.memory_space<vmem>> -> memref<1x3200xf32, #tpu.memory_space<vmem>>
      %scatter3A_628 = tpu.memref_squeeze %scatter3A_627 : memref<1x3200xf32, #tpu.memory_space<vmem>> -> memref<3200xf32, #tpu.memory_space<vmem>>
      tpu.vector_store_idx %scatter3A_628[%add3A_625], %get3A_622 : memref<3200xf32, #tpu.memory_space<vmem>>[vector<16xi32>], vector<16xf32>,
      %get3A_629 = arith.constant 6 : i32
      %get3A_630 = arith.index_cast %rem3A_354 : i32 to index
      %get3A_631 = arith.index_cast %get3A_629 : i32 to index
      %get3A_632 = arith.constant 0 : index
      %get3A_633 = tpu.vector_load %arg6[%get3A_630, %get3A_631, %get3A_632] {strides = array<i32>} : memref<8x50x64xf32, #tpu.memory_space<vmem>>, vector<16xf32>,
      %add3A_634 = arith.constant 6 : i32
      %add3A_635 = vector.broadcast %add3A_634 : i32 to vector<16xi32>
      %add3A_636 = arith.addi %mul3A_5, %add3A_635 : vector<16xi32>
      %scatter3A_637 = arith.constant 0 : i32
      %scatter3A_638 = tpu.memref_slice %arg7[%rem3A_354, %scatter3A_637] : memref<8x3200xf32, #tpu.memory_space<vmem>> -> memref<1x3200xf32, #tpu.memory_space<vmem>>
      %scatter3A_639 = tpu.memref_squeeze %scatter3A_638 : memref<1x3200xf32, #tpu.memory_space<vmem>> -> memref<3200xf32, #tpu.memory_space<vmem>>
      tpu.vector_store_idx %scatter3A_639[%add3A_636], %get3A_633 : memref<3200xf32, #tpu.memory_space<vmem>>[vector<16xi32>], vector<16xf32>,
      %get3A_640 = arith.constant 6 : i32
      %get3A_641 = arith.index_cast %rem3A_354 : i32 to index
      %get3A_642 = arith.index_cast %get3A_640 : i32 to index
      %get3A_643 = arith.constant 16 : index
      %get3A_644 = tpu.vector_load %arg6[%get3A_641, %get3A_642, %get3A_643] {strides = array<i32>} : memref<8x50x64xf32, #tpu.memory_space<vmem>>, vector<16xf32>,
      %add3A_645 = arith.constant 806 : i32
      %add3A_646 = vector.broadcast %add3A_645 : i32 to vector<16xi32>
      %add3A_647 = arith.addi %mul3A_5, %add3A_646 : vector<16xi32>
      %scatter3A_648 = arith.constant 0 : i32
      %scatter3A_649 = tpu.memref_slice %arg7[%rem3A_354, %scatter3A_648] : memref<8x3200xf32, #tpu.memory_space<vmem>> -> memref<1x3200xf32, #tpu.memory_space<vmem>>
      %scatter3A_650 = tpu.memref_squeeze %scatter3A_649 : memref<1x3200xf32, #tpu.memory_space<vmem>> -> memref<3200xf32, #tpu.memory_space<vmem>>
      tpu.vector_store_idx %scatter3A_650[%add3A_647], %get3A_644 : memref<3200xf32, #tpu.memory_space<vmem>>[vector<16xi32>], vector<16xf32>,
      %get3A_651 = arith.constant 6 : i32
      %get3A_652 = arith.index_cast %rem3A_354 : i32 to index
      %get3A_653 = arith.index_cast %get3A_651 : i32 to index
      %get3A_654 = arith.constant 32 : index
      %get3A_655 = tpu.vector_load %arg6[%get3A_652, %get3A_653, %get3A_654] {strides = array<i32>} : memref<8x50x64xf32, #tpu.memory_space<vmem>>, vector<16xf32>,
      %add3A_656 = arith.constant 1606 : i32
      %add3A_657 = vector.broadcast %add3A_656 : i32 to vector<16xi32>
      %add3A_658 = arith.addi %mul3A_5, %add3A_657 : vector<16xi32>
      %scatter3A_659 = arith.constant 0 : i32
      %scatter3A_660 = tpu.memref_slice %arg7[%rem3A_354, %scatter3A_659] : memref<8x3200xf32, #tpu.memory_space<vmem>> -> memref<1x3200xf32, #tpu.memory_space<vmem>>
      %scatter3A_661 = tpu.memref_squeeze %scatter3A_660 : memref<1x3200xf32, #tpu.memory_space<vmem>> -> memref<3200xf32, #tpu.memory_space<vmem>>
      tpu.vector_store_idx %scatter3A_661[%add3A_658], %get3A_655 : memref<3200xf32, #tpu.memory_space<vmem>>[vector<16xi32>], vector<16xf32>,
      %get3A_662 = arith.constant 6 : i32
      %get3A_663 = arith.index_cast %rem3A_354 : i32 to index
      %get3A_664 = arith.index_cast %get3A_662 : i32 to index
      %get3A_665 = arith.constant 48 : index
      %get3A_666 = tpu.vector_load %arg6[%get3A_663, %get3A_664, %get3A_665] {strides = array<i32>} : memref<8x50x64xf32, #tpu.memory_space<vmem>>, vector<16xf32>,
      %add3A_667 = arith.constant 2406 : i32
      %add3A_668 = vector.broadcast %add3A_667 : i32 to vector<16xi32>
      %add3A_669 = arith.addi %mul3A_5, %add3A_668 : vector<16xi32>
      %scatter3A_670 = arith.constant 0 : i32
      %scatter3A_671 = tpu.memref_slice %arg7[%rem3A_354, %scatter3A_670] : memref<8x3200xf32, #tpu.memory_space<vmem>> -> memref<1x3200xf32, #tpu.memory_space<vmem>>
      %scatter3A_672 = tpu.memref_squeeze %scatter3A_671 : memref<1x3200xf32, #tpu.memory_space<vmem>> -> memref<3200xf32, #tpu.memory_space<vmem>>
      tpu.vector_store_idx %scatter3A_672[%add3A_669], %get3A_666 : memref<3200xf32, #tpu.memory_space<vmem>>[vector<16xi32>], vector<16xf32>,
      %get3A_673 = arith.constant 7 : i32
      %get3A_674 = arith.index_cast %rem3A_354 : i32 to index
      %get3A_675 = arith.index_cast %get3A_673 : i32 to index
      %get3A_676 = arith.constant 0 : index
      %get3A_677 = tpu.vector_load %arg6[%get3A_674, %get3A_675, %get3A_676] {strides = array<i32>} : memref<8x50x64xf32, #tpu.memory_space<vmem>>, vector<16xf32>,
      %add3A_678 = arith.constant 7 : i32
      %add3A_679 = vector.broadcast %add3A_678 : i32 to vector<16xi32>
      %add3A_680 = arith.addi %mul3A_5, %add3A_679 : vector<16xi32>
      %scatter3A_681 = arith.constant 0 : i32
      %scatter3A_682 = tpu.memref_slice %arg7[%rem3A_354, %scatter3A_681] : memref<8x3200xf32, #tpu.memory_space<vmem>> -> memref<1x3200xf32, #tpu.memory_space<vmem>>
      %scatter3A_683 = tpu.memref_squeeze %scatter3A_682 : memref<1x3200xf32, #tpu.memory_space<vmem>> -> memref<3200xf32, #tpu.memory_space<vmem>>
      tpu.vector_store_idx %scatter3A_683[%add3A_680], %get3A_677 : memref<3200xf32, #tpu.memory_space<vmem>>[vector<16xi32>], vector<16xf32>,
      %get3A_684 = arith.constant 7 : i32
      %get3A_685 = arith.index_cast %rem3A_354 : i32 to index
      %get3A_686 = arith.index_cast %get3A_684 : i32 to index
      %get3A_687 = arith.constant 16 : index
      %get3A_688 = tpu.vector_load %arg6[%get3A_685, %get3A_686, %get3A_687] {strides = array<i32>} : memref<8x50x64xf32, #tpu.memory_space<vmem>>, vector<16xf32>,
      %add3A_689 = arith.constant 807 : i32
      %add3A_690 = vector.broadcast %add3A_689 : i32 to vector<16xi32>
      %add3A_691 = arith.addi %mul3A_5, %add3A_690 : vector<16xi32>
      %scatter3A_692 = arith.constant 0 : i32
      %scatter3A_693 = tpu.memref_slice %arg7[%rem3A_354, %scatter3A_692] : memref<8x3200xf32, #tpu.memory_space<vmem>> -> memref<1x3200xf32, #tpu.memory_space<vmem>>
      %scatter3A_694 = tpu.memref_squeeze %scatter3A_693 : memref<1x3200xf32, #tpu.memory_space<vmem>> -> memref<3200xf32, #tpu.memory_space<vmem>>
      tpu.vector_store_idx %scatter3A_694[%add3A_691], %get3A_688 : memref<3200xf32, #tpu.memory_space<vmem>>[vector<16xi32>], vector<16xf32>,
      %get3A_695 = arith.constant 7 : i32
      %get3A_696 = arith.index_cast %rem3A_354 : i32 to index
      %get3A_697 = arith.index_cast %get3A_695 : i32 to index
      %get3A_698 = arith.constant 32 : index
      %get3A_699 = tpu.vector_load %arg6[%get3A_696, %get3A_697, %get3A_698] {strides = array<i32>} : memref<8x50x64xf32, #tpu.memory_space<vmem>>, vector<16xf32>,
      %add3A_700 = arith.constant 1607 : i32
      %add3A_701 = vector.broadcast %add3A_700 : i32 to vector<16xi32>
      %add3A_702 = arith.addi %mul3A_5, %add3A_701 : vector<16xi32>
      %scatter3A_703 = arith.constant 0 : i32
      %scatter3A_704 = tpu.memref_slice %arg7[%rem3A_354, %scatter3A_703] : memref<8x3200xf32, #tpu.memory_space<vmem>> -> memref<1x3200xf32, #tpu.memory_space<vmem>>
      %scatter3A_705 = tpu.memref_squeeze %scatter3A_704 : memref<1x3200xf32, #tpu.memory_space<vmem>> -> memref<3200xf32, #tpu.memory_space<vmem>>
      tpu.vector_store_idx %scatter3A_705[%add3A_702], %get3A_699 : memref<3200xf32, #tpu.memory_space<vmem>>[vector<16xi32>], vector<16xf32>,
      %get3A_706 = arith.constant 7 : i32
      %get3A_707 = arith.index_cast %rem3A_354 : i32 to index
      %get3A_708 = arith.index_cast %get3A_706 : i32 to index
      %get3A_709 = arith.constant 48 : index
      %get3A_710 = tpu.vector_load %arg6[%get3A_707, %get3A_708, %get3A_709] {strides = array<i32>} : memref<8x50x64xf32, #tpu.memory_space<vmem>>, vector<16xf32>,
      %add3A_711 = arith.constant 2407 : i32
      %add3A_712 = vector.broadcast %add3A_711 : i32 to vector<16xi32>
      %add3A_713 = arith.addi %mul3A_5, %add3A_712 : vector<16xi32>
      %scatter3A_714 = arith.constant 0 : i32
      %scatter3A_715 = tpu.memref_slice %arg7[%rem3A_354, %scatter3A_714] : memref<8x3200xf32, #tpu.memory_space<vmem>> -> memref<1x3200xf32, #tpu.memory_space<vmem>>
      %scatter3A_716 = tpu.memref_squeeze %scatter3A_715 : memref<1x3200xf32, #tpu.memory_space<vmem>> -> memref<3200xf32, #tpu.memory_space<vmem>>
      tpu.vector_store_idx %scatter3A_716[%add3A_713], %get3A_710 : memref<3200xf32, #tpu.memory_space<vmem>>[vector<16xi32>], vector<16xf32>,
      %get3A_717 = arith.constant 8 : i32
      %get3A_718 = arith.index_cast %rem3A_354 : i32 to index
      %get3A_719 = arith.index_cast %get3A_717 : i32 to index
      %get3A_720 = arith.constant 0 : index
      %get3A_721 = tpu.vector_load %arg6[%get3A_718, %get3A_719, %get3A_720] {strides = array<i32>} : memref<8x50x64xf32, #tpu.memory_space<vmem>>, vector<16xf32>,
      %add3A_722 = arith.constant 8 : i32
      %add3A_723 = vector.broadcast %add3A_722 : i32 to vector<16xi32>
      %add3A_724 = arith.addi %mul3A_5, %add3A_723 : vector<16xi32>
      %scatter3A_725 = arith.constant 0 : i32
      %scatter3A_726 = tpu.memref_slice %arg7[%rem3A_354, %scatter3A_725] : memref<8x3200xf32, #tpu.memory_space<vmem>> -> memref<1x3200xf32, #tpu.memory_space<vmem>>
      %scatter3A_727 = tpu.memref_squeeze %scatter3A_726 : memref<1x3200xf32, #tpu.memory_space<vmem>> -> memref<3200xf32, #tpu.memory_space<vmem>>
      tpu.vector_store_idx %scatter3A_727[%add3A_724], %get3A_721 : memref<3200xf32, #tpu.memory_space<vmem>>[vector<16xi32>], vector<16xf32>,
      %get3A_728 = arith.constant 8 : i32
      %get3A_729 = arith.index_cast %rem3A_354 : i32 to index
      %get3A_730 = arith.index_cast %get3A_728 : i32 to index
      %get3A_731 = arith.constant 16 : index
      %get3A_732 = tpu.vector_load %arg6[%get3A_729, %get3A_730, %get3A_731] {strides = array<i32>} : memref<8x50x64xf32, #tpu.memory_space<vmem>>, vector<16xf32>,
      %add3A_733 = arith.constant 808 : i32
      %add3A_734 = vector.broadcast %add3A_733 : i32 to vector<16xi32>
      %add3A_735 = arith.addi %mul3A_5, %add3A_734 : vector<16xi32>
      %scatter3A_736 = arith.constant 0 : i32
      %scatter3A_737 = tpu.memref_slice %arg7[%rem3A_354, %scatter3A_736] : memref<8x3200xf32, #tpu.memory_space<vmem>> -> memref<1x3200xf32, #tpu.memory_space<vmem>>
      %scatter3A_738 = tpu.memref_squeeze %scatter3A_737 : memref<1x3200xf32, #tpu.memory_space<vmem>> -> memref<3200xf32, #tpu.memory_space<vmem>>
      tpu.vector_store_idx %scatter3A_738[%add3A_735], %get3A_732 : memref<3200xf32, #tpu.memory_space<vmem>>[vector<16xi32>], vector<16xf32>,
      %get3A_739 = arith.constant 8 : i32
      %get3A_740 = arith.index_cast %rem3A_354 : i32 to index
      %get3A_741 = arith.index_cast %get3A_739 : i32 to index
      %get3A_742 = arith.constant 32 : index
      %get3A_743 = tpu.vector_load %arg6[%get3A_740, %get3A_741, %get3A_742] {strides = array<i32>} : memref<8x50x64xf32, #tpu.memory_space<vmem>>, vector<16xf32>,
      %add3A_744 = arith.constant 1608 : i32
      %add3A_745 = vector.broadcast %add3A_744 : i32 to vector<16xi32>
      %add3A_746 = arith.addi %mul3A_5, %add3A_745 : vector<16xi32>
      %scatter3A_747 = arith.constant 0 : i32
      %scatter3A_748 = tpu.memref_slice %arg7[%rem3A_354, %scatter3A_747] : memref<8x3200xf32, #tpu.memory_space<vmem>> -> memref<1x3200xf32, #tpu.memory_space<vmem>>
      %scatter3A_749 = tpu.memref_squeeze %scatter3A_748 : memref<1x3200xf32, #tpu.memory_space<vmem>> -> memref<3200xf32, #tpu.memory_space<vmem>>
      tpu.vector_store_idx %scatter3A_749[%add3A_746], %get3A_743 : memref<3200xf32, #tpu.memory_space<vmem>>[vector<16xi32>], vector<16xf32>,
      %get3A_750 = arith.constant 8 : i32
      %get3A_751 = arith.index_cast %rem3A_354 : i32 to index
      %get3A_752 = arith.index_cast %get3A_750 : i32 to index
      %get3A_753 = arith.constant 48 : index
      %get3A_754 = tpu.vector_load %arg6[%get3A_751, %get3A_752, %get3A_753] {strides = array<i32>} : memref<8x50x64xf32, #tpu.memory_space<vmem>>, vector<16xf32>,
      %add3A_755 = arith.constant 2408 : i32
      %add3A_756 = vector.broadcast %add3A_755 : i32 to vector<16xi32>
      %add3A_757 = arith.addi %mul3A_5, %add3A_756 : vector<16xi32>
      %scatter3A_758 = arith.constant 0 : i32
      %scatter3A_759 = tpu.memref_slice %arg7[%rem3A_354, %scatter3A_758] : memref<8x3200xf32, #tpu.memory_space<vmem>> -> memref<1x3200xf32, #tpu.memory_space<vmem>>
      %scatter3A_760 = tpu.memref_squeeze %scatter3A_759 : memref<1x3200xf32, #tpu.memory_space<vmem>> -> memref<3200xf32, #tpu.memory_space<vmem>>
      tpu.vector_store_idx %scatter3A_760[%add3A_757], %get3A_754 : memref<3200xf32, #tpu.memory_space<vmem>>[vector<16xi32>], vector<16xf32>,
      %get3A_761 = arith.constant 9 : i32
      %get3A_762 = arith.index_cast %rem3A_354 : i32 to index
      %get3A_763 = arith.index_cast %get3A_761 : i32 to index
      %get3A_764 = arith.constant 0 : index
      %get3A_765 = tpu.vector_load %arg6[%get3A_762, %get3A_763, %get3A_764] {strides = array<i32>} : memref<8x50x64xf32, #tpu.memory_space<vmem>>, vector<16xf32>,
      %add3A_766 = arith.constant 9 : i32
      %add3A_767 = vector.broadcast %add3A_766 : i32 to vector<16xi32>
      %add3A_768 = arith.addi %mul3A_5, %add3A_767 : vector<16xi32>
      %scatter3A_769 = arith.constant 0 : i32
      %scatter3A_770 = tpu.memref_slice %arg7[%rem3A_354, %scatter3A_769] : memref<8x3200xf32, #tpu.memory_space<vmem>> -> memref<1x3200xf32, #tpu.memory_space<vmem>>
      %scatter3A_771 = tpu.memref_squeeze %scatter3A_770 : memref<1x3200xf32, #tpu.memory_space<vmem>> -> memref<3200xf32, #tpu.memory_space<vmem>>
      tpu.vector_store_idx %scatter3A_771[%add3A_768], %get3A_765 : memref<3200xf32, #tpu.memory_space<vmem>>[vector<16xi32>], vector<16xf32>,
      %get3A_772 = arith.constant 9 : i32
      %get3A_773 = arith.index_cast %rem3A_354 : i32 to index
      %get3A_774 = arith.index_cast %get3A_772 : i32 to index
      %get3A_775 = arith.constant 16 : index
      %get3A_776 = tpu.vector_load %arg6[%get3A_773, %get3A_774, %get3A_775] {strides = array<i32>} : memref<8x50x64xf32, #tpu.memory_space<vmem>>, vector<16xf32>,
      %add3A_777 = arith.constant 809 : i32
      %add3A_778 = vector.broadcast %add3A_777 : i32 to vector<16xi32>
      %add3A_779 = arith.addi %mul3A_5, %add3A_778 : vector<16xi32>
      %scatter3A_780 = arith.constant 0 : i32
      %scatter3A_781 = tpu.memref_slice %arg7[%rem3A_354, %scatter3A_780] : memref<8x3200xf32, #tpu.memory_space<vmem>> -> memref<1x3200xf32, #tpu.memory_space<vmem>>
      %scatter3A_782 = tpu.memref_squeeze %scatter3A_781 : memref<1x3200xf32, #tpu.memory_space<vmem>> -> memref<3200xf32, #tpu.memory_space<vmem>>
      tpu.vector_store_idx %scatter3A_782[%add3A_779], %get3A_776 : memref<3200xf32, #tpu.memory_space<vmem>>[vector<16xi32>], vector<16xf32>,
      %get3A_783 = arith.constant 9 : i32
      %get3A_784 = arith.index_cast %rem3A_354 : i32 to index
      %get3A_785 = arith.index_cast %get3A_783 : i32 to index
      %get3A_786 = arith.constant 32 : index
      %get3A_787 = tpu.vector_load %arg6[%get3A_784, %get3A_785, %get3A_786] {strides = array<i32>} : memref<8x50x64xf32, #tpu.memory_space<vmem>>, vector<16xf32>,
      %add3A_788 = arith.constant 1609 : i32
      %add3A_789 = vector.broadcast %add3A_788 : i32 to vector<16xi32>
      %add3A_790 = arith.addi %mul3A_5, %add3A_789 : vector<16xi32>
      %scatter3A_791 = arith.constant 0 : i32
      %scatter3A_792 = tpu.memref_slice %arg7[%rem3A_354, %scatter3A_791] : memref<8x3200xf32, #tpu.memory_space<vmem>> -> memref<1x3200xf32, #tpu.memory_space<vmem>>
      %scatter3A_793 = tpu.memref_squeeze %scatter3A_792 : memref<1x3200xf32, #tpu.memory_space<vmem>> -> memref<3200xf32, #tpu.memory_space<vmem>>
      tpu.vector_store_idx %scatter3A_793[%add3A_790], %get3A_787 : memref<3200xf32, #tpu.memory_space<vmem>>[vector<16xi32>], vector<16xf32>,
      %get3A_794 = arith.constant 9 : i32
      %get3A_795 = arith.index_cast %rem3A_354 : i32 to index
      %get3A_796 = arith.index_cast %get3A_794 : i32 to index
      %get3A_797 = arith.constant 48 : index
      %get3A_798 = tpu.vector_load %arg6[%get3A_795, %get3A_796, %get3A_797] {strides = array<i32>} : memref<8x50x64xf32, #tpu.memory_space<vmem>>, vector<16xf32>,
      %add3A_799 = arith.constant 2409 : i32
      %add3A_800 = vector.broadcast %add3A_799 : i32 to vector<16xi32>
      %add3A_801 = arith.addi %mul3A_5, %add3A_800 : vector<16xi32>
      %scatter3A_802 = arith.constant 0 : i32
      %scatter3A_803 = tpu.memref_slice %arg7[%rem3A_354, %scatter3A_802] : memref<8x3200xf32, #tpu.memory_space<vmem>> -> memref<1x3200xf32, #tpu.memory_space<vmem>>
      %scatter3A_804 = tpu.memref_squeeze %scatter3A_803 : memref<1x3200xf32, #tpu.memory_space<vmem>> -> memref<3200xf32, #tpu.memory_space<vmem>>
      tpu.vector_store_idx %scatter3A_804[%add3A_801], %get3A_798 : memref<3200xf32, #tpu.memory_space<vmem>>[vector<16xi32>], vector<16xf32>,
      %get3A_805 = arith.constant 10 : i32
      %get3A_806 = arith.index_cast %rem3A_354 : i32 to index
      %get3A_807 = arith.index_cast %get3A_805 : i32 to index
      %get3A_808 = arith.constant 0 : index
      %get3A_809 = tpu.vector_load %arg6[%get3A_806, %get3A_807, %get3A_808] {strides = array<i32>} : memref<8x50x64xf32, #tpu.memory_space<vmem>>, vector<16xf32>,
      %add3A_810 = arith.constant 10 : i32
      %add3A_811 = vector.broadcast %add3A_810 : i32 to vector<16xi32>
      %add3A_812 = arith.addi %mul3A_5, %add3A_811 : vector<16xi32>
      %scatter3A_813 = arith.constant 0 : i32
      %scatter3A_814 = tpu.memref_slice %arg7[%rem3A_354, %scatter3A_813] : memref<8x3200xf32, #tpu.memory_space<vmem>> -> memref<1x3200xf32, #tpu.memory_space<vmem>>
      %scatter3A_815 = tpu.memref_squeeze %scatter3A_814 : memref<1x3200xf32, #tpu.memory_space<vmem>> -> memref<3200xf32, #tpu.memory_space<vmem>>
      tpu.vector_store_idx %scatter3A_815[%add3A_812], %get3A_809 : memref<3200xf32, #tpu.memory_space<vmem>>[vector<16xi32>], vector<16xf32>,
      %get3A_816 = arith.constant 10 : i32
      %get3A_817 = arith.index_cast %rem3A_354 : i32 to index
      %get3A_818 = arith.index_cast %get3A_816 : i32 to index
      %get3A_819 = arith.constant 16 : index
      %get3A_820 = tpu.vector_load %arg6[%get3A_817, %get3A_818, %get3A_819] {strides = array<i32>} : memref<8x50x64xf32, #tpu.memory_space<vmem>>, vector<16xf32>,
      %add3A_821 = arith.constant 810 : i32
      %add3A_822 = vector.broadcast %add3A_821 : i32 to vector<16xi32>
      %add3A_823 = arith.addi %mul3A_5, %add3A_822 : vector<16xi32>
      %scatter3A_824 = arith.constant 0 : i32
      %scatter3A_825 = tpu.memref_slice %arg7[%rem3A_354, %scatter3A_824] : memref<8x3200xf32, #tpu.memory_space<vmem>> -> memref<1x3200xf32, #tpu.memory_space<vmem>>
      %scatter3A_826 = tpu.memref_squeeze %scatter3A_825 : memref<1x3200xf32, #tpu.memory_space<vmem>> -> memref<3200xf32, #tpu.memory_space<vmem>>
      tpu.vector_store_idx %scatter3A_826[%add3A_823], %get3A_820 : memref<3200xf32, #tpu.memory_space<vmem>>[vector<16xi32>], vector<16xf32>,
      %get3A_827 = arith.constant 10 : i32
      %get3A_828 = arith.index_cast %rem3A_354 : i32 to index
      %get3A_829 = arith.index_cast %get3A_827 : i32 to index
      %get3A_830 = arith.constant 32 : index
      %get3A_831 = tpu.vector_load %arg6[%get3A_828, %get3A_829, %get3A_830] {strides = array<i32>} : memref<8x50x64xf32, #tpu.memory_space<vmem>>, vector<16xf32>,
      %add3A_832 = arith.constant 1610 : i32
      %add3A_833 = vector.broadcast %add3A_832 : i32 to vector<16xi32>
      %add3A_834 = arith.addi %mul3A_5, %add3A_833 : vector<16xi32>
      %scatter3A_835 = arith.constant 0 : i32
      %scatter3A_836 = tpu.memref_slice %arg7[%rem3A_354, %scatter3A_835] : memref<8x3200xf32, #tpu.memory_space<vmem>> -> memref<1x3200xf32, #tpu.memory_space<vmem>>
      %scatter3A_837 = tpu.memref_squeeze %scatter3A_836 : memref<1x3200xf32, #tpu.memory_space<vmem>> -> memref<3200xf32, #tpu.memory_space<vmem>>
      tpu.vector_store_idx %scatter3A_837[%add3A_834], %get3A_831 : memref<3200xf32, #tpu.memory_space<vmem>>[vector<16xi32>], vector<16xf32>,
      %get3A_838 = arith.constant 10 : i32
      %get3A_839 = arith.index_cast %rem3A_354 : i32 to index
      %get3A_840 = arith.index_cast %get3A_838 : i32 to index
      %get3A_841 = arith.constant 48 : index
      %get3A_842 = tpu.vector_load %arg6[%get3A_839, %get3A_840, %get3A_841] {strides = array<i32>} : memref<8x50x64xf32, #tpu.memory_space<vmem>>, vector<16xf32>,
      %add3A_843 = arith.constant 2410 : i32
      %add3A_844 = vector.broadcast %add3A_843 : i32 to vector<16xi32>
      %add3A_845 = arith.addi %mul3A_5, %add3A_844 : vector<16xi32>
      %scatter3A_846 = arith.constant 0 : i32
      %scatter3A_847 = tpu.memref_slice %arg7[%rem3A_354, %scatter3A_846] : memref<8x3200xf32, #tpu.memory_space<vmem>> -> memref<1x3200xf32, #tpu.memory_space<vmem>>
      %scatter3A_848 = tpu.memref_squeeze %scatter3A_847 : memref<1x3200xf32, #tpu.memory_space<vmem>> -> memref<3200xf32, #tpu.memory_space<vmem>>
      tpu.vector_store_idx %scatter3A_848[%add3A_845], %get3A_842 : memref<3200xf32, #tpu.memory_space<vmem>>[vector<16xi32>], vector<16xf32>,
      %get3A_849 = arith.constant 11 : i32
      %get3A_850 = arith.index_cast %rem3A_354 : i32 to index
      %get3A_851 = arith.index_cast %get3A_849 : i32 to index
      %get3A_852 = arith.constant 0 : index
      %get3A_853 = tpu.vector_load %arg6[%get3A_850, %get3A_851, %get3A_852] {strides = array<i32>} : memref<8x50x64xf32, #tpu.memory_space<vmem>>, vector<16xf32>,
      %add3A_854 = arith.constant 11 : i32
      %add3A_855 = vector.broadcast %add3A_854 : i32 to vector<16xi32>
      %add3A_856 = arith.addi %mul3A_5, %add3A_855 : vector<16xi32>
      %scatter3A_857 = arith.constant 0 : i32
      %scatter3A_858 = tpu.memref_slice %arg7[%rem3A_354, %scatter3A_857] : memref<8x3200xf32, #tpu.memory_space<vmem>> -> memref<1x3200xf32, #tpu.memory_space<vmem>>
      %scatter3A_859 = tpu.memref_squeeze %scatter3A_858 : memref<1x3200xf32, #tpu.memory_space<vmem>> -> memref<3200xf32, #tpu.memory_space<vmem>>
      tpu.vector_store_idx %scatter3A_859[%add3A_856], %get3A_853 : memref<3200xf32, #tpu.memory_space<vmem>>[vector<16xi32>], vector<16xf32>,
      %get3A_860 = arith.constant 11 : i32
      %get3A_861 = arith.index_cast %rem3A_354 : i32 to index
      %get3A_862 = arith.index_cast %get3A_860 : i32 to index
      %get3A_863 = arith.constant 16 : index
      %get3A_864 = tpu.vector_load %arg6[%get3A_861, %get3A_862, %get3A_863] {strides = array<i32>} : memref<8x50x64xf32, #tpu.memory_space<vmem>>, vector<16xf32>,
      %add3A_865 = arith.constant 811 : i32
      %add3A_866 = vector.broadcast %add3A_865 : i32 to vector<16xi32>
      %add3A_867 = arith.addi %mul3A_5, %add3A_866 : vector<16xi32>
      %scatter3A_868 = arith.constant 0 : i32
      %scatter3A_869 = tpu.memref_slice %arg7[%rem3A_354, %scatter3A_868] : memref<8x3200xf32, #tpu.memory_space<vmem>> -> memref<1x3200xf32, #tpu.memory_space<vmem>>
      %scatter3A_870 = tpu.memref_squeeze %scatter3A_869 : memref<1x3200xf32, #tpu.memory_space<vmem>> -> memref<3200xf32, #tpu.memory_space<vmem>>
      tpu.vector_store_idx %scatter3A_870[%add3A_867], %get3A_864 : memref<3200xf32, #tpu.memory_space<vmem>>[vector<16xi32>], vector<16xf32>,
      %get3A_871 = arith.constant 11 : i32
      %get3A_872 = arith.index_cast %rem3A_354 : i32 to index
      %get3A_873 = arith.index_cast %get3A_871 : i32 to index
      %get3A_874 = arith.constant 32 : index
      %get3A_875 = tpu.vector_load %arg6[%get3A_872, %get3A_873, %get3A_874] {strides = array<i32>} : memref<8x50x64xf32, #tpu.memory_space<vmem>>, vector<16xf32>,
      %add3A_876 = arith.constant 1611 : i32
      %add3A_877 = vector.broadcast %add3A_876 : i32 to vector<16xi32>
      %add3A_878 = arith.addi %mul3A_5, %add3A_877 : vector<16xi32>
      %scatter3A_879 = arith.constant 0 : i32
      %scatter3A_880 = tpu.memref_slice %arg7[%rem3A_354, %scatter3A_879] : memref<8x3200xf32, #tpu.memory_space<vmem>> -> memref<1x3200xf32, #tpu.memory_space<vmem>>
      %scatter3A_881 = tpu.memref_squeeze %scatter3A_880 : memref<1x3200xf32, #tpu.memory_space<vmem>> -> memref<3200xf32, #tpu.memory_space<vmem>>
      tpu.vector_store_idx %scatter3A_881[%add3A_878], %get3A_875 : memref<3200xf32, #tpu.memory_space<vmem>>[vector<16xi32>], vector<16xf32>,
      %get3A_882 = arith.constant 11 : i32
      %get3A_883 = arith.index_cast %rem3A_354 : i32 to index
      %get3A_884 = arith.index_cast %get3A_882 : i32 to index
      %get3A_885 = arith.constant 48 : index
      %get3A_886 = tpu.vector_load %arg6[%get3A_883, %get3A_884, %get3A_885] {strides = array<i32>} : memref<8x50x64xf32, #tpu.memory_space<vmem>>, vector<16xf32>,
      %add3A_887 = arith.constant 2411 : i32
      %add3A_888 = vector.broadcast %add3A_887 : i32 to vector<16xi32>
      %add3A_889 = arith.addi %mul3A_5, %add3A_888 : vector<16xi32>
      %scatter3A_890 = arith.constant 0 : i32
      %scatter3A_891 = tpu.memref_slice %arg7[%rem3A_354, %scatter3A_890] : memref<8x3200xf32, #tpu.memory_space<vmem>> -> memref<1x3200xf32, #tpu.memory_space<vmem>>
      %scatter3A_892 = tpu.memref_squeeze %scatter3A_891 : memref<1x3200xf32, #tpu.memory_space<vmem>> -> memref<3200xf32, #tpu.memory_space<vmem>>
      tpu.vector_store_idx %scatter3A_892[%add3A_889], %get3A_886 : memref<3200xf32, #tpu.memory_space<vmem>>[vector<16xi32>], vector<16xf32>,
      %get3A_893 = arith.constant 12 : i32
      %get3A_894 = arith.index_cast %rem3A_354 : i32 to index
      %get3A_895 = arith.index_cast %get3A_893 : i32 to index
      %get3A_896 = arith.constant 0 : index
      %get3A_897 = tpu.vector_load %arg6[%get3A_894, %get3A_895, %get3A_896] {strides = array<i32>} : memref<8x50x64xf32, #tpu.memory_space<vmem>>, vector<16xf32>,
      %add3A_898 = arith.constant 12 : i32
      %add3A_899 = vector.broadcast %add3A_898 : i32 to vector<16xi32>
      %add3A_900 = arith.addi %mul3A_5, %add3A_899 : vector<16xi32>
      %scatter3A_901 = arith.constant 0 : i32
      %scatter3A_902 = tpu.memref_slice %arg7[%rem3A_354, %scatter3A_901] : memref<8x3200xf32, #tpu.memory_space<vmem>> -> memref<1x3200xf32, #tpu.memory_space<vmem>>
      %scatter3A_903 = tpu.memref_squeeze %scatter3A_902 : memref<1x3200xf32, #tpu.memory_space<vmem>> -> memref<3200xf32, #tpu.memory_space<vmem>>
      tpu.vector_store_idx %scatter3A_903[%add3A_900], %get3A_897 : memref<3200xf32, #tpu.memory_space<vmem>>[vector<16xi32>], vector<16xf32>,
      %get3A_904 = arith.constant 12 : i32
      %get3A_905 = arith.index_cast %rem3A_354 : i32 to index
      %get3A_906 = arith.index_cast %get3A_904 : i32 to index
      %get3A_907 = arith.constant 16 : index
      %get3A_908 = tpu.vector_load %arg6[%get3A_905, %get3A_906, %get3A_907] {strides = array<i32>} : memref<8x50x64xf32, #tpu.memory_space<vmem>>, vector<16xf32>,
      %add3A_909 = arith.constant 812 : i32
      %add3A_910 = vector.broadcast %add3A_909 : i32 to vector<16xi32>
      %add3A_911 = arith.addi %mul3A_5, %add3A_910 : vector<16xi32>
      %scatter3A_912 = arith.constant 0 : i32
      %scatter3A_913 = tpu.memref_slice %arg7[%rem3A_354, %scatter3A_912] : memref<8x3200xf32, #tpu.memory_space<vmem>> -> memref<1x3200xf32, #tpu.memory_space<vmem>>
      %scatter3A_914 = tpu.memref_squeeze %scatter3A_913 : memref<1x3200xf32, #tpu.memory_space<vmem>> -> memref<3200xf32, #tpu.memory_space<vmem>>
      tpu.vector_store_idx %scatter3A_914[%add3A_911], %get3A_908 : memref<3200xf32, #tpu.memory_space<vmem>>[vector<16xi32>], vector<16xf32>,
      %get3A_915 = arith.constant 12 : i32
      %get3A_916 = arith.index_cast %rem3A_354 : i32 to index
      %get3A_917 = arith.index_cast %get3A_915 : i32 to index
      %get3A_918 = arith.constant 32 : index
      %get3A_919 = tpu.vector_load %arg6[%get3A_916, %get3A_917, %get3A_918] {strides = array<i32>} : memref<8x50x64xf32, #tpu.memory_space<vmem>>, vector<16xf32>,
      %add3A_920 = arith.constant 1612 : i32
      %add3A_921 = vector.broadcast %add3A_920 : i32 to vector<16xi32>
      %add3A_922 = arith.addi %mul3A_5, %add3A_921 : vector<16xi32>
      %scatter3A_923 = arith.constant 0 : i32
      %scatter3A_924 = tpu.memref_slice %arg7[%rem3A_354, %scatter3A_923] : memref<8x3200xf32, #tpu.memory_space<vmem>> -> memref<1x3200xf32, #tpu.memory_space<vmem>>
      %scatter3A_925 = tpu.memref_squeeze %scatter3A_924 : memref<1x3200xf32, #tpu.memory_space<vmem>> -> memref<3200xf32, #tpu.memory_space<vmem>>
      tpu.vector_store_idx %scatter3A_925[%add3A_922], %get3A_919 : memref<3200xf32, #tpu.memory_space<vmem>>[vector<16xi32>], vector<16xf32>,
      %get3A_926 = arith.constant 12 : i32
      %get3A_927 = arith.index_cast %rem3A_354 : i32 to index
      %get3A_928 = arith.index_cast %get3A_926 : i32 to index
      %get3A_929 = arith.constant 48 : index
      %get3A_930 = tpu.vector_load %arg6[%get3A_927, %get3A_928, %get3A_929] {strides = array<i32>} : memref<8x50x64xf32, #tpu.memory_space<vmem>>, vector<16xf32>,
      %add3A_931 = arith.constant 2412 : i32
      %add3A_932 = vector.broadcast %add3A_931 : i32 to vector<16xi32>
      %add3A_933 = arith.addi %mul3A_5, %add3A_932 : vector<16xi32>
      %scatter3A_934 = arith.constant 0 : i32
      %scatter3A_935 = tpu.memref_slice %arg7[%rem3A_354, %scatter3A_934] : memref<8x3200xf32, #tpu.memory_space<vmem>> -> memref<1x3200xf32, #tpu.memory_space<vmem>>
      %scatter3A_936 = tpu.memref_squeeze %scatter3A_935 : memref<1x3200xf32, #tpu.memory_space<vmem>> -> memref<3200xf32, #tpu.memory_space<vmem>>
      tpu.vector_store_idx %scatter3A_936[%add3A_933], %get3A_930 : memref<3200xf32, #tpu.memory_space<vmem>>[vector<16xi32>], vector<16xf32>,
      %get3A_937 = arith.constant 13 : i32
      %get3A_938 = arith.index_cast %rem3A_354 : i32 to index
      %get3A_939 = arith.index_cast %get3A_937 : i32 to index
      %get3A_940 = arith.constant 0 : index
      %get3A_941 = tpu.vector_load %arg6[%get3A_938, %get3A_939, %get3A_940] {strides = array<i32>} : memref<8x50x64xf32, #tpu.memory_space<vmem>>, vector<16xf32>,
      %add3A_942 = arith.constant 13 : i32
      %add3A_943 = vector.broadcast %add3A_942 : i32 to vector<16xi32>
      %add3A_944 = arith.addi %mul3A_5, %add3A_943 : vector<16xi32>
      %scatter3A_945 = arith.constant 0 : i32
      %scatter3A_946 = tpu.memref_slice %arg7[%rem3A_354, %scatter3A_945] : memref<8x3200xf32, #tpu.memory_space<vmem>> -> memref<1x3200xf32, #tpu.memory_space<vmem>>
      %scatter3A_947 = tpu.memref_squeeze %scatter3A_946 : memref<1x3200xf32, #tpu.memory_space<vmem>> -> memref<3200xf32, #tpu.memory_space<vmem>>
      tpu.vector_store_idx %scatter3A_947[%add3A_944], %get3A_941 : memref<3200xf32, #tpu.memory_space<vmem>>[vector<16xi32>], vector<16xf32>,
      %get3A_948 = arith.constant 13 : i32
      %get3A_949 = arith.index_cast %rem3A_354 : i32 to index
      %get3A_950 = arith.index_cast %get3A_948 : i32 to index
      %get3A_951 = arith.constant 16 : index
      %get3A_952 = tpu.vector_load %arg6[%get3A_949, %get3A_950, %get3A_951] {strides = array<i32>} : memref<8x50x64xf32, #tpu.memory_space<vmem>>, vector<16xf32>,
      %add3A_953 = arith.constant 813 : i32
      %add3A_954 = vector.broadcast %add3A_953 : i32 to vector<16xi32>
      %add3A_955 = arith.addi %mul3A_5, %add3A_954 : vector<16xi32>
      %scatter3A_956 = arith.constant 0 : i32
      %scatter3A_957 = tpu.memref_slice %arg7[%rem3A_354, %scatter3A_956] : memref<8x3200xf32, #tpu.memory_space<vmem>> -> memref<1x3200xf32, #tpu.memory_space<vmem>>
      %scatter3A_958 = tpu.memref_squeeze %scatter3A_957 : memref<1x3200xf32, #tpu.memory_space<vmem>> -> memref<3200xf32, #tpu.memory_space<vmem>>
      tpu.vector_store_idx %scatter3A_958[%add3A_955], %get3A_952 : memref<3200xf32, #tpu.memory_space<vmem>>[vector<16xi32>], vector<16xf32>,
      %get3A_959 = arith.constant 13 : i32
      %get3A_960 = arith.index_cast %rem3A_354 : i32 to index
      %get3A_961 = arith.index_cast %get3A_959 : i32 to index
      %get3A_962 = arith.constant 32 : index
      %get3A_963 = tpu.vector_load %arg6[%get3A_960, %get3A_961, %get3A_962] {strides = array<i32>} : memref<8x50x64xf32, #tpu.memory_space<vmem>>, vector<16xf32>,
      %add3A_964 = arith.constant 1613 : i32
      %add3A_965 = vector.broadcast %add3A_964 : i32 to vector<16xi32>
      %add3A_966 = arith.addi %mul3A_5, %add3A_965 : vector<16xi32>
      %scatter3A_967 = arith.constant 0 : i32
      %scatter3A_968 = tpu.memref_slice %arg7[%rem3A_354, %scatter3A_967] : memref<8x3200xf32, #tpu.memory_space<vmem>> -> memref<1x3200xf32, #tpu.memory_space<vmem>>
      %scatter3A_969 = tpu.memref_squeeze %scatter3A_968 : memref<1x3200xf32, #tpu.memory_space<vmem>> -> memref<3200xf32, #tpu.memory_space<vmem>>
      tpu.vector_store_idx %scatter3A_969[%add3A_966], %get3A_963 : memref<3200xf32, #tpu.memory_space<vmem>>[vector<16xi32>], vector<16xf32>,
      %get3A_970 = arith.constant 13 : i32
      %get3A_971 = arith.index_cast %rem3A_354 : i32 to index
      %get3A_972 = arith.index_cast %get3A_970 : i32 to index
      %get3A_973 = arith.constant 48 : index
      %get3A_974 = tpu.vector_load %arg6[%get3A_971, %get3A_972, %get3A_973] {strides = array<i32>} : memref<8x50x64xf32, #tpu.memory_space<vmem>>, vector<16xf32>,
      %add3A_975 = arith.constant 2413 : i32
      %add3A_976 = vector.broadcast %add3A_975 : i32 to vector<16xi32>
      %add3A_977 = arith.addi %mul3A_5, %add3A_976 : vector<16xi32>
      %scatter3A_978 = arith.constant 0 : i32
      %scatter3A_979 = tpu.memref_slice %arg7[%rem3A_354, %scatter3A_978] : memref<8x3200xf32, #tpu.memory_space<vmem>> -> memref<1x3200xf32, #tpu.memory_space<vmem>>
      %scatter3A_980 = tpu.memref_squeeze %scatter3A_979 : memref<1x3200xf32, #tpu.memory_space<vmem>> -> memref<3200xf32, #tpu.memory_space<vmem>>
      tpu.vector_store_idx %scatter3A_980[%add3A_977], %get3A_974 : memref<3200xf32, #tpu.memory_space<vmem>>[vector<16xi32>], vector<16xf32>,
      %get3A_981 = arith.constant 14 : i32
      %get3A_982 = arith.index_cast %rem3A_354 : i32 to index
      %get3A_983 = arith.index_cast %get3A_981 : i32 to index
      %get3A_984 = arith.constant 0 : index
      %get3A_985 = tpu.vector_load %arg6[%get3A_982, %get3A_983, %get3A_984] {strides = array<i32>} : memref<8x50x64xf32, #tpu.memory_space<vmem>>, vector<16xf32>,
      %add3A_986 = arith.constant 14 : i32
      %add3A_987 = vector.broadcast %add3A_986 : i32 to vector<16xi32>
      %add3A_988 = arith.addi %mul3A_5, %add3A_987 : vector<16xi32>
      %scatter3A_989 = arith.constant 0 : i32
      %scatter3A_990 = tpu.memref_slice %arg7[%rem3A_354, %scatter3A_989] : memref<8x3200xf32, #tpu.memory_space<vmem>> -> memref<1x3200xf32, #tpu.memory_space<vmem>>
      %scatter3A_991 = tpu.memref_squeeze %scatter3A_990 : memref<1x3200xf32, #tpu.memory_space<vmem>> -> memref<3200xf32, #tpu.memory_space<vmem>>
      tpu.vector_store_idx %scatter3A_991[%add3A_988], %get3A_985 : memref<3200xf32, #tpu.memory_space<vmem>>[vector<16xi32>], vector<16xf32>,
      %get3A_992 = arith.constant 14 : i32
      %get3A_993 = arith.index_cast %rem3A_354 : i32 to index
      %get3A_994 = arith.index_cast %get3A_992 : i32 to index
      %get3A_995 = arith.constant 16 : index
      %get3A_996 = tpu.vector_load %arg6[%get3A_993, %get3A_994, %get3A_995] {strides = array<i32>} : memref<8x50x64xf32, #tpu.memory_space<vmem>>, vector<16xf32>,
      %add3A_997 = arith.constant 814 : i32
      %add3A_998 = vector.broadcast %add3A_997 : i32 to vector<16xi32>
      %add3A_999 = arith.addi %mul3A_5, %add3A_998 : vector<16xi32>
      %scatter3A_1000 = arith.constant 0 : i32
      %scatter3A_1001 = tpu.memref_slice %arg7[%rem3A_354, %scatter3A_1000] : memref<8x3200xf32, #tpu.memory_space<vmem>> -> memref<1x3200xf32, #tpu.memory_space<vmem>>
      %scatter3A_1002 = tpu.memref_squeeze %scatter3A_1001 : memref<1x3200xf32, #tpu.memory_space<vmem>> -> memref<3200xf32, #tpu.memory_space<vmem>>
      tpu.vector_store_idx %scatter3A_1002[%add3A_999], %get3A_996 : memref<3200xf32, #tpu.memory_space<vmem>>[vector<16xi32>], vector<16xf32>,
      %get3A_1003 = arith.constant 14 : i32
      %get3A_1004 = arith.index_cast %rem3A_354 : i32 to index
      %get3A_1005 = arith.index_cast %get3A_1003 : i32 to index
      %get3A_1006 = arith.constant 32 : index
      %get3A_1007 = tpu.vector_load %arg6[%get3A_1004, %get3A_1005, %get3A_1006] {strides = array<i32>} : memref<8x50x64xf32, #tpu.memory_space<vmem>>, vector<16xf32>,
      %add3A_1008 = arith.constant 1614 : i32
      %add3A_1009 = vector.broadcast %add3A_1008 : i32 to vector<16xi32>
      %add3A_1010 = arith.addi %mul3A_5, %add3A_1009 : vector<16xi32>
      %scatter3A_1011 = arith.constant 0 : i32
      %scatter3A_1012 = tpu.memref_slice %arg7[%rem3A_354, %scatter3A_1011] : memref<8x3200xf32, #tpu.memory_space<vmem>> -> memref<1x3200xf32, #tpu.memory_space<vmem>>
      %scatter3A_1013 = tpu.memref_squeeze %scatter3A_1012 : memref<1x3200xf32, #tpu.memory_space<vmem>> -> memref<3200xf32, #tpu.memory_space<vmem>>
      tpu.vector_store_idx %scatter3A_1013[%add3A_1010], %get3A_1007 : memref<3200xf32, #tpu.memory_space<vmem>>[vector<16xi32>], vector<16xf32>,
      %get3A_1014 = arith.constant 14 : i32
      %get3A_1015 = arith.index_cast %rem3A_354 : i32 to index
      %get3A_1016 = arith.index_cast %get3A_1014 : i32 to index
      %get3A_1017 = arith.constant 48 : index
      %get3A_1018 = tpu.vector_load %arg6[%get3A_1015, %get3A_1016, %get3A_1017] {strides = array<i32>} : memref<8x50x64xf32, #tpu.memory_space<vmem>>, vector<16xf32>,
      %add3A_1019 = arith.constant 2414 : i32
      %add3A_1020 = vector.broadcast %add3A_1019 : i32 to vector<16xi32>
      %add3A_1021 = arith.addi %mul3A_5, %add3A_1020 : vector<16xi32>
      %scatter3A_1022 = arith.constant 0 : i32
      %scatter3A_1023 = tpu.memref_slice %arg7[%rem3A_354, %scatter3A_1022] : memref<8x3200xf32, #tpu.memory_space<vmem>> -> memref<1x3200xf32, #tpu.memory_space<vmem>>
      %scatter3A_1024 = tpu.memref_squeeze %scatter3A_1023 : memref<1x3200xf32, #tpu.memory_space<vmem>> -> memref<3200xf32, #tpu.memory_space<vmem>>
      tpu.vector_store_idx %scatter3A_1024[%add3A_1021], %get3A_1018 : memref<3200xf32, #tpu.memory_space<vmem>>[vector<16xi32>], vector<16xf32>,
      %get3A_1025 = arith.constant 15 : i32
      %get3A_1026 = arith.index_cast %rem3A_354 : i32 to index
      %get3A_1027 = arith.index_cast %get3A_1025 : i32 to index
      %get3A_1028 = arith.constant 0 : index
      %get3A_1029 = tpu.vector_load %arg6[%get3A_1026, %get3A_1027, %get3A_1028] {strides = array<i32>} : memref<8x50x64xf32, #tpu.memory_space<vmem>>, vector<16xf32>,
      %add3A_1030 = arith.constant 15 : i32
      %add3A_1031 = vector.broadcast %add3A_1030 : i32 to vector<16xi32>
      %add3A_1032 = arith.addi %mul3A_5, %add3A_1031 : vector<16xi32>
      %scatter3A_1033 = arith.constant 0 : i32
      %scatter3A_1034 = tpu.memref_slice %arg7[%rem3A_354, %scatter3A_1033] : memref<8x3200xf32, #tpu.memory_space<vmem>> -> memref<1x3200xf32, #tpu.memory_space<vmem>>
      %scatter3A_1035 = tpu.memref_squeeze %scatter3A_1034 : memref<1x3200xf32, #tpu.memory_space<vmem>> -> memref<3200xf32, #tpu.memory_space<vmem>>
      tpu.vector_store_idx %scatter3A_1035[%add3A_1032], %get3A_1029 : memref<3200xf32, #tpu.memory_space<vmem>>[vector<16xi32>], vector<16xf32>,
      %get3A_1036 = arith.constant 15 : i32
      %get3A_1037 = arith.index_cast %rem3A_354 : i32 to index
      %get3A_1038 = arith.index_cast %get3A_1036 : i32 to index
      %get3A_1039 = arith.constant 16 : index
      %get3A_1040 = tpu.vector_load %arg6[%get3A_1037, %get3A_1038, %get3A_1039] {strides = array<i32>} : memref<8x50x64xf32, #tpu.memory_space<vmem>>, vector<16xf32>,
      %add3A_1041 = arith.constant 815 : i32
      %add3A_1042 = vector.broadcast %add3A_1041 : i32 to vector<16xi32>
      %add3A_1043 = arith.addi %mul3A_5, %add3A_1042 : vector<16xi32>
      %scatter3A_1044 = arith.constant 0 : i32
      %scatter3A_1045 = tpu.memref_slice %arg7[%rem3A_354, %scatter3A_1044] : memref<8x3200xf32, #tpu.memory_space<vmem>> -> memref<1x3200xf32, #tpu.memory_space<vmem>>
      %scatter3A_1046 = tpu.memref_squeeze %scatter3A_1045 : memref<1x3200xf32, #tpu.memory_space<vmem>> -> memref<3200xf32, #tpu.memory_space<vmem>>
      tpu.vector_store_idx %scatter3A_1046[%add3A_1043], %get3A_1040 : memref<3200xf32, #tpu.memory_space<vmem>>[vector<16xi32>], vector<16xf32>,
      %get3A_1047 = arith.constant 15 : i32
      %get3A_1048 = arith.index_cast %rem3A_354 : i32 to index
      %get3A_1049 = arith.index_cast %get3A_1047 : i32 to index
      %get3A_1050 = arith.constant 32 : index
      %get3A_1051 = tpu.vector_load %arg6[%get3A_1048, %get3A_1049, %get3A_1050] {strides = array<i32>} : memref<8x50x64xf32, #tpu.memory_space<vmem>>, vector<16xf32>,
      %add3A_1052 = arith.constant 1615 : i32
      %add3A_1053 = vector.broadcast %add3A_1052 : i32 to vector<16xi32>
      %add3A_1054 = arith.addi %mul3A_5, %add3A_1053 : vector<16xi32>
      %scatter3A_1055 = arith.constant 0 : i32
      %scatter3A_1056 = tpu.memref_slice %arg7[%rem3A_354, %scatter3A_1055] : memref<8x3200xf32, #tpu.memory_space<vmem>> -> memref<1x3200xf32, #tpu.memory_space<vmem>>
      %scatter3A_1057 = tpu.memref_squeeze %scatter3A_1056 : memref<1x3200xf32, #tpu.memory_space<vmem>> -> memref<3200xf32, #tpu.memory_space<vmem>>
      tpu.vector_store_idx %scatter3A_1057[%add3A_1054], %get3A_1051 : memref<3200xf32, #tpu.memory_space<vmem>>[vector<16xi32>], vector<16xf32>,
      %get3A_1058 = arith.constant 15 : i32
      %get3A_1059 = arith.index_cast %rem3A_354 : i32 to index
      %get3A_1060 = arith.index_cast %get3A_1058 : i32 to index
      %get3A_1061 = arith.constant 48 : index
      %get3A_1062 = tpu.vector_load %arg6[%get3A_1059, %get3A_1060, %get3A_1061] {strides = array<i32>} : memref<8x50x64xf32, #tpu.memory_space<vmem>>, vector<16xf32>,
      %add3A_1063 = arith.constant 2415 : i32
      %add3A_1064 = vector.broadcast %add3A_1063 : i32 to vector<16xi32>
      %add3A_1065 = arith.addi %mul3A_5, %add3A_1064 : vector<16xi32>
      %scatter3A_1066 = arith.constant 0 : i32
      %scatter3A_1067 = tpu.memref_slice %arg7[%rem3A_354, %scatter3A_1066] : memref<8x3200xf32, #tpu.memory_space<vmem>> -> memref<1x3200xf32, #tpu.memory_space<vmem>>
      %scatter3A_1068 = tpu.memref_squeeze %scatter3A_1067 : memref<1x3200xf32, #tpu.memory_space<vmem>> -> memref<3200xf32, #tpu.memory_space<vmem>>
      tpu.vector_store_idx %scatter3A_1068[%add3A_1065], %get3A_1062 : memref<3200xf32, #tpu.memory_space<vmem>>[vector<16xi32>], vector<16xf32>,
      %get3A_1069 = arith.constant 16 : i32
      %get3A_1070 = arith.index_cast %rem3A_354 : i32 to index
      %get3A_1071 = arith.index_cast %get3A_1069 : i32 to index
      %get3A_1072 = arith.constant 0 : index
      %get3A_1073 = tpu.vector_load %arg6[%get3A_1070, %get3A_1071, %get3A_1072] {strides = array<i32>} : memref<8x50x64xf32, #tpu.memory_space<vmem>>, vector<16xf32>,
      %add3A_1074 = arith.constant 16 : i32
      %add3A_1075 = vector.broadcast %add3A_1074 : i32 to vector<16xi32>
      %add3A_1076 = arith.addi %mul3A_5, %add3A_1075 : vector<16xi32>
      %scatter3A_1077 = arith.constant 0 : i32
      %scatter3A_1078 = tpu.memref_slice %arg7[%rem3A_354, %scatter3A_1077] : memref<8x3200xf32, #tpu.memory_space<vmem>> -> memref<1x3200xf32, #tpu.memory_space<vmem>>
      %scatter3A_1079 = tpu.memref_squeeze %scatter3A_1078 : memref<1x3200xf32, #tpu.memory_space<vmem>> -> memref<3200xf32, #tpu.memory_space<vmem>>
      tpu.vector_store_idx %scatter3A_1079[%add3A_1076], %get3A_1073 : memref<3200xf32, #tpu.memory_space<vmem>>[vector<16xi32>], vector<16xf32>,
      %get3A_1080 = arith.constant 16 : i32
      %get3A_1081 = arith.index_cast %rem3A_354 : i32 to index
      %get3A_1082 = arith.index_cast %get3A_1080 : i32 to index
      %get3A_1083 = arith.constant 16 : index
      %get3A_1084 = tpu.vector_load %arg6[%get3A_1081, %get3A_1082, %get3A_1083] {strides = array<i32>} : memref<8x50x64xf32, #tpu.memory_space<vmem>>, vector<16xf32>,
      %add3A_1085 = arith.constant 816 : i32
      %add3A_1086 = vector.broadcast %add3A_1085 : i32 to vector<16xi32>
      %add3A_1087 = arith.addi %mul3A_5, %add3A_1086 : vector<16xi32>
      %scatter3A_1088 = arith.constant 0 : i32
      %scatter3A_1089 = tpu.memref_slice %arg7[%rem3A_354, %scatter3A_1088] : memref<8x3200xf32, #tpu.memory_space<vmem>> -> memref<1x3200xf32, #tpu.memory_space<vmem>>
      %scatter3A_1090 = tpu.memref_squeeze %scatter3A_1089 : memref<1x3200xf32, #tpu.memory_space<vmem>> -> memref<3200xf32, #tpu.memory_space<vmem>>
      tpu.vector_store_idx %scatter3A_1090[%add3A_1087], %get3A_1084 : memref<3200xf32, #tpu.memory_space<vmem>>[vector<16xi32>], vector<16xf32>,
      %get3A_1091 = arith.constant 16 : i32
      %get3A_1092 = arith.index_cast %rem3A_354 : i32 to index
      %get3A_1093 = arith.index_cast %get3A_1091 : i32 to index
      %get3A_1094 = arith.constant 32 : index
      %get3A_1095 = tpu.vector_load %arg6[%get3A_1092, %get3A_1093, %get3A_1094] {strides = array<i32>} : memref<8x50x64xf32, #tpu.memory_space<vmem>>, vector<16xf32>,
      %add3A_1096 = arith.constant 1616 : i32
      %add3A_1097 = vector.broadcast %add3A_1096 : i32 to vector<16xi32>
      %add3A_1098 = arith.addi %mul3A_5, %add3A_1097 : vector<16xi32>
      %scatter3A_1099 = arith.constant 0 : i32
      %scatter3A_1100 = tpu.memref_slice %arg7[%rem3A_354, %scatter3A_1099] : memref<8x3200xf32, #tpu.memory_space<vmem>> -> memref<1x3200xf32, #tpu.memory_space<vmem>>
      %scatter3A_1101 = tpu.memref_squeeze %scatter3A_1100 : memref<1x3200xf32, #tpu.memory_space<vmem>> -> memref<3200xf32, #tpu.memory_space<vmem>>
      tpu.vector_store_idx %scatter3A_1101[%add3A_1098], %get3A_1095 : memref<3200xf32, #tpu.memory_space<vmem>>[vector<16xi32>], vector<16xf32>,
      %get3A_1102 = arith.constant 16 : i32
      %get3A_1103 = arith.index_cast %rem3A_354 : i32 to index
      %get3A_1104 = arith.index_cast %get3A_1102 : i32 to index
      %get3A_1105 = arith.constant 48 : index
      %get3A_1106 = tpu.vector_load %arg6[%get3A_1103, %get3A_1104, %get3A_1105] {strides = array<i32>} : memref<8x50x64xf32, #tpu.memory_space<vmem>>, vector<16xf32>,
      %add3A_1107 = arith.constant 2416 : i32
      %add3A_1108 = vector.broadcast %add3A_1107 : i32 to vector<16xi32>
      %add3A_1109 = arith.addi %mul3A_5, %add3A_1108 : vector<16xi32>
      %scatter3A_1110 = arith.constant 0 : i32
      %scatter3A_1111 = tpu.memref_slice %arg7[%rem3A_354, %scatter3A_1110] : memref<8x3200xf32, #tpu.memory_space<vmem>> -> memref<1x3200xf32, #tpu.memory_space<vmem>>
      %scatter3A_1112 = tpu.memref_squeeze %scatter3A_1111 : memref<1x3200xf32, #tpu.memory_space<vmem>> -> memref<3200xf32, #tpu.memory_space<vmem>>
      tpu.vector_store_idx %scatter3A_1112[%add3A_1109], %get3A_1106 : memref<3200xf32, #tpu.memory_space<vmem>>[vector<16xi32>], vector<16xf32>,
      %get3A_1113 = arith.constant 17 : i32
      %get3A_1114 = arith.index_cast %rem3A_354 : i32 to index
      %get3A_1115 = arith.index_cast %get3A_1113 : i32 to index
      %get3A_1116 = arith.constant 0 : index
      %get3A_1117 = tpu.vector_load %arg6[%get3A_1114, %get3A_1115, %get3A_1116] {strides = array<i32>} : memref<8x50x64xf32, #tpu.memory_space<vmem>>, vector<16xf32>,
      %add3A_1118 = arith.constant 17 : i32
      %add3A_1119 = vector.broadcast %add3A_1118 : i32 to vector<16xi32>
      %add3A_1120 = arith.addi %mul3A_5, %add3A_1119 : vector<16xi32>
      %scatter3A_1121 = arith.constant 0 : i32
      %scatter3A_1122 = tpu.memref_slice %arg7[%rem3A_354, %scatter3A_1121] : memref<8x3200xf32, #tpu.memory_space<vmem>> -> memref<1x3200xf32, #tpu.memory_space<vmem>>
      %scatter3A_1123 = tpu.memref_squeeze %scatter3A_1122 : memref<1x3200xf32, #tpu.memory_space<vmem>> -> memref<3200xf32, #tpu.memory_space<vmem>>
      tpu.vector_store_idx %scatter3A_1123[%add3A_1120], %get3A_1117 : memref<3200xf32, #tpu.memory_space<vmem>>[vector<16xi32>], vector<16xf32>,
      %get3A_1124 = arith.constant 17 : i32
      %get3A_1125 = arith.index_cast %rem3A_354 : i32 to index
      %get3A_1126 = arith.index_cast %get3A_1124 : i32 to index
      %get3A_1127 = arith.constant 16 : index
      %get3A_1128 = tpu.vector_load %arg6[%get3A_1125, %get3A_1126, %get3A_1127] {strides = array<i32>} : memref<8x50x64xf32, #tpu.memory_space<vmem>>, vector<16xf32>,
      %add3A_1129 = arith.constant 817 : i32
      %add3A_1130 = vector.broadcast %add3A_1129 : i32 to vector<16xi32>
      %add3A_1131 = arith.addi %mul3A_5, %add3A_1130 : vector<16xi32>
      %scatter3A_1132 = arith.constant 0 : i32
      %scatter3A_1133 = tpu.memref_slice %arg7[%rem3A_354, %scatter3A_1132] : memref<8x3200xf32, #tpu.memory_space<vmem>> -> memref<1x3200xf32, #tpu.memory_space<vmem>>
      %scatter3A_1134 = tpu.memref_squeeze %scatter3A_1133 : memref<1x3200xf32, #tpu.memory_space<vmem>> -> memref<3200xf32, #tpu.memory_space<vmem>>
      tpu.vector_store_idx %scatter3A_1134[%add3A_1131], %get3A_1128 : memref<3200xf32, #tpu.memory_space<vmem>>[vector<16xi32>], vector<16xf32>,
      %get3A_1135 = arith.constant 17 : i32
      %get3A_1136 = arith.index_cast %rem3A_354 : i32 to index
      %get3A_1137 = arith.index_cast %get3A_1135 : i32 to index
      %get3A_1138 = arith.constant 32 : index
      %get3A_1139 = tpu.vector_load %arg6[%get3A_1136, %get3A_1137, %get3A_1138] {strides = array<i32>} : memref<8x50x64xf32, #tpu.memory_space<vmem>>, vector<16xf32>,
      %add3A_1140 = arith.constant 1617 : i32
      %add3A_1141 = vector.broadcast %add3A_1140 : i32 to vector<16xi32>
      %add3A_1142 = arith.addi %mul3A_5, %add3A_1141 : vector<16xi32>
      %scatter3A_1143 = arith.constant 0 : i32
      %scatter3A_1144 = tpu.memref_slice %arg7[%rem3A_354, %scatter3A_1143] : memref<8x3200xf32, #tpu.memory_space<vmem>> -> memref<1x3200xf32, #tpu.memory_space<vmem>>
      %scatter3A_1145 = tpu.memref_squeeze %scatter3A_1144 : memref<1x3200xf32, #tpu.memory_space<vmem>> -> memref<3200xf32, #tpu.memory_space<vmem>>
      tpu.vector_store_idx %scatter3A_1145[%add3A_1142], %get3A_1139 : memref<3200xf32, #tpu.memory_space<vmem>>[vector<16xi32>], vector<16xf32>,
      %get3A_1146 = arith.constant 17 : i32
      %get3A_1147 = arith.index_cast %rem3A_354 : i32 to index
      %get3A_1148 = arith.index_cast %get3A_1146 : i32 to index
      %get3A_1149 = arith.constant 48 : index
      %get3A_1150 = tpu.vector_load %arg6[%get3A_1147, %get3A_1148, %get3A_1149] {strides = array<i32>} : memref<8x50x64xf32, #tpu.memory_space<vmem>>, vector<16xf32>,
      %add3A_1151 = arith.constant 2417 : i32
      %add3A_1152 = vector.broadcast %add3A_1151 : i32 to vector<16xi32>
      %add3A_1153 = arith.addi %mul3A_5, %add3A_1152 : vector<16xi32>
      %scatter3A_1154 = arith.constant 0 : i32
      %scatter3A_1155 = tpu.memref_slice %arg7[%rem3A_354, %scatter3A_1154] : memref<8x3200xf32, #tpu.memory_space<vmem>> -> memref<1x3200xf32, #tpu.memory_space<vmem>>
      %scatter3A_1156 = tpu.memref_squeeze %scatter3A_1155 : memref<1x3200xf32, #tpu.memory_space<vmem>> -> memref<3200xf32, #tpu.memory_space<vmem>>
      tpu.vector_store_idx %scatter3A_1156[%add3A_1153], %get3A_1150 : memref<3200xf32, #tpu.memory_space<vmem>>[vector<16xi32>], vector<16xf32>,
      %get3A_1157 = arith.constant 18 : i32
      %get3A_1158 = arith.index_cast %rem3A_354 : i32 to index
      %get3A_1159 = arith.index_cast %get3A_1157 : i32 to index
      %get3A_1160 = arith.constant 0 : index
      %get3A_1161 = tpu.vector_load %arg6[%get3A_1158, %get3A_1159, %get3A_1160] {strides = array<i32>} : memref<8x50x64xf32, #tpu.memory_space<vmem>>, vector<16xf32>,
      %add3A_1162 = arith.constant 18 : i32
      %add3A_1163 = vector.broadcast %add3A_1162 : i32 to vector<16xi32>
      %add3A_1164 = arith.addi %mul3A_5, %add3A_1163 : vector<16xi32>
      %scatter3A_1165 = arith.constant 0 : i32
      %scatter3A_1166 = tpu.memref_slice %arg7[%rem3A_354, %scatter3A_1165] : memref<8x3200xf32, #tpu.memory_space<vmem>> -> memref<1x3200xf32, #tpu.memory_space<vmem>>
      %scatter3A_1167 = tpu.memref_squeeze %scatter3A_1166 : memref<1x3200xf32, #tpu.memory_space<vmem>> -> memref<3200xf32, #tpu.memory_space<vmem>>
      tpu.vector_store_idx %scatter3A_1167[%add3A_1164], %get3A_1161 : memref<3200xf32, #tpu.memory_space<vmem>>[vector<16xi32>], vector<16xf32>,
      %get3A_1168 = arith.constant 18 : i32
      %get3A_1169 = arith.index_cast %rem3A_354 : i32 to index
      %get3A_1170 = arith.index_cast %get3A_1168 : i32 to index
      %get3A_1171 = arith.constant 16 : index
      %get3A_1172 = tpu.vector_load %arg6[%get3A_1169, %get3A_1170, %get3A_1171] {strides = array<i32>} : memref<8x50x64xf32, #tpu.memory_space<vmem>>, vector<16xf32>,
      %add3A_1173 = arith.constant 818 : i32
      %add3A_1174 = vector.broadcast %add3A_1173 : i32 to vector<16xi32>
      %add3A_1175 = arith.addi %mul3A_5, %add3A_1174 : vector<16xi32>
      %scatter3A_1176 = arith.constant 0 : i32
      %scatter3A_1177 = tpu.memref_slice %arg7[%rem3A_354, %scatter3A_1176] : memref<8x3200xf32, #tpu.memory_space<vmem>> -> memref<1x3200xf32, #tpu.memory_space<vmem>>
      %scatter3A_1178 = tpu.memref_squeeze %scatter3A_1177 : memref<1x3200xf32, #tpu.memory_space<vmem>> -> memref<3200xf32, #tpu.memory_space<vmem>>
      tpu.vector_store_idx %scatter3A_1178[%add3A_1175], %get3A_1172 : memref<3200xf32, #tpu.memory_space<vmem>>[vector<16xi32>], vector<16xf32>,
      %get3A_1179 = arith.constant 18 : i32
      %get3A_1180 = arith.index_cast %rem3A_354 : i32 to index
      %get3A_1181 = arith.index_cast %get3A_1179 : i32 to index
      %get3A_1182 = arith.constant 32 : index
      %get3A_1183 = tpu.vector_load %arg6[%get3A_1180, %get3A_1181, %get3A_1182] {strides = array<i32>} : memref<8x50x64xf32, #tpu.memory_space<vmem>>, vector<16xf32>,
      %add3A_1184 = arith.constant 1618 : i32
      %add3A_1185 = vector.broadcast %add3A_1184 : i32 to vector<16xi32>
      %add3A_1186 = arith.addi %mul3A_5, %add3A_1185 : vector<16xi32>
      %scatter3A_1187 = arith.constant 0 : i32
      %scatter3A_1188 = tpu.memref_slice %arg7[%rem3A_354, %scatter3A_1187] : memref<8x3200xf32, #tpu.memory_space<vmem>> -> memref<1x3200xf32, #tpu.memory_space<vmem>>
      %scatter3A_1189 = tpu.memref_squeeze %scatter3A_1188 : memref<1x3200xf32, #tpu.memory_space<vmem>> -> memref<3200xf32, #tpu.memory_space<vmem>>
      tpu.vector_store_idx %scatter3A_1189[%add3A_1186], %get3A_1183 : memref<3200xf32, #tpu.memory_space<vmem>>[vector<16xi32>], vector<16xf32>,
      %get3A_1190 = arith.constant 18 : i32
      %get3A_1191 = arith.index_cast %rem3A_354 : i32 to index
      %get3A_1192 = arith.index_cast %get3A_1190 : i32 to index
      %get3A_1193 = arith.constant 48 : index
      %get3A_1194 = tpu.vector_load %arg6[%get3A_1191, %get3A_1192, %get3A_1193] {strides = array<i32>} : memref<8x50x64xf32, #tpu.memory_space<vmem>>, vector<16xf32>,
      %add3A_1195 = arith.constant 2418 : i32
      %add3A_1196 = vector.broadcast %add3A_1195 : i32 to vector<16xi32>
      %add3A_1197 = arith.addi %mul3A_5, %add3A_1196 : vector<16xi32>
      %scatter3A_1198 = arith.constant 0 : i32
      %scatter3A_1199 = tpu.memref_slice %arg7[%rem3A_354, %scatter3A_1198] : memref<8x3200xf32, #tpu.memory_space<vmem>> -> memref<1x3200xf32, #tpu.memory_space<vmem>>
      %scatter3A_1200 = tpu.memref_squeeze %scatter3A_1199 : memref<1x3200xf32, #tpu.memory_space<vmem>> -> memref<3200xf32, #tpu.memory_space<vmem>>
      tpu.vector_store_idx %scatter3A_1200[%add3A_1197], %get3A_1194 : memref<3200xf32, #tpu.memory_space<vmem>>[vector<16xi32>], vector<16xf32>,
      %get3A_1201 = arith.constant 19 : i32
      %get3A_1202 = arith.index_cast %rem3A_354 : i32 to index
      %get3A_1203 = arith.index_cast %get3A_1201 : i32 to index
      %get3A_1204 = arith.constant 0 : index
      %get3A_1205 = tpu.vector_load %arg6[%get3A_1202, %get3A_1203, %get3A_1204] {strides = array<i32>} : memref<8x50x64xf32, #tpu.memory_space<vmem>>, vector<16xf32>,
      %add3A_1206 = arith.constant 19 : i32
      %add3A_1207 = vector.broadcast %add3A_1206 : i32 to vector<16xi32>
      %add3A_1208 = arith.addi %mul3A_5, %add3A_1207 : vector<16xi32>
      %scatter3A_1209 = arith.constant 0 : i32
      %scatter3A_1210 = tpu.memref_slice %arg7[%rem3A_354, %scatter3A_1209] : memref<8x3200xf32, #tpu.memory_space<vmem>> -> memref<1x3200xf32, #tpu.memory_space<vmem>>
      %scatter3A_1211 = tpu.memref_squeeze %scatter3A_1210 : memref<1x3200xf32, #tpu.memory_space<vmem>> -> memref<3200xf32, #tpu.memory_space<vmem>>
      tpu.vector_store_idx %scatter3A_1211[%add3A_1208], %get3A_1205 : memref<3200xf32, #tpu.memory_space<vmem>>[vector<16xi32>], vector<16xf32>,
      %get3A_1212 = arith.constant 19 : i32
      %get3A_1213 = arith.index_cast %rem3A_354 : i32 to index
      %get3A_1214 = arith.index_cast %get3A_1212 : i32 to index
      %get3A_1215 = arith.constant 16 : index
      %get3A_1216 = tpu.vector_load %arg6[%get3A_1213, %get3A_1214, %get3A_1215] {strides = array<i32>} : memref<8x50x64xf32, #tpu.memory_space<vmem>>, vector<16xf32>,
      %add3A_1217 = arith.constant 819 : i32
      %add3A_1218 = vector.broadcast %add3A_1217 : i32 to vector<16xi32>
      %add3A_1219 = arith.addi %mul3A_5, %add3A_1218 : vector<16xi32>
      %scatter3A_1220 = arith.constant 0 : i32
      %scatter3A_1221 = tpu.memref_slice %arg7[%rem3A_354, %scatter3A_1220] : memref<8x3200xf32, #tpu.memory_space<vmem>> -> memref<1x3200xf32, #tpu.memory_space<vmem>>
      %scatter3A_1222 = tpu.memref_squeeze %scatter3A_1221 : memref<1x3200xf32, #tpu.memory_space<vmem>> -> memref<3200xf32, #tpu.memory_space<vmem>>
      tpu.vector_store_idx %scatter3A_1222[%add3A_1219], %get3A_1216 : memref<3200xf32, #tpu.memory_space<vmem>>[vector<16xi32>], vector<16xf32>,
      %get3A_1223 = arith.constant 19 : i32
      %get3A_1224 = arith.index_cast %rem3A_354 : i32 to index
      %get3A_1225 = arith.index_cast %get3A_1223 : i32 to index
      %get3A_1226 = arith.constant 32 : index
      %get3A_1227 = tpu.vector_load %arg6[%get3A_1224, %get3A_1225, %get3A_1226] {strides = array<i32>} : memref<8x50x64xf32, #tpu.memory_space<vmem>>, vector<16xf32>,
      %add3A_1228 = arith.constant 1619 : i32
      %add3A_1229 = vector.broadcast %add3A_1228 : i32 to vector<16xi32>
      %add3A_1230 = arith.addi %mul3A_5, %add3A_1229 : vector<16xi32>
      %scatter3A_1231 = arith.constant 0 : i32
      %scatter3A_1232 = tpu.memref_slice %arg7[%rem3A_354, %scatter3A_1231] : memref<8x3200xf32, #tpu.memory_space<vmem>> -> memref<1x3200xf32, #tpu.memory_space<vmem>>
      %scatter3A_1233 = tpu.memref_squeeze %scatter3A_1232 : memref<1x3200xf32, #tpu.memory_space<vmem>> -> memref<3200xf32, #tpu.memory_space<vmem>>
      tpu.vector_store_idx %scatter3A_1233[%add3A_1230], %get3A_1227 : memref<3200xf32, #tpu.memory_space<vmem>>[vector<16xi32>], vector<16xf32>,
      %get3A_1234 = arith.constant 19 : i32
      %get3A_1235 = arith.index_cast %rem3A_354 : i32 to index
      %get3A_1236 = arith.index_cast %get3A_1234 : i32 to index
      %get3A_1237 = arith.constant 48 : index
      %get3A_1238 = tpu.vector_load %arg6[%get3A_1235, %get3A_1236, %get3A_1237] {strides = array<i32>} : memref<8x50x64xf32, #tpu.memory_space<vmem>>, vector<16xf32>,
      %add3A_1239 = arith.constant 2419 : i32
      %add3A_1240 = vector.broadcast %add3A_1239 : i32 to vector<16xi32>
      %add3A_1241 = arith.addi %mul3A_5, %add3A_1240 : vector<16xi32>
      %scatter3A_1242 = arith.constant 0 : i32
      %scatter3A_1243 = tpu.memref_slice %arg7[%rem3A_354, %scatter3A_1242] : memref<8x3200xf32, #tpu.memory_space<vmem>> -> memref<1x3200xf32, #tpu.memory_space<vmem>>
      %scatter3A_1244 = tpu.memref_squeeze %scatter3A_1243 : memref<1x3200xf32, #tpu.memory_space<vmem>> -> memref<3200xf32, #tpu.memory_space<vmem>>
      tpu.vector_store_idx %scatter3A_1244[%add3A_1241], %get3A_1238 : memref<3200xf32, #tpu.memory_space<vmem>>[vector<16xi32>], vector<16xf32>,
      %get3A_1245 = arith.constant 20 : i32
      %get3A_1246 = arith.index_cast %rem3A_354 : i32 to index
      %get3A_1247 = arith.index_cast %get3A_1245 : i32 to index
      %get3A_1248 = arith.constant 0 : index
      %get3A_1249 = tpu.vector_load %arg6[%get3A_1246, %get3A_1247, %get3A_1248] {strides = array<i32>} : memref<8x50x64xf32, #tpu.memory_space<vmem>>, vector<16xf32>,
      %add3A_1250 = arith.constant 20 : i32
      %add3A_1251 = vector.broadcast %add3A_1250 : i32 to vector<16xi32>
      %add3A_1252 = arith.addi %mul3A_5, %add3A_1251 : vector<16xi32>
      %scatter3A_1253 = arith.constant 0 : i32
      %scatter3A_1254 = tpu.memref_slice %arg7[%rem3A_354, %scatter3A_1253] : memref<8x3200xf32, #tpu.memory_space<vmem>> -> memref<1x3200xf32, #tpu.memory_space<vmem>>
      %scatter3A_1255 = tpu.memref_squeeze %scatter3A_1254 : memref<1x3200xf32, #tpu.memory_space<vmem>> -> memref<3200xf32, #tpu.memory_space<vmem>>
      tpu.vector_store_idx %scatter3A_1255[%add3A_1252], %get3A_1249 : memref<3200xf32, #tpu.memory_space<vmem>>[vector<16xi32>], vector<16xf32>,
      %get3A_1256 = arith.constant 20 : i32
      %get3A_1257 = arith.index_cast %rem3A_354 : i32 to index
      %get3A_1258 = arith.index_cast %get3A_1256 : i32 to index
      %get3A_1259 = arith.constant 16 : index
      %get3A_1260 = tpu.vector_load %arg6[%get3A_1257, %get3A_1258, %get3A_1259] {strides = array<i32>} : memref<8x50x64xf32, #tpu.memory_space<vmem>>, vector<16xf32>,
      %add3A_1261 = arith.constant 820 : i32
      %add3A_1262 = vector.broadcast %add3A_1261 : i32 to vector<16xi32>
      %add3A_1263 = arith.addi %mul3A_5, %add3A_1262 : vector<16xi32>
      %scatter3A_1264 = arith.constant 0 : i32
      %scatter3A_1265 = tpu.memref_slice %arg7[%rem3A_354, %scatter3A_1264] : memref<8x3200xf32, #tpu.memory_space<vmem>> -> memref<1x3200xf32, #tpu.memory_space<vmem>>
      %scatter3A_1266 = tpu.memref_squeeze %scatter3A_1265 : memref<1x3200xf32, #tpu.memory_space<vmem>> -> memref<3200xf32, #tpu.memory_space<vmem>>
      tpu.vector_store_idx %scatter3A_1266[%add3A_1263], %get3A_1260 : memref<3200xf32, #tpu.memory_space<vmem>>[vector<16xi32>], vector<16xf32>,
      %get3A_1267 = arith.constant 20 : i32
      %get3A_1268 = arith.index_cast %rem3A_354 : i32 to index
      %get3A_1269 = arith.index_cast %get3A_1267 : i32 to index
      %get3A_1270 = arith.constant 32 : index
      %get3A_1271 = tpu.vector_load %arg6[%get3A_1268, %get3A_1269, %get3A_1270] {strides = array<i32>} : memref<8x50x64xf32, #tpu.memory_space<vmem>>, vector<16xf32>,
      %add3A_1272 = arith.constant 1620 : i32
      %add3A_1273 = vector.broadcast %add3A_1272 : i32 to vector<16xi32>
      %add3A_1274 = arith.addi %mul3A_5, %add3A_1273 : vector<16xi32>
      %scatter3A_1275 = arith.constant 0 : i32
      %scatter3A_1276 = tpu.memref_slice %arg7[%rem3A_354, %scatter3A_1275] : memref<8x3200xf32, #tpu.memory_space<vmem>> -> memref<1x3200xf32, #tpu.memory_space<vmem>>
      %scatter3A_1277 = tpu.memref_squeeze %scatter3A_1276 : memref<1x3200xf32, #tpu.memory_space<vmem>> -> memref<3200xf32, #tpu.memory_space<vmem>>
      tpu.vector_store_idx %scatter3A_1277[%add3A_1274], %get3A_1271 : memref<3200xf32, #tpu.memory_space<vmem>>[vector<16xi32>], vector<16xf32>,
      %get3A_1278 = arith.constant 20 : i32
      %get3A_1279 = arith.index_cast %rem3A_354 : i32 to index
      %get3A_1280 = arith.index_cast %get3A_1278 : i32 to index
      %get3A_1281 = arith.constant 48 : index
      %get3A_1282 = tpu.vector_load %arg6[%get3A_1279, %get3A_1280, %get3A_1281] {strides = array<i32>} : memref<8x50x64xf32, #tpu.memory_space<vmem>>, vector<16xf32>,
      %add3A_1283 = arith.constant 2420 : i32
      %add3A_1284 = vector.broadcast %add3A_1283 : i32 to vector<16xi32>
      %add3A_1285 = arith.addi %mul3A_5, %add3A_1284 : vector<16xi32>
      %scatter3A_1286 = arith.constant 0 : i32
      %scatter3A_1287 = tpu.memref_slice %arg7[%rem3A_354, %scatter3A_1286] : memref<8x3200xf32, #tpu.memory_space<vmem>> -> memref<1x3200xf32, #tpu.memory_space<vmem>>
      %scatter3A_1288 = tpu.memref_squeeze %scatter3A_1287 : memref<1x3200xf32, #tpu.memory_space<vmem>> -> memref<3200xf32, #tpu.memory_space<vmem>>
      tpu.vector_store_idx %scatter3A_1288[%add3A_1285], %get3A_1282 : memref<3200xf32, #tpu.memory_space<vmem>>[vector<16xi32>], vector<16xf32>,
      %get3A_1289 = arith.constant 21 : i32
      %get3A_1290 = arith.index_cast %rem3A_354 : i32 to index
      %get3A_1291 = arith.index_cast %get3A_1289 : i32 to index
      %get3A_1292 = arith.constant 0 : index
      %get3A_1293 = tpu.vector_load %arg6[%get3A_1290, %get3A_1291, %get3A_1292] {strides = array<i32>} : memref<8x50x64xf32, #tpu.memory_space<vmem>>, vector<16xf32>,
      %add3A_1294 = arith.constant 21 : i32
      %add3A_1295 = vector.broadcast %add3A_1294 : i32 to vector<16xi32>
      %add3A_1296 = arith.addi %mul3A_5, %add3A_1295 : vector<16xi32>
      %scatter3A_1297 = arith.constant 0 : i32
      %scatter3A_1298 = tpu.memref_slice %arg7[%rem3A_354, %scatter3A_1297] : memref<8x3200xf32, #tpu.memory_space<vmem>> -> memref<1x3200xf32, #tpu.memory_space<vmem>>
      %scatter3A_1299 = tpu.memref_squeeze %scatter3A_1298 : memref<1x3200xf32, #tpu.memory_space<vmem>> -> memref<3200xf32, #tpu.memory_space<vmem>>
      tpu.vector_store_idx %scatter3A_1299[%add3A_1296], %get3A_1293 : memref<3200xf32, #tpu.memory_space<vmem>>[vector<16xi32>], vector<16xf32>,
      %get3A_1300 = arith.constant 21 : i32
      %get3A_1301 = arith.index_cast %rem3A_354 : i32 to index
      %get3A_1302 = arith.index_cast %get3A_1300 : i32 to index
      %get3A_1303 = arith.constant 16 : index
      %get3A_1304 = tpu.vector_load %arg6[%get3A_1301, %get3A_1302, %get3A_1303] {strides = array<i32>} : memref<8x50x64xf32, #tpu.memory_space<vmem>>, vector<16xf32>,
      %add3A_1305 = arith.constant 821 : i32
      %add3A_1306 = vector.broadcast %add3A_1305 : i32 to vector<16xi32>
      %add3A_1307 = arith.addi %mul3A_5, %add3A_1306 : vector<16xi32>
      %scatter3A_1308 = arith.constant 0 : i32
      %scatter3A_1309 = tpu.memref_slice %arg7[%rem3A_354, %scatter3A_1308] : memref<8x3200xf32, #tpu.memory_space<vmem>> -> memref<1x3200xf32, #tpu.memory_space<vmem>>
      %scatter3A_1310 = tpu.memref_squeeze %scatter3A_1309 : memref<1x3200xf32, #tpu.memory_space<vmem>> -> memref<3200xf32, #tpu.memory_space<vmem>>
      tpu.vector_store_idx %scatter3A_1310[%add3A_1307], %get3A_1304 : memref<3200xf32, #tpu.memory_space<vmem>>[vector<16xi32>], vector<16xf32>,
      %get3A_1311 = arith.constant 21 : i32
      %get3A_1312 = arith.index_cast %rem3A_354 : i32 to index
      %get3A_1313 = arith.index_cast %get3A_1311 : i32 to index
      %get3A_1314 = arith.constant 32 : index
      %get3A_1315 = tpu.vector_load %arg6[%get3A_1312, %get3A_1313, %get3A_1314] {strides = array<i32>} : memref<8x50x64xf32, #tpu.memory_space<vmem>>, vector<16xf32>,
      %add3A_1316 = arith.constant 1621 : i32
      %add3A_1317 = vector.broadcast %add3A_1316 : i32 to vector<16xi32>
      %add3A_1318 = arith.addi %mul3A_5, %add3A_1317 : vector<16xi32>
      %scatter3A_1319 = arith.constant 0 : i32
      %scatter3A_1320 = tpu.memref_slice %arg7[%rem3A_354, %scatter3A_1319] : memref<8x3200xf32, #tpu.memory_space<vmem>> -> memref<1x3200xf32, #tpu.memory_space<vmem>>
      %scatter3A_1321 = tpu.memref_squeeze %scatter3A_1320 : memref<1x3200xf32, #tpu.memory_space<vmem>> -> memref<3200xf32, #tpu.memory_space<vmem>>
      tpu.vector_store_idx %scatter3A_1321[%add3A_1318], %get3A_1315 : memref<3200xf32, #tpu.memory_space<vmem>>[vector<16xi32>], vector<16xf32>,
      %get3A_1322 = arith.constant 21 : i32
      %get3A_1323 = arith.index_cast %rem3A_354 : i32 to index
      %get3A_1324 = arith.index_cast %get3A_1322 : i32 to index
      %get3A_1325 = arith.constant 48 : index
      %get3A_1326 = tpu.vector_load %arg6[%get3A_1323, %get3A_1324, %get3A_1325] {strides = array<i32>} : memref<8x50x64xf32, #tpu.memory_space<vmem>>, vector<16xf32>,
      %add3A_1327 = arith.constant 2421 : i32
      %add3A_1328 = vector.broadcast %add3A_1327 : i32 to vector<16xi32>
      %add3A_1329 = arith.addi %mul3A_5, %add3A_1328 : vector<16xi32>
      %scatter3A_1330 = arith.constant 0 : i32
      %scatter3A_1331 = tpu.memref_slice %arg7[%rem3A_354, %scatter3A_1330] : memref<8x3200xf32, #tpu.memory_space<vmem>> -> memref<1x3200xf32, #tpu.memory_space<vmem>>
      %scatter3A_1332 = tpu.memref_squeeze %scatter3A_1331 : memref<1x3200xf32, #tpu.memory_space<vmem>> -> memref<3200xf32, #tpu.memory_space<vmem>>
      tpu.vector_store_idx %scatter3A_1332[%add3A_1329], %get3A_1326 : memref<3200xf32, #tpu.memory_space<vmem>>[vector<16xi32>], vector<16xf32>,
      %get3A_1333 = arith.constant 22 : i32
      %get3A_1334 = arith.index_cast %rem3A_354 : i32 to index
      %get3A_1335 = arith.index_cast %get3A_1333 : i32 to index
      %get3A_1336 = arith.constant 0 : index
      %get3A_1337 = tpu.vector_load %arg6[%get3A_1334, %get3A_1335, %get3A_1336] {strides = array<i32>} : memref<8x50x64xf32, #tpu.memory_space<vmem>>, vector<16xf32>,
      %add3A_1338 = arith.constant 22 : i32
      %add3A_1339 = vector.broadcast %add3A_1338 : i32 to vector<16xi32>
      %add3A_1340 = arith.addi %mul3A_5, %add3A_1339 : vector<16xi32>
      %scatter3A_1341 = arith.constant 0 : i32
      %scatter3A_1342 = tpu.memref_slice %arg7[%rem3A_354, %scatter3A_1341] : memref<8x3200xf32, #tpu.memory_space<vmem>> -> memref<1x3200xf32, #tpu.memory_space<vmem>>
      %scatter3A_1343 = tpu.memref_squeeze %scatter3A_1342 : memref<1x3200xf32, #tpu.memory_space<vmem>> -> memref<3200xf32, #tpu.memory_space<vmem>>
      tpu.vector_store_idx %scatter3A_1343[%add3A_1340], %get3A_1337 : memref<3200xf32, #tpu.memory_space<vmem>>[vector<16xi32>], vector<16xf32>,
      %get3A_1344 = arith.constant 22 : i32
      %get3A_1345 = arith.index_cast %rem3A_354 : i32 to index
      %get3A_1346 = arith.index_cast %get3A_1344 : i32 to index
      %get3A_1347 = arith.constant 16 : index
      %get3A_1348 = tpu.vector_load %arg6[%get3A_1345, %get3A_1346, %get3A_1347] {strides = array<i32>} : memref<8x50x64xf32, #tpu.memory_space<vmem>>, vector<16xf32>,
      %add3A_1349 = arith.constant 822 : i32
      %add3A_1350 = vector.broadcast %add3A_1349 : i32 to vector<16xi32>
      %add3A_1351 = arith.addi %mul3A_5, %add3A_1350 : vector<16xi32>
      %scatter3A_1352 = arith.constant 0 : i32
      %scatter3A_1353 = tpu.memref_slice %arg7[%rem3A_354, %scatter3A_1352] : memref<8x3200xf32, #tpu.memory_space<vmem>> -> memref<1x3200xf32, #tpu.memory_space<vmem>>
      %scatter3A_1354 = tpu.memref_squeeze %scatter3A_1353 : memref<1x3200xf32, #tpu.memory_space<vmem>> -> memref<3200xf32, #tpu.memory_space<vmem>>
      tpu.vector_store_idx %scatter3A_1354[%add3A_1351], %get3A_1348 : memref<3200xf32, #tpu.memory_space<vmem>>[vector<16xi32>], vector<16xf32>,
      %get3A_1355 = arith.constant 22 : i32
      %get3A_1356 = arith.index_cast %rem3A_354 : i32 to index
      %get3A_1357 = arith.index_cast %get3A_1355 : i32 to index
      %get3A_1358 = arith.constant 32 : index
      %get3A_1359 = tpu.vector_load %arg6[%get3A_1356, %get3A_1357, %get3A_1358] {strides = array<i32>} : memref<8x50x64xf32, #tpu.memory_space<vmem>>, vector<16xf32>,
      %add3A_1360 = arith.constant 1622 : i32
      %add3A_1361 = vector.broadcast %add3A_1360 : i32 to vector<16xi32>
      %add3A_1362 = arith.addi %mul3A_5, %add3A_1361 : vector<16xi32>
      %scatter3A_1363 = arith.constant 0 : i32
      %scatter3A_1364 = tpu.memref_slice %arg7[%rem3A_354, %scatter3A_1363] : memref<8x3200xf32, #tpu.memory_space<vmem>> -> memref<1x3200xf32, #tpu.memory_space<vmem>>
      %scatter3A_1365 = tpu.memref_squeeze %scatter3A_1364 : memref<1x3200xf32, #tpu.memory_space<vmem>> -> memref<3200xf32, #tpu.memory_space<vmem>>
      tpu.vector_store_idx %scatter3A_1365[%add3A_1362], %get3A_1359 : memref<3200xf32, #tpu.memory_space<vmem>>[vector<16xi32>], vector<16xf32>,
      %get3A_1366 = arith.constant 22 : i32
      %get3A_1367 = arith.index_cast %rem3A_354 : i32 to index
      %get3A_1368 = arith.index_cast %get3A_1366 : i32 to index
      %get3A_1369 = arith.constant 48 : index
      %get3A_1370 = tpu.vector_load %arg6[%get3A_1367, %get3A_1368, %get3A_1369] {strides = array<i32>} : memref<8x50x64xf32, #tpu.memory_space<vmem>>, vector<16xf32>,
      %add3A_1371 = arith.constant 2422 : i32
      %add3A_1372 = vector.broadcast %add3A_1371 : i32 to vector<16xi32>
      %add3A_1373 = arith.addi %mul3A_5, %add3A_1372 : vector<16xi32>
      %scatter3A_1374 = arith.constant 0 : i32
      %scatter3A_1375 = tpu.memref_slice %arg7[%rem3A_354, %scatter3A_1374] : memref<8x3200xf32, #tpu.memory_space<vmem>> -> memref<1x3200xf32, #tpu.memory_space<vmem>>
      %scatter3A_1376 = tpu.memref_squeeze %scatter3A_1375 : memref<1x3200xf32, #tpu.memory_space<vmem>> -> memref<3200xf32, #tpu.memory_space<vmem>>
      tpu.vector_store_idx %scatter3A_1376[%add3A_1373], %get3A_1370 : memref<3200xf32, #tpu.memory_space<vmem>>[vector<16xi32>], vector<16xf32>,
      %get3A_1377 = arith.constant 23 : i32
      %get3A_1378 = arith.index_cast %rem3A_354 : i32 to index
      %get3A_1379 = arith.index_cast %get3A_1377 : i32 to index
      %get3A_1380 = arith.constant 0 : index
      %get3A_1381 = tpu.vector_load %arg6[%get3A_1378, %get3A_1379, %get3A_1380] {strides = array<i32>} : memref<8x50x64xf32, #tpu.memory_space<vmem>>, vector<16xf32>,
      %add3A_1382 = arith.constant 23 : i32
      %add3A_1383 = vector.broadcast %add3A_1382 : i32 to vector<16xi32>
      %add3A_1384 = arith.addi %mul3A_5, %add3A_1383 : vector<16xi32>
      %scatter3A_1385 = arith.constant 0 : i32
      %scatter3A_1386 = tpu.memref_slice %arg7[%rem3A_354, %scatter3A_1385] : memref<8x3200xf32, #tpu.memory_space<vmem>> -> memref<1x3200xf32, #tpu.memory_space<vmem>>
      %scatter3A_1387 = tpu.memref_squeeze %scatter3A_1386 : memref<1x3200xf32, #tpu.memory_space<vmem>> -> memref<3200xf32, #tpu.memory_space<vmem>>
      tpu.vector_store_idx %scatter3A_1387[%add3A_1384], %get3A_1381 : memref<3200xf32, #tpu.memory_space<vmem>>[vector<16xi32>], vector<16xf32>,
      %get3A_1388 = arith.constant 23 : i32
      %get3A_1389 = arith.index_cast %rem3A_354 : i32 to index
      %get3A_1390 = arith.index_cast %get3A_1388 : i32 to index
      %get3A_1391 = arith.constant 16 : index
      %get3A_1392 = tpu.vector_load %arg6[%get3A_1389, %get3A_1390, %get3A_1391] {strides = array<i32>} : memref<8x50x64xf32, #tpu.memory_space<vmem>>, vector<16xf32>,
      %add3A_1393 = arith.constant 823 : i32
      %add3A_1394 = vector.broadcast %add3A_1393 : i32 to vector<16xi32>
      %add3A_1395 = arith.addi %mul3A_5, %add3A_1394 : vector<16xi32>
      %scatter3A_1396 = arith.constant 0 : i32
      %scatter3A_1397 = tpu.memref_slice %arg7[%rem3A_354, %scatter3A_1396] : memref<8x3200xf32, #tpu.memory_space<vmem>> -> memref<1x3200xf32, #tpu.memory_space<vmem>>
      %scatter3A_1398 = tpu.memref_squeeze %scatter3A_1397 : memref<1x3200xf32, #tpu.memory_space<vmem>> -> memref<3200xf32, #tpu.memory_space<vmem>>
      tpu.vector_store_idx %scatter3A_1398[%add3A_1395], %get3A_1392 : memref<3200xf32, #tpu.memory_space<vmem>>[vector<16xi32>], vector<16xf32>,
      %get3A_1399 = arith.constant 23 : i32
      %get3A_1400 = arith.index_cast %rem3A_354 : i32 to index
      %get3A_1401 = arith.index_cast %get3A_1399 : i32 to index
      %get3A_1402 = arith.constant 32 : index
      %get3A_1403 = tpu.vector_load %arg6[%get3A_1400, %get3A_1401, %get3A_1402] {strides = array<i32>} : memref<8x50x64xf32, #tpu.memory_space<vmem>>, vector<16xf32>,
      %add3A_1404 = arith.constant 1623 : i32
      %add3A_1405 = vector.broadcast %add3A_1404 : i32 to vector<16xi32>
      %add3A_1406 = arith.addi %mul3A_5, %add3A_1405 : vector<16xi32>
      %scatter3A_1407 = arith.constant 0 : i32
      %scatter3A_1408 = tpu.memref_slice %arg7[%rem3A_354, %scatter3A_1407] : memref<8x3200xf32, #tpu.memory_space<vmem>> -> memref<1x3200xf32, #tpu.memory_space<vmem>>
      %scatter3A_1409 = tpu.memref_squeeze %scatter3A_1408 : memref<1x3200xf32, #tpu.memory_space<vmem>> -> memref<3200xf32, #tpu.memory_space<vmem>>
      tpu.vector_store_idx %scatter3A_1409[%add3A_1406], %get3A_1403 : memref<3200xf32, #tpu.memory_space<vmem>>[vector<16xi32>], vector<16xf32>,
      %get3A_1410 = arith.constant 23 : i32
      %get3A_1411 = arith.index_cast %rem3A_354 : i32 to index
      %get3A_1412 = arith.index_cast %get3A_1410 : i32 to index
      %get3A_1413 = arith.constant 48 : index
      %get3A_1414 = tpu.vector_load %arg6[%get3A_1411, %get3A_1412, %get3A_1413] {strides = array<i32>} : memref<8x50x64xf32, #tpu.memory_space<vmem>>, vector<16xf32>,
      %add3A_1415 = arith.constant 2423 : i32
      %add3A_1416 = vector.broadcast %add3A_1415 : i32 to vector<16xi32>
      %add3A_1417 = arith.addi %mul3A_5, %add3A_1416 : vector<16xi32>
      %scatter3A_1418 = arith.constant 0 : i32
      %scatter3A_1419 = tpu.memref_slice %arg7[%rem3A_354, %scatter3A_1418] : memref<8x3200xf32, #tpu.memory_space<vmem>> -> memref<1x3200xf32, #tpu.memory_space<vmem>>
      %scatter3A_1420 = tpu.memref_squeeze %scatter3A_1419 : memref<1x3200xf32, #tpu.memory_space<vmem>> -> memref<3200xf32, #tpu.memory_space<vmem>>
      tpu.vector_store_idx %scatter3A_1420[%add3A_1417], %get3A_1414 : memref<3200xf32, #tpu.memory_space<vmem>>[vector<16xi32>], vector<16xf32>,
      %get3A_1421 = arith.constant 24 : i32
      %get3A_1422 = arith.index_cast %rem3A_354 : i32 to index
      %get3A_1423 = arith.index_cast %get3A_1421 : i32 to index
      %get3A_1424 = arith.constant 0 : index
      %get3A_1425 = tpu.vector_load %arg6[%get3A_1422, %get3A_1423, %get3A_1424] {strides = array<i32>} : memref<8x50x64xf32, #tpu.memory_space<vmem>>, vector<16xf32>,
      %add3A_1426 = arith.constant 24 : i32
      %add3A_1427 = vector.broadcast %add3A_1426 : i32 to vector<16xi32>
      %add3A_1428 = arith.addi %mul3A_5, %add3A_1427 : vector<16xi32>
      %scatter3A_1429 = arith.constant 0 : i32
      %scatter3A_1430 = tpu.memref_slice %arg7[%rem3A_354, %scatter3A_1429] : memref<8x3200xf32, #tpu.memory_space<vmem>> -> memref<1x3200xf32, #tpu.memory_space<vmem>>
      %scatter3A_1431 = tpu.memref_squeeze %scatter3A_1430 : memref<1x3200xf32, #tpu.memory_space<vmem>> -> memref<3200xf32, #tpu.memory_space<vmem>>
      tpu.vector_store_idx %scatter3A_1431[%add3A_1428], %get3A_1425 : memref<3200xf32, #tpu.memory_space<vmem>>[vector<16xi32>], vector<16xf32>,
      %get3A_1432 = arith.constant 24 : i32
      %get3A_1433 = arith.index_cast %rem3A_354 : i32 to index
      %get3A_1434 = arith.index_cast %get3A_1432 : i32 to index
      %get3A_1435 = arith.constant 16 : index
      %get3A_1436 = tpu.vector_load %arg6[%get3A_1433, %get3A_1434, %get3A_1435] {strides = array<i32>} : memref<8x50x64xf32, #tpu.memory_space<vmem>>, vector<16xf32>,
      %add3A_1437 = arith.constant 824 : i32
      %add3A_1438 = vector.broadcast %add3A_1437 : i32 to vector<16xi32>
      %add3A_1439 = arith.addi %mul3A_5, %add3A_1438 : vector<16xi32>
      %scatter3A_1440 = arith.constant 0 : i32
      %scatter3A_1441 = tpu.memref_slice %arg7[%rem3A_354, %scatter3A_1440] : memref<8x3200xf32, #tpu.memory_space<vmem>> -> memref<1x3200xf32, #tpu.memory_space<vmem>>
      %scatter3A_1442 = tpu.memref_squeeze %scatter3A_1441 : memref<1x3200xf32, #tpu.memory_space<vmem>> -> memref<3200xf32, #tpu.memory_space<vmem>>
      tpu.vector_store_idx %scatter3A_1442[%add3A_1439], %get3A_1436 : memref<3200xf32, #tpu.memory_space<vmem>>[vector<16xi32>], vector<16xf32>,
      %get3A_1443 = arith.constant 24 : i32
      %get3A_1444 = arith.index_cast %rem3A_354 : i32 to index
      %get3A_1445 = arith.index_cast %get3A_1443 : i32 to index
      %get3A_1446 = arith.constant 32 : index
      %get3A_1447 = tpu.vector_load %arg6[%get3A_1444, %get3A_1445, %get3A_1446] {strides = array<i32>} : memref<8x50x64xf32, #tpu.memory_space<vmem>>, vector<16xf32>,
      %add3A_1448 = arith.constant 1624 : i32
      %add3A_1449 = vector.broadcast %add3A_1448 : i32 to vector<16xi32>
      %add3A_1450 = arith.addi %mul3A_5, %add3A_1449 : vector<16xi32>
      %scatter3A_1451 = arith.constant 0 : i32
      %scatter3A_1452 = tpu.memref_slice %arg7[%rem3A_354, %scatter3A_1451] : memref<8x3200xf32, #tpu.memory_space<vmem>> -> memref<1x3200xf32, #tpu.memory_space<vmem>>
      %scatter3A_1453 = tpu.memref_squeeze %scatter3A_1452 : memref<1x3200xf32, #tpu.memory_space<vmem>> -> memref<3200xf32, #tpu.memory_space<vmem>>
      tpu.vector_store_idx %scatter3A_1453[%add3A_1450], %get3A_1447 : memref<3200xf32, #tpu.memory_space<vmem>>[vector<16xi32>], vector<16xf32>,
      %get3A_1454 = arith.constant 24 : i32
      %get3A_1455 = arith.index_cast %rem3A_354 : i32 to index
      %get3A_1456 = arith.index_cast %get3A_1454 : i32 to index
      %get3A_1457 = arith.constant 48 : index
      %get3A_1458 = tpu.vector_load %arg6[%get3A_1455, %get3A_1456, %get3A_1457] {strides = array<i32>} : memref<8x50x64xf32, #tpu.memory_space<vmem>>, vector<16xf32>,
      %add3A_1459 = arith.constant 2424 : i32
      %add3A_1460 = vector.broadcast %add3A_1459 : i32 to vector<16xi32>
      %add3A_1461 = arith.addi %mul3A_5, %add3A_1460 : vector<16xi32>
      %scatter3A_1462 = arith.constant 0 : i32
      %scatter3A_1463 = tpu.memref_slice %arg7[%rem3A_354, %scatter3A_1462] : memref<8x3200xf32, #tpu.memory_space<vmem>> -> memref<1x3200xf32, #tpu.memory_space<vmem>>
      %scatter3A_1464 = tpu.memref_squeeze %scatter3A_1463 : memref<1x3200xf32, #tpu.memory_space<vmem>> -> memref<3200xf32, #tpu.memory_space<vmem>>
      tpu.vector_store_idx %scatter3A_1464[%add3A_1461], %get3A_1458 : memref<3200xf32, #tpu.memory_space<vmem>>[vector<16xi32>], vector<16xf32>,
      %get3A_1465 = arith.constant 25 : i32
      %get3A_1466 = arith.index_cast %rem3A_354 : i32 to index
      %get3A_1467 = arith.index_cast %get3A_1465 : i32 to index
      %get3A_1468 = arith.constant 0 : index
      %get3A_1469 = tpu.vector_load %arg6[%get3A_1466, %get3A_1467, %get3A_1468] {strides = array<i32>} : memref<8x50x64xf32, #tpu.memory_space<vmem>>, vector<16xf32>,
      %add3A_1470 = arith.constant 25 : i32
      %add3A_1471 = vector.broadcast %add3A_1470 : i32 to vector<16xi32>
      %add3A_1472 = arith.addi %mul3A_5, %add3A_1471 : vector<16xi32>
      %scatter3A_1473 = arith.constant 0 : i32
      %scatter3A_1474 = tpu.memref_slice %arg7[%rem3A_354, %scatter3A_1473] : memref<8x3200xf32, #tpu.memory_space<vmem>> -> memref<1x3200xf32, #tpu.memory_space<vmem>>
      %scatter3A_1475 = tpu.memref_squeeze %scatter3A_1474 : memref<1x3200xf32, #tpu.memory_space<vmem>> -> memref<3200xf32, #tpu.memory_space<vmem>>
      tpu.vector_store_idx %scatter3A_1475[%add3A_1472], %get3A_1469 : memref<3200xf32, #tpu.memory_space<vmem>>[vector<16xi32>], vector<16xf32>,
      %get3A_1476 = arith.constant 25 : i32
      %get3A_1477 = arith.index_cast %rem3A_354 : i32 to index
      %get3A_1478 = arith.index_cast %get3A_1476 : i32 to index
      %get3A_1479 = arith.constant 16 : index
      %get3A_1480 = tpu.vector_load %arg6[%get3A_1477, %get3A_1478, %get3A_1479] {strides = array<i32>} : memref<8x50x64xf32, #tpu.memory_space<vmem>>, vector<16xf32>,
      %add3A_1481 = arith.constant 825 : i32
      %add3A_1482 = vector.broadcast %add3A_1481 : i32 to vector<16xi32>
      %add3A_1483 = arith.addi %mul3A_5, %add3A_1482 : vector<16xi32>
      %scatter3A_1484 = arith.constant 0 : i32
      %scatter3A_1485 = tpu.memref_slice %arg7[%rem3A_354, %scatter3A_1484] : memref<8x3200xf32, #tpu.memory_space<vmem>> -> memref<1x3200xf32, #tpu.memory_space<vmem>>
      %scatter3A_1486 = tpu.memref_squeeze %scatter3A_1485 : memref<1x3200xf32, #tpu.memory_space<vmem>> -> memref<3200xf32, #tpu.memory_space<vmem>>
      tpu.vector_store_idx %scatter3A_1486[%add3A_1483], %get3A_1480 : memref<3200xf32, #tpu.memory_space<vmem>>[vector<16xi32>], vector<16xf32>,
      %get3A_1487 = arith.constant 25 : i32
      %get3A_1488 = arith.index_cast %rem3A_354 : i32 to index
      %get3A_1489 = arith.index_cast %get3A_1487 : i32 to index
      %get3A_1490 = arith.constant 32 : index
      %get3A_1491 = tpu.vector_load %arg6[%get3A_1488, %get3A_1489, %get3A_1490] {strides = array<i32>} : memref<8x50x64xf32, #tpu.memory_space<vmem>>, vector<16xf32>,
      %add3A_1492 = arith.constant 1625 : i32
      %add3A_1493 = vector.broadcast %add3A_1492 : i32 to vector<16xi32>
      %add3A_1494 = arith.addi %mul3A_5, %add3A_1493 : vector<16xi32>
      %scatter3A_1495 = arith.constant 0 : i32
      %scatter3A_1496 = tpu.memref_slice %arg7[%rem3A_354, %scatter3A_1495] : memref<8x3200xf32, #tpu.memory_space<vmem>> -> memref<1x3200xf32, #tpu.memory_space<vmem>>
      %scatter3A_1497 = tpu.memref_squeeze %scatter3A_1496 : memref<1x3200xf32, #tpu.memory_space<vmem>> -> memref<3200xf32, #tpu.memory_space<vmem>>
      tpu.vector_store_idx %scatter3A_1497[%add3A_1494], %get3A_1491 : memref<3200xf32, #tpu.memory_space<vmem>>[vector<16xi32>], vector<16xf32>,
      %get3A_1498 = arith.constant 25 : i32
      %get3A_1499 = arith.index_cast %rem3A_354 : i32 to index
      %get3A_1500 = arith.index_cast %get3A_1498 : i32 to index
      %get3A_1501 = arith.constant 48 : index
      %get3A_1502 = tpu.vector_load %arg6[%get3A_1499, %get3A_1500, %get3A_1501] {strides = array<i32>} : memref<8x50x64xf32, #tpu.memory_space<vmem>>, vector<16xf32>,
      %add3A_1503 = arith.constant 2425 : i32
      %add3A_1504 = vector.broadcast %add3A_1503 : i32 to vector<16xi32>
      %add3A_1505 = arith.addi %mul3A_5, %add3A_1504 : vector<16xi32>
      %scatter3A_1506 = arith.constant 0 : i32
      %scatter3A_1507 = tpu.memref_slice %arg7[%rem3A_354, %scatter3A_1506] : memref<8x3200xf32, #tpu.memory_space<vmem>> -> memref<1x3200xf32, #tpu.memory_space<vmem>>
      %scatter3A_1508 = tpu.memref_squeeze %scatter3A_1507 : memref<1x3200xf32, #tpu.memory_space<vmem>> -> memref<3200xf32, #tpu.memory_space<vmem>>
      tpu.vector_store_idx %scatter3A_1508[%add3A_1505], %get3A_1502 : memref<3200xf32, #tpu.memory_space<vmem>>[vector<16xi32>], vector<16xf32>,
      %get3A_1509 = arith.constant 26 : i32
      %get3A_1510 = arith.index_cast %rem3A_354 : i32 to index
      %get3A_1511 = arith.index_cast %get3A_1509 : i32 to index
      %get3A_1512 = arith.constant 0 : index
      %get3A_1513 = tpu.vector_load %arg6[%get3A_1510, %get3A_1511, %get3A_1512] {strides = array<i32>} : memref<8x50x64xf32, #tpu.memory_space<vmem>>, vector<16xf32>,
      %add3A_1514 = arith.constant 26 : i32
      %add3A_1515 = vector.broadcast %add3A_1514 : i32 to vector<16xi32>
      %add3A_1516 = arith.addi %mul3A_5, %add3A_1515 : vector<16xi32>
      %scatter3A_1517 = arith.constant 0 : i32
      %scatter3A_1518 = tpu.memref_slice %arg7[%rem3A_354, %scatter3A_1517] : memref<8x3200xf32, #tpu.memory_space<vmem>> -> memref<1x3200xf32, #tpu.memory_space<vmem>>
      %scatter3A_1519 = tpu.memref_squeeze %scatter3A_1518 : memref<1x3200xf32, #tpu.memory_space<vmem>> -> memref<3200xf32, #tpu.memory_space<vmem>>
      tpu.vector_store_idx %scatter3A_1519[%add3A_1516], %get3A_1513 : memref<3200xf32, #tpu.memory_space<vmem>>[vector<16xi32>], vector<16xf32>,
      %get3A_1520 = arith.constant 26 : i32
      %get3A_1521 = arith.index_cast %rem3A_354 : i32 to index
      %get3A_1522 = arith.index_cast %get3A_1520 : i32 to index
      %get3A_1523 = arith.constant 16 : index
      %get3A_1524 = tpu.vector_load %arg6[%get3A_1521, %get3A_1522, %get3A_1523] {strides = array<i32>} : memref<8x50x64xf32, #tpu.memory_space<vmem>>, vector<16xf32>,
      %add3A_1525 = arith.constant 826 : i32
      %add3A_1526 = vector.broadcast %add3A_1525 : i32 to vector<16xi32>
      %add3A_1527 = arith.addi %mul3A_5, %add3A_1526 : vector<16xi32>
      %scatter3A_1528 = arith.constant 0 : i32
      %scatter3A_1529 = tpu.memref_slice %arg7[%rem3A_354, %scatter3A_1528] : memref<8x3200xf32, #tpu.memory_space<vmem>> -> memref<1x3200xf32, #tpu.memory_space<vmem>>
      %scatter3A_1530 = tpu.memref_squeeze %scatter3A_1529 : memref<1x3200xf32, #tpu.memory_space<vmem>> -> memref<3200xf32, #tpu.memory_space<vmem>>
      tpu.vector_store_idx %scatter3A_1530[%add3A_1527], %get3A_1524 : memref<3200xf32, #tpu.memory_space<vmem>>[vector<16xi32>], vector<16xf32>,
      %get3A_1531 = arith.constant 26 : i32
      %get3A_1532 = arith.index_cast %rem3A_354 : i32 to index
      %get3A_1533 = arith.index_cast %get3A_1531 : i32 to index
      %get3A_1534 = arith.constant 32 : index
      %get3A_1535 = tpu.vector_load %arg6[%get3A_1532, %get3A_1533, %get3A_1534] {strides = array<i32>} : memref<8x50x64xf32, #tpu.memory_space<vmem>>, vector<16xf32>,
      %add3A_1536 = arith.constant 1626 : i32
      %add3A_1537 = vector.broadcast %add3A_1536 : i32 to vector<16xi32>
      %add3A_1538 = arith.addi %mul3A_5, %add3A_1537 : vector<16xi32>
      %scatter3A_1539 = arith.constant 0 : i32
      %scatter3A_1540 = tpu.memref_slice %arg7[%rem3A_354, %scatter3A_1539] : memref<8x3200xf32, #tpu.memory_space<vmem>> -> memref<1x3200xf32, #tpu.memory_space<vmem>>
      %scatter3A_1541 = tpu.memref_squeeze %scatter3A_1540 : memref<1x3200xf32, #tpu.memory_space<vmem>> -> memref<3200xf32, #tpu.memory_space<vmem>>
      tpu.vector_store_idx %scatter3A_1541[%add3A_1538], %get3A_1535 : memref<3200xf32, #tpu.memory_space<vmem>>[vector<16xi32>], vector<16xf32>,
      %get3A_1542 = arith.constant 26 : i32
      %get3A_1543 = arith.index_cast %rem3A_354 : i32 to index
      %get3A_1544 = arith.index_cast %get3A_1542 : i32 to index
      %get3A_1545 = arith.constant 48 : index
      %get3A_1546 = tpu.vector_load %arg6[%get3A_1543, %get3A_1544, %get3A_1545] {strides = array<i32>} : memref<8x50x64xf32, #tpu.memory_space<vmem>>, vector<16xf32>,
      %add3A_1547 = arith.constant 2426 : i32
      %add3A_1548 = vector.broadcast %add3A_1547 : i32 to vector<16xi32>
      %add3A_1549 = arith.addi %mul3A_5, %add3A_1548 : vector<16xi32>
      %scatter3A_1550 = arith.constant 0 : i32
      %scatter3A_1551 = tpu.memref_slice %arg7[%rem3A_354, %scatter3A_1550] : memref<8x3200xf32, #tpu.memory_space<vmem>> -> memref<1x3200xf32, #tpu.memory_space<vmem>>
      %scatter3A_1552 = tpu.memref_squeeze %scatter3A_1551 : memref<1x3200xf32, #tpu.memory_space<vmem>> -> memref<3200xf32, #tpu.memory_space<vmem>>
      tpu.vector_store_idx %scatter3A_1552[%add3A_1549], %get3A_1546 : memref<3200xf32, #tpu.memory_space<vmem>>[vector<16xi32>], vector<16xf32>,
      %get3A_1553 = arith.constant 27 : i32
      %get3A_1554 = arith.index_cast %rem3A_354 : i32 to index
      %get3A_1555 = arith.index_cast %get3A_1553 : i32 to index
      %get3A_1556 = arith.constant 0 : index
      %get3A_1557 = tpu.vector_load %arg6[%get3A_1554, %get3A_1555, %get3A_1556] {strides = array<i32>} : memref<8x50x64xf32, #tpu.memory_space<vmem>>, vector<16xf32>,
      %add3A_1558 = arith.constant 27 : i32
      %add3A_1559 = vector.broadcast %add3A_1558 : i32 to vector<16xi32>
      %add3A_1560 = arith.addi %mul3A_5, %add3A_1559 : vector<16xi32>
      %scatter3A_1561 = arith.constant 0 : i32
      %scatter3A_1562 = tpu.memref_slice %arg7[%rem3A_354, %scatter3A_1561] : memref<8x3200xf32, #tpu.memory_space<vmem>> -> memref<1x3200xf32, #tpu.memory_space<vmem>>
      %scatter3A_1563 = tpu.memref_squeeze %scatter3A_1562 : memref<1x3200xf32, #tpu.memory_space<vmem>> -> memref<3200xf32, #tpu.memory_space<vmem>>
      tpu.vector_store_idx %scatter3A_1563[%add3A_1560], %get3A_1557 : memref<3200xf32, #tpu.memory_space<vmem>>[vector<16xi32>], vector<16xf32>,
      %get3A_1564 = arith.constant 27 : i32
      %get3A_1565 = arith.index_cast %rem3A_354 : i32 to index
      %get3A_1566 = arith.index_cast %get3A_1564 : i32 to index
      %get3A_1567 = arith.constant 16 : index
      %get3A_1568 = tpu.vector_load %arg6[%get3A_1565, %get3A_1566, %get3A_1567] {strides = array<i32>} : memref<8x50x64xf32, #tpu.memory_space<vmem>>, vector<16xf32>,
      %add3A_1569 = arith.constant 827 : i32
      %add3A_1570 = vector.broadcast %add3A_1569 : i32 to vector<16xi32>
      %add3A_1571 = arith.addi %mul3A_5, %add3A_1570 : vector<16xi32>
      %scatter3A_1572 = arith.constant 0 : i32
      %scatter3A_1573 = tpu.memref_slice %arg7[%rem3A_354, %scatter3A_1572] : memref<8x3200xf32, #tpu.memory_space<vmem>> -> memref<1x3200xf32, #tpu.memory_space<vmem>>
      %scatter3A_1574 = tpu.memref_squeeze %scatter3A_1573 : memref<1x3200xf32, #tpu.memory_space<vmem>> -> memref<3200xf32, #tpu.memory_space<vmem>>
      tpu.vector_store_idx %scatter3A_1574[%add3A_1571], %get3A_1568 : memref<3200xf32, #tpu.memory_space<vmem>>[vector<16xi32>], vector<16xf32>,
      %get3A_1575 = arith.constant 27 : i32
      %get3A_1576 = arith.index_cast %rem3A_354 : i32 to index
      %get3A_1577 = arith.index_cast %get3A_1575 : i32 to index
      %get3A_1578 = arith.constant 32 : index
      %get3A_1579 = tpu.vector_load %arg6[%get3A_1576, %get3A_1577, %get3A_1578] {strides = array<i32>} : memref<8x50x64xf32, #tpu.memory_space<vmem>>, vector<16xf32>,
      %add3A_1580 = arith.constant 1627 : i32
      %add3A_1581 = vector.broadcast %add3A_1580 : i32 to vector<16xi32>
      %add3A_1582 = arith.addi %mul3A_5, %add3A_1581 : vector<16xi32>
      %scatter3A_1583 = arith.constant 0 : i32
      %scatter3A_1584 = tpu.memref_slice %arg7[%rem3A_354, %scatter3A_1583] : memref<8x3200xf32, #tpu.memory_space<vmem>> -> memref<1x3200xf32, #tpu.memory_space<vmem>>
      %scatter3A_1585 = tpu.memref_squeeze %scatter3A_1584 : memref<1x3200xf32, #tpu.memory_space<vmem>> -> memref<3200xf32, #tpu.memory_space<vmem>>
      tpu.vector_store_idx %scatter3A_1585[%add3A_1582], %get3A_1579 : memref<3200xf32, #tpu.memory_space<vmem>>[vector<16xi32>], vector<16xf32>,
      %get3A_1586 = arith.constant 27 : i32
      %get3A_1587 = arith.index_cast %rem3A_354 : i32 to index
      %get3A_1588 = arith.index_cast %get3A_1586 : i32 to index
      %get3A_1589 = arith.constant 48 : index
      %get3A_1590 = tpu.vector_load %arg6[%get3A_1587, %get3A_1588, %get3A_1589] {strides = array<i32>} : memref<8x50x64xf32, #tpu.memory_space<vmem>>, vector<16xf32>,
      %add3A_1591 = arith.constant 2427 : i32
      %add3A_1592 = vector.broadcast %add3A_1591 : i32 to vector<16xi32>
      %add3A_1593 = arith.addi %mul3A_5, %add3A_1592 : vector<16xi32>
      %scatter3A_1594 = arith.constant 0 : i32
      %scatter3A_1595 = tpu.memref_slice %arg7[%rem3A_354, %scatter3A_1594] : memref<8x3200xf32, #tpu.memory_space<vmem>> -> memref<1x3200xf32, #tpu.memory_space<vmem>>
      %scatter3A_1596 = tpu.memref_squeeze %scatter3A_1595 : memref<1x3200xf32, #tpu.memory_space<vmem>> -> memref<3200xf32, #tpu.memory_space<vmem>>
      tpu.vector_store_idx %scatter3A_1596[%add3A_1593], %get3A_1590 : memref<3200xf32, #tpu.memory_space<vmem>>[vector<16xi32>], vector<16xf32>,
      %get3A_1597 = arith.constant 28 : i32
      %get3A_1598 = arith.index_cast %rem3A_354 : i32 to index
      %get3A_1599 = arith.index_cast %get3A_1597 : i32 to index
      %get3A_1600 = arith.constant 0 : index
      %get3A_1601 = tpu.vector_load %arg6[%get3A_1598, %get3A_1599, %get3A_1600] {strides = array<i32>} : memref<8x50x64xf32, #tpu.memory_space<vmem>>, vector<16xf32>,
      %add3A_1602 = arith.constant 28 : i32
      %add3A_1603 = vector.broadcast %add3A_1602 : i32 to vector<16xi32>
      %add3A_1604 = arith.addi %mul3A_5, %add3A_1603 : vector<16xi32>
      %scatter3A_1605 = arith.constant 0 : i32
      %scatter3A_1606 = tpu.memref_slice %arg7[%rem3A_354, %scatter3A_1605] : memref<8x3200xf32, #tpu.memory_space<vmem>> -> memref<1x3200xf32, #tpu.memory_space<vmem>>
      %scatter3A_1607 = tpu.memref_squeeze %scatter3A_1606 : memref<1x3200xf32, #tpu.memory_space<vmem>> -> memref<3200xf32, #tpu.memory_space<vmem>>
      tpu.vector_store_idx %scatter3A_1607[%add3A_1604], %get3A_1601 : memref<3200xf32, #tpu.memory_space<vmem>>[vector<16xi32>], vector<16xf32>,
      %get3A_1608 = arith.constant 28 : i32
      %get3A_1609 = arith.index_cast %rem3A_354 : i32 to index
      %get3A_1610 = arith.index_cast %get3A_1608 : i32 to index
      %get3A_1611 = arith.constant 16 : index
      %get3A_1612 = tpu.vector_load %arg6[%get3A_1609, %get3A_1610, %get3A_1611] {strides = array<i32>} : memref<8x50x64xf32, #tpu.memory_space<vmem>>, vector<16xf32>,
      %add3A_1613 = arith.constant 828 : i32
      %add3A_1614 = vector.broadcast %add3A_1613 : i32 to vector<16xi32>
      %add3A_1615 = arith.addi %mul3A_5, %add3A_1614 : vector<16xi32>
      %scatter3A_1616 = arith.constant 0 : i32
      %scatter3A_1617 = tpu.memref_slice %arg7[%rem3A_354, %scatter3A_1616] : memref<8x3200xf32, #tpu.memory_space<vmem>> -> memref<1x3200xf32, #tpu.memory_space<vmem>>
      %scatter3A_1618 = tpu.memref_squeeze %scatter3A_1617 : memref<1x3200xf32, #tpu.memory_space<vmem>> -> memref<3200xf32, #tpu.memory_space<vmem>>
      tpu.vector_store_idx %scatter3A_1618[%add3A_1615], %get3A_1612 : memref<3200xf32, #tpu.memory_space<vmem>>[vector<16xi32>], vector<16xf32>,
      %get3A_1619 = arith.constant 28 : i32
      %get3A_1620 = arith.index_cast %rem3A_354 : i32 to index
      %get3A_1621 = arith.index_cast %get3A_1619 : i32 to index
      %get3A_1622 = arith.constant 32 : index
      %get3A_1623 = tpu.vector_load %arg6[%get3A_1620, %get3A_1621, %get3A_1622] {strides = array<i32>} : memref<8x50x64xf32, #tpu.memory_space<vmem>>, vector<16xf32>,
      %add3A_1624 = arith.constant 1628 : i32
      %add3A_1625 = vector.broadcast %add3A_1624 : i32 to vector<16xi32>
      %add3A_1626 = arith.addi %mul3A_5, %add3A_1625 : vector<16xi32>
      %scatter3A_1627 = arith.constant 0 : i32
      %scatter3A_1628 = tpu.memref_slice %arg7[%rem3A_354, %scatter3A_1627] : memref<8x3200xf32, #tpu.memory_space<vmem>> -> memref<1x3200xf32, #tpu.memory_space<vmem>>
      %scatter3A_1629 = tpu.memref_squeeze %scatter3A_1628 : memref<1x3200xf32, #tpu.memory_space<vmem>> -> memref<3200xf32, #tpu.memory_space<vmem>>
      tpu.vector_store_idx %scatter3A_1629[%add3A_1626], %get3A_1623 : memref<3200xf32, #tpu.memory_space<vmem>>[vector<16xi32>], vector<16xf32>,
      %get3A_1630 = arith.constant 28 : i32
      %get3A_1631 = arith.index_cast %rem3A_354 : i32 to index
      %get3A_1632 = arith.index_cast %get3A_1630 : i32 to index
      %get3A_1633 = arith.constant 48 : index
      %get3A_1634 = tpu.vector_load %arg6[%get3A_1631, %get3A_1632, %get3A_1633] {strides = array<i32>} : memref<8x50x64xf32, #tpu.memory_space<vmem>>, vector<16xf32>,
      %add3A_1635 = arith.constant 2428 : i32
      %add3A_1636 = vector.broadcast %add3A_1635 : i32 to vector<16xi32>
      %add3A_1637 = arith.addi %mul3A_5, %add3A_1636 : vector<16xi32>
      %scatter3A_1638 = arith.constant 0 : i32
      %scatter3A_1639 = tpu.memref_slice %arg7[%rem3A_354, %scatter3A_1638] : memref<8x3200xf32, #tpu.memory_space<vmem>> -> memref<1x3200xf32, #tpu.memory_space<vmem>>
      %scatter3A_1640 = tpu.memref_squeeze %scatter3A_1639 : memref<1x3200xf32, #tpu.memory_space<vmem>> -> memref<3200xf32, #tpu.memory_space<vmem>>
      tpu.vector_store_idx %scatter3A_1640[%add3A_1637], %get3A_1634 : memref<3200xf32, #tpu.memory_space<vmem>>[vector<16xi32>], vector<16xf32>,
      %get3A_1641 = arith.constant 29 : i32
      %get3A_1642 = arith.index_cast %rem3A_354 : i32 to index
      %get3A_1643 = arith.index_cast %get3A_1641 : i32 to index
      %get3A_1644 = arith.constant 0 : index
      %get3A_1645 = tpu.vector_load %arg6[%get3A_1642, %get3A_1643, %get3A_1644] {strides = array<i32>} : memref<8x50x64xf32, #tpu.memory_space<vmem>>, vector<16xf32>,
      %add3A_1646 = arith.constant 29 : i32
      %add3A_1647 = vector.broadcast %add3A_1646 : i32 to vector<16xi32>
      %add3A_1648 = arith.addi %mul3A_5, %add3A_1647 : vector<16xi32>
      %scatter3A_1649 = arith.constant 0 : i32
      %scatter3A_1650 = tpu.memref_slice %arg7[%rem3A_354, %scatter3A_1649] : memref<8x3200xf32, #tpu.memory_space<vmem>> -> memref<1x3200xf32, #tpu.memory_space<vmem>>
      %scatter3A_1651 = tpu.memref_squeeze %scatter3A_1650 : memref<1x3200xf32, #tpu.memory_space<vmem>> -> memref<3200xf32, #tpu.memory_space<vmem>>
      tpu.vector_store_idx %scatter3A_1651[%add3A_1648], %get3A_1645 : memref<3200xf32, #tpu.memory_space<vmem>>[vector<16xi32>], vector<16xf32>,
      %get3A_1652 = arith.constant 29 : i32
      %get3A_1653 = arith.index_cast %rem3A_354 : i32 to index
      %get3A_1654 = arith.index_cast %get3A_1652 : i32 to index
      %get3A_1655 = arith.constant 16 : index
      %get3A_1656 = tpu.vector_load %arg6[%get3A_1653, %get3A_1654, %get3A_1655] {strides = array<i32>} : memref<8x50x64xf32, #tpu.memory_space<vmem>>, vector<16xf32>,
      %add3A_1657 = arith.constant 829 : i32
      %add3A_1658 = vector.broadcast %add3A_1657 : i32 to vector<16xi32>
      %add3A_1659 = arith.addi %mul3A_5, %add3A_1658 : vector<16xi32>
      %scatter3A_1660 = arith.constant 0 : i32
      %scatter3A_1661 = tpu.memref_slice %arg7[%rem3A_354, %scatter3A_1660] : memref<8x3200xf32, #tpu.memory_space<vmem>> -> memref<1x3200xf32, #tpu.memory_space<vmem>>
      %scatter3A_1662 = tpu.memref_squeeze %scatter3A_1661 : memref<1x3200xf32, #tpu.memory_space<vmem>> -> memref<3200xf32, #tpu.memory_space<vmem>>
      tpu.vector_store_idx %scatter3A_1662[%add3A_1659], %get3A_1656 : memref<3200xf32, #tpu.memory_space<vmem>>[vector<16xi32>], vector<16xf32>,
      %get3A_1663 = arith.constant 29 : i32
      %get3A_1664 = arith.index_cast %rem3A_354 : i32 to index
      %get3A_1665 = arith.index_cast %get3A_1663 : i32 to index
      %get3A_1666 = arith.constant 32 : index
      %get3A_1667 = tpu.vector_load %arg6[%get3A_1664, %get3A_1665, %get3A_1666] {strides = array<i32>} : memref<8x50x64xf32, #tpu.memory_space<vmem>>, vector<16xf32>,
      %add3A_1668 = arith.constant 1629 : i32
      %add3A_1669 = vector.broadcast %add3A_1668 : i32 to vector<16xi32>
      %add3A_1670 = arith.addi %mul3A_5, %add3A_1669 : vector<16xi32>
      %scatter3A_1671 = arith.constant 0 : i32
      %scatter3A_1672 = tpu.memref_slice %arg7[%rem3A_354, %scatter3A_1671] : memref<8x3200xf32, #tpu.memory_space<vmem>> -> memref<1x3200xf32, #tpu.memory_space<vmem>>
      %scatter3A_1673 = tpu.memref_squeeze %scatter3A_1672 : memref<1x3200xf32, #tpu.memory_space<vmem>> -> memref<3200xf32, #tpu.memory_space<vmem>>
      tpu.vector_store_idx %scatter3A_1673[%add3A_1670], %get3A_1667 : memref<3200xf32, #tpu.memory_space<vmem>>[vector<16xi32>], vector<16xf32>,
      %get3A_1674 = arith.constant 29 : i32
      %get3A_1675 = arith.index_cast %rem3A_354 : i32 to index
      %get3A_1676 = arith.index_cast %get3A_1674 : i32 to index
      %get3A_1677 = arith.constant 48 : index
      %get3A_1678 = tpu.vector_load %arg6[%get3A_1675, %get3A_1676, %get3A_1677] {strides = array<i32>} : memref<8x50x64xf32, #tpu.memory_space<vmem>>, vector<16xf32>,
      %add3A_1679 = arith.constant 2429 : i32
      %add3A_1680 = vector.broadcast %add3A_1679 : i32 to vector<16xi32>
      %add3A_1681 = arith.addi %mul3A_5, %add3A_1680 : vector<16xi32>
      %scatter3A_1682 = arith.constant 0 : i32
      %scatter3A_1683 = tpu.memref_slice %arg7[%rem3A_354, %scatter3A_1682] : memref<8x3200xf32, #tpu.memory_space<vmem>> -> memref<1x3200xf32, #tpu.memory_space<vmem>>
      %scatter3A_1684 = tpu.memref_squeeze %scatter3A_1683 : memref<1x3200xf32, #tpu.memory_space<vmem>> -> memref<3200xf32, #tpu.memory_space<vmem>>
      tpu.vector_store_idx %scatter3A_1684[%add3A_1681], %get3A_1678 : memref<3200xf32, #tpu.memory_space<vmem>>[vector<16xi32>], vector<16xf32>,
      %get3A_1685 = arith.constant 30 : i32
      %get3A_1686 = arith.index_cast %rem3A_354 : i32 to index
      %get3A_1687 = arith.index_cast %get3A_1685 : i32 to index
      %get3A_1688 = arith.constant 0 : index
      %get3A_1689 = tpu.vector_load %arg6[%get3A_1686, %get3A_1687, %get3A_1688] {strides = array<i32>} : memref<8x50x64xf32, #tpu.memory_space<vmem>>, vector<16xf32>,
      %add3A_1690 = arith.constant 30 : i32
      %add3A_1691 = vector.broadcast %add3A_1690 : i32 to vector<16xi32>
      %add3A_1692 = arith.addi %mul3A_5, %add3A_1691 : vector<16xi32>
      %scatter3A_1693 = arith.constant 0 : i32
      %scatter3A_1694 = tpu.memref_slice %arg7[%rem3A_354, %scatter3A_1693] : memref<8x3200xf32, #tpu.memory_space<vmem>> -> memref<1x3200xf32, #tpu.memory_space<vmem>>
      %scatter3A_1695 = tpu.memref_squeeze %scatter3A_1694 : memref<1x3200xf32, #tpu.memory_space<vmem>> -> memref<3200xf32, #tpu.memory_space<vmem>>
      tpu.vector_store_idx %scatter3A_1695[%add3A_1692], %get3A_1689 : memref<3200xf32, #tpu.memory_space<vmem>>[vector<16xi32>], vector<16xf32>,
      %get3A_1696 = arith.constant 30 : i32
      %get3A_1697 = arith.index_cast %rem3A_354 : i32 to index
      %get3A_1698 = arith.index_cast %get3A_1696 : i32 to index
      %get3A_1699 = arith.constant 16 : index
      %get3A_1700 = tpu.vector_load %arg6[%get3A_1697, %get3A_1698, %get3A_1699] {strides = array<i32>} : memref<8x50x64xf32, #tpu.memory_space<vmem>>, vector<16xf32>,
      %add3A_1701 = arith.constant 830 : i32
      %add3A_1702 = vector.broadcast %add3A_1701 : i32 to vector<16xi32>
      %add3A_1703 = arith.addi %mul3A_5, %add3A_1702 : vector<16xi32>
      %scatter3A_1704 = arith.constant 0 : i32
      %scatter3A_1705 = tpu.memref_slice %arg7[%rem3A_354, %scatter3A_1704] : memref<8x3200xf32, #tpu.memory_space<vmem>> -> memref<1x3200xf32, #tpu.memory_space<vmem>>
      %scatter3A_1706 = tpu.memref_squeeze %scatter3A_1705 : memref<1x3200xf32, #tpu.memory_space<vmem>> -> memref<3200xf32, #tpu.memory_space<vmem>>
      tpu.vector_store_idx %scatter3A_1706[%add3A_1703], %get3A_1700 : memref<3200xf32, #tpu.memory_space<vmem>>[vector<16xi32>], vector<16xf32>,
      %get3A_1707 = arith.constant 30 : i32
      %get3A_1708 = arith.index_cast %rem3A_354 : i32 to index
      %get3A_1709 = arith.index_cast %get3A_1707 : i32 to index
      %get3A_1710 = arith.constant 32 : index
      %get3A_1711 = tpu.vector_load %arg6[%get3A_1708, %get3A_1709, %get3A_1710] {strides = array<i32>} : memref<8x50x64xf32, #tpu.memory_space<vmem>>, vector<16xf32>,
      %add3A_1712 = arith.constant 1630 : i32
      %add3A_1713 = vector.broadcast %add3A_1712 : i32 to vector<16xi32>
      %add3A_1714 = arith.addi %mul3A_5, %add3A_1713 : vector<16xi32>
      %scatter3A_1715 = arith.constant 0 : i32
      %scatter3A_1716 = tpu.memref_slice %arg7[%rem3A_354, %scatter3A_1715] : memref<8x3200xf32, #tpu.memory_space<vmem>> -> memref<1x3200xf32, #tpu.memory_space<vmem>>
      %scatter3A_1717 = tpu.memref_squeeze %scatter3A_1716 : memref<1x3200xf32, #tpu.memory_space<vmem>> -> memref<3200xf32, #tpu.memory_space<vmem>>
      tpu.vector_store_idx %scatter3A_1717[%add3A_1714], %get3A_1711 : memref<3200xf32, #tpu.memory_space<vmem>>[vector<16xi32>], vector<16xf32>,
      %get3A_1718 = arith.constant 30 : i32
      %get3A_1719 = arith.index_cast %rem3A_354 : i32 to index
      %get3A_1720 = arith.index_cast %get3A_1718 : i32 to index
      %get3A_1721 = arith.constant 48 : index
      %get3A_1722 = tpu.vector_load %arg6[%get3A_1719, %get3A_1720, %get3A_1721] {strides = array<i32>} : memref<8x50x64xf32, #tpu.memory_space<vmem>>, vector<16xf32>,
      %add3A_1723 = arith.constant 2430 : i32
      %add3A_1724 = vector.broadcast %add3A_1723 : i32 to vector<16xi32>
      %add3A_1725 = arith.addi %mul3A_5, %add3A_1724 : vector<16xi32>
      %scatter3A_1726 = arith.constant 0 : i32
      %scatter3A_1727 = tpu.memref_slice %arg7[%rem3A_354, %scatter3A_1726] : memref<8x3200xf32, #tpu.memory_space<vmem>> -> memref<1x3200xf32, #tpu.memory_space<vmem>>
      %scatter3A_1728 = tpu.memref_squeeze %scatter3A_1727 : memref<1x3200xf32, #tpu.memory_space<vmem>> -> memref<3200xf32, #tpu.memory_space<vmem>>
      tpu.vector_store_idx %scatter3A_1728[%add3A_1725], %get3A_1722 : memref<3200xf32, #tpu.memory_space<vmem>>[vector<16xi32>], vector<16xf32>,
      %get3A_1729 = arith.constant 31 : i32
      %get3A_1730 = arith.index_cast %rem3A_354 : i32 to index
      %get3A_1731 = arith.index_cast %get3A_1729 : i32 to index
      %get3A_1732 = arith.constant 0 : index
      %get3A_1733 = tpu.vector_load %arg6[%get3A_1730, %get3A_1731, %get3A_1732] {strides = array<i32>} : memref<8x50x64xf32, #tpu.memory_space<vmem>>, vector<16xf32>,
      %add3A_1734 = arith.constant 31 : i32
      %add3A_1735 = vector.broadcast %add3A_1734 : i32 to vector<16xi32>
      %add3A_1736 = arith.addi %mul3A_5, %add3A_1735 : vector<16xi32>
      %scatter3A_1737 = arith.constant 0 : i32
      %scatter3A_1738 = tpu.memref_slice %arg7[%rem3A_354, %scatter3A_1737] : memref<8x3200xf32, #tpu.memory_space<vmem>> -> memref<1x3200xf32, #tpu.memory_space<vmem>>
      %scatter3A_1739 = tpu.memref_squeeze %scatter3A_1738 : memref<1x3200xf32, #tpu.memory_space<vmem>> -> memref<3200xf32, #tpu.memory_space<vmem>>
      tpu.vector_store_idx %scatter3A_1739[%add3A_1736], %get3A_1733 : memref<3200xf32, #tpu.memory_space<vmem>>[vector<16xi32>], vector<16xf32>,
      %get3A_1740 = arith.constant 31 : i32
      %get3A_1741 = arith.index_cast %rem3A_354 : i32 to index
      %get3A_1742 = arith.index_cast %get3A_1740 : i32 to index
      %get3A_1743 = arith.constant 16 : index
      %get3A_1744 = tpu.vector_load %arg6[%get3A_1741, %get3A_1742, %get3A_1743] {strides = array<i32>} : memref<8x50x64xf32, #tpu.memory_space<vmem>>, vector<16xf32>,
      %add3A_1745 = arith.constant 831 : i32
      %add3A_1746 = vector.broadcast %add3A_1745 : i32 to vector<16xi32>
      %add3A_1747 = arith.addi %mul3A_5, %add3A_1746 : vector<16xi32>
      %scatter3A_1748 = arith.constant 0 : i32
      %scatter3A_1749 = tpu.memref_slice %arg7[%rem3A_354, %scatter3A_1748] : memref<8x3200xf32, #tpu.memory_space<vmem>> -> memref<1x3200xf32, #tpu.memory_space<vmem>>
      %scatter3A_1750 = tpu.memref_squeeze %scatter3A_1749 : memref<1x3200xf32, #tpu.memory_space<vmem>> -> memref<3200xf32, #tpu.memory_space<vmem>>
      tpu.vector_store_idx %scatter3A_1750[%add3A_1747], %get3A_1744 : memref<3200xf32, #tpu.memory_space<vmem>>[vector<16xi32>], vector<16xf32>,
      %get3A_1751 = arith.constant 31 : i32
      %get3A_1752 = arith.index_cast %rem3A_354 : i32 to index
      %get3A_1753 = arith.index_cast %get3A_1751 : i32 to index
      %get3A_1754 = arith.constant 32 : index
      %get3A_1755 = tpu.vector_load %arg6[%get3A_1752, %get3A_1753, %get3A_1754] {strides = array<i32>} : memref<8x50x64xf32, #tpu.memory_space<vmem>>, vector<16xf32>,
      %add3A_1756 = arith.constant 1631 : i32
      %add3A_1757 = vector.broadcast %add3A_1756 : i32 to vector<16xi32>
      %add3A_1758 = arith.addi %mul3A_5, %add3A_1757 : vector<16xi32>
      %scatter3A_1759 = arith.constant 0 : i32
      %scatter3A_1760 = tpu.memref_slice %arg7[%rem3A_354, %scatter3A_1759] : memref<8x3200xf32, #tpu.memory_space<vmem>> -> memref<1x3200xf32, #tpu.memory_space<vmem>>
      %scatter3A_1761 = tpu.memref_squeeze %scatter3A_1760 : memref<1x3200xf32, #tpu.memory_space<vmem>> -> memref<3200xf32, #tpu.memory_space<vmem>>
      tpu.vector_store_idx %scatter3A_1761[%add3A_1758], %get3A_1755 : memref<3200xf32, #tpu.memory_space<vmem>>[vector<16xi32>], vector<16xf32>,
      %get3A_1762 = arith.constant 31 : i32
      %get3A_1763 = arith.index_cast %rem3A_354 : i32 to index
      %get3A_1764 = arith.index_cast %get3A_1762 : i32 to index
      %get3A_1765 = arith.constant 48 : index
      %get3A_1766 = tpu.vector_load %arg6[%get3A_1763, %get3A_1764, %get3A_1765] {strides = array<i32>} : memref<8x50x64xf32, #tpu.memory_space<vmem>>, vector<16xf32>,
      %add3A_1767 = arith.constant 2431 : i32
      %add3A_1768 = vector.broadcast %add3A_1767 : i32 to vector<16xi32>
      %add3A_1769 = arith.addi %mul3A_5, %add3A_1768 : vector<16xi32>
      %scatter3A_1770 = arith.constant 0 : i32
      %scatter3A_1771 = tpu.memref_slice %arg7[%rem3A_354, %scatter3A_1770] : memref<8x3200xf32, #tpu.memory_space<vmem>> -> memref<1x3200xf32, #tpu.memory_space<vmem>>
      %scatter3A_1772 = tpu.memref_squeeze %scatter3A_1771 : memref<1x3200xf32, #tpu.memory_space<vmem>> -> memref<3200xf32, #tpu.memory_space<vmem>>
      tpu.vector_store_idx %scatter3A_1772[%add3A_1769], %get3A_1766 : memref<3200xf32, #tpu.memory_space<vmem>>[vector<16xi32>], vector<16xf32>,
      %get3A_1773 = arith.constant 32 : i32
      %get3A_1774 = arith.index_cast %rem3A_354 : i32 to index
      %get3A_1775 = arith.index_cast %get3A_1773 : i32 to index
      %get3A_1776 = arith.constant 0 : index
      %get3A_1777 = tpu.vector_load %arg6[%get3A_1774, %get3A_1775, %get3A_1776] {strides = array<i32>} : memref<8x50x64xf32, #tpu.memory_space<vmem>>, vector<16xf32>,
      %add3A_1778 = arith.constant 32 : i32
      %add3A_1779 = vector.broadcast %add3A_1778 : i32 to vector<16xi32>
      %add3A_1780 = arith.addi %mul3A_5, %add3A_1779 : vector<16xi32>
      %scatter3A_1781 = arith.constant 0 : i32
      %scatter3A_1782 = tpu.memref_slice %arg7[%rem3A_354, %scatter3A_1781] : memref<8x3200xf32, #tpu.memory_space<vmem>> -> memref<1x3200xf32, #tpu.memory_space<vmem>>
      %scatter3A_1783 = tpu.memref_squeeze %scatter3A_1782 : memref<1x3200xf32, #tpu.memory_space<vmem>> -> memref<3200xf32, #tpu.memory_space<vmem>>
      tpu.vector_store_idx %scatter3A_1783[%add3A_1780], %get3A_1777 : memref<3200xf32, #tpu.memory_space<vmem>>[vector<16xi32>], vector<16xf32>,
      %get3A_1784 = arith.constant 32 : i32
      %get3A_1785 = arith.index_cast %rem3A_354 : i32 to index
      %get3A_1786 = arith.index_cast %get3A_1784 : i32 to index
      %get3A_1787 = arith.constant 16 : index
      %get3A_1788 = tpu.vector_load %arg6[%get3A_1785, %get3A_1786, %get3A_1787] {strides = array<i32>} : memref<8x50x64xf32, #tpu.memory_space<vmem>>, vector<16xf32>,
      %add3A_1789 = arith.constant 832 : i32
      %add3A_1790 = vector.broadcast %add3A_1789 : i32 to vector<16xi32>
      %add3A_1791 = arith.addi %mul3A_5, %add3A_1790 : vector<16xi32>
      %scatter3A_1792 = arith.constant 0 : i32
      %scatter3A_1793 = tpu.memref_slice %arg7[%rem3A_354, %scatter3A_1792] : memref<8x3200xf32, #tpu.memory_space<vmem>> -> memref<1x3200xf32, #tpu.memory_space<vmem>>
      %scatter3A_1794 = tpu.memref_squeeze %scatter3A_1793 : memref<1x3200xf32, #tpu.memory_space<vmem>> -> memref<3200xf32, #tpu.memory_space<vmem>>
      tpu.vector_store_idx %scatter3A_1794[%add3A_1791], %get3A_1788 : memref<3200xf32, #tpu.memory_space<vmem>>[vector<16xi32>], vector<16xf32>,
      %get3A_1795 = arith.constant 32 : i32
      %get3A_1796 = arith.index_cast %rem3A_354 : i32 to index
      %get3A_1797 = arith.index_cast %get3A_1795 : i32 to index
      %get3A_1798 = arith.constant 32 : index
      %get3A_1799 = tpu.vector_load %arg6[%get3A_1796, %get3A_1797, %get3A_1798] {strides = array<i32>} : memref<8x50x64xf32, #tpu.memory_space<vmem>>, vector<16xf32>,
      %add3A_1800 = arith.constant 1632 : i32
      %add3A_1801 = vector.broadcast %add3A_1800 : i32 to vector<16xi32>
      %add3A_1802 = arith.addi %mul3A_5, %add3A_1801 : vector<16xi32>
      %scatter3A_1803 = arith.constant 0 : i32
      %scatter3A_1804 = tpu.memref_slice %arg7[%rem3A_354, %scatter3A_1803] : memref<8x3200xf32, #tpu.memory_space<vmem>> -> memref<1x3200xf32, #tpu.memory_space<vmem>>
      %scatter3A_1805 = tpu.memref_squeeze %scatter3A_1804 : memref<1x3200xf32, #tpu.memory_space<vmem>> -> memref<3200xf32, #tpu.memory_space<vmem>>
      tpu.vector_store_idx %scatter3A_1805[%add3A_1802], %get3A_1799 : memref<3200xf32, #tpu.memory_space<vmem>>[vector<16xi32>], vector<16xf32>,
      %get3A_1806 = arith.constant 32 : i32
      %get3A_1807 = arith.index_cast %rem3A_354 : i32 to index
      %get3A_1808 = arith.index_cast %get3A_1806 : i32 to index
      %get3A_1809 = arith.constant 48 : index
      %get3A_1810 = tpu.vector_load %arg6[%get3A_1807, %get3A_1808, %get3A_1809] {strides = array<i32>} : memref<8x50x64xf32, #tpu.memory_space<vmem>>, vector<16xf32>,
      %add3A_1811 = arith.constant 2432 : i32
      %add3A_1812 = vector.broadcast %add3A_1811 : i32 to vector<16xi32>
      %add3A_1813 = arith.addi %mul3A_5, %add3A_1812 : vector<16xi32>
      %scatter3A_1814 = arith.constant 0 : i32
      %scatter3A_1815 = tpu.memref_slice %arg7[%rem3A_354, %scatter3A_1814] : memref<8x3200xf32, #tpu.memory_space<vmem>> -> memref<1x3200xf32, #tpu.memory_space<vmem>>
      %scatter3A_1816 = tpu.memref_squeeze %scatter3A_1815 : memref<1x3200xf32, #tpu.memory_space<vmem>> -> memref<3200xf32, #tpu.memory_space<vmem>>
      tpu.vector_store_idx %scatter3A_1816[%add3A_1813], %get3A_1810 : memref<3200xf32, #tpu.memory_space<vmem>>[vector<16xi32>], vector<16xf32>,
      %get3A_1817 = arith.constant 33 : i32
      %get3A_1818 = arith.index_cast %rem3A_354 : i32 to index
      %get3A_1819 = arith.index_cast %get3A_1817 : i32 to index
      %get3A_1820 = arith.constant 0 : index
      %get3A_1821 = tpu.vector_load %arg6[%get3A_1818, %get3A_1819, %get3A_1820] {strides = array<i32>} : memref<8x50x64xf32, #tpu.memory_space<vmem>>, vector<16xf32>,
      %add3A_1822 = arith.constant 33 : i32
      %add3A_1823 = vector.broadcast %add3A_1822 : i32 to vector<16xi32>
      %add3A_1824 = arith.addi %mul3A_5, %add3A_1823 : vector<16xi32>
      %scatter3A_1825 = arith.constant 0 : i32
      %scatter3A_1826 = tpu.memref_slice %arg7[%rem3A_354, %scatter3A_1825] : memref<8x3200xf32, #tpu.memory_space<vmem>> -> memref<1x3200xf32, #tpu.memory_space<vmem>>
      %scatter3A_1827 = tpu.memref_squeeze %scatter3A_1826 : memref<1x3200xf32, #tpu.memory_space<vmem>> -> memref<3200xf32, #tpu.memory_space<vmem>>
      tpu.vector_store_idx %scatter3A_1827[%add3A_1824], %get3A_1821 : memref<3200xf32, #tpu.memory_space<vmem>>[vector<16xi32>], vector<16xf32>,
      %get3A_1828 = arith.constant 33 : i32
      %get3A_1829 = arith.index_cast %rem3A_354 : i32 to index
      %get3A_1830 = arith.index_cast %get3A_1828 : i32 to index
      %get3A_1831 = arith.constant 16 : index
      %get3A_1832 = tpu.vector_load %arg6[%get3A_1829, %get3A_1830, %get3A_1831] {strides = array<i32>} : memref<8x50x64xf32, #tpu.memory_space<vmem>>, vector<16xf32>,
      %add3A_1833 = arith.constant 833 : i32
      %add3A_1834 = vector.broadcast %add3A_1833 : i32 to vector<16xi32>
      %add3A_1835 = arith.addi %mul3A_5, %add3A_1834 : vector<16xi32>
      %scatter3A_1836 = arith.constant 0 : i32
      %scatter3A_1837 = tpu.memref_slice %arg7[%rem3A_354, %scatter3A_1836] : memref<8x3200xf32, #tpu.memory_space<vmem>> -> memref<1x3200xf32, #tpu.memory_space<vmem>>
      %scatter3A_1838 = tpu.memref_squeeze %scatter3A_1837 : memref<1x3200xf32, #tpu.memory_space<vmem>> -> memref<3200xf32, #tpu.memory_space<vmem>>
      tpu.vector_store_idx %scatter3A_1838[%add3A_1835], %get3A_1832 : memref<3200xf32, #tpu.memory_space<vmem>>[vector<16xi32>], vector<16xf32>,
      %get3A_1839 = arith.constant 33 : i32
      %get3A_1840 = arith.index_cast %rem3A_354 : i32 to index
      %get3A_1841 = arith.index_cast %get3A_1839 : i32 to index
      %get3A_1842 = arith.constant 32 : index
      %get3A_1843 = tpu.vector_load %arg6[%get3A_1840, %get3A_1841, %get3A_1842] {strides = array<i32>} : memref<8x50x64xf32, #tpu.memory_space<vmem>>, vector<16xf32>,
      %add3A_1844 = arith.constant 1633 : i32
      %add3A_1845 = vector.broadcast %add3A_1844 : i32 to vector<16xi32>
      %add3A_1846 = arith.addi %mul3A_5, %add3A_1845 : vector<16xi32>
      %scatter3A_1847 = arith.constant 0 : i32
      %scatter3A_1848 = tpu.memref_slice %arg7[%rem3A_354, %scatter3A_1847] : memref<8x3200xf32, #tpu.memory_space<vmem>> -> memref<1x3200xf32, #tpu.memory_space<vmem>>
      %scatter3A_1849 = tpu.memref_squeeze %scatter3A_1848 : memref<1x3200xf32, #tpu.memory_space<vmem>> -> memref<3200xf32, #tpu.memory_space<vmem>>
      tpu.vector_store_idx %scatter3A_1849[%add3A_1846], %get3A_1843 : memref<3200xf32, #tpu.memory_space<vmem>>[vector<16xi32>], vector<16xf32>,
      %get3A_1850 = arith.constant 33 : i32
      %get3A_1851 = arith.index_cast %rem3A_354 : i32 to index
      %get3A_1852 = arith.index_cast %get3A_1850 : i32 to index
      %get3A_1853 = arith.constant 48 : index
      %get3A_1854 = tpu.vector_load %arg6[%get3A_1851, %get3A_1852, %get3A_1853] {strides = array<i32>} : memref<8x50x64xf32, #tpu.memory_space<vmem>>, vector<16xf32>,
      %add3A_1855 = arith.constant 2433 : i32
      %add3A_1856 = vector.broadcast %add3A_1855 : i32 to vector<16xi32>
      %add3A_1857 = arith.addi %mul3A_5, %add3A_1856 : vector<16xi32>
      %scatter3A_1858 = arith.constant 0 : i32
      %scatter3A_1859 = tpu.memref_slice %arg7[%rem3A_354, %scatter3A_1858] : memref<8x3200xf32, #tpu.memory_space<vmem>> -> memref<1x3200xf32, #tpu.memory_space<vmem>>
      %scatter3A_1860 = tpu.memref_squeeze %scatter3A_1859 : memref<1x3200xf32, #tpu.memory_space<vmem>> -> memref<3200xf32, #tpu.memory_space<vmem>>
      tpu.vector_store_idx %scatter3A_1860[%add3A_1857], %get3A_1854 : memref<3200xf32, #tpu.memory_space<vmem>>[vector<16xi32>], vector<16xf32>,
      %get3A_1861 = arith.constant 34 : i32
      %get3A_1862 = arith.index_cast %rem3A_354 : i32 to index
      %get3A_1863 = arith.index_cast %get3A_1861 : i32 to index
      %get3A_1864 = arith.constant 0 : index
      %get3A_1865 = tpu.vector_load %arg6[%get3A_1862, %get3A_1863, %get3A_1864] {strides = array<i32>} : memref<8x50x64xf32, #tpu.memory_space<vmem>>, vector<16xf32>,
      %add3A_1866 = arith.constant 34 : i32
      %add3A_1867 = vector.broadcast %add3A_1866 : i32 to vector<16xi32>
      %add3A_1868 = arith.addi %mul3A_5, %add3A_1867 : vector<16xi32>
      %scatter3A_1869 = arith.constant 0 : i32
      %scatter3A_1870 = tpu.memref_slice %arg7[%rem3A_354, %scatter3A_1869] : memref<8x3200xf32, #tpu.memory_space<vmem>> -> memref<1x3200xf32, #tpu.memory_space<vmem>>
      %scatter3A_1871 = tpu.memref_squeeze %scatter3A_1870 : memref<1x3200xf32, #tpu.memory_space<vmem>> -> memref<3200xf32, #tpu.memory_space<vmem>>
      tpu.vector_store_idx %scatter3A_1871[%add3A_1868], %get3A_1865 : memref<3200xf32, #tpu.memory_space<vmem>>[vector<16xi32>], vector<16xf32>,
      %get3A_1872 = arith.constant 34 : i32
      %get3A_1873 = arith.index_cast %rem3A_354 : i32 to index
      %get3A_1874 = arith.index_cast %get3A_1872 : i32 to index
      %get3A_1875 = arith.constant 16 : index
      %get3A_1876 = tpu.vector_load %arg6[%get3A_1873, %get3A_1874, %get3A_1875] {strides = array<i32>} : memref<8x50x64xf32, #tpu.memory_space<vmem>>, vector<16xf32>,
      %add3A_1877 = arith.constant 834 : i32
      %add3A_1878 = vector.broadcast %add3A_1877 : i32 to vector<16xi32>
      %add3A_1879 = arith.addi %mul3A_5, %add3A_1878 : vector<16xi32>
      %scatter3A_1880 = arith.constant 0 : i32
      %scatter3A_1881 = tpu.memref_slice %arg7[%rem3A_354, %scatter3A_1880] : memref<8x3200xf32, #tpu.memory_space<vmem>> -> memref<1x3200xf32, #tpu.memory_space<vmem>>
      %scatter3A_1882 = tpu.memref_squeeze %scatter3A_1881 : memref<1x3200xf32, #tpu.memory_space<vmem>> -> memref<3200xf32, #tpu.memory_space<vmem>>
      tpu.vector_store_idx %scatter3A_1882[%add3A_1879], %get3A_1876 : memref<3200xf32, #tpu.memory_space<vmem>>[vector<16xi32>], vector<16xf32>,
      %get3A_1883 = arith.constant 34 : i32
      %get3A_1884 = arith.index_cast %rem3A_354 : i32 to index
      %get3A_1885 = arith.index_cast %get3A_1883 : i32 to index
      %get3A_1886 = arith.constant 32 : index
      %get3A_1887 = tpu.vector_load %arg6[%get3A_1884, %get3A_1885, %get3A_1886] {strides = array<i32>} : memref<8x50x64xf32, #tpu.memory_space<vmem>>, vector<16xf32>,
      %add3A_1888 = arith.constant 1634 : i32
      %add3A_1889 = vector.broadcast %add3A_1888 : i32 to vector<16xi32>
      %add3A_1890 = arith.addi %mul3A_5, %add3A_1889 : vector<16xi32>
      %scatter3A_1891 = arith.constant 0 : i32
      %scatter3A_1892 = tpu.memref_slice %arg7[%rem3A_354, %scatter3A_1891] : memref<8x3200xf32, #tpu.memory_space<vmem>> -> memref<1x3200xf32, #tpu.memory_space<vmem>>
      %scatter3A_1893 = tpu.memref_squeeze %scatter3A_1892 : memref<1x3200xf32, #tpu.memory_space<vmem>> -> memref<3200xf32, #tpu.memory_space<vmem>>
      tpu.vector_store_idx %scatter3A_1893[%add3A_1890], %get3A_1887 : memref<3200xf32, #tpu.memory_space<vmem>>[vector<16xi32>], vector<16xf32>,
      %get3A_1894 = arith.constant 34 : i32
      %get3A_1895 = arith.index_cast %rem3A_354 : i32 to index
      %get3A_1896 = arith.index_cast %get3A_1894 : i32 to index
      %get3A_1897 = arith.constant 48 : index
      %get3A_1898 = tpu.vector_load %arg6[%get3A_1895, %get3A_1896, %get3A_1897] {strides = array<i32>} : memref<8x50x64xf32, #tpu.memory_space<vmem>>, vector<16xf32>,
      %add3A_1899 = arith.constant 2434 : i32
      %add3A_1900 = vector.broadcast %add3A_1899 : i32 to vector<16xi32>
      %add3A_1901 = arith.addi %mul3A_5, %add3A_1900 : vector<16xi32>
      %scatter3A_1902 = arith.constant 0 : i32
      %scatter3A_1903 = tpu.memref_slice %arg7[%rem3A_354, %scatter3A_1902] : memref<8x3200xf32, #tpu.memory_space<vmem>> -> memref<1x3200xf32, #tpu.memory_space<vmem>>
      %scatter3A_1904 = tpu.memref_squeeze %scatter3A_1903 : memref<1x3200xf32, #tpu.memory_space<vmem>> -> memref<3200xf32, #tpu.memory_space<vmem>>
      tpu.vector_store_idx %scatter3A_1904[%add3A_1901], %get3A_1898 : memref<3200xf32, #tpu.memory_space<vmem>>[vector<16xi32>], vector<16xf32>,
      %get3A_1905 = arith.constant 35 : i32
      %get3A_1906 = arith.index_cast %rem3A_354 : i32 to index
      %get3A_1907 = arith.index_cast %get3A_1905 : i32 to index
      %get3A_1908 = arith.constant 0 : index
      %get3A_1909 = tpu.vector_load %arg6[%get3A_1906, %get3A_1907, %get3A_1908] {strides = array<i32>} : memref<8x50x64xf32, #tpu.memory_space<vmem>>, vector<16xf32>,
      %add3A_1910 = arith.constant 35 : i32
      %add3A_1911 = vector.broadcast %add3A_1910 : i32 to vector<16xi32>
      %add3A_1912 = arith.addi %mul3A_5, %add3A_1911 : vector<16xi32>
      %scatter3A_1913 = arith.constant 0 : i32
      %scatter3A_1914 = tpu.memref_slice %arg7[%rem3A_354, %scatter3A_1913] : memref<8x3200xf32, #tpu.memory_space<vmem>> -> memref<1x3200xf32, #tpu.memory_space<vmem>>
      %scatter3A_1915 = tpu.memref_squeeze %scatter3A_1914 : memref<1x3200xf32, #tpu.memory_space<vmem>> -> memref<3200xf32, #tpu.memory_space<vmem>>
      tpu.vector_store_idx %scatter3A_1915[%add3A_1912], %get3A_1909 : memref<3200xf32, #tpu.memory_space<vmem>>[vector<16xi32>], vector<16xf32>,
      %get3A_1916 = arith.constant 35 : i32
      %get3A_1917 = arith.index_cast %rem3A_354 : i32 to index
      %get3A_1918 = arith.index_cast %get3A_1916 : i32 to index
      %get3A_1919 = arith.constant 16 : index
      %get3A_1920 = tpu.vector_load %arg6[%get3A_1917, %get3A_1918, %get3A_1919] {strides = array<i32>} : memref<8x50x64xf32, #tpu.memory_space<vmem>>, vector<16xf32>,
      %add3A_1921 = arith.constant 835 : i32
      %add3A_1922 = vector.broadcast %add3A_1921 : i32 to vector<16xi32>
      %add3A_1923 = arith.addi %mul3A_5, %add3A_1922 : vector<16xi32>
      %scatter3A_1924 = arith.constant 0 : i32
      %scatter3A_1925 = tpu.memref_slice %arg7[%rem3A_354, %scatter3A_1924] : memref<8x3200xf32, #tpu.memory_space<vmem>> -> memref<1x3200xf32, #tpu.memory_space<vmem>>
      %scatter3A_1926 = tpu.memref_squeeze %scatter3A_1925 : memref<1x3200xf32, #tpu.memory_space<vmem>> -> memref<3200xf32, #tpu.memory_space<vmem>>
      tpu.vector_store_idx %scatter3A_1926[%add3A_1923], %get3A_1920 : memref<3200xf32, #tpu.memory_space<vmem>>[vector<16xi32>], vector<16xf32>,
      %get3A_1927 = arith.constant 35 : i32
      %get3A_1928 = arith.index_cast %rem3A_354 : i32 to index
      %get3A_1929 = arith.index_cast %get3A_1927 : i32 to index
      %get3A_1930 = arith.constant 32 : index
      %get3A_1931 = tpu.vector_load %arg6[%get3A_1928, %get3A_1929, %get3A_1930] {strides = array<i32>} : memref<8x50x64xf32, #tpu.memory_space<vmem>>, vector<16xf32>,
      %add3A_1932 = arith.constant 1635 : i32
      %add3A_1933 = vector.broadcast %add3A_1932 : i32 to vector<16xi32>
      %add3A_1934 = arith.addi %mul3A_5, %add3A_1933 : vector<16xi32>
      %scatter3A_1935 = arith.constant 0 : i32
      %scatter3A_1936 = tpu.memref_slice %arg7[%rem3A_354, %scatter3A_1935] : memref<8x3200xf32, #tpu.memory_space<vmem>> -> memref<1x3200xf32, #tpu.memory_space<vmem>>
      %scatter3A_1937 = tpu.memref_squeeze %scatter3A_1936 : memref<1x3200xf32, #tpu.memory_space<vmem>> -> memref<3200xf32, #tpu.memory_space<vmem>>
      tpu.vector_store_idx %scatter3A_1937[%add3A_1934], %get3A_1931 : memref<3200xf32, #tpu.memory_space<vmem>>[vector<16xi32>], vector<16xf32>,
      %get3A_1938 = arith.constant 35 : i32
      %get3A_1939 = arith.index_cast %rem3A_354 : i32 to index
      %get3A_1940 = arith.index_cast %get3A_1938 : i32 to index
      %get3A_1941 = arith.constant 48 : index
      %get3A_1942 = tpu.vector_load %arg6[%get3A_1939, %get3A_1940, %get3A_1941] {strides = array<i32>} : memref<8x50x64xf32, #tpu.memory_space<vmem>>, vector<16xf32>,
      %add3A_1943 = arith.constant 2435 : i32
      %add3A_1944 = vector.broadcast %add3A_1943 : i32 to vector<16xi32>
      %add3A_1945 = arith.addi %mul3A_5, %add3A_1944 : vector<16xi32>
      %scatter3A_1946 = arith.constant 0 : i32
      %scatter3A_1947 = tpu.memref_slice %arg7[%rem3A_354, %scatter3A_1946] : memref<8x3200xf32, #tpu.memory_space<vmem>> -> memref<1x3200xf32, #tpu.memory_space<vmem>>
      %scatter3A_1948 = tpu.memref_squeeze %scatter3A_1947 : memref<1x3200xf32, #tpu.memory_space<vmem>> -> memref<3200xf32, #tpu.memory_space<vmem>>
      tpu.vector_store_idx %scatter3A_1948[%add3A_1945], %get3A_1942 : memref<3200xf32, #tpu.memory_space<vmem>>[vector<16xi32>], vector<16xf32>,
      %get3A_1949 = arith.constant 36 : i32
      %get3A_1950 = arith.index_cast %rem3A_354 : i32 to index
      %get3A_1951 = arith.index_cast %get3A_1949 : i32 to index
      %get3A_1952 = arith.constant 0 : index
      %get3A_1953 = tpu.vector_load %arg6[%get3A_1950, %get3A_1951, %get3A_1952] {strides = array<i32>} : memref<8x50x64xf32, #tpu.memory_space<vmem>>, vector<16xf32>,
      %add3A_1954 = arith.constant 36 : i32
      %add3A_1955 = vector.broadcast %add3A_1954 : i32 to vector<16xi32>
      %add3A_1956 = arith.addi %mul3A_5, %add3A_1955 : vector<16xi32>
      %scatter3A_1957 = arith.constant 0 : i32
      %scatter3A_1958 = tpu.memref_slice %arg7[%rem3A_354, %scatter3A_1957] : memref<8x3200xf32, #tpu.memory_space<vmem>> -> memref<1x3200xf32, #tpu.memory_space<vmem>>
      %scatter3A_1959 = tpu.memref_squeeze %scatter3A_1958 : memref<1x3200xf32, #tpu.memory_space<vmem>> -> memref<3200xf32, #tpu.memory_space<vmem>>
      tpu.vector_store_idx %scatter3A_1959[%add3A_1956], %get3A_1953 : memref<3200xf32, #tpu.memory_space<vmem>>[vector<16xi32>], vector<16xf32>,
      %get3A_1960 = arith.constant 36 : i32
      %get3A_1961 = arith.index_cast %rem3A_354 : i32 to index
      %get3A_1962 = arith.index_cast %get3A_1960 : i32 to index
      %get3A_1963 = arith.constant 16 : index
      %get3A_1964 = tpu.vector_load %arg6[%get3A_1961, %get3A_1962, %get3A_1963] {strides = array<i32>} : memref<8x50x64xf32, #tpu.memory_space<vmem>>, vector<16xf32>,
      %add3A_1965 = arith.constant 836 : i32
      %add3A_1966 = vector.broadcast %add3A_1965 : i32 to vector<16xi32>
      %add3A_1967 = arith.addi %mul3A_5, %add3A_1966 : vector<16xi32>
      %scatter3A_1968 = arith.constant 0 : i32
      %scatter3A_1969 = tpu.memref_slice %arg7[%rem3A_354, %scatter3A_1968] : memref<8x3200xf32, #tpu.memory_space<vmem>> -> memref<1x3200xf32, #tpu.memory_space<vmem>>
      %scatter3A_1970 = tpu.memref_squeeze %scatter3A_1969 : memref<1x3200xf32, #tpu.memory_space<vmem>> -> memref<3200xf32, #tpu.memory_space<vmem>>
      tpu.vector_store_idx %scatter3A_1970[%add3A_1967], %get3A_1964 : memref<3200xf32, #tpu.memory_space<vmem>>[vector<16xi32>], vector<16xf32>,
      %get3A_1971 = arith.constant 36 : i32
      %get3A_1972 = arith.index_cast %rem3A_354 : i32 to index
      %get3A_1973 = arith.index_cast %get3A_1971 : i32 to index
      %get3A_1974 = arith.constant 32 : index
      %get3A_1975 = tpu.vector_load %arg6[%get3A_1972, %get3A_1973, %get3A_1974] {strides = array<i32>} : memref<8x50x64xf32, #tpu.memory_space<vmem>>, vector<16xf32>,
      %add3A_1976 = arith.constant 1636 : i32
      %add3A_1977 = vector.broadcast %add3A_1976 : i32 to vector<16xi32>
      %add3A_1978 = arith.addi %mul3A_5, %add3A_1977 : vector<16xi32>
      %scatter3A_1979 = arith.constant 0 : i32
      %scatter3A_1980 = tpu.memref_slice %arg7[%rem3A_354, %scatter3A_1979] : memref<8x3200xf32, #tpu.memory_space<vmem>> -> memref<1x3200xf32, #tpu.memory_space<vmem>>
      %scatter3A_1981 = tpu.memref_squeeze %scatter3A_1980 : memref<1x3200xf32, #tpu.memory_space<vmem>> -> memref<3200xf32, #tpu.memory_space<vmem>>
      tpu.vector_store_idx %scatter3A_1981[%add3A_1978], %get3A_1975 : memref<3200xf32, #tpu.memory_space<vmem>>[vector<16xi32>], vector<16xf32>,
      %get3A_1982 = arith.constant 36 : i32
      %get3A_1983 = arith.index_cast %rem3A_354 : i32 to index
      %get3A_1984 = arith.index_cast %get3A_1982 : i32 to index
      %get3A_1985 = arith.constant 48 : index
      %get3A_1986 = tpu.vector_load %arg6[%get3A_1983, %get3A_1984, %get3A_1985] {strides = array<i32>} : memref<8x50x64xf32, #tpu.memory_space<vmem>>, vector<16xf32>,
      %add3A_1987 = arith.constant 2436 : i32
      %add3A_1988 = vector.broadcast %add3A_1987 : i32 to vector<16xi32>
      %add3A_1989 = arith.addi %mul3A_5, %add3A_1988 : vector<16xi32>
      %scatter3A_1990 = arith.constant 0 : i32
      %scatter3A_1991 = tpu.memref_slice %arg7[%rem3A_354, %scatter3A_1990] : memref<8x3200xf32, #tpu.memory_space<vmem>> -> memref<1x3200xf32, #tpu.memory_space<vmem>>
      %scatter3A_1992 = tpu.memref_squeeze %scatter3A_1991 : memref<1x3200xf32, #tpu.memory_space<vmem>> -> memref<3200xf32, #tpu.memory_space<vmem>>
      tpu.vector_store_idx %scatter3A_1992[%add3A_1989], %get3A_1986 : memref<3200xf32, #tpu.memory_space<vmem>>[vector<16xi32>], vector<16xf32>,
      %get3A_1993 = arith.constant 37 : i32
      %get3A_1994 = arith.index_cast %rem3A_354 : i32 to index
      %get3A_1995 = arith.index_cast %get3A_1993 : i32 to index
      %get3A_1996 = arith.constant 0 : index
      %get3A_1997 = tpu.vector_load %arg6[%get3A_1994, %get3A_1995, %get3A_1996] {strides = array<i32>} : memref<8x50x64xf32, #tpu.memory_space<vmem>>, vector<16xf32>,
      %add3A_1998 = arith.constant 37 : i32
      %add3A_1999 = vector.broadcast %add3A_1998 : i32 to vector<16xi32>
      %add3A_2000 = arith.addi %mul3A_5, %add3A_1999 : vector<16xi32>
      %scatter3A_2001 = arith.constant 0 : i32
      %scatter3A_2002 = tpu.memref_slice %arg7[%rem3A_354, %scatter3A_2001] : memref<8x3200xf32, #tpu.memory_space<vmem>> -> memref<1x3200xf32, #tpu.memory_space<vmem>>
      %scatter3A_2003 = tpu.memref_squeeze %scatter3A_2002 : memref<1x3200xf32, #tpu.memory_space<vmem>> -> memref<3200xf32, #tpu.memory_space<vmem>>
      tpu.vector_store_idx %scatter3A_2003[%add3A_2000], %get3A_1997 : memref<3200xf32, #tpu.memory_space<vmem>>[vector<16xi32>], vector<16xf32>,
      %get3A_2004 = arith.constant 37 : i32
      %get3A_2005 = arith.index_cast %rem3A_354 : i32 to index
      %get3A_2006 = arith.index_cast %get3A_2004 : i32 to index
      %get3A_2007 = arith.constant 16 : index
      %get3A_2008 = tpu.vector_load %arg6[%get3A_2005, %get3A_2006, %get3A_2007] {strides = array<i32>} : memref<8x50x64xf32, #tpu.memory_space<vmem>>, vector<16xf32>,
      %add3A_2009 = arith.constant 837 : i32
      %add3A_2010 = vector.broadcast %add3A_2009 : i32 to vector<16xi32>
      %add3A_2011 = arith.addi %mul3A_5, %add3A_2010 : vector<16xi32>
      %scatter3A_2012 = arith.constant 0 : i32
      %scatter3A_2013 = tpu.memref_slice %arg7[%rem3A_354, %scatter3A_2012] : memref<8x3200xf32, #tpu.memory_space<vmem>> -> memref<1x3200xf32, #tpu.memory_space<vmem>>
      %scatter3A_2014 = tpu.memref_squeeze %scatter3A_2013 : memref<1x3200xf32, #tpu.memory_space<vmem>> -> memref<3200xf32, #tpu.memory_space<vmem>>
      tpu.vector_store_idx %scatter3A_2014[%add3A_2011], %get3A_2008 : memref<3200xf32, #tpu.memory_space<vmem>>[vector<16xi32>], vector<16xf32>,
      %get3A_2015 = arith.constant 37 : i32
      %get3A_2016 = arith.index_cast %rem3A_354 : i32 to index
      %get3A_2017 = arith.index_cast %get3A_2015 : i32 to index
      %get3A_2018 = arith.constant 32 : index
      %get3A_2019 = tpu.vector_load %arg6[%get3A_2016, %get3A_2017, %get3A_2018] {strides = array<i32>} : memref<8x50x64xf32, #tpu.memory_space<vmem>>, vector<16xf32>,
      %add3A_2020 = arith.constant 1637 : i32
      %add3A_2021 = vector.broadcast %add3A_2020 : i32 to vector<16xi32>
      %add3A_2022 = arith.addi %mul3A_5, %add3A_2021 : vector<16xi32>
      %scatter3A_2023 = arith.constant 0 : i32
      %scatter3A_2024 = tpu.memref_slice %arg7[%rem3A_354, %scatter3A_2023] : memref<8x3200xf32, #tpu.memory_space<vmem>> -> memref<1x3200xf32, #tpu.memory_space<vmem>>
      %scatter3A_2025 = tpu.memref_squeeze %scatter3A_2024 : memref<1x3200xf32, #tpu.memory_space<vmem>> -> memref<3200xf32, #tpu.memory_space<vmem>>
      tpu.vector_store_idx %scatter3A_2025[%add3A_2022], %get3A_2019 : memref<3200xf32, #tpu.memory_space<vmem>>[vector<16xi32>], vector<16xf32>,
      %get3A_2026 = arith.constant 37 : i32
      %get3A_2027 = arith.index_cast %rem3A_354 : i32 to index
      %get3A_2028 = arith.index_cast %get3A_2026 : i32 to index
      %get3A_2029 = arith.constant 48 : index
      %get3A_2030 = tpu.vector_load %arg6[%get3A_2027, %get3A_2028, %get3A_2029] {strides = array<i32>} : memref<8x50x64xf32, #tpu.memory_space<vmem>>, vector<16xf32>,
      %add3A_2031 = arith.constant 2437 : i32
      %add3A_2032 = vector.broadcast %add3A_2031 : i32 to vector<16xi32>
      %add3A_2033 = arith.addi %mul3A_5, %add3A_2032 : vector<16xi32>
      %scatter3A_2034 = arith.constant 0 : i32
      %scatter3A_2035 = tpu.memref_slice %arg7[%rem3A_354, %scatter3A_2034] : memref<8x3200xf32, #tpu.memory_space<vmem>> -> memref<1x3200xf32, #tpu.memory_space<vmem>>
      %scatter3A_2036 = tpu.memref_squeeze %scatter3A_2035 : memref<1x3200xf32, #tpu.memory_space<vmem>> -> memref<3200xf32, #tpu.memory_space<vmem>>
      tpu.vector_store_idx %scatter3A_2036[%add3A_2033], %get3A_2030 : memref<3200xf32, #tpu.memory_space<vmem>>[vector<16xi32>], vector<16xf32>,
      %get3A_2037 = arith.constant 38 : i32
      %get3A_2038 = arith.index_cast %rem3A_354 : i32 to index
      %get3A_2039 = arith.index_cast %get3A_2037 : i32 to index
      %get3A_2040 = arith.constant 0 : index
      %get3A_2041 = tpu.vector_load %arg6[%get3A_2038, %get3A_2039, %get3A_2040] {strides = array<i32>} : memref<8x50x64xf32, #tpu.memory_space<vmem>>, vector<16xf32>,
      %add3A_2042 = arith.constant 38 : i32
      %add3A_2043 = vector.broadcast %add3A_2042 : i32 to vector<16xi32>
      %add3A_2044 = arith.addi %mul3A_5, %add3A_2043 : vector<16xi32>
      %scatter3A_2045 = arith.constant 0 : i32
      %scatter3A_2046 = tpu.memref_slice %arg7[%rem3A_354, %scatter3A_2045] : memref<8x3200xf32, #tpu.memory_space<vmem>> -> memref<1x3200xf32, #tpu.memory_space<vmem>>
      %scatter3A_2047 = tpu.memref_squeeze %scatter3A_2046 : memref<1x3200xf32, #tpu.memory_space<vmem>> -> memref<3200xf32, #tpu.memory_space<vmem>>
      tpu.vector_store_idx %scatter3A_2047[%add3A_2044], %get3A_2041 : memref<3200xf32, #tpu.memory_space<vmem>>[vector<16xi32>], vector<16xf32>,
      %get3A_2048 = arith.constant 38 : i32
      %get3A_2049 = arith.index_cast %rem3A_354 : i32 to index
      %get3A_2050 = arith.index_cast %get3A_2048 : i32 to index
      %get3A_2051 = arith.constant 16 : index
      %get3A_2052 = tpu.vector_load %arg6[%get3A_2049, %get3A_2050, %get3A_2051] {strides = array<i32>} : memref<8x50x64xf32, #tpu.memory_space<vmem>>, vector<16xf32>,
      %add3A_2053 = arith.constant 838 : i32
      %add3A_2054 = vector.broadcast %add3A_2053 : i32 to vector<16xi32>
      %add3A_2055 = arith.addi %mul3A_5, %add3A_2054 : vector<16xi32>
      %scatter3A_2056 = arith.constant 0 : i32
      %scatter3A_2057 = tpu.memref_slice %arg7[%rem3A_354, %scatter3A_2056] : memref<8x3200xf32, #tpu.memory_space<vmem>> -> memref<1x3200xf32, #tpu.memory_space<vmem>>
      %scatter3A_2058 = tpu.memref_squeeze %scatter3A_2057 : memref<1x3200xf32, #tpu.memory_space<vmem>> -> memref<3200xf32, #tpu.memory_space<vmem>>
      tpu.vector_store_idx %scatter3A_2058[%add3A_2055], %get3A_2052 : memref<3200xf32, #tpu.memory_space<vmem>>[vector<16xi32>], vector<16xf32>,
      %get3A_2059 = arith.constant 38 : i32
      %get3A_2060 = arith.index_cast %rem3A_354 : i32 to index
      %get3A_2061 = arith.index_cast %get3A_2059 : i32 to index
      %get3A_2062 = arith.constant 32 : index
      %get3A_2063 = tpu.vector_load %arg6[%get3A_2060, %get3A_2061, %get3A_2062] {strides = array<i32>} : memref<8x50x64xf32, #tpu.memory_space<vmem>>, vector<16xf32>,
      %add3A_2064 = arith.constant 1638 : i32
      %add3A_2065 = vector.broadcast %add3A_2064 : i32 to vector<16xi32>
      %add3A_2066 = arith.addi %mul3A_5, %add3A_2065 : vector<16xi32>
      %scatter3A_2067 = arith.constant 0 : i32
      %scatter3A_2068 = tpu.memref_slice %arg7[%rem3A_354, %scatter3A_2067] : memref<8x3200xf32, #tpu.memory_space<vmem>> -> memref<1x3200xf32, #tpu.memory_space<vmem>>
      %scatter3A_2069 = tpu.memref_squeeze %scatter3A_2068 : memref<1x3200xf32, #tpu.memory_space<vmem>> -> memref<3200xf32, #tpu.memory_space<vmem>>
      tpu.vector_store_idx %scatter3A_2069[%add3A_2066], %get3A_2063 : memref<3200xf32, #tpu.memory_space<vmem>>[vector<16xi32>], vector<16xf32>,
      %get3A_2070 = arith.constant 38 : i32
      %get3A_2071 = arith.index_cast %rem3A_354 : i32 to index
      %get3A_2072 = arith.index_cast %get3A_2070 : i32 to index
      %get3A_2073 = arith.constant 48 : index
      %get3A_2074 = tpu.vector_load %arg6[%get3A_2071, %get3A_2072, %get3A_2073] {strides = array<i32>} : memref<8x50x64xf32, #tpu.memory_space<vmem>>, vector<16xf32>,
      %add3A_2075 = arith.constant 2438 : i32
      %add3A_2076 = vector.broadcast %add3A_2075 : i32 to vector<16xi32>
      %add3A_2077 = arith.addi %mul3A_5, %add3A_2076 : vector<16xi32>
      %scatter3A_2078 = arith.constant 0 : i32
      %scatter3A_2079 = tpu.memref_slice %arg7[%rem3A_354, %scatter3A_2078] : memref<8x3200xf32, #tpu.memory_space<vmem>> -> memref<1x3200xf32, #tpu.memory_space<vmem>>
      %scatter3A_2080 = tpu.memref_squeeze %scatter3A_2079 : memref<1x3200xf32, #tpu.memory_space<vmem>> -> memref<3200xf32, #tpu.memory_space<vmem>>
      tpu.vector_store_idx %scatter3A_2080[%add3A_2077], %get3A_2074 : memref<3200xf32, #tpu.memory_space<vmem>>[vector<16xi32>], vector<16xf32>,
      %get3A_2081 = arith.constant 39 : i32
      %get3A_2082 = arith.index_cast %rem3A_354 : i32 to index
      %get3A_2083 = arith.index_cast %get3A_2081 : i32 to index
      %get3A_2084 = arith.constant 0 : index
      %get3A_2085 = tpu.vector_load %arg6[%get3A_2082, %get3A_2083, %get3A_2084] {strides = array<i32>} : memref<8x50x64xf32, #tpu.memory_space<vmem>>, vector<16xf32>,
      %add3A_2086 = arith.constant 39 : i32
      %add3A_2087 = vector.broadcast %add3A_2086 : i32 to vector<16xi32>
      %add3A_2088 = arith.addi %mul3A_5, %add3A_2087 : vector<16xi32>
      %scatter3A_2089 = arith.constant 0 : i32
      %scatter3A_2090 = tpu.memref_slice %arg7[%rem3A_354, %scatter3A_2089] : memref<8x3200xf32, #tpu.memory_space<vmem>> -> memref<1x3200xf32, #tpu.memory_space<vmem>>
      %scatter3A_2091 = tpu.memref_squeeze %scatter3A_2090 : memref<1x3200xf32, #tpu.memory_space<vmem>> -> memref<3200xf32, #tpu.memory_space<vmem>>
      tpu.vector_store_idx %scatter3A_2091[%add3A_2088], %get3A_2085 : memref<3200xf32, #tpu.memory_space<vmem>>[vector<16xi32>], vector<16xf32>,
      %get3A_2092 = arith.constant 39 : i32
      %get3A_2093 = arith.index_cast %rem3A_354 : i32 to index
      %get3A_2094 = arith.index_cast %get3A_2092 : i32 to index
      %get3A_2095 = arith.constant 16 : index
      %get3A_2096 = tpu.vector_load %arg6[%get3A_2093, %get3A_2094, %get3A_2095] {strides = array<i32>} : memref<8x50x64xf32, #tpu.memory_space<vmem>>, vector<16xf32>,
      %add3A_2097 = arith.constant 839 : i32
      %add3A_2098 = vector.broadcast %add3A_2097 : i32 to vector<16xi32>
      %add3A_2099 = arith.addi %mul3A_5, %add3A_2098 : vector<16xi32>
      %scatter3A_2100 = arith.constant 0 : i32
      %scatter3A_2101 = tpu.memref_slice %arg7[%rem3A_354, %scatter3A_2100] : memref<8x3200xf32, #tpu.memory_space<vmem>> -> memref<1x3200xf32, #tpu.memory_space<vmem>>
      %scatter3A_2102 = tpu.memref_squeeze %scatter3A_2101 : memref<1x3200xf32, #tpu.memory_space<vmem>> -> memref<3200xf32, #tpu.memory_space<vmem>>
      tpu.vector_store_idx %scatter3A_2102[%add3A_2099], %get3A_2096 : memref<3200xf32, #tpu.memory_space<vmem>>[vector<16xi32>], vector<16xf32>,
      %get3A_2103 = arith.constant 39 : i32
      %get3A_2104 = arith.index_cast %rem3A_354 : i32 to index
      %get3A_2105 = arith.index_cast %get3A_2103 : i32 to index
      %get3A_2106 = arith.constant 32 : index
      %get3A_2107 = tpu.vector_load %arg6[%get3A_2104, %get3A_2105, %get3A_2106] {strides = array<i32>} : memref<8x50x64xf32, #tpu.memory_space<vmem>>, vector<16xf32>,
      %add3A_2108 = arith.constant 1639 : i32
      %add3A_2109 = vector.broadcast %add3A_2108 : i32 to vector<16xi32>
      %add3A_2110 = arith.addi %mul3A_5, %add3A_2109 : vector<16xi32>
      %scatter3A_2111 = arith.constant 0 : i32
      %scatter3A_2112 = tpu.memref_slice %arg7[%rem3A_354, %scatter3A_2111] : memref<8x3200xf32, #tpu.memory_space<vmem>> -> memref<1x3200xf32, #tpu.memory_space<vmem>>
      %scatter3A_2113 = tpu.memref_squeeze %scatter3A_2112 : memref<1x3200xf32, #tpu.memory_space<vmem>> -> memref<3200xf32, #tpu.memory_space<vmem>>
      tpu.vector_store_idx %scatter3A_2113[%add3A_2110], %get3A_2107 : memref<3200xf32, #tpu.memory_space<vmem>>[vector<16xi32>], vector<16xf32>,
      %get3A_2114 = arith.constant 39 : i32
      %get3A_2115 = arith.index_cast %rem3A_354 : i32 to index
      %get3A_2116 = arith.index_cast %get3A_2114 : i32 to index
      %get3A_2117 = arith.constant 48 : index
      %get3A_2118 = tpu.vector_load %arg6[%get3A_2115, %get3A_2116, %get3A_2117] {strides = array<i32>} : memref<8x50x64xf32, #tpu.memory_space<vmem>>, vector<16xf32>,
      %add3A_2119 = arith.constant 2439 : i32
      %add3A_2120 = vector.broadcast %add3A_2119 : i32 to vector<16xi32>
      %add3A_2121 = arith.addi %mul3A_5, %add3A_2120 : vector<16xi32>
      %scatter3A_2122 = arith.constant 0 : i32
      %scatter3A_2123 = tpu.memref_slice %arg7[%rem3A_354, %scatter3A_2122] : memref<8x3200xf32, #tpu.memory_space<vmem>> -> memref<1x3200xf32, #tpu.memory_space<vmem>>
      %scatter3A_2124 = tpu.memref_squeeze %scatter3A_2123 : memref<1x3200xf32, #tpu.memory_space<vmem>> -> memref<3200xf32, #tpu.memory_space<vmem>>
      tpu.vector_store_idx %scatter3A_2124[%add3A_2121], %get3A_2118 : memref<3200xf32, #tpu.memory_space<vmem>>[vector<16xi32>], vector<16xf32>,
      %get3A_2125 = arith.constant 40 : i32
      %get3A_2126 = arith.index_cast %rem3A_354 : i32 to index
      %get3A_2127 = arith.index_cast %get3A_2125 : i32 to index
      %get3A_2128 = arith.constant 0 : index
      %get3A_2129 = tpu.vector_load %arg6[%get3A_2126, %get3A_2127, %get3A_2128] {strides = array<i32>} : memref<8x50x64xf32, #tpu.memory_space<vmem>>, vector<16xf32>,
      %add3A_2130 = arith.constant 40 : i32
      %add3A_2131 = vector.broadcast %add3A_2130 : i32 to vector<16xi32>
      %add3A_2132 = arith.addi %mul3A_5, %add3A_2131 : vector<16xi32>
      %scatter3A_2133 = arith.constant 0 : i32
      %scatter3A_2134 = tpu.memref_slice %arg7[%rem3A_354, %scatter3A_2133] : memref<8x3200xf32, #tpu.memory_space<vmem>> -> memref<1x3200xf32, #tpu.memory_space<vmem>>
      %scatter3A_2135 = tpu.memref_squeeze %scatter3A_2134 : memref<1x3200xf32, #tpu.memory_space<vmem>> -> memref<3200xf32, #tpu.memory_space<vmem>>
      tpu.vector_store_idx %scatter3A_2135[%add3A_2132], %get3A_2129 : memref<3200xf32, #tpu.memory_space<vmem>>[vector<16xi32>], vector<16xf32>,
      %get3A_2136 = arith.constant 40 : i32
      %get3A_2137 = arith.index_cast %rem3A_354 : i32 to index
      %get3A_2138 = arith.index_cast %get3A_2136 : i32 to index
      %get3A_2139 = arith.constant 16 : index
      %get3A_2140 = tpu.vector_load %arg6[%get3A_2137, %get3A_2138, %get3A_2139] {strides = array<i32>} : memref<8x50x64xf32, #tpu.memory_space<vmem>>, vector<16xf32>,
      %add3A_2141 = arith.constant 840 : i32
      %add3A_2142 = vector.broadcast %add3A_2141 : i32 to vector<16xi32>
      %add3A_2143 = arith.addi %mul3A_5, %add3A_2142 : vector<16xi32>
      %scatter3A_2144 = arith.constant 0 : i32
      %scatter3A_2145 = tpu.memref_slice %arg7[%rem3A_354, %scatter3A_2144] : memref<8x3200xf32, #tpu.memory_space<vmem>> -> memref<1x3200xf32, #tpu.memory_space<vmem>>
      %scatter3A_2146 = tpu.memref_squeeze %scatter3A_2145 : memref<1x3200xf32, #tpu.memory_space<vmem>> -> memref<3200xf32, #tpu.memory_space<vmem>>
      tpu.vector_store_idx %scatter3A_2146[%add3A_2143], %get3A_2140 : memref<3200xf32, #tpu.memory_space<vmem>>[vector<16xi32>], vector<16xf32>,
      %get3A_2147 = arith.constant 40 : i32
      %get3A_2148 = arith.index_cast %rem3A_354 : i32 to index
      %get3A_2149 = arith.index_cast %get3A_2147 : i32 to index
      %get3A_2150 = arith.constant 32 : index
      %get3A_2151 = tpu.vector_load %arg6[%get3A_2148, %get3A_2149, %get3A_2150] {strides = array<i32>} : memref<8x50x64xf32, #tpu.memory_space<vmem>>, vector<16xf32>,
      %add3A_2152 = arith.constant 1640 : i32
      %add3A_2153 = vector.broadcast %add3A_2152 : i32 to vector<16xi32>
      %add3A_2154 = arith.addi %mul3A_5, %add3A_2153 : vector<16xi32>
      %scatter3A_2155 = arith.constant 0 : i32
      %scatter3A_2156 = tpu.memref_slice %arg7[%rem3A_354, %scatter3A_2155] : memref<8x3200xf32, #tpu.memory_space<vmem>> -> memref<1x3200xf32, #tpu.memory_space<vmem>>
      %scatter3A_2157 = tpu.memref_squeeze %scatter3A_2156 : memref<1x3200xf32, #tpu.memory_space<vmem>> -> memref<3200xf32, #tpu.memory_space<vmem>>
      tpu.vector_store_idx %scatter3A_2157[%add3A_2154], %get3A_2151 : memref<3200xf32, #tpu.memory_space<vmem>>[vector<16xi32>], vector<16xf32>,
      %get3A_2158 = arith.constant 40 : i32
      %get3A_2159 = arith.index_cast %rem3A_354 : i32 to index
      %get3A_2160 = arith.index_cast %get3A_2158 : i32 to index
      %get3A_2161 = arith.constant 48 : index
      %get3A_2162 = tpu.vector_load %arg6[%get3A_2159, %get3A_2160, %get3A_2161] {strides = array<i32>} : memref<8x50x64xf32, #tpu.memory_space<vmem>>, vector<16xf32>,
      %add3A_2163 = arith.constant 2440 : i32
      %add3A_2164 = vector.broadcast %add3A_2163 : i32 to vector<16xi32>
      %add3A_2165 = arith.addi %mul3A_5, %add3A_2164 : vector<16xi32>
      %scatter3A_2166 = arith.constant 0 : i32
      %scatter3A_2167 = tpu.memref_slice %arg7[%rem3A_354, %scatter3A_2166] : memref<8x3200xf32, #tpu.memory_space<vmem>> -> memref<1x3200xf32, #tpu.memory_space<vmem>>
      %scatter3A_2168 = tpu.memref_squeeze %scatter3A_2167 : memref<1x3200xf32, #tpu.memory_space<vmem>> -> memref<3200xf32, #tpu.memory_space<vmem>>
      tpu.vector_store_idx %scatter3A_2168[%add3A_2165], %get3A_2162 : memref<3200xf32, #tpu.memory_space<vmem>>[vector<16xi32>], vector<16xf32>,
      %get3A_2169 = arith.constant 41 : i32
      %get3A_2170 = arith.index_cast %rem3A_354 : i32 to index
      %get3A_2171 = arith.index_cast %get3A_2169 : i32 to index
      %get3A_2172 = arith.constant 0 : index
      %get3A_2173 = tpu.vector_load %arg6[%get3A_2170, %get3A_2171, %get3A_2172] {strides = array<i32>} : memref<8x50x64xf32, #tpu.memory_space<vmem>>, vector<16xf32>,
      %add3A_2174 = arith.constant 41 : i32
      %add3A_2175 = vector.broadcast %add3A_2174 : i32 to vector<16xi32>
      %add3A_2176 = arith.addi %mul3A_5, %add3A_2175 : vector<16xi32>
      %scatter3A_2177 = arith.constant 0 : i32
      %scatter3A_2178 = tpu.memref_slice %arg7[%rem3A_354, %scatter3A_2177] : memref<8x3200xf32, #tpu.memory_space<vmem>> -> memref<1x3200xf32, #tpu.memory_space<vmem>>
      %scatter3A_2179 = tpu.memref_squeeze %scatter3A_2178 : memref<1x3200xf32, #tpu.memory_space<vmem>> -> memref<3200xf32, #tpu.memory_space<vmem>>
      tpu.vector_store_idx %scatter3A_2179[%add3A_2176], %get3A_2173 : memref<3200xf32, #tpu.memory_space<vmem>>[vector<16xi32>], vector<16xf32>,
      %get3A_2180 = arith.constant 41 : i32
      %get3A_2181 = arith.index_cast %rem3A_354 : i32 to index
      %get3A_2182 = arith.index_cast %get3A_2180 : i32 to index
      %get3A_2183 = arith.constant 16 : index
      %get3A_2184 = tpu.vector_load %arg6[%get3A_2181, %get3A_2182, %get3A_2183] {strides = array<i32>} : memref<8x50x64xf32, #tpu.memory_space<vmem>>, vector<16xf32>,
      %add3A_2185 = arith.constant 841 : i32
      %add3A_2186 = vector.broadcast %add3A_2185 : i32 to vector<16xi32>
      %add3A_2187 = arith.addi %mul3A_5, %add3A_2186 : vector<16xi32>
      %scatter3A_2188 = arith.constant 0 : i32
      %scatter3A_2189 = tpu.memref_slice %arg7[%rem3A_354, %scatter3A_2188] : memref<8x3200xf32, #tpu.memory_space<vmem>> -> memref<1x3200xf32, #tpu.memory_space<vmem>>
      %scatter3A_2190 = tpu.memref_squeeze %scatter3A_2189 : memref<1x3200xf32, #tpu.memory_space<vmem>> -> memref<3200xf32, #tpu.memory_space<vmem>>
      tpu.vector_store_idx %scatter3A_2190[%add3A_2187], %get3A_2184 : memref<3200xf32, #tpu.memory_space<vmem>>[vector<16xi32>], vector<16xf32>,
      %get3A_2191 = arith.constant 41 : i32
      %get3A_2192 = arith.index_cast %rem3A_354 : i32 to index
      %get3A_2193 = arith.index_cast %get3A_2191 : i32 to index
      %get3A_2194 = arith.constant 32 : index
      %get3A_2195 = tpu.vector_load %arg6[%get3A_2192, %get3A_2193, %get3A_2194] {strides = array<i32>} : memref<8x50x64xf32, #tpu.memory_space<vmem>>, vector<16xf32>,
      %add3A_2196 = arith.constant 1641 : i32
      %add3A_2197 = vector.broadcast %add3A_2196 : i32 to vector<16xi32>
      %add3A_2198 = arith.addi %mul3A_5, %add3A_2197 : vector<16xi32>
      %scatter3A_2199 = arith.constant 0 : i32
      %scatter3A_2200 = tpu.memref_slice %arg7[%rem3A_354, %scatter3A_2199] : memref<8x3200xf32, #tpu.memory_space<vmem>> -> memref<1x3200xf32, #tpu.memory_space<vmem>>
      %scatter3A_2201 = tpu.memref_squeeze %scatter3A_2200 : memref<1x3200xf32, #tpu.memory_space<vmem>> -> memref<3200xf32, #tpu.memory_space<vmem>>
      tpu.vector_store_idx %scatter3A_2201[%add3A_2198], %get3A_2195 : memref<3200xf32, #tpu.memory_space<vmem>>[vector<16xi32>], vector<16xf32>,
      %get3A_2202 = arith.constant 41 : i32
      %get3A_2203 = arith.index_cast %rem3A_354 : i32 to index
      %get3A_2204 = arith.index_cast %get3A_2202 : i32 to index
      %get3A_2205 = arith.constant 48 : index
      %get3A_2206 = tpu.vector_load %arg6[%get3A_2203, %get3A_2204, %get3A_2205] {strides = array<i32>} : memref<8x50x64xf32, #tpu.memory_space<vmem>>, vector<16xf32>,
      %add3A_2207 = arith.constant 2441 : i32
      %add3A_2208 = vector.broadcast %add3A_2207 : i32 to vector<16xi32>
      %add3A_2209 = arith.addi %mul3A_5, %add3A_2208 : vector<16xi32>
      %scatter3A_2210 = arith.constant 0 : i32
      %scatter3A_2211 = tpu.memref_slice %arg7[%rem3A_354, %scatter3A_2210] : memref<8x3200xf32, #tpu.memory_space<vmem>> -> memref<1x3200xf32, #tpu.memory_space<vmem>>
      %scatter3A_2212 = tpu.memref_squeeze %scatter3A_2211 : memref<1x3200xf32, #tpu.memory_space<vmem>> -> memref<3200xf32, #tpu.memory_space<vmem>>
      tpu.vector_store_idx %scatter3A_2212[%add3A_2209], %get3A_2206 : memref<3200xf32, #tpu.memory_space<vmem>>[vector<16xi32>], vector<16xf32>,
      %get3A_2213 = arith.constant 42 : i32
      %get3A_2214 = arith.index_cast %rem3A_354 : i32 to index
      %get3A_2215 = arith.index_cast %get3A_2213 : i32 to index
      %get3A_2216 = arith.constant 0 : index
      %get3A_2217 = tpu.vector_load %arg6[%get3A_2214, %get3A_2215, %get3A_2216] {strides = array<i32>} : memref<8x50x64xf32, #tpu.memory_space<vmem>>, vector<16xf32>,
      %add3A_2218 = arith.constant 42 : i32
      %add3A_2219 = vector.broadcast %add3A_2218 : i32 to vector<16xi32>
      %add3A_2220 = arith.addi %mul3A_5, %add3A_2219 : vector<16xi32>
      %scatter3A_2221 = arith.constant 0 : i32
      %scatter3A_2222 = tpu.memref_slice %arg7[%rem3A_354, %scatter3A_2221] : memref<8x3200xf32, #tpu.memory_space<vmem>> -> memref<1x3200xf32, #tpu.memory_space<vmem>>
      %scatter3A_2223 = tpu.memref_squeeze %scatter3A_2222 : memref<1x3200xf32, #tpu.memory_space<vmem>> -> memref<3200xf32, #tpu.memory_space<vmem>>
      tpu.vector_store_idx %scatter3A_2223[%add3A_2220], %get3A_2217 : memref<3200xf32, #tpu.memory_space<vmem>>[vector<16xi32>], vector<16xf32>,
      %get3A_2224 = arith.constant 42 : i32
      %get3A_2225 = arith.index_cast %rem3A_354 : i32 to index
      %get3A_2226 = arith.index_cast %get3A_2224 : i32 to index
      %get3A_2227 = arith.constant 16 : index
      %get3A_2228 = tpu.vector_load %arg6[%get3A_2225, %get3A_2226, %get3A_2227] {strides = array<i32>} : memref<8x50x64xf32, #tpu.memory_space<vmem>>, vector<16xf32>,
      %add3A_2229 = arith.constant 842 : i32
      %add3A_2230 = vector.broadcast %add3A_2229 : i32 to vector<16xi32>
      %add3A_2231 = arith.addi %mul3A_5, %add3A_2230 : vector<16xi32>
      %scatter3A_2232 = arith.constant 0 : i32
      %scatter3A_2233 = tpu.memref_slice %arg7[%rem3A_354, %scatter3A_2232] : memref<8x3200xf32, #tpu.memory_space<vmem>> -> memref<1x3200xf32, #tpu.memory_space<vmem>>
      %scatter3A_2234 = tpu.memref_squeeze %scatter3A_2233 : memref<1x3200xf32, #tpu.memory_space<vmem>> -> memref<3200xf32, #tpu.memory_space<vmem>>
      tpu.vector_store_idx %scatter3A_2234[%add3A_2231], %get3A_2228 : memref<3200xf32, #tpu.memory_space<vmem>>[vector<16xi32>], vector<16xf32>,
      %get3A_2235 = arith.constant 42 : i32
      %get3A_2236 = arith.index_cast %rem3A_354 : i32 to index
      %get3A_2237 = arith.index_cast %get3A_2235 : i32 to index
      %get3A_2238 = arith.constant 32 : index
      %get3A_2239 = tpu.vector_load %arg6[%get3A_2236, %get3A_2237, %get3A_2238] {strides = array<i32>} : memref<8x50x64xf32, #tpu.memory_space<vmem>>, vector<16xf32>,
      %add3A_2240 = arith.constant 1642 : i32
      %add3A_2241 = vector.broadcast %add3A_2240 : i32 to vector<16xi32>
      %add3A_2242 = arith.addi %mul3A_5, %add3A_2241 : vector<16xi32>
      %scatter3A_2243 = arith.constant 0 : i32
      %scatter3A_2244 = tpu.memref_slice %arg7[%rem3A_354, %scatter3A_2243] : memref<8x3200xf32, #tpu.memory_space<vmem>> -> memref<1x3200xf32, #tpu.memory_space<vmem>>
      %scatter3A_2245 = tpu.memref_squeeze %scatter3A_2244 : memref<1x3200xf32, #tpu.memory_space<vmem>> -> memref<3200xf32, #tpu.memory_space<vmem>>
      tpu.vector_store_idx %scatter3A_2245[%add3A_2242], %get3A_2239 : memref<3200xf32, #tpu.memory_space<vmem>>[vector<16xi32>], vector<16xf32>,
      %get3A_2246 = arith.constant 42 : i32
      %get3A_2247 = arith.index_cast %rem3A_354 : i32 to index
      %get3A_2248 = arith.index_cast %get3A_2246 : i32 to index
      %get3A_2249 = arith.constant 48 : index
      %get3A_2250 = tpu.vector_load %arg6[%get3A_2247, %get3A_2248, %get3A_2249] {strides = array<i32>} : memref<8x50x64xf32, #tpu.memory_space<vmem>>, vector<16xf32>,
      %add3A_2251 = arith.constant 2442 : i32
      %add3A_2252 = vector.broadcast %add3A_2251 : i32 to vector<16xi32>
      %add3A_2253 = arith.addi %mul3A_5, %add3A_2252 : vector<16xi32>
      %scatter3A_2254 = arith.constant 0 : i32
      %scatter3A_2255 = tpu.memref_slice %arg7[%rem3A_354, %scatter3A_2254] : memref<8x3200xf32, #tpu.memory_space<vmem>> -> memref<1x3200xf32, #tpu.memory_space<vmem>>
      %scatter3A_2256 = tpu.memref_squeeze %scatter3A_2255 : memref<1x3200xf32, #tpu.memory_space<vmem>> -> memref<3200xf32, #tpu.memory_space<vmem>>
      tpu.vector_store_idx %scatter3A_2256[%add3A_2253], %get3A_2250 : memref<3200xf32, #tpu.memory_space<vmem>>[vector<16xi32>], vector<16xf32>,
      %get3A_2257 = arith.constant 43 : i32
      %get3A_2258 = arith.index_cast %rem3A_354 : i32 to index
      %get3A_2259 = arith.index_cast %get3A_2257 : i32 to index
      %get3A_2260 = arith.constant 0 : index
      %get3A_2261 = tpu.vector_load %arg6[%get3A_2258, %get3A_2259, %get3A_2260] {strides = array<i32>} : memref<8x50x64xf32, #tpu.memory_space<vmem>>, vector<16xf32>,
      %add3A_2262 = arith.constant 43 : i32
      %add3A_2263 = vector.broadcast %add3A_2262 : i32 to vector<16xi32>
      %add3A_2264 = arith.addi %mul3A_5, %add3A_2263 : vector<16xi32>
      %scatter3A_2265 = arith.constant 0 : i32
      %scatter3A_2266 = tpu.memref_slice %arg7[%rem3A_354, %scatter3A_2265] : memref<8x3200xf32, #tpu.memory_space<vmem>> -> memref<1x3200xf32, #tpu.memory_space<vmem>>
      %scatter3A_2267 = tpu.memref_squeeze %scatter3A_2266 : memref<1x3200xf32, #tpu.memory_space<vmem>> -> memref<3200xf32, #tpu.memory_space<vmem>>
      tpu.vector_store_idx %scatter3A_2267[%add3A_2264], %get3A_2261 : memref<3200xf32, #tpu.memory_space<vmem>>[vector<16xi32>], vector<16xf32>,
      %get3A_2268 = arith.constant 43 : i32
      %get3A_2269 = arith.index_cast %rem3A_354 : i32 to index
      %get3A_2270 = arith.index_cast %get3A_2268 : i32 to index
      %get3A_2271 = arith.constant 16 : index
      %get3A_2272 = tpu.vector_load %arg6[%get3A_2269, %get3A_2270, %get3A_2271] {strides = array<i32>} : memref<8x50x64xf32, #tpu.memory_space<vmem>>, vector<16xf32>,
      %add3A_2273 = arith.constant 843 : i32
      %add3A_2274 = vector.broadcast %add3A_2273 : i32 to vector<16xi32>
      %add3A_2275 = arith.addi %mul3A_5, %add3A_2274 : vector<16xi32>
      %scatter3A_2276 = arith.constant 0 : i32
      %scatter3A_2277 = tpu.memref_slice %arg7[%rem3A_354, %scatter3A_2276] : memref<8x3200xf32, #tpu.memory_space<vmem>> -> memref<1x3200xf32, #tpu.memory_space<vmem>>
      %scatter3A_2278 = tpu.memref_squeeze %scatter3A_2277 : memref<1x3200xf32, #tpu.memory_space<vmem>> -> memref<3200xf32, #tpu.memory_space<vmem>>
      tpu.vector_store_idx %scatter3A_2278[%add3A_2275], %get3A_2272 : memref<3200xf32, #tpu.memory_space<vmem>>[vector<16xi32>], vector<16xf32>,
      %get3A_2279 = arith.constant 43 : i32
      %get3A_2280 = arith.index_cast %rem3A_354 : i32 to index
      %get3A_2281 = arith.index_cast %get3A_2279 : i32 to index
      %get3A_2282 = arith.constant 32 : index
      %get3A_2283 = tpu.vector_load %arg6[%get3A_2280, %get3A_2281, %get3A_2282] {strides = array<i32>} : memref<8x50x64xf32, #tpu.memory_space<vmem>>, vector<16xf32>,
      %add3A_2284 = arith.constant 1643 : i32
      %add3A_2285 = vector.broadcast %add3A_2284 : i32 to vector<16xi32>
      %add3A_2286 = arith.addi %mul3A_5, %add3A_2285 : vector<16xi32>
      %scatter3A_2287 = arith.constant 0 : i32
      %scatter3A_2288 = tpu.memref_slice %arg7[%rem3A_354, %scatter3A_2287] : memref<8x3200xf32, #tpu.memory_space<vmem>> -> memref<1x3200xf32, #tpu.memory_space<vmem>>
      %scatter3A_2289 = tpu.memref_squeeze %scatter3A_2288 : memref<1x3200xf32, #tpu.memory_space<vmem>> -> memref<3200xf32, #tpu.memory_space<vmem>>
      tpu.vector_store_idx %scatter3A_2289[%add3A_2286], %get3A_2283 : memref<3200xf32, #tpu.memory_space<vmem>>[vector<16xi32>], vector<16xf32>,
      %get3A_2290 = arith.constant 43 : i32
      %get3A_2291 = arith.index_cast %rem3A_354 : i32 to index
      %get3A_2292 = arith.index_cast %get3A_2290 : i32 to index
      %get3A_2293 = arith.constant 48 : index
      %get3A_2294 = tpu.vector_load %arg6[%get3A_2291, %get3A_2292, %get3A_2293] {strides = array<i32>} : memref<8x50x64xf32, #tpu.memory_space<vmem>>, vector<16xf32>,
      %add3A_2295 = arith.constant 2443 : i32
      %add3A_2296 = vector.broadcast %add3A_2295 : i32 to vector<16xi32>
      %add3A_2297 = arith.addi %mul3A_5, %add3A_2296 : vector<16xi32>
      %scatter3A_2298 = arith.constant 0 : i32
      %scatter3A_2299 = tpu.memref_slice %arg7[%rem3A_354, %scatter3A_2298] : memref<8x3200xf32, #tpu.memory_space<vmem>> -> memref<1x3200xf32, #tpu.memory_space<vmem>>
      %scatter3A_2300 = tpu.memref_squeeze %scatter3A_2299 : memref<1x3200xf32, #tpu.memory_space<vmem>> -> memref<3200xf32, #tpu.memory_space<vmem>>
      tpu.vector_store_idx %scatter3A_2300[%add3A_2297], %get3A_2294 : memref<3200xf32, #tpu.memory_space<vmem>>[vector<16xi32>], vector<16xf32>,
      %get3A_2301 = arith.constant 44 : i32
      %get3A_2302 = arith.index_cast %rem3A_354 : i32 to index
      %get3A_2303 = arith.index_cast %get3A_2301 : i32 to index
      %get3A_2304 = arith.constant 0 : index
      %get3A_2305 = tpu.vector_load %arg6[%get3A_2302, %get3A_2303, %get3A_2304] {strides = array<i32>} : memref<8x50x64xf32, #tpu.memory_space<vmem>>, vector<16xf32>,
      %add3A_2306 = arith.constant 44 : i32
      %add3A_2307 = vector.broadcast %add3A_2306 : i32 to vector<16xi32>
      %add3A_2308 = arith.addi %mul3A_5, %add3A_2307 : vector<16xi32>
      %scatter3A_2309 = arith.constant 0 : i32
      %scatter3A_2310 = tpu.memref_slice %arg7[%rem3A_354, %scatter3A_2309] : memref<8x3200xf32, #tpu.memory_space<vmem>> -> memref<1x3200xf32, #tpu.memory_space<vmem>>
      %scatter3A_2311 = tpu.memref_squeeze %scatter3A_2310 : memref<1x3200xf32, #tpu.memory_space<vmem>> -> memref<3200xf32, #tpu.memory_space<vmem>>
      tpu.vector_store_idx %scatter3A_2311[%add3A_2308], %get3A_2305 : memref<3200xf32, #tpu.memory_space<vmem>>[vector<16xi32>], vector<16xf32>,
      %get3A_2312 = arith.constant 44 : i32
      %get3A_2313 = arith.index_cast %rem3A_354 : i32 to index
      %get3A_2314 = arith.index_cast %get3A_2312 : i32 to index
      %get3A_2315 = arith.constant 16 : index
      %get3A_2316 = tpu.vector_load %arg6[%get3A_2313, %get3A_2314, %get3A_2315] {strides = array<i32>} : memref<8x50x64xf32, #tpu.memory_space<vmem>>, vector<16xf32>,
      %add3A_2317 = arith.constant 844 : i32
      %add3A_2318 = vector.broadcast %add3A_2317 : i32 to vector<16xi32>
      %add3A_2319 = arith.addi %mul3A_5, %add3A_2318 : vector<16xi32>
      %scatter3A_2320 = arith.constant 0 : i32
      %scatter3A_2321 = tpu.memref_slice %arg7[%rem3A_354, %scatter3A_2320] : memref<8x3200xf32, #tpu.memory_space<vmem>> -> memref<1x3200xf32, #tpu.memory_space<vmem>>
      %scatter3A_2322 = tpu.memref_squeeze %scatter3A_2321 : memref<1x3200xf32, #tpu.memory_space<vmem>> -> memref<3200xf32, #tpu.memory_space<vmem>>
      tpu.vector_store_idx %scatter3A_2322[%add3A_2319], %get3A_2316 : memref<3200xf32, #tpu.memory_space<vmem>>[vector<16xi32>], vector<16xf32>,
      %get3A_2323 = arith.constant 44 : i32
      %get3A_2324 = arith.index_cast %rem3A_354 : i32 to index
      %get3A_2325 = arith.index_cast %get3A_2323 : i32 to index
      %get3A_2326 = arith.constant 32 : index
      %get3A_2327 = tpu.vector_load %arg6[%get3A_2324, %get3A_2325, %get3A_2326] {strides = array<i32>} : memref<8x50x64xf32, #tpu.memory_space<vmem>>, vector<16xf32>,
      %add3A_2328 = arith.constant 1644 : i32
      %add3A_2329 = vector.broadcast %add3A_2328 : i32 to vector<16xi32>
      %add3A_2330 = arith.addi %mul3A_5, %add3A_2329 : vector<16xi32>
      %scatter3A_2331 = arith.constant 0 : i32
      %scatter3A_2332 = tpu.memref_slice %arg7[%rem3A_354, %scatter3A_2331] : memref<8x3200xf32, #tpu.memory_space<vmem>> -> memref<1x3200xf32, #tpu.memory_space<vmem>>
      %scatter3A_2333 = tpu.memref_squeeze %scatter3A_2332 : memref<1x3200xf32, #tpu.memory_space<vmem>> -> memref<3200xf32, #tpu.memory_space<vmem>>
      tpu.vector_store_idx %scatter3A_2333[%add3A_2330], %get3A_2327 : memref<3200xf32, #tpu.memory_space<vmem>>[vector<16xi32>], vector<16xf32>,
      %get3A_2334 = arith.constant 44 : i32
      %get3A_2335 = arith.index_cast %rem3A_354 : i32 to index
      %get3A_2336 = arith.index_cast %get3A_2334 : i32 to index
      %get3A_2337 = arith.constant 48 : index
      %get3A_2338 = tpu.vector_load %arg6[%get3A_2335, %get3A_2336, %get3A_2337] {strides = array<i32>} : memref<8x50x64xf32, #tpu.memory_space<vmem>>, vector<16xf32>,
      %add3A_2339 = arith.constant 2444 : i32
      %add3A_2340 = vector.broadcast %add3A_2339 : i32 to vector<16xi32>
      %add3A_2341 = arith.addi %mul3A_5, %add3A_2340 : vector<16xi32>
      %scatter3A_2342 = arith.constant 0 : i32
      %scatter3A_2343 = tpu.memref_slice %arg7[%rem3A_354, %scatter3A_2342] : memref<8x3200xf32, #tpu.memory_space<vmem>> -> memref<1x3200xf32, #tpu.memory_space<vmem>>
      %scatter3A_2344 = tpu.memref_squeeze %scatter3A_2343 : memref<1x3200xf32, #tpu.memory_space<vmem>> -> memref<3200xf32, #tpu.memory_space<vmem>>
      tpu.vector_store_idx %scatter3A_2344[%add3A_2341], %get3A_2338 : memref<3200xf32, #tpu.memory_space<vmem>>[vector<16xi32>], vector<16xf32>,
      %get3A_2345 = arith.constant 45 : i32
      %get3A_2346 = arith.index_cast %rem3A_354 : i32 to index
      %get3A_2347 = arith.index_cast %get3A_2345 : i32 to index
      %get3A_2348 = arith.constant 0 : index
      %get3A_2349 = tpu.vector_load %arg6[%get3A_2346, %get3A_2347, %get3A_2348] {strides = array<i32>} : memref<8x50x64xf32, #tpu.memory_space<vmem>>, vector<16xf32>,
      %add3A_2350 = arith.constant 45 : i32
      %add3A_2351 = vector.broadcast %add3A_2350 : i32 to vector<16xi32>
      %add3A_2352 = arith.addi %mul3A_5, %add3A_2351 : vector<16xi32>
      %scatter3A_2353 = arith.constant 0 : i32
      %scatter3A_2354 = tpu.memref_slice %arg7[%rem3A_354, %scatter3A_2353] : memref<8x3200xf32, #tpu.memory_space<vmem>> -> memref<1x3200xf32, #tpu.memory_space<vmem>>
      %scatter3A_2355 = tpu.memref_squeeze %scatter3A_2354 : memref<1x3200xf32, #tpu.memory_space<vmem>> -> memref<3200xf32, #tpu.memory_space<vmem>>
      tpu.vector_store_idx %scatter3A_2355[%add3A_2352], %get3A_2349 : memref<3200xf32, #tpu.memory_space<vmem>>[vector<16xi32>], vector<16xf32>,
      %get3A_2356 = arith.constant 45 : i32
      %get3A_2357 = arith.index_cast %rem3A_354 : i32 to index
      %get3A_2358 = arith.index_cast %get3A_2356 : i32 to index
      %get3A_2359 = arith.constant 16 : index
      %get3A_2360 = tpu.vector_load %arg6[%get3A_2357, %get3A_2358, %get3A_2359] {strides = array<i32>} : memref<8x50x64xf32, #tpu.memory_space<vmem>>, vector<16xf32>,
      %add3A_2361 = arith.constant 845 : i32
      %add3A_2362 = vector.broadcast %add3A_2361 : i32 to vector<16xi32>
      %add3A_2363 = arith.addi %mul3A_5, %add3A_2362 : vector<16xi32>
      %scatter3A_2364 = arith.constant 0 : i32
      %scatter3A_2365 = tpu.memref_slice %arg7[%rem3A_354, %scatter3A_2364] : memref<8x3200xf32, #tpu.memory_space<vmem>> -> memref<1x3200xf32, #tpu.memory_space<vmem>>
      %scatter3A_2366 = tpu.memref_squeeze %scatter3A_2365 : memref<1x3200xf32, #tpu.memory_space<vmem>> -> memref<3200xf32, #tpu.memory_space<vmem>>
      tpu.vector_store_idx %scatter3A_2366[%add3A_2363], %get3A_2360 : memref<3200xf32, #tpu.memory_space<vmem>>[vector<16xi32>], vector<16xf32>,
      %get3A_2367 = arith.constant 45 : i32
      %get3A_2368 = arith.index_cast %rem3A_354 : i32 to index
      %get3A_2369 = arith.index_cast %get3A_2367 : i32 to index
      %get3A_2370 = arith.constant 32 : index
      %get3A_2371 = tpu.vector_load %arg6[%get3A_2368, %get3A_2369, %get3A_2370] {strides = array<i32>} : memref<8x50x64xf32, #tpu.memory_space<vmem>>, vector<16xf32>,
      %add3A_2372 = arith.constant 1645 : i32
      %add3A_2373 = vector.broadcast %add3A_2372 : i32 to vector<16xi32>
      %add3A_2374 = arith.addi %mul3A_5, %add3A_2373 : vector<16xi32>
      %scatter3A_2375 = arith.constant 0 : i32
      %scatter3A_2376 = tpu.memref_slice %arg7[%rem3A_354, %scatter3A_2375] : memref<8x3200xf32, #tpu.memory_space<vmem>> -> memref<1x3200xf32, #tpu.memory_space<vmem>>
      %scatter3A_2377 = tpu.memref_squeeze %scatter3A_2376 : memref<1x3200xf32, #tpu.memory_space<vmem>> -> memref<3200xf32, #tpu.memory_space<vmem>>
      tpu.vector_store_idx %scatter3A_2377[%add3A_2374], %get3A_2371 : memref<3200xf32, #tpu.memory_space<vmem>>[vector<16xi32>], vector<16xf32>,
      %get3A_2378 = arith.constant 45 : i32
      %get3A_2379 = arith.index_cast %rem3A_354 : i32 to index
      %get3A_2380 = arith.index_cast %get3A_2378 : i32 to index
      %get3A_2381 = arith.constant 48 : index
      %get3A_2382 = tpu.vector_load %arg6[%get3A_2379, %get3A_2380, %get3A_2381] {strides = array<i32>} : memref<8x50x64xf32, #tpu.memory_space<vmem>>, vector<16xf32>,
      %add3A_2383 = arith.constant 2445 : i32
      %add3A_2384 = vector.broadcast %add3A_2383 : i32 to vector<16xi32>
      %add3A_2385 = arith.addi %mul3A_5, %add3A_2384 : vector<16xi32>
      %scatter3A_2386 = arith.constant 0 : i32
      %scatter3A_2387 = tpu.memref_slice %arg7[%rem3A_354, %scatter3A_2386] : memref<8x3200xf32, #tpu.memory_space<vmem>> -> memref<1x3200xf32, #tpu.memory_space<vmem>>
      %scatter3A_2388 = tpu.memref_squeeze %scatter3A_2387 : memref<1x3200xf32, #tpu.memory_space<vmem>> -> memref<3200xf32, #tpu.memory_space<vmem>>
      tpu.vector_store_idx %scatter3A_2388[%add3A_2385], %get3A_2382 : memref<3200xf32, #tpu.memory_space<vmem>>[vector<16xi32>], vector<16xf32>,
      %get3A_2389 = arith.constant 46 : i32
      %get3A_2390 = arith.index_cast %rem3A_354 : i32 to index
      %get3A_2391 = arith.index_cast %get3A_2389 : i32 to index
      %get3A_2392 = arith.constant 0 : index
      %get3A_2393 = tpu.vector_load %arg6[%get3A_2390, %get3A_2391, %get3A_2392] {strides = array<i32>} : memref<8x50x64xf32, #tpu.memory_space<vmem>>, vector<16xf32>,
      %add3A_2394 = arith.constant 46 : i32
      %add3A_2395 = vector.broadcast %add3A_2394 : i32 to vector<16xi32>
      %add3A_2396 = arith.addi %mul3A_5, %add3A_2395 : vector<16xi32>
      %scatter3A_2397 = arith.constant 0 : i32
      %scatter3A_2398 = tpu.memref_slice %arg7[%rem3A_354, %scatter3A_2397] : memref<8x3200xf32, #tpu.memory_space<vmem>> -> memref<1x3200xf32, #tpu.memory_space<vmem>>
      %scatter3A_2399 = tpu.memref_squeeze %scatter3A_2398 : memref<1x3200xf32, #tpu.memory_space<vmem>> -> memref<3200xf32, #tpu.memory_space<vmem>>
      tpu.vector_store_idx %scatter3A_2399[%add3A_2396], %get3A_2393 : memref<3200xf32, #tpu.memory_space<vmem>>[vector<16xi32>], vector<16xf32>,
      %get3A_2400 = arith.constant 46 : i32
      %get3A_2401 = arith.index_cast %rem3A_354 : i32 to index
      %get3A_2402 = arith.index_cast %get3A_2400 : i32 to index
      %get3A_2403 = arith.constant 16 : index
      %get3A_2404 = tpu.vector_load %arg6[%get3A_2401, %get3A_2402, %get3A_2403] {strides = array<i32>} : memref<8x50x64xf32, #tpu.memory_space<vmem>>, vector<16xf32>,
      %add3A_2405 = arith.constant 846 : i32
      %add3A_2406 = vector.broadcast %add3A_2405 : i32 to vector<16xi32>
      %add3A_2407 = arith.addi %mul3A_5, %add3A_2406 : vector<16xi32>
      %scatter3A_2408 = arith.constant 0 : i32
      %scatter3A_2409 = tpu.memref_slice %arg7[%rem3A_354, %scatter3A_2408] : memref<8x3200xf32, #tpu.memory_space<vmem>> -> memref<1x3200xf32, #tpu.memory_space<vmem>>
      %scatter3A_2410 = tpu.memref_squeeze %scatter3A_2409 : memref<1x3200xf32, #tpu.memory_space<vmem>> -> memref<3200xf32, #tpu.memory_space<vmem>>
      tpu.vector_store_idx %scatter3A_2410[%add3A_2407], %get3A_2404 : memref<3200xf32, #tpu.memory_space<vmem>>[vector<16xi32>], vector<16xf32>,
      %get3A_2411 = arith.constant 46 : i32
      %get3A_2412 = arith.index_cast %rem3A_354 : i32 to index
      %get3A_2413 = arith.index_cast %get3A_2411 : i32 to index
      %get3A_2414 = arith.constant 32 : index
      %get3A_2415 = tpu.vector_load %arg6[%get3A_2412, %get3A_2413, %get3A_2414] {strides = array<i32>} : memref<8x50x64xf32, #tpu.memory_space<vmem>>, vector<16xf32>,
      %add3A_2416 = arith.constant 1646 : i32
      %add3A_2417 = vector.broadcast %add3A_2416 : i32 to vector<16xi32>
      %add3A_2418 = arith.addi %mul3A_5, %add3A_2417 : vector<16xi32>
      %scatter3A_2419 = arith.constant 0 : i32
      %scatter3A_2420 = tpu.memref_slice %arg7[%rem3A_354, %scatter3A_2419] : memref<8x3200xf32, #tpu.memory_space<vmem>> -> memref<1x3200xf32, #tpu.memory_space<vmem>>
      %scatter3A_2421 = tpu.memref_squeeze %scatter3A_2420 : memref<1x3200xf32, #tpu.memory_space<vmem>> -> memref<3200xf32, #tpu.memory_space<vmem>>
      tpu.vector_store_idx %scatter3A_2421[%add3A_2418], %get3A_2415 : memref<3200xf32, #tpu.memory_space<vmem>>[vector<16xi32>], vector<16xf32>,
      %get3A_2422 = arith.constant 46 : i32
      %get3A_2423 = arith.index_cast %rem3A_354 : i32 to index
      %get3A_2424 = arith.index_cast %get3A_2422 : i32 to index
      %get3A_2425 = arith.constant 48 : index
      %get3A_2426 = tpu.vector_load %arg6[%get3A_2423, %get3A_2424, %get3A_2425] {strides = array<i32>} : memref<8x50x64xf32, #tpu.memory_space<vmem>>, vector<16xf32>,
      %add3A_2427 = arith.constant 2446 : i32
      %add3A_2428 = vector.broadcast %add3A_2427 : i32 to vector<16xi32>
      %add3A_2429 = arith.addi %mul3A_5, %add3A_2428 : vector<16xi32>
      %scatter3A_2430 = arith.constant 0 : i32
      %scatter3A_2431 = tpu.memref_slice %arg7[%rem3A_354, %scatter3A_2430] : memref<8x3200xf32, #tpu.memory_space<vmem>> -> memref<1x3200xf32, #tpu.memory_space<vmem>>
      %scatter3A_2432 = tpu.memref_squeeze %scatter3A_2431 : memref<1x3200xf32, #tpu.memory_space<vmem>> -> memref<3200xf32, #tpu.memory_space<vmem>>
      tpu.vector_store_idx %scatter3A_2432[%add3A_2429], %get3A_2426 : memref<3200xf32, #tpu.memory_space<vmem>>[vector<16xi32>], vector<16xf32>,
      %get3A_2433 = arith.constant 47 : i32
      %get3A_2434 = arith.index_cast %rem3A_354 : i32 to index
      %get3A_2435 = arith.index_cast %get3A_2433 : i32 to index
      %get3A_2436 = arith.constant 0 : index
      %get3A_2437 = tpu.vector_load %arg6[%get3A_2434, %get3A_2435, %get3A_2436] {strides = array<i32>} : memref<8x50x64xf32, #tpu.memory_space<vmem>>, vector<16xf32>,
      %add3A_2438 = arith.constant 47 : i32
      %add3A_2439 = vector.broadcast %add3A_2438 : i32 to vector<16xi32>
      %add3A_2440 = arith.addi %mul3A_5, %add3A_2439 : vector<16xi32>
      %scatter3A_2441 = arith.constant 0 : i32
      %scatter3A_2442 = tpu.memref_slice %arg7[%rem3A_354, %scatter3A_2441] : memref<8x3200xf32, #tpu.memory_space<vmem>> -> memref<1x3200xf32, #tpu.memory_space<vmem>>
      %scatter3A_2443 = tpu.memref_squeeze %scatter3A_2442 : memref<1x3200xf32, #tpu.memory_space<vmem>> -> memref<3200xf32, #tpu.memory_space<vmem>>
      tpu.vector_store_idx %scatter3A_2443[%add3A_2440], %get3A_2437 : memref<3200xf32, #tpu.memory_space<vmem>>[vector<16xi32>], vector<16xf32>,
      %get3A_2444 = arith.constant 47 : i32
      %get3A_2445 = arith.index_cast %rem3A_354 : i32 to index
      %get3A_2446 = arith.index_cast %get3A_2444 : i32 to index
      %get3A_2447 = arith.constant 16 : index
      %get3A_2448 = tpu.vector_load %arg6[%get3A_2445, %get3A_2446, %get3A_2447] {strides = array<i32>} : memref<8x50x64xf32, #tpu.memory_space<vmem>>, vector<16xf32>,
      %add3A_2449 = arith.constant 847 : i32
      %add3A_2450 = vector.broadcast %add3A_2449 : i32 to vector<16xi32>
      %add3A_2451 = arith.addi %mul3A_5, %add3A_2450 : vector<16xi32>
      %scatter3A_2452 = arith.constant 0 : i32
      %scatter3A_2453 = tpu.memref_slice %arg7[%rem3A_354, %scatter3A_2452] : memref<8x3200xf32, #tpu.memory_space<vmem>> -> memref<1x3200xf32, #tpu.memory_space<vmem>>
      %scatter3A_2454 = tpu.memref_squeeze %scatter3A_2453 : memref<1x3200xf32, #tpu.memory_space<vmem>> -> memref<3200xf32, #tpu.memory_space<vmem>>
      tpu.vector_store_idx %scatter3A_2454[%add3A_2451], %get3A_2448 : memref<3200xf32, #tpu.memory_space<vmem>>[vector<16xi32>], vector<16xf32>,
      %get3A_2455 = arith.constant 47 : i32
      %get3A_2456 = arith.index_cast %rem3A_354 : i32 to index
      %get3A_2457 = arith.index_cast %get3A_2455 : i32 to index
      %get3A_2458 = arith.constant 32 : index
      %get3A_2459 = tpu.vector_load %arg6[%get3A_2456, %get3A_2457, %get3A_2458] {strides = array<i32>} : memref<8x50x64xf32, #tpu.memory_space<vmem>>, vector<16xf32>,
      %add3A_2460 = arith.constant 1647 : i32
      %add3A_2461 = vector.broadcast %add3A_2460 : i32 to vector<16xi32>
      %add3A_2462 = arith.addi %mul3A_5, %add3A_2461 : vector<16xi32>
      %scatter3A_2463 = arith.constant 0 : i32
      %scatter3A_2464 = tpu.memref_slice %arg7[%rem3A_354, %scatter3A_2463] : memref<8x3200xf32, #tpu.memory_space<vmem>> -> memref<1x3200xf32, #tpu.memory_space<vmem>>
      %scatter3A_2465 = tpu.memref_squeeze %scatter3A_2464 : memref<1x3200xf32, #tpu.memory_space<vmem>> -> memref<3200xf32, #tpu.memory_space<vmem>>
      tpu.vector_store_idx %scatter3A_2465[%add3A_2462], %get3A_2459 : memref<3200xf32, #tpu.memory_space<vmem>>[vector<16xi32>], vector<16xf32>,
      %get3A_2466 = arith.constant 47 : i32
      %get3A_2467 = arith.index_cast %rem3A_354 : i32 to index
      %get3A_2468 = arith.index_cast %get3A_2466 : i32 to index
      %get3A_2469 = arith.constant 48 : index
      %get3A_2470 = tpu.vector_load %arg6[%get3A_2467, %get3A_2468, %get3A_2469] {strides = array<i32>} : memref<8x50x64xf32, #tpu.memory_space<vmem>>, vector<16xf32>,
      %add3A_2471 = arith.constant 2447 : i32
      %add3A_2472 = vector.broadcast %add3A_2471 : i32 to vector<16xi32>
      %add3A_2473 = arith.addi %mul3A_5, %add3A_2472 : vector<16xi32>
      %scatter3A_2474 = arith.constant 0 : i32
      %scatter3A_2475 = tpu.memref_slice %arg7[%rem3A_354, %scatter3A_2474] : memref<8x3200xf32, #tpu.memory_space<vmem>> -> memref<1x3200xf32, #tpu.memory_space<vmem>>
      %scatter3A_2476 = tpu.memref_squeeze %scatter3A_2475 : memref<1x3200xf32, #tpu.memory_space<vmem>> -> memref<3200xf32, #tpu.memory_space<vmem>>
      tpu.vector_store_idx %scatter3A_2476[%add3A_2473], %get3A_2470 : memref<3200xf32, #tpu.memory_space<vmem>>[vector<16xi32>], vector<16xf32>,
      %get3A_2477 = arith.constant 48 : i32
      %get3A_2478 = arith.index_cast %rem3A_354 : i32 to index
      %get3A_2479 = arith.index_cast %get3A_2477 : i32 to index
      %get3A_2480 = arith.constant 0 : index
      %get3A_2481 = tpu.vector_load %arg6[%get3A_2478, %get3A_2479, %get3A_2480] {strides = array<i32>} : memref<8x50x64xf32, #tpu.memory_space<vmem>>, vector<16xf32>,
      %add3A_2482 = arith.constant 48 : i32
      %add3A_2483 = vector.broadcast %add3A_2482 : i32 to vector<16xi32>
      %add3A_2484 = arith.addi %mul3A_5, %add3A_2483 : vector<16xi32>
      %scatter3A_2485 = arith.constant 0 : i32
      %scatter3A_2486 = tpu.memref_slice %arg7[%rem3A_354, %scatter3A_2485] : memref<8x3200xf32, #tpu.memory_space<vmem>> -> memref<1x3200xf32, #tpu.memory_space<vmem>>
      %scatter3A_2487 = tpu.memref_squeeze %scatter3A_2486 : memref<1x3200xf32, #tpu.memory_space<vmem>> -> memref<3200xf32, #tpu.memory_space<vmem>>
      tpu.vector_store_idx %scatter3A_2487[%add3A_2484], %get3A_2481 : memref<3200xf32, #tpu.memory_space<vmem>>[vector<16xi32>], vector<16xf32>,
      %get3A_2488 = arith.constant 48 : i32
      %get3A_2489 = arith.index_cast %rem3A_354 : i32 to index
      %get3A_2490 = arith.index_cast %get3A_2488 : i32 to index
      %get3A_2491 = arith.constant 16 : index
      %get3A_2492 = tpu.vector_load %arg6[%get3A_2489, %get3A_2490, %get3A_2491] {strides = array<i32>} : memref<8x50x64xf32, #tpu.memory_space<vmem>>, vector<16xf32>,
      %add3A_2493 = arith.constant 848 : i32
      %add3A_2494 = vector.broadcast %add3A_2493 : i32 to vector<16xi32>
      %add3A_2495 = arith.addi %mul3A_5, %add3A_2494 : vector<16xi32>
      %scatter3A_2496 = arith.constant 0 : i32
      %scatter3A_2497 = tpu.memref_slice %arg7[%rem3A_354, %scatter3A_2496] : memref<8x3200xf32, #tpu.memory_space<vmem>> -> memref<1x3200xf32, #tpu.memory_space<vmem>>
      %scatter3A_2498 = tpu.memref_squeeze %scatter3A_2497 : memref<1x3200xf32, #tpu.memory_space<vmem>> -> memref<3200xf32, #tpu.memory_space<vmem>>
      tpu.vector_store_idx %scatter3A_2498[%add3A_2495], %get3A_2492 : memref<3200xf32, #tpu.memory_space<vmem>>[vector<16xi32>], vector<16xf32>,
      %get3A_2499 = arith.constant 48 : i32
      %get3A_2500 = arith.index_cast %rem3A_354 : i32 to index
      %get3A_2501 = arith.index_cast %get3A_2499 : i32 to index
      %get3A_2502 = arith.constant 32 : index
      %get3A_2503 = tpu.vector_load %arg6[%get3A_2500, %get3A_2501, %get3A_2502] {strides = array<i32>} : memref<8x50x64xf32, #tpu.memory_space<vmem>>, vector<16xf32>,
      %add3A_2504 = arith.constant 1648 : i32
      %add3A_2505 = vector.broadcast %add3A_2504 : i32 to vector<16xi32>
      %add3A_2506 = arith.addi %mul3A_5, %add3A_2505 : vector<16xi32>
      %scatter3A_2507 = arith.constant 0 : i32
      %scatter3A_2508 = tpu.memref_slice %arg7[%rem3A_354, %scatter3A_2507] : memref<8x3200xf32, #tpu.memory_space<vmem>> -> memref<1x3200xf32, #tpu.memory_space<vmem>>
      %scatter3A_2509 = tpu.memref_squeeze %scatter3A_2508 : memref<1x3200xf32, #tpu.memory_space<vmem>> -> memref<3200xf32, #tpu.memory_space<vmem>>
      tpu.vector_store_idx %scatter3A_2509[%add3A_2506], %get3A_2503 : memref<3200xf32, #tpu.memory_space<vmem>>[vector<16xi32>], vector<16xf32>,
      %get3A_2510 = arith.constant 48 : i32
      %get3A_2511 = arith.index_cast %rem3A_354 : i32 to index
      %get3A_2512 = arith.index_cast %get3A_2510 : i32 to index
      %get3A_2513 = arith.constant 48 : index
      %get3A_2514 = tpu.vector_load %arg6[%get3A_2511, %get3A_2512, %get3A_2513] {strides = array<i32>} : memref<8x50x64xf32, #tpu.memory_space<vmem>>, vector<16xf32>,
      %add3A_2515 = arith.constant 2448 : i32
      %add3A_2516 = vector.broadcast %add3A_2515 : i32 to vector<16xi32>
      %add3A_2517 = arith.addi %mul3A_5, %add3A_2516 : vector<16xi32>
      %scatter3A_2518 = arith.constant 0 : i32
      %scatter3A_2519 = tpu.memref_slice %arg7[%rem3A_354, %scatter3A_2518] : memref<8x3200xf32, #tpu.memory_space<vmem>> -> memref<1x3200xf32, #tpu.memory_space<vmem>>
      %scatter3A_2520 = tpu.memref_squeeze %scatter3A_2519 : memref<1x3200xf32, #tpu.memory_space<vmem>> -> memref<3200xf32, #tpu.memory_space<vmem>>
      tpu.vector_store_idx %scatter3A_2520[%add3A_2517], %get3A_2514 : memref<3200xf32, #tpu.memory_space<vmem>>[vector<16xi32>], vector<16xf32>,
      %get3A_2521 = arith.constant 49 : i32
      %get3A_2522 = arith.index_cast %rem3A_354 : i32 to index
      %get3A_2523 = arith.index_cast %get3A_2521 : i32 to index
      %get3A_2524 = arith.constant 0 : index
      %get3A_2525 = tpu.vector_load %arg6[%get3A_2522, %get3A_2523, %get3A_2524] {strides = array<i32>} : memref<8x50x64xf32, #tpu.memory_space<vmem>>, vector<16xf32>,
      %add3A_2526 = arith.constant 49 : i32
      %add3A_2527 = vector.broadcast %add3A_2526 : i32 to vector<16xi32>
      %add3A_2528 = arith.addi %mul3A_5, %add3A_2527 : vector<16xi32>
      %scatter3A_2529 = arith.constant 0 : i32
      %scatter3A_2530 = tpu.memref_slice %arg7[%rem3A_354, %scatter3A_2529] : memref<8x3200xf32, #tpu.memory_space<vmem>> -> memref<1x3200xf32, #tpu.memory_space<vmem>>
      %scatter3A_2531 = tpu.memref_squeeze %scatter3A_2530 : memref<1x3200xf32, #tpu.memory_space<vmem>> -> memref<3200xf32, #tpu.memory_space<vmem>>
      tpu.vector_store_idx %scatter3A_2531[%add3A_2528], %get3A_2525 : memref<3200xf32, #tpu.memory_space<vmem>>[vector<16xi32>], vector<16xf32>,
      %get3A_2532 = arith.constant 49 : i32
      %get3A_2533 = arith.index_cast %rem3A_354 : i32 to index
      %get3A_2534 = arith.index_cast %get3A_2532 : i32 to index
      %get3A_2535 = arith.constant 16 : index
      %get3A_2536 = tpu.vector_load %arg6[%get3A_2533, %get3A_2534, %get3A_2535] {strides = array<i32>} : memref<8x50x64xf32, #tpu.memory_space<vmem>>, vector<16xf32>,
      %add3A_2537 = arith.constant 849 : i32
      %add3A_2538 = vector.broadcast %add3A_2537 : i32 to vector<16xi32>
      %add3A_2539 = arith.addi %mul3A_5, %add3A_2538 : vector<16xi32>
      %scatter3A_2540 = arith.constant 0 : i32
      %scatter3A_2541 = tpu.memref_slice %arg7[%rem3A_354, %scatter3A_2540] : memref<8x3200xf32, #tpu.memory_space<vmem>> -> memref<1x3200xf32, #tpu.memory_space<vmem>>
      %scatter3A_2542 = tpu.memref_squeeze %scatter3A_2541 : memref<1x3200xf32, #tpu.memory_space<vmem>> -> memref<3200xf32, #tpu.memory_space<vmem>>
      tpu.vector_store_idx %scatter3A_2542[%add3A_2539], %get3A_2536 : memref<3200xf32, #tpu.memory_space<vmem>>[vector<16xi32>], vector<16xf32>,
      %get3A_2543 = arith.constant 49 : i32
      %get3A_2544 = arith.index_cast %rem3A_354 : i32 to index
      %get3A_2545 = arith.index_cast %get3A_2543 : i32 to index
      %get3A_2546 = arith.constant 32 : index
      %get3A_2547 = tpu.vector_load %arg6[%get3A_2544, %get3A_2545, %get3A_2546] {strides = array<i32>} : memref<8x50x64xf32, #tpu.memory_space<vmem>>, vector<16xf32>,
      %add3A_2548 = arith.constant 1649 : i32
      %add3A_2549 = vector.broadcast %add3A_2548 : i32 to vector<16xi32>
      %add3A_2550 = arith.addi %mul3A_5, %add3A_2549 : vector<16xi32>
      %scatter3A_2551 = arith.constant 0 : i32
      %scatter3A_2552 = tpu.memref_slice %arg7[%rem3A_354, %scatter3A_2551] : memref<8x3200xf32, #tpu.memory_space<vmem>> -> memref<1x3200xf32, #tpu.memory_space<vmem>>
      %scatter3A_2553 = tpu.memref_squeeze %scatter3A_2552 : memref<1x3200xf32, #tpu.memory_space<vmem>> -> memref<3200xf32, #tpu.memory_space<vmem>>
      tpu.vector_store_idx %scatter3A_2553[%add3A_2550], %get3A_2547 : memref<3200xf32, #tpu.memory_space<vmem>>[vector<16xi32>], vector<16xf32>,
      %get3A_2554 = arith.constant 49 : i32
      %get3A_2555 = arith.index_cast %rem3A_354 : i32 to index
      %get3A_2556 = arith.index_cast %get3A_2554 : i32 to index
      %get3A_2557 = arith.constant 48 : index
      %get3A_2558 = tpu.vector_load %arg6[%get3A_2555, %get3A_2556, %get3A_2557] {strides = array<i32>} : memref<8x50x64xf32, #tpu.memory_space<vmem>>, vector<16xf32>,
      %add3A_2559 = arith.constant 2449 : i32
      %add3A_2560 = vector.broadcast %add3A_2559 : i32 to vector<16xi32>
      %add3A_2561 = arith.addi %mul3A_5, %add3A_2560 : vector<16xi32>
      %scatter3A_2562 = arith.constant 0 : i32
      %scatter3A_2563 = tpu.memref_slice %arg7[%rem3A_354, %scatter3A_2562] : memref<8x3200xf32, #tpu.memory_space<vmem>> -> memref<1x3200xf32, #tpu.memory_space<vmem>>
      %scatter3A_2564 = tpu.memref_squeeze %scatter3A_2563 : memref<1x3200xf32, #tpu.memory_space<vmem>> -> memref<3200xf32, #tpu.memory_space<vmem>>
      tpu.vector_store_idx %scatter3A_2564[%add3A_2561], %get3A_2558 : memref<3200xf32, #tpu.memory_space<vmem>>[vector<16xi32>], vector<16xf32>,
      %add3A_2565 = arith.addi %mul3A_2, %scan3A_352 : i32
      %dma_start3A_2566 = arith.constant 0 : i32
      %dma_start3A_2567 = tpu.memref_slice %arg7[%rem3A_354, %dma_start3A_2566] : memref<8x3200xf32, #tpu.memory_space<vmem>> -> memref<1x3200xf32, #tpu.memory_space<vmem>>
      %dma_start3A_2568 = tpu.memref_squeeze %dma_start3A_2567 : memref<1x3200xf32, #tpu.memory_space<vmem>> -> memref<3200xf32, #tpu.memory_space<vmem>>
      %dma_start3A_2569 = arith.constant 0 : i32
      %dma_start3A_2570 = tpu.memref_slice %arg4[%add3A_2565, %dma_start3A_2569] : memref<4096x3200xf32, #tpu.memory_space<hbm>> -> memref<1x3200xf32, #tpu.memory_space<hbm>>
      %dma_start3A_2571 = tpu.memref_squeeze %dma_start3A_2570 : memref<1x3200xf32, #tpu.memory_space<hbm>> -> memref<3200xf32, #tpu.memory_space<hbm>>
      %dma_start3A_2572 = arith.constant 0 : i32
      %dma_start3A_2573 = tpu.memref_slice %arg4[%add3A_2565, %dma_start3A_2572] : memref<4096x3200xf32, #tpu.memory_space<hbm>> -> memref<1x3200xf32, #tpu.memory_space<hbm>>
      %dma_start3A_2574 = tpu.memref_squeeze %dma_start3A_2573 : memref<1x3200xf32, #tpu.memory_space<hbm>> -> memref<3200xf32, #tpu.memory_space<hbm>>
      %dma_start3A_2575 = arith.constant 0 : i32
      %dma_start3A_2576 = tpu.memref_slice %arg7[%rem3A_354, %dma_start3A_2575] : memref<8x3200xf32, #tpu.memory_space<vmem>> -> memref<1x3200xf32, #tpu.memory_space<vmem>>
      %dma_start3A_2577 = tpu.memref_squeeze %dma_start3A_2576 : memref<1x3200xf32, #tpu.memory_space<vmem>> -> memref<3200xf32, #tpu.memory_space<vmem>>
      tpu.enqueue_dma source(%dma_start3A_2577 : memref<3200xf32, #tpu.memory_space<vmem>>) target(%dma_start3A_2574 : memref<3200xf32, #tpu.memory_space<hbm>>) target_semaphore(%arg9 : memref<!tpu.dma_semaphore, #tpu.memory_space<semaphore_mem>>)
      %add3A_2578 = arith.constant 8 : i32
      %add3A_2579 = arith.addi %scan3A_352, %add3A_2578 : i32
      %min3A = arith.constant 127 : i32
      %min3A_2580 = arith.minsi %add3A_2579, %min3A : i32
      %rem3A_2581 = arith.constant 8 : i32
      %rem3A_2582 = arith.remsi %min3A_2580, %rem3A_2581 : i32
      %dma_start3A_2583 = arith.constant 0 : i32
      %dma_start3A_2584 = arith.constant 0 : i32
      %dma_start3A_2585 = tpu.memref_slice %arg6[%rem3A_2582, %dma_start3A_2583, %dma_start3A_2584] : memref<8x50x64xf32, #tpu.memory_space<vmem>> -> memref<1x50x64xf32, #tpu.memory_space<vmem>>
      %dma_start3A_2586 = tpu.memref_squeeze %dma_start3A_2585 : memref<1x50x64xf32, #tpu.memory_space<vmem>> -> memref<50x64xf32, #tpu.memory_space<vmem>>
      %dma_start3A_2587 = arith.constant 0 : i32
      %dma_start3A_2588 = tpu.memref_slice %arg5[%min3A_2580, %dma_start3A_2587] : memref<128x50xi32, #tpu.memory_space<vmem>> -> memref<1x50xi32, #tpu.memory_space<vmem>>
      %dma_start3A_2589 = tpu.memref_squeeze %dma_start3A_2588 : memref<1x50xi32, #tpu.memory_space<vmem>> -> memref<50xi32, #tpu.memory_space<vmem>>
      %dma_start3A_2590 = arith.constant 0 : i32
      %dma_start3A_2591 = arith.constant 0 : i32
      %dma_start3A_2592 = tpu.memref_slice %arg3[%dma_start3A_2590, %dma_start3A_2591] : memref<100000x64xf32, #tpu.memory_space<hbm>> -> memref<100000x64xf32, #tpu.memory_space<hbm>>
      tpu.enqueue_indirect_dma source(%dma_start3A_2592 : memref<100000x64xf32, #tpu.memory_space<hbm>>) target(%dma_start3A_2586 : memref<50x64xf32, #tpu.memory_space<vmem>>) offsets(%dma_start3A_2589 : memref<50xi32, #tpu.memory_space<vmem>>) semaphore(%arg8 : memref<!tpu.dma_semaphore, #tpu.memory_space<semaphore_mem>>)
    }
    %scan3A_105 = arith.constant 128 : i32
    %rem3A = arith.constant 127 : i32
    %rem3A_106 = arith.constant 8 : i32
    %rem3A_107 = arith.remsi %rem3A, %rem3A_106 : i32
    %dma_wait3A = arith.constant 127 : i32
    %dma_wait3A_108 = arith.constant 0 : i32
    %dma_wait3A_109 = arith.constant 0 : i32
    %dma_wait3A_110 = tpu.memref_slice %arg6[%rem3A_107, %dma_wait3A_108, %dma_wait3A_109] : memref<8x50x64xf32, #tpu.memory_space<vmem>> -> memref<1x50x64xf32, #tpu.memory_space<vmem>>
    %dma_wait3A_111 = tpu.memref_squeeze %dma_wait3A_110 : memref<1x50x64xf32, #tpu.memory_space<vmem>> -> memref<50x64xf32, #tpu.memory_space<vmem>>
    %dma_wait3A_112 = arith.constant 0 : i32
    %dma_wait3A_113 = tpu.memref_slice %arg5[%dma_wait3A, %dma_wait3A_112] : memref<128x50xi32, #tpu.memory_space<vmem>> -> memref<1x50xi32, #tpu.memory_space<vmem>>
    %dma_wait3A_114 = tpu.memref_squeeze %dma_wait3A_113 : memref<1x50xi32, #tpu.memory_space<vmem>> -> memref<50xi32, #tpu.memory_space<vmem>>
    %dma_wait3A_115 = arith.constant 0 : i32
    %dma_wait3A_116 = arith.constant 0 : i32
    %dma_wait3A_117 = tpu.memref_slice %arg3[%dma_wait3A_115, %dma_wait3A_116] : memref<100000x64xf32, #tpu.memory_space<hbm>> -> memref<100000x64xf32, #tpu.memory_space<hbm>>
    tpu.wait_indirect_dma semaphore(%arg8 : memref<!tpu.dma_semaphore, #tpu.memory_space<semaphore_mem>>) src(%dma_wait3A_117 : memref<100000x64xf32, #tpu.memory_space<hbm>>) dst(%dma_wait3A_111 : memref<50x64xf32, #tpu.memory_space<vmem>>)
    %rem3A_118 = arith.constant 120 : i32
    %rem3A_119 = arith.constant 8 : i32
    %rem3A_120 = arith.remsi %rem3A_118, %rem3A_119 : i32
    %add3A_121 = arith.constant 120 : i32
    %add3A_122 = arith.addi %mul3A_2, %add3A_121 : i32
    %dma_wait3A_123 = arith.constant 0 : i32
    %dma_wait3A_124 = tpu.memref_slice %arg7[%rem3A_120, %dma_wait3A_123] : memref<8x3200xf32, #tpu.memory_space<vmem>> -> memref<1x3200xf32, #tpu.memory_space<vmem>>
    %dma_wait3A_125 = tpu.memref_squeeze %dma_wait3A_124 : memref<1x3200xf32, #tpu.memory_space<vmem>> -> memref<3200xf32, #tpu.memory_space<vmem>>
    %dma_wait3A_126 = arith.constant 0 : i32
    %dma_wait3A_127 = tpu.memref_slice %arg4[%add3A_122, %dma_wait3A_126] : memref<4096x3200xf32, #tpu.memory_space<hbm>> -> memref<1x3200xf32, #tpu.memory_space<hbm>>
    %dma_wait3A_128 = tpu.memref_squeeze %dma_wait3A_127 : memref<1x3200xf32, #tpu.memory_space<hbm>> -> memref<3200xf32, #tpu.memory_space<hbm>>
    %dma_wait3A_129 = arith.constant 0 : i32
    %dma_wait3A_130 = tpu.memref_slice %arg4[%add3A_122, %dma_wait3A_129] : memref<4096x3200xf32, #tpu.memory_space<hbm>> -> memref<1x3200xf32, #tpu.memory_space<hbm>>
    %dma_wait3A_131 = tpu.memref_squeeze %dma_wait3A_130 : memref<1x3200xf32, #tpu.memory_space<hbm>> -> memref<3200xf32, #tpu.memory_space<hbm>>
    %dma_wait3A_132 = arith.constant 0 : i32
    %dma_wait3A_133 = tpu.memref_slice %arg7[%rem3A_120, %dma_wait3A_132] : memref<8x3200xf32, #tpu.memory_space<vmem>> -> memref<1x3200xf32, #tpu.memory_space<vmem>>
    %dma_wait3A_134 = tpu.memref_squeeze %dma_wait3A_133 : memref<1x3200xf32, #tpu.memory_space<vmem>> -> memref<3200xf32, #tpu.memory_space<vmem>>
    tpu.wait_dma2 semaphore(%arg9 : memref<!tpu.dma_semaphore, #tpu.memory_space<semaphore_mem>>) src(%dma_wait3A_134 : memref<3200xf32, #tpu.memory_space<vmem>>) dst(%dma_wait3A_131 : memref<3200xf32, #tpu.memory_space<hbm>>)
    %rem3A_135 = arith.constant 127 : i32
    %rem3A_136 = arith.constant 8 : i32
    %rem3A_137 = arith.remsi %rem3A_135, %rem3A_136 : i32
    %dma_wait3A_138 = arith.constant 127 : i32
    %dma_wait3A_139 = arith.constant 0 : i32
    %dma_wait3A_140 = arith.constant 0 : i32
    %dma_wait3A_141 = tpu.memref_slice %arg6[%rem3A_137, %dma_wait3A_139, %dma_wait3A_140] : memref<8x50x64xf32, #tpu.memory_space<vmem>> -> memref<1x50x64xf32, #tpu.memory_space<vmem>>
    %dma_wait3A_142 = tpu.memref_squeeze %dma_wait3A_141 : memref<1x50x64xf32, #tpu.memory_space<vmem>> -> memref<50x64xf32, #tpu.memory_space<vmem>>
    %dma_wait3A_143 = arith.constant 0 : i32
    %dma_wait3A_144 = tpu.memref_slice %arg5[%dma_wait3A_138, %dma_wait3A_143] : memref<128x50xi32, #tpu.memory_space<vmem>> -> memref<1x50xi32, #tpu.memory_space<vmem>>
    %dma_wait3A_145 = tpu.memref_squeeze %dma_wait3A_144 : memref<1x50xi32, #tpu.memory_space<vmem>> -> memref<50xi32, #tpu.memory_space<vmem>>
    %dma_wait3A_146 = arith.constant 0 : i32
    %dma_wait3A_147 = arith.constant 0 : i32
    %dma_wait3A_148 = tpu.memref_slice %arg3[%dma_wait3A_146, %dma_wait3A_147] : memref<100000x64xf32, #tpu.memory_space<hbm>> -> memref<100000x64xf32, #tpu.memory_space<hbm>>
    tpu.wait_indirect_dma semaphore(%arg8 : memref<!tpu.dma_semaphore, #tpu.memory_space<semaphore_mem>>) src(%dma_wait3A_148 : memref<100000x64xf32, #tpu.memory_space<hbm>>) dst(%dma_wait3A_142 : memref<50x64xf32, #tpu.memory_space<vmem>>)
    %rem3A_149 = arith.constant 121 : i32
    %rem3A_150 = arith.constant 8 : i32
    %rem3A_151 = arith.remsi %rem3A_149, %rem3A_150 : i32
    %add3A_152 = arith.constant 121 : i32
    %add3A_153 = arith.addi %mul3A_2, %add3A_152 : i32
    %dma_wait3A_154 = arith.constant 0 : i32
    %dma_wait3A_155 = tpu.memref_slice %arg7[%rem3A_151, %dma_wait3A_154] : memref<8x3200xf32, #tpu.memory_space<vmem>> -> memref<1x3200xf32, #tpu.memory_space<vmem>>
    %dma_wait3A_156 = tpu.memref_squeeze %dma_wait3A_155 : memref<1x3200xf32, #tpu.memory_space<vmem>> -> memref<3200xf32, #tpu.memory_space<vmem>>
    %dma_wait3A_157 = arith.constant 0 : i32
    %dma_wait3A_158 = tpu.memref_slice %arg4[%add3A_153, %dma_wait3A_157] : memref<4096x3200xf32, #tpu.memory_space<hbm>> -> memref<1x3200xf32, #tpu.memory_space<hbm>>
    %dma_wait3A_159 = tpu.memref_squeeze %dma_wait3A_158 : memref<1x3200xf32, #tpu.memory_space<hbm>> -> memref<3200xf32, #tpu.memory_space<hbm>>
    %dma_wait3A_160 = arith.constant 0 : i32
    %dma_wait3A_161 = tpu.memref_slice %arg4[%add3A_153, %dma_wait3A_160] : memref<4096x3200xf32, #tpu.memory_space<hbm>> -> memref<1x3200xf32, #tpu.memory_space<hbm>>
    %dma_wait3A_162 = tpu.memref_squeeze %dma_wait3A_161 : memref<1x3200xf32, #tpu.memory_space<hbm>> -> memref<3200xf32, #tpu.memory_space<hbm>>
    %dma_wait3A_163 = arith.constant 0 : i32
    %dma_wait3A_164 = tpu.memref_slice %arg7[%rem3A_151, %dma_wait3A_163] : memref<8x3200xf32, #tpu.memory_space<vmem>> -> memref<1x3200xf32, #tpu.memory_space<vmem>>
    %dma_wait3A_165 = tpu.memref_squeeze %dma_wait3A_164 : memref<1x3200xf32, #tpu.memory_space<vmem>> -> memref<3200xf32, #tpu.memory_space<vmem>>
    tpu.wait_dma2 semaphore(%arg9 : memref<!tpu.dma_semaphore, #tpu.memory_space<semaphore_mem>>) src(%dma_wait3A_165 : memref<3200xf32, #tpu.memory_space<vmem>>) dst(%dma_wait3A_162 : memref<3200xf32, #tpu.memory_space<hbm>>)
    %rem3A_166 = arith.constant 127 : i32
    %rem3A_167 = arith.constant 8 : i32
    %rem3A_168 = arith.remsi %rem3A_166, %rem3A_167 : i32
    %dma_wait3A_169 = arith.constant 127 : i32
    %dma_wait3A_170 = arith.constant 0 : i32
    %dma_wait3A_171 = arith.constant 0 : i32
    %dma_wait3A_172 = tpu.memref_slice %arg6[%rem3A_168, %dma_wait3A_170, %dma_wait3A_171] : memref<8x50x64xf32, #tpu.memory_space<vmem>> -> memref<1x50x64xf32, #tpu.memory_space<vmem>>
    %dma_wait3A_173 = tpu.memref_squeeze %dma_wait3A_172 : memref<1x50x64xf32, #tpu.memory_space<vmem>> -> memref<50x64xf32, #tpu.memory_space<vmem>>
    %dma_wait3A_174 = arith.constant 0 : i32
    %dma_wait3A_175 = tpu.memref_slice %arg5[%dma_wait3A_169, %dma_wait3A_174] : memref<128x50xi32, #tpu.memory_space<vmem>> -> memref<1x50xi32, #tpu.memory_space<vmem>>
    %dma_wait3A_176 = tpu.memref_squeeze %dma_wait3A_175 : memref<1x50xi32, #tpu.memory_space<vmem>> -> memref<50xi32, #tpu.memory_space<vmem>>
    %dma_wait3A_177 = arith.constant 0 : i32
    %dma_wait3A_178 = arith.constant 0 : i32
    %dma_wait3A_179 = tpu.memref_slice %arg3[%dma_wait3A_177, %dma_wait3A_178] : memref<100000x64xf32, #tpu.memory_space<hbm>> -> memref<100000x64xf32, #tpu.memory_space<hbm>>
    tpu.wait_indirect_dma semaphore(%arg8 : memref<!tpu.dma_semaphore, #tpu.memory_space<semaphore_mem>>) src(%dma_wait3A_179 : memref<100000x64xf32, #tpu.memory_space<hbm>>) dst(%dma_wait3A_173 : memref<50x64xf32, #tpu.memory_space<vmem>>)
    %rem3A_180 = arith.constant 122 : i32
    %rem3A_181 = arith.constant 8 : i32
    %rem3A_182 = arith.remsi %rem3A_180, %rem3A_181 : i32
    %add3A_183 = arith.constant 122 : i32
    %add3A_184 = arith.addi %mul3A_2, %add3A_183 : i32
    %dma_wait3A_185 = arith.constant 0 : i32
    %dma_wait3A_186 = tpu.memref_slice %arg7[%rem3A_182, %dma_wait3A_185] : memref<8x3200xf32, #tpu.memory_space<vmem>> -> memref<1x3200xf32, #tpu.memory_space<vmem>>
    %dma_wait3A_187 = tpu.memref_squeeze %dma_wait3A_186 : memref<1x3200xf32, #tpu.memory_space<vmem>> -> memref<3200xf32, #tpu.memory_space<vmem>>
    %dma_wait3A_188 = arith.constant 0 : i32
    %dma_wait3A_189 = tpu.memref_slice %arg4[%add3A_184, %dma_wait3A_188] : memref<4096x3200xf32, #tpu.memory_space<hbm>> -> memref<1x3200xf32, #tpu.memory_space<hbm>>
    %dma_wait3A_190 = tpu.memref_squeeze %dma_wait3A_189 : memref<1x3200xf32, #tpu.memory_space<hbm>> -> memref<3200xf32, #tpu.memory_space<hbm>>
    %dma_wait3A_191 = arith.constant 0 : i32
    %dma_wait3A_192 = tpu.memref_slice %arg4[%add3A_184, %dma_wait3A_191] : memref<4096x3200xf32, #tpu.memory_space<hbm>> -> memref<1x3200xf32, #tpu.memory_space<hbm>>
    %dma_wait3A_193 = tpu.memref_squeeze %dma_wait3A_192 : memref<1x3200xf32, #tpu.memory_space<hbm>> -> memref<3200xf32, #tpu.memory_space<hbm>>
    %dma_wait3A_194 = arith.constant 0 : i32
    %dma_wait3A_195 = tpu.memref_slice %arg7[%rem3A_182, %dma_wait3A_194] : memref<8x3200xf32, #tpu.memory_space<vmem>> -> memref<1x3200xf32, #tpu.memory_space<vmem>>
    %dma_wait3A_196 = tpu.memref_squeeze %dma_wait3A_195 : memref<1x3200xf32, #tpu.memory_space<vmem>> -> memref<3200xf32, #tpu.memory_space<vmem>>
    tpu.wait_dma2 semaphore(%arg9 : memref<!tpu.dma_semaphore, #tpu.memory_space<semaphore_mem>>) src(%dma_wait3A_196 : memref<3200xf32, #tpu.memory_space<vmem>>) dst(%dma_wait3A_193 : memref<3200xf32, #tpu.memory_space<hbm>>)
    %rem3A_197 = arith.constant 127 : i32
    %rem3A_198 = arith.constant 8 : i32
    %rem3A_199 = arith.remsi %rem3A_197, %rem3A_198 : i32
    %dma_wait3A_200 = arith.constant 127 : i32
    %dma_wait3A_201 = arith.constant 0 : i32
    %dma_wait3A_202 = arith.constant 0 : i32
    %dma_wait3A_203 = tpu.memref_slice %arg6[%rem3A_199, %dma_wait3A_201, %dma_wait3A_202] : memref<8x50x64xf32, #tpu.memory_space<vmem>> -> memref<1x50x64xf32, #tpu.memory_space<vmem>>
    %dma_wait3A_204 = tpu.memref_squeeze %dma_wait3A_203 : memref<1x50x64xf32, #tpu.memory_space<vmem>> -> memref<50x64xf32, #tpu.memory_space<vmem>>
    %dma_wait3A_205 = arith.constant 0 : i32
    %dma_wait3A_206 = tpu.memref_slice %arg5[%dma_wait3A_200, %dma_wait3A_205] : memref<128x50xi32, #tpu.memory_space<vmem>> -> memref<1x50xi32, #tpu.memory_space<vmem>>
    %dma_wait3A_207 = tpu.memref_squeeze %dma_wait3A_206 : memref<1x50xi32, #tpu.memory_space<vmem>> -> memref<50xi32, #tpu.memory_space<vmem>>
    %dma_wait3A_208 = arith.constant 0 : i32
    %dma_wait3A_209 = arith.constant 0 : i32
    %dma_wait3A_210 = tpu.memref_slice %arg3[%dma_wait3A_208, %dma_wait3A_209] : memref<100000x64xf32, #tpu.memory_space<hbm>> -> memref<100000x64xf32, #tpu.memory_space<hbm>>
    tpu.wait_indirect_dma semaphore(%arg8 : memref<!tpu.dma_semaphore, #tpu.memory_space<semaphore_mem>>) src(%dma_wait3A_210 : memref<100000x64xf32, #tpu.memory_space<hbm>>) dst(%dma_wait3A_204 : memref<50x64xf32, #tpu.memory_space<vmem>>)
    %rem3A_211 = arith.constant 123 : i32
    %rem3A_212 = arith.constant 8 : i32
    %rem3A_213 = arith.remsi %rem3A_211, %rem3A_212 : i32
    %add3A_214 = arith.constant 123 : i32
    %add3A_215 = arith.addi %mul3A_2, %add3A_214 : i32
    %dma_wait3A_216 = arith.constant 0 : i32
    %dma_wait3A_217 = tpu.memref_slice %arg7[%rem3A_213, %dma_wait3A_216] : memref<8x3200xf32, #tpu.memory_space<vmem>> -> memref<1x3200xf32, #tpu.memory_space<vmem>>
    %dma_wait3A_218 = tpu.memref_squeeze %dma_wait3A_217 : memref<1x3200xf32, #tpu.memory_space<vmem>> -> memref<3200xf32, #tpu.memory_space<vmem>>
    %dma_wait3A_219 = arith.constant 0 : i32
    %dma_wait3A_220 = tpu.memref_slice %arg4[%add3A_215, %dma_wait3A_219] : memref<4096x3200xf32, #tpu.memory_space<hbm>> -> memref<1x3200xf32, #tpu.memory_space<hbm>>
    %dma_wait3A_221 = tpu.memref_squeeze %dma_wait3A_220 : memref<1x3200xf32, #tpu.memory_space<hbm>> -> memref<3200xf32, #tpu.memory_space<hbm>>
    %dma_wait3A_222 = arith.constant 0 : i32
    %dma_wait3A_223 = tpu.memref_slice %arg4[%add3A_215, %dma_wait3A_222] : memref<4096x3200xf32, #tpu.memory_space<hbm>> -> memref<1x3200xf32, #tpu.memory_space<hbm>>
    %dma_wait3A_224 = tpu.memref_squeeze %dma_wait3A_223 : memref<1x3200xf32, #tpu.memory_space<hbm>> -> memref<3200xf32, #tpu.memory_space<hbm>>
    %dma_wait3A_225 = arith.constant 0 : i32
    %dma_wait3A_226 = tpu.memref_slice %arg7[%rem3A_213, %dma_wait3A_225] : memref<8x3200xf32, #tpu.memory_space<vmem>> -> memref<1x3200xf32, #tpu.memory_space<vmem>>
    %dma_wait3A_227 = tpu.memref_squeeze %dma_wait3A_226 : memref<1x3200xf32, #tpu.memory_space<vmem>> -> memref<3200xf32, #tpu.memory_space<vmem>>
    tpu.wait_dma2 semaphore(%arg9 : memref<!tpu.dma_semaphore, #tpu.memory_space<semaphore_mem>>) src(%dma_wait3A_227 : memref<3200xf32, #tpu.memory_space<vmem>>) dst(%dma_wait3A_224 : memref<3200xf32, #tpu.memory_space<hbm>>)
    %rem3A_228 = arith.constant 127 : i32
    %rem3A_229 = arith.constant 8 : i32
    %rem3A_230 = arith.remsi %rem3A_228, %rem3A_229 : i32
    %dma_wait3A_231 = arith.constant 127 : i32
    %dma_wait3A_232 = arith.constant 0 : i32
    %dma_wait3A_233 = arith.constant 0 : i32
    %dma_wait3A_234 = tpu.memref_slice %arg6[%rem3A_230, %dma_wait3A_232, %dma_wait3A_233] : memref<8x50x64xf32, #tpu.memory_space<vmem>> -> memref<1x50x64xf32, #tpu.memory_space<vmem>>
    %dma_wait3A_235 = tpu.memref_squeeze %dma_wait3A_234 : memref<1x50x64xf32, #tpu.memory_space<vmem>> -> memref<50x64xf32, #tpu.memory_space<vmem>>
    %dma_wait3A_236 = arith.constant 0 : i32
    %dma_wait3A_237 = tpu.memref_slice %arg5[%dma_wait3A_231, %dma_wait3A_236] : memref<128x50xi32, #tpu.memory_space<vmem>> -> memref<1x50xi32, #tpu.memory_space<vmem>>
    %dma_wait3A_238 = tpu.memref_squeeze %dma_wait3A_237 : memref<1x50xi32, #tpu.memory_space<vmem>> -> memref<50xi32, #tpu.memory_space<vmem>>
    %dma_wait3A_239 = arith.constant 0 : i32
    %dma_wait3A_240 = arith.constant 0 : i32
    %dma_wait3A_241 = tpu.memref_slice %arg3[%dma_wait3A_239, %dma_wait3A_240] : memref<100000x64xf32, #tpu.memory_space<hbm>> -> memref<100000x64xf32, #tpu.memory_space<hbm>>
    tpu.wait_indirect_dma semaphore(%arg8 : memref<!tpu.dma_semaphore, #tpu.memory_space<semaphore_mem>>) src(%dma_wait3A_241 : memref<100000x64xf32, #tpu.memory_space<hbm>>) dst(%dma_wait3A_235 : memref<50x64xf32, #tpu.memory_space<vmem>>)
    %rem3A_242 = arith.constant 124 : i32
    %rem3A_243 = arith.constant 8 : i32
    %rem3A_244 = arith.remsi %rem3A_242, %rem3A_243 : i32
    %add3A_245 = arith.constant 124 : i32
    %add3A_246 = arith.addi %mul3A_2, %add3A_245 : i32
    %dma_wait3A_247 = arith.constant 0 : i32
    %dma_wait3A_248 = tpu.memref_slice %arg7[%rem3A_244, %dma_wait3A_247] : memref<8x3200xf32, #tpu.memory_space<vmem>> -> memref<1x3200xf32, #tpu.memory_space<vmem>>
    %dma_wait3A_249 = tpu.memref_squeeze %dma_wait3A_248 : memref<1x3200xf32, #tpu.memory_space<vmem>> -> memref<3200xf32, #tpu.memory_space<vmem>>
    %dma_wait3A_250 = arith.constant 0 : i32
    %dma_wait3A_251 = tpu.memref_slice %arg4[%add3A_246, %dma_wait3A_250] : memref<4096x3200xf32, #tpu.memory_space<hbm>> -> memref<1x3200xf32, #tpu.memory_space<hbm>>
    %dma_wait3A_252 = tpu.memref_squeeze %dma_wait3A_251 : memref<1x3200xf32, #tpu.memory_space<hbm>> -> memref<3200xf32, #tpu.memory_space<hbm>>
    %dma_wait3A_253 = arith.constant 0 : i32
    %dma_wait3A_254 = tpu.memref_slice %arg4[%add3A_246, %dma_wait3A_253] : memref<4096x3200xf32, #tpu.memory_space<hbm>> -> memref<1x3200xf32, #tpu.memory_space<hbm>>
    %dma_wait3A_255 = tpu.memref_squeeze %dma_wait3A_254 : memref<1x3200xf32, #tpu.memory_space<hbm>> -> memref<3200xf32, #tpu.memory_space<hbm>>
    %dma_wait3A_256 = arith.constant 0 : i32
    %dma_wait3A_257 = tpu.memref_slice %arg7[%rem3A_244, %dma_wait3A_256] : memref<8x3200xf32, #tpu.memory_space<vmem>> -> memref<1x3200xf32, #tpu.memory_space<vmem>>
    %dma_wait3A_258 = tpu.memref_squeeze %dma_wait3A_257 : memref<1x3200xf32, #tpu.memory_space<vmem>> -> memref<3200xf32, #tpu.memory_space<vmem>>
    tpu.wait_dma2 semaphore(%arg9 : memref<!tpu.dma_semaphore, #tpu.memory_space<semaphore_mem>>) src(%dma_wait3A_258 : memref<3200xf32, #tpu.memory_space<vmem>>) dst(%dma_wait3A_255 : memref<3200xf32, #tpu.memory_space<hbm>>)
    %rem3A_259 = arith.constant 127 : i32
    %rem3A_260 = arith.constant 8 : i32
    %rem3A_261 = arith.remsi %rem3A_259, %rem3A_260 : i32
    %dma_wait3A_262 = arith.constant 127 : i32
    %dma_wait3A_263 = arith.constant 0 : i32
    %dma_wait3A_264 = arith.constant 0 : i32
    %dma_wait3A_265 = tpu.memref_slice %arg6[%rem3A_261, %dma_wait3A_263, %dma_wait3A_264] : memref<8x50x64xf32, #tpu.memory_space<vmem>> -> memref<1x50x64xf32, #tpu.memory_space<vmem>>
    %dma_wait3A_266 = tpu.memref_squeeze %dma_wait3A_265 : memref<1x50x64xf32, #tpu.memory_space<vmem>> -> memref<50x64xf32, #tpu.memory_space<vmem>>
    %dma_wait3A_267 = arith.constant 0 : i32
    %dma_wait3A_268 = tpu.memref_slice %arg5[%dma_wait3A_262, %dma_wait3A_267] : memref<128x50xi32, #tpu.memory_space<vmem>> -> memref<1x50xi32, #tpu.memory_space<vmem>>
    %dma_wait3A_269 = tpu.memref_squeeze %dma_wait3A_268 : memref<1x50xi32, #tpu.memory_space<vmem>> -> memref<50xi32, #tpu.memory_space<vmem>>
    %dma_wait3A_270 = arith.constant 0 : i32
    %dma_wait3A_271 = arith.constant 0 : i32
    %dma_wait3A_272 = tpu.memref_slice %arg3[%dma_wait3A_270, %dma_wait3A_271] : memref<100000x64xf32, #tpu.memory_space<hbm>> -> memref<100000x64xf32, #tpu.memory_space<hbm>>
    tpu.wait_indirect_dma semaphore(%arg8 : memref<!tpu.dma_semaphore, #tpu.memory_space<semaphore_mem>>) src(%dma_wait3A_272 : memref<100000x64xf32, #tpu.memory_space<hbm>>) dst(%dma_wait3A_266 : memref<50x64xf32, #tpu.memory_space<vmem>>)
    %rem3A_273 = arith.constant 125 : i32
    %rem3A_274 = arith.constant 8 : i32
    %rem3A_275 = arith.remsi %rem3A_273, %rem3A_274 : i32
    %add3A_276 = arith.constant 125 : i32
    %add3A_277 = arith.addi %mul3A_2, %add3A_276 : i32
    %dma_wait3A_278 = arith.constant 0 : i32
    %dma_wait3A_279 = tpu.memref_slice %arg7[%rem3A_275, %dma_wait3A_278] : memref<8x3200xf32, #tpu.memory_space<vmem>> -> memref<1x3200xf32, #tpu.memory_space<vmem>>
    %dma_wait3A_280 = tpu.memref_squeeze %dma_wait3A_279 : memref<1x3200xf32, #tpu.memory_space<vmem>> -> memref<3200xf32, #tpu.memory_space<vmem>>
    %dma_wait3A_281 = arith.constant 0 : i32
    %dma_wait3A_282 = tpu.memref_slice %arg4[%add3A_277, %dma_wait3A_281] : memref<4096x3200xf32, #tpu.memory_space<hbm>> -> memref<1x3200xf32, #tpu.memory_space<hbm>>
    %dma_wait3A_283 = tpu.memref_squeeze %dma_wait3A_282 : memref<1x3200xf32, #tpu.memory_space<hbm>> -> memref<3200xf32, #tpu.memory_space<hbm>>
    %dma_wait3A_284 = arith.constant 0 : i32
    %dma_wait3A_285 = tpu.memref_slice %arg4[%add3A_277, %dma_wait3A_284] : memref<4096x3200xf32, #tpu.memory_space<hbm>> -> memref<1x3200xf32, #tpu.memory_space<hbm>>
    %dma_wait3A_286 = tpu.memref_squeeze %dma_wait3A_285 : memref<1x3200xf32, #tpu.memory_space<hbm>> -> memref<3200xf32, #tpu.memory_space<hbm>>
    %dma_wait3A_287 = arith.constant 0 : i32
    %dma_wait3A_288 = tpu.memref_slice %arg7[%rem3A_275, %dma_wait3A_287] : memref<8x3200xf32, #tpu.memory_space<vmem>> -> memref<1x3200xf32, #tpu.memory_space<vmem>>
    %dma_wait3A_289 = tpu.memref_squeeze %dma_wait3A_288 : memref<1x3200xf32, #tpu.memory_space<vmem>> -> memref<3200xf32, #tpu.memory_space<vmem>>
    tpu.wait_dma2 semaphore(%arg9 : memref<!tpu.dma_semaphore, #tpu.memory_space<semaphore_mem>>) src(%dma_wait3A_289 : memref<3200xf32, #tpu.memory_space<vmem>>) dst(%dma_wait3A_286 : memref<3200xf32, #tpu.memory_space<hbm>>)
    %rem3A_290 = arith.constant 127 : i32
    %rem3A_291 = arith.constant 8 : i32
    %rem3A_292 = arith.remsi %rem3A_290, %rem3A_291 : i32
    %dma_wait3A_293 = arith.constant 127 : i32
    %dma_wait3A_294 = arith.constant 0 : i32
    %dma_wait3A_295 = arith.constant 0 : i32
    %dma_wait3A_296 = tpu.memref_slice %arg6[%rem3A_292, %dma_wait3A_294, %dma_wait3A_295] : memref<8x50x64xf32, #tpu.memory_space<vmem>> -> memref<1x50x64xf32, #tpu.memory_space<vmem>>
    %dma_wait3A_297 = tpu.memref_squeeze %dma_wait3A_296 : memref<1x50x64xf32, #tpu.memory_space<vmem>> -> memref<50x64xf32, #tpu.memory_space<vmem>>
    %dma_wait3A_298 = arith.constant 0 : i32
    %dma_wait3A_299 = tpu.memref_slice %arg5[%dma_wait3A_293, %dma_wait3A_298] : memref<128x50xi32, #tpu.memory_space<vmem>> -> memref<1x50xi32, #tpu.memory_space<vmem>>
    %dma_wait3A_300 = tpu.memref_squeeze %dma_wait3A_299 : memref<1x50xi32, #tpu.memory_space<vmem>> -> memref<50xi32, #tpu.memory_space<vmem>>
    %dma_wait3A_301 = arith.constant 0 : i32
    %dma_wait3A_302 = arith.constant 0 : i32
    %dma_wait3A_303 = tpu.memref_slice %arg3[%dma_wait3A_301, %dma_wait3A_302] : memref<100000x64xf32, #tpu.memory_space<hbm>> -> memref<100000x64xf32, #tpu.memory_space<hbm>>
    tpu.wait_indirect_dma semaphore(%arg8 : memref<!tpu.dma_semaphore, #tpu.memory_space<semaphore_mem>>) src(%dma_wait3A_303 : memref<100000x64xf32, #tpu.memory_space<hbm>>) dst(%dma_wait3A_297 : memref<50x64xf32, #tpu.memory_space<vmem>>)
    %rem3A_304 = arith.constant 126 : i32
    %rem3A_305 = arith.constant 8 : i32
    %rem3A_306 = arith.remsi %rem3A_304, %rem3A_305 : i32
    %add3A_307 = arith.constant 126 : i32
    %add3A_308 = arith.addi %mul3A_2, %add3A_307 : i32
    %dma_wait3A_309 = arith.constant 0 : i32
    %dma_wait3A_310 = tpu.memref_slice %arg7[%rem3A_306, %dma_wait3A_309] : memref<8x3200xf32, #tpu.memory_space<vmem>> -> memref<1x3200xf32, #tpu.memory_space<vmem>>
    %dma_wait3A_311 = tpu.memref_squeeze %dma_wait3A_310 : memref<1x3200xf32, #tpu.memory_space<vmem>> -> memref<3200xf32, #tpu.memory_space<vmem>>
    %dma_wait3A_312 = arith.constant 0 : i32
    %dma_wait3A_313 = tpu.memref_slice %arg4[%add3A_308, %dma_wait3A_312] : memref<4096x3200xf32, #tpu.memory_space<hbm>> -> memref<1x3200xf32, #tpu.memory_space<hbm>>
    %dma_wait3A_314 = tpu.memref_squeeze %dma_wait3A_313 : memref<1x3200xf32, #tpu.memory_space<hbm>> -> memref<3200xf32, #tpu.memory_space<hbm>>
    %dma_wait3A_315 = arith.constant 0 : i32
    %dma_wait3A_316 = tpu.memref_slice %arg4[%add3A_308, %dma_wait3A_315] : memref<4096x3200xf32, #tpu.memory_space<hbm>> -> memref<1x3200xf32, #tpu.memory_space<hbm>>
    %dma_wait3A_317 = tpu.memref_squeeze %dma_wait3A_316 : memref<1x3200xf32, #tpu.memory_space<hbm>> -> memref<3200xf32, #tpu.memory_space<hbm>>
    %dma_wait3A_318 = arith.constant 0 : i32
    %dma_wait3A_319 = tpu.memref_slice %arg7[%rem3A_306, %dma_wait3A_318] : memref<8x3200xf32, #tpu.memory_space<vmem>> -> memref<1x3200xf32, #tpu.memory_space<vmem>>
    %dma_wait3A_320 = tpu.memref_squeeze %dma_wait3A_319 : memref<1x3200xf32, #tpu.memory_space<vmem>> -> memref<3200xf32, #tpu.memory_space<vmem>>
    tpu.wait_dma2 semaphore(%arg9 : memref<!tpu.dma_semaphore, #tpu.memory_space<semaphore_mem>>) src(%dma_wait3A_320 : memref<3200xf32, #tpu.memory_space<vmem>>) dst(%dma_wait3A_317 : memref<3200xf32, #tpu.memory_space<hbm>>)
    %rem3A_321 = arith.constant 127 : i32
    %rem3A_322 = arith.constant 8 : i32
    %rem3A_323 = arith.remsi %rem3A_321, %rem3A_322 : i32
    %dma_wait3A_324 = arith.constant 127 : i32
    %dma_wait3A_325 = arith.constant 0 : i32
    %dma_wait3A_326 = arith.constant 0 : i32
    %dma_wait3A_327 = tpu.memref_slice %arg6[%rem3A_323, %dma_wait3A_325, %dma_wait3A_326] : memref<8x50x64xf32, #tpu.memory_space<vmem>> -> memref<1x50x64xf32, #tpu.memory_space<vmem>>
    %dma_wait3A_328 = tpu.memref_squeeze %dma_wait3A_327 : memref<1x50x64xf32, #tpu.memory_space<vmem>> -> memref<50x64xf32, #tpu.memory_space<vmem>>
    %dma_wait3A_329 = arith.constant 0 : i32
    %dma_wait3A_330 = tpu.memref_slice %arg5[%dma_wait3A_324, %dma_wait3A_329] : memref<128x50xi32, #tpu.memory_space<vmem>> -> memref<1x50xi32, #tpu.memory_space<vmem>>
    %dma_wait3A_331 = tpu.memref_squeeze %dma_wait3A_330 : memref<1x50xi32, #tpu.memory_space<vmem>> -> memref<50xi32, #tpu.memory_space<vmem>>
    %dma_wait3A_332 = arith.constant 0 : i32
    %dma_wait3A_333 = arith.constant 0 : i32
    %dma_wait3A_334 = tpu.memref_slice %arg3[%dma_wait3A_332, %dma_wait3A_333] : memref<100000x64xf32, #tpu.memory_space<hbm>> -> memref<100000x64xf32, #tpu.memory_space<hbm>>
    tpu.wait_indirect_dma semaphore(%arg8 : memref<!tpu.dma_semaphore, #tpu.memory_space<semaphore_mem>>) src(%dma_wait3A_334 : memref<100000x64xf32, #tpu.memory_space<hbm>>) dst(%dma_wait3A_328 : memref<50x64xf32, #tpu.memory_space<vmem>>)
    %rem3A_335 = arith.constant 127 : i32
    %rem3A_336 = arith.constant 8 : i32
    %rem3A_337 = arith.remsi %rem3A_335, %rem3A_336 : i32
    %add3A_338 = arith.constant 127 : i32
    %add3A_339 = arith.addi %mul3A_2, %add3A_338 : i32
    %dma_wait3A_340 = arith.constant 0 : i32
    %dma_wait3A_341 = tpu.memref_slice %arg7[%rem3A_337, %dma_wait3A_340] : memref<8x3200xf32, #tpu.memory_space<vmem>> -> memref<1x3200xf32, #tpu.memory_space<vmem>>
    %dma_wait3A_342 = tpu.memref_squeeze %dma_wait3A_341 : memref<1x3200xf32, #tpu.memory_space<vmem>> -> memref<3200xf32, #tpu.memory_space<vmem>>
    %dma_wait3A_343 = arith.constant 0 : i32
    %dma_wait3A_344 = tpu.memref_slice %arg4[%add3A_339, %dma_wait3A_343] : memref<4096x3200xf32, #tpu.memory_space<hbm>> -> memref<1x3200xf32, #tpu.memory_space<hbm>>
    %dma_wait3A_345 = tpu.memref_squeeze %dma_wait3A_344 : memref<1x3200xf32, #tpu.memory_space<hbm>> -> memref<3200xf32, #tpu.memory_space<hbm>>
    %dma_wait3A_346 = arith.constant 0 : i32
    %dma_wait3A_347 = tpu.memref_slice %arg4[%add3A_339, %dma_wait3A_346] : memref<4096x3200xf32, #tpu.memory_space<hbm>> -> memref<1x3200xf32, #tpu.memory_space<hbm>>
    %dma_wait3A_348 = tpu.memref_squeeze %dma_wait3A_347 : memref<1x3200xf32, #tpu.memory_space<hbm>> -> memref<3200xf32, #tpu.memory_space<hbm>>
    %dma_wait3A_349 = arith.constant 0 : i32
    %dma_wait3A_350 = tpu.memref_slice %arg7[%rem3A_337, %dma_wait3A_349] : memref<8x3200xf32, #tpu.memory_space<vmem>> -> memref<1x3200xf32, #tpu.memory_space<vmem>>
    %dma_wait3A_351 = tpu.memref_squeeze %dma_wait3A_350 : memref<1x3200xf32, #tpu.memory_space<vmem>> -> memref<3200xf32, #tpu.memory_space<vmem>>
    tpu.wait_dma2 semaphore(%arg9 : memref<!tpu.dma_semaphore, #tpu.memory_space<semaphore_mem>>) src(%dma_wait3A_351 : memref<3200xf32, #tpu.memory_space<vmem>>) dst(%dma_wait3A_348 : memref<3200xf32, #tpu.memory_space<hbm>>)
    return
  }
}

</mosaic_0001>

<sc_bundles>
// kernel: kernel.3.cloned.1.call-start
scs
__scs_entry_jumppad:
0x0: {  	(pc) =	sbr.rel $0x88, $3  }
0x1: {  	(tag) =	ssettag $0x0;
	lr =	simm.s32 $0x1  }
0x2: {  	[smem:$0x3F9F] =	sst lr;
	_ =	strace $0xD0000000  }
0x3: {  	_ = 	snop  }
0x4: {  	_ = 	snop  }
0x5: {  	_ = 	snop  }
0x6: {  	_ = 	snop  }
0x7: {  	_ = 	snop  }
__scs_overlays_trampoline_lowered:
0x8: {  	[smem:$0x3FAE] =	sst s0  }
0x9: {  	[smem:$0x3FAF] =	sst s1  }
0xa: {  	[smem:$0x3FB0] =	sst s2  }
0xb: {  	[smem:$0x3FB1] =	sst s3  }
0xc: {  	[smem:$0x3FB2] =	sst s4  }
0xd: {  	[smem:$0x3FB3] =	sst s5  }
0xe: {  	[smem:$0x3FB4] =	sst s6  }
0xf: {  	[smem:$0x3FB5] =	sst s7  }
0x10: {  	[smem:$0x3FB6] =	sst s8  }
0x11: {  	[smem:$0x3FB7] =	sst s9;
	s0 =	simm.s32 @!p0 $0x0  }
0x12: {  	s1 =	sld [smem:$0x3F9D];
	s0 =	simm.s32 @p0 $0x1  }
0x13: {  	[smem:$0x3FB8] =	sst s0;
	s0 =	simm.s32 @!p1 $0x0  }
0x14: {  	s2 =	sld [smem:$0x3F9C];
	s0 =	simm.s32 @p1 $0x1  }
0x15: {  	[smem:$0x3FB9] =	sst s0;
	s0 =	simm.s32 @!p2 $0x0  }
0x16: {  	s3 =	sld [smem:$0x3FDB];
	s0 =	simm.s32 @p2 $0x1  }
0x17: {  	s4 =	simm.s32 $0x1BF5;
	[smem:$0x3FBB] =	sst s0  }
0x18: {  	s0 =	sld [smem:$0x3F9E];
	_ =	swait.ge [sflag:s4], $0x0  }
0x19: {  	s7 =	sld [smem:$0x3F9F]  }
0x1a: {  	s8 =	sadd.s32 $0xFFFFE003, lr  }
0x1b: {  	s9 =	sadd.s32 $0xFFFFFEF7, lr;
	s5 =	simm.s32 $0xFFFFFFFF;
	p2 =	slt.u32 s8, $0xFFFFF086  }
0x1c: {  	p1 =	slt.u32 s9, $0xF7A;
	s5 =	simm.s32 @!p2 $0x0  }
0x1d: {  	s5 =	simm.s32 @p1 $0x1;
	p0 =	seq.s32 s7, s2  }
0x1e: {  	s7 =	smul.u32 @!p0 $0xF7A, s2;
	p2 =	seq.s32 @!p0 s5, $0x0  }
0x1f: {  	s9 =	smul.u32 $0xF7A, s1;
	s8 =	simm.s32 @!p0 $0x1BF5;
	p2 =	por !p2, p0  }
0x20: {  	[sflag:s8] =	ssyncset.s32 @!p0 $0xFFFFF086;
	s6 =	sadd.s32 @!p0 s3, s7;
	s7 =	simm.s32 @!p0 $0x108  }
0x21: {  	s3 =	sadd.s32 s3, s9;
	s6 =	sadd.s32 @!p0 $0x88, s6;
	s7 =	simm.s32 @p2 $0x1082  }
0x22: {  	[simem:s7], [sflag:s8] =	dma.local @!p0 [hbm:s6], $0xF7A  }
0x23: {  	s9 =	sor.u32 $0xD0000000, s2;
	s6 =	simm.s32 $0x108;
	_ =	swait.ge @!p0 [sflag:s8], $0x0  }
0x24: {  	s3 =	sadd.s32 $0x88, s3;
	s6 =	simm.s32 @!p1 $0x1082;
	[sflag:s4] =	ssyncset.s32 $0xFFFFF086  }
0x25: {  	[simem:s6], [sflag:s4] =	dma.local [hbm:s3], $0xF7A  }
0x26: {  	[smem:$0x3F9F] =	sst s1;
	(tag) =	ssettag s2;
	_ =	strace s9  }
0x27: {  	s1 =	sld [smem:$0x3FAF]  }
0x28: {  	s2 =	sld [smem:$0x3FB0]  }
0x29: {  	s4 =	sld [smem:$0x3FB2]  }
0x2a: {  	p0 =	seq.s32 s5, $0x0;
	s5 =	sld [smem:$0x3FB3]  }
0x2b: {  	s6 =	sld [smem:$0x3FB4]  }
0x2c: {  	s7 =	sld [smem:$0x3FB5]  }
0x2d: {  	s3 =	simm.s32 $0x108;
	s8 =	sld [smem:$0x3FB6]  }
0x2e: {  	s3 =	simm.s32 @!p0 $0x1082;
	s9 =	sld [smem:$0x3FB7]  }
0x2f: {  	lr =	sadd.s32 s0, s3;
	s0 =	sld [smem:$0x3FAE]  }
0x30: {  	s3 =	sld [smem:$0x3FB1]  }
0x31: {  	[smem:$0x3FBA] =	sst s10  }
0x32: {  	s10 =	sld [smem:$0x3FB8];
	_ =	sdelay $0x3  }
0x33: {  	p0 =	seq.s32 s10, $0x1;
	s10 =	sld [smem:$0x3FBA];
	_ =	sdelay $0x3  }
0x34: {  	[smem:$0x3FBA] =	sst s10  }
0x35: {  	s10 =	sld [smem:$0x3FB9];
	_ =	sdelay $0x3  }
0x36: {  	p1 =	seq.s32 s10, $0x1;
	s10 =	sld [smem:$0x3FBA];
	_ =	sdelay $0x3  }
0x37: {  	[smem:$0x3FBA] =	sst s10  }
0x38: {  	s10 =	sld [smem:$0x3FBB]  }
0x39: {  	_ = 	snop;
	(pc) =	sbr.ind lr, $3  }
0x3a: {  	_ = 	snop  }
0x3b: {  	_ = 	snop  }
0x3c: {  	p2 =	seq.s32 s10, $0x1;
	s10 =	sld [smem:$0x3FBA]  }
0x3d: {  	_ =	shalt  }
0x3e: {  	_ =	shalt  }
0x3f: {  	_ =	shalt  }
0x40: {  	_ =	shalt  }
0x41: {  	_ =	shalt  }
0x42: {  	_ =	shalt  }
0x43: {  	_ =	shalt  }
0x44: {  	_ =	shalt  }
0x45: {  	_ =	shalt  }
0x46: {  	_ =	shalt  }
0x47: {  	_ =	shalt  }
0x48: {  	_ =	shalt  }
0x49: {  	_ =	shalt  }
0x4a: {  	_ =	shalt  }
0x4b: {  	_ =	shalt  }
0x4c: {  	_ =	shalt  }
0x4d: {  	_ =	shalt  }
0x4e: {  	_ =	shalt  }
0x4f: {  	_ =	shalt  }
0x50: {  	_ =	shalt  }
0x51: {  	_ =	shalt  }
0x52: {  	_ =	shalt  }
0x53: {  	_ =	shalt  }
0x54: {  	_ =	shalt  }
0x55: {  	_ =	shalt  }
0x56: {  	_ =	shalt  }
0x57: {  	_ =	shalt  }
0x58: {  	_ =	shalt  }
0x59: {  	_ =	shalt  }
0x5a: {  	_ =	shalt  }
0x5b: {  	_ =	shalt  }
0x5c: {  	_ =	shalt  }
0x5d: {  	_ =	shalt  }
0x5e: {  	_ =	shalt  }
0x5f: {  	_ =	shalt  }
0x60: {  	_ =	shalt  }
0x61: {  	_ =	shalt  }
0x62: {  	_ =	shalt  }
0x63: {  	_ =	shalt  }
0x64: {  	_ =	shalt  }
0x65: {  	_ =	shalt  }
0x66: {  	_ =	shalt  }
0x67: {  	_ =	shalt  }
0x68: {  	_ =	shalt  }
0x69: {  	_ =	shalt  }
0x6a: {  	_ =	shalt  }
0x6b: {  	_ =	shalt  }
0x6c: {  	_ =	shalt  }
0x6d: {  	_ =	shalt  }
0x6e: {  	_ =	shalt  }
0x6f: {  	_ =	shalt  }
0x70: {  	_ =	shalt  }
0x71: {  	_ =	shalt  }
0x72: {  	_ =	shalt  }
0x73: {  	_ =	shalt  }
0x74: {  	_ =	shalt  }
0x75: {  	_ =	shalt  }
0x76: {  	_ =	shalt  }
0x77: {  	_ =	shalt  }
0x78: {  	_ =	shalt  }
0x79: {  	_ =	shalt  }
0x7a: {  	_ =	shalt  }
0x7b: {  	_ =	shalt  }
0x7c: {  	_ =	shalt  }
0x7d: {  	_ =	shalt  }
0x7e: {  	_ =	shalt  }
0x7f: {  	_ =	shalt  }
0x80: {  	_ =	shalt  }
0x81: {  	_ =	shalt  }
0x82: {  	_ =	shalt  }
0x83: {  	_ =	shalt  }
0x84: {  	_ =	shalt  }
0x85: {  	_ =	shalt  }
0x86: {  	_ =	shalt  }
0x87: {  	_ =	shalt  }
.Lfunc_end0:
.L_simem_size_0:
called_computation.2_lowered:
.L_overlay_start_0:
0x88: {  	s2 =	sld [smem:$0x3FD9]  }
0x89: {  	s3 =	sld [smem:$0x3FFE];
	_ =	sdelay $0x1  }
0x8a: {  	s1 =	srdreg.scid  }
0x8b: {  	s0 =	sand.u32 $0x1, s1  }
0x8c: {  	s16 =	sshll.u32 s0, $0xA;
	s2 =	sadd.s32 s3, s2  }
0x8d: {  	s2 =	sadd.s32 s2, s16  }
0x8e: {  	[smem:$0x3FC6] =	sst s2  }
0x8f: {  	_ = 	snop  }
0x90: {  	(tm) =	ssettm $0x1  }
0x91: {  	s17 =	sld [smem:$0x3FFB];
	_ =	sdelay $0x3  }
0x92: {  	_ =	strace s17  }
0x93: {  	s2 =	sld [smem:$0x3FFC];
	_ =	sdelay $0x3  }
0x94: {  	_ =	strace s2  }
0x95: {  	s2 =	sld [smem:$0x3FFD];
	_ =	sdelay $0x3  }
0x96: {  	_ =	strace s2  }
0x97: {  	_ =	strace $0x8FFFFFFF  }
0x98: {  	s18 =	sld [smem:$0x3FDB];
	_ =	sdelay $0x1  }
0x99: {  	s19 =	simm.s32 $_scs_section_size  }
0x9a: {  	s4 =	simm.s32 $_size__tile_overlayer_lowered;
	s5 =	simm.s32 $_tile_overlayer_lowered  }
0x9b: {  	s22 =	simm.s32 $0x1BFF;
	s21 =	sshll.u32 s5, $0x1;
	s2 =	sadd.s32 s19, s18  }
0x9c: {  	s6 =	simm.s32 $0x0;
	s20 =	sshll.u32 s4, $0x1;
	s4 =	sadd.s32 s21, s2  }
0x9d: {  	[timem:s6], [sflag:s22] =	dma.local [hbm:s4], s20  }
0x9e: {  	_ =	swait.ge [sflag:s22], s20  }
0x9f: {  	s3 =	ssub.s32 $0x0, s20;
	[sflag:s22] =	ssyncset.done $0x0  }
0xa0: {  	[sflag:s22] =	ssyncadd.s32 s3;
	_ =	sdelay $0x1  }
0xa1: {  	s23 =	simm.s32 $0x1B8B  }
0xa2: {  	_ =	swait.ge [sflag:s23], $0x1  }
0xa3: {  	[sflag:s23] =	ssyncset.done $0x0  }
0xa4: {  	s25 =	simm.s32 $0x1B8E;
	s24 =	sld [smem:$0x3FFE];
	[sflag:s23] =	ssyncadd.s32 $0xFFFFFFFF  }
0xa5: {  	s26 =	simm.s32 $execute0_lowered;
	[smem:$0x3FD2] =	sst s25  }
0xa6: {  	s4 =	sshll.u32 s26, $0x1;
	_ =	strace $0x80000046;
	[dreg:$0x1] =	wrdreg $0xFFFFFFFF  }
0xa7: {  	s28 =	simm.s32 $_size_execute0_lowered;
	s2 =	sadd.s32 s2, s4;
	[dreg:$0x0] =	wrdreg $0x0  }
0xa8: {  	s4 =	sshll.u32 s28, $0x1;
	[dreg:$0x2] =	wrdreg s2  }
0xa9: {  	[dreg:$0x3] =	wrdreg s4  }
0xaa: {  	[dreg:$0x4] =	wrdreg $0xC0  }
0xab: {  	_ =	task [dreg:s6], $0x5FFFF  }
0xac: {  	[dreg:$0x1] =	wrdreg $0xFFFFFFFF  }
0xad: {  	[dreg:$0x0] =	wrdreg $0x60  }
0xae: {  	[dreg:$0x2] =	wrdreg s24  }
0xaf: {  	[dreg:$0x3] =	wrdreg $0x9  }
0xb0: {  	_ =	task.clear_ibuf [dreg:s6], $0x4FFFF;
	_ =	strace $0x90000046  }
0xb1: {  	s29 =	simm.s32 $0x9;
	_ =	strace $0x80000048  }
0xb2: {  	_ =	swait.ge [sflag:s29], $0x1  }
0xb3: {  	[sflag:s29] =	ssyncadd.s32 $0xFFFFFFFF  }
0xb4: {  	_ =	strace $0x90000048  }
0xb5: {  	_ =	sfence  }
0xb6: {  	s30 =	sld [smem:$0x0];
	_ =	sdelay $0x2  }
0xb7: {  	s31 =	sshll.u32 s1, $0xD;
	s1 =	sshrl.u32 s1, $0x2  }
0xb8: {  	s3 =	sand.u32 $0x4000, s31;
	s1 =	sadd.s32 s1, s30  }
0xb9: {  	s0 =	sor.u32 s3, s0;
	s1 =	sshll.u32 s1, $0x11  }
0xba: {  	s0 =	sor.u32 s1, s0  }
0xbb: {  	s0 =	sadd.s32 $0x8F2B, s0  }
0xbc: {  	[sflag:s0] =	ssyncadd.remote.s32 $0x1  }
0xbd: {  	_ =	sfence.sel $0xFFFF  }
0xbe: {  	[dreg:$0x0] =	wrdreg $0xFFFFFFFF;
	(pc) =	sbr.abs _section_cstart, $3  }
0xbf: {  	[dreg:$0x1] =	wrdreg $0xFFFFFFFF  }
0xc0: {  	_ =	task.clear_ibuf [dreg:s6], $0x2FFFF;
	_ =	strace $0x9FFFFFFF  }
0xc1: {  	(tm) =	ssettm $0x7FFFFFFF  }
tec
execute0_lowered:
.L_overlay_start_1:
0x0: {  	(tag) =	ssettag $0x1  }
0x1: {  	v0 =	vlaneseq.u32  }
0x2: {  	v0 =	vmul.u32 $0x32, v0;
	_ =	sdelay $0x1  }
0x3: {  	v2 =	vadd.s32 $0x320, v0;
	v4 =	vadd.s32 $0x640, v0;
	v5 =	vadd.s32 $0x960, v0  }
0x4: {  	v6 =	vor.u32 $0x1, v0;
	v7 =	vadd.s32 $0x321, v0;
	v8 =	vadd.s32 $0x641, v0  }
0x5: {  	v9 =	vadd.s32 $0x961, v0;
	v10 =	vadd.s32 $0x2, v0;
	v11 =	vadd.s32 $0x322, v0  }
0x6: {  	v12 =	vadd.s32 $0x642, v0;
	v13 =	vadd.s32 $0x962, v0;
	v14 =	vadd.s32 $0x3, v0  }
0x7: {  	v15 =	vadd.s32 $0x323, v0;
	v16 =	vadd.s32 $0x643, v0;
	v17 =	vadd.s32 $0x963, v0  }
0x8: {  	v18 =	vadd.s32 $0x4, v0;
	v19 =	vadd.s32 $0x324, v0;
	v20 =	vadd.s32 $0x644, v0  }
0x9: {  	s1 =	srdreg.scid;
	v21 =	vadd.s32 $0x964, v0;
	v22 =	vadd.s32 $0x5, v0;
	v23 =	vadd.s32 $0x325, v0  }
0xa: {  	s0 =	stileid.u32;
	s4 =	rddreg [dreg:$0x0];
	s2 =	simm.s32 $0x0;
	v24 =	vadd.s32 $0x645, v0;
	v25 =	vadd.s32 $0x965, v0;
	v26 =	vadd.s32 $0x6, v0  }
0xb: {  	s10 =	simm.s32 $0x38;
	s11 =	simm.s32 $0x2880;
	s12 =	simm.s32 $0x70;
	v27 =	vadd.s32 $0x326, v0;
	v28 =	vadd.s32 $0x646, v0;
	v29 =	vadd.s32 $0x966, v0  }
0xc: {  	s13 =	simm.s32 $0x3500;
	s14 =	simm.s32 $0xA8;
	s15 =	simm.s32 $0x4180;
	v30 =	vadd.s32 $0x7, v0;
	v31 =	vadd.s32 $0x327, v0;
	v32 =	vadd.s32 $0x647, v0  }
0xd: {  	s16 =	simm.s32 $0xE0;
	s17 =	simm.s32 $0x4E00;
	s18 =	simm.s32 $0x118;
	v33 =	vadd.s32 $0x967, v0;
	v34 =	vadd.s32 $0x8, v0;
	v35 =	vadd.s32 $0x328, v0  }
0xe: {  	s19 =	simm.s32 $0x5A80;
	s20 =	simm.s32 $0x150;
	s21 =	simm.s32 $0x6700;
	v36 =	vadd.s32 $0x648, v0;
	v37 =	vadd.s32 $0x968, v0;
	v38 =	vadd.s32 $0x9, v0  }
0xf: {  	s22 =	simm.s32 $0x188;
	s23 =	simm.s32 $0x7380;
	s24 =	simm.s32 $0x1;
	v39 =	vadd.s32 $0x329, v0;
	v40 =	vadd.s32 $0x649, v0;
	v41 =	vadd.s32 $0x969, v0  }
0x10: {  	s25 =	simm.s32 $0x2;
	s26 =	simm.s32 $0x0;
	s3 =	sand.u32 $0x1, s1;
	v42 =	vadd.s32 $0xA, v0;
	v43 =	vadd.s32 $0x32A, v0;
	v44 =	vadd.s32 $0x64A, v0  }
0x11: {  	s5 =	sshll.u32 s0, $0x8;
	[smem:$0x7FF] =	sst s2;
	s31 =	smul.u32 $0x19000, s0;
	v45 =	vadd.s32 $0x96A, v0;
	v46 =	vadd.s32 $0xB, v0;
	v47 =	vadd.s32 $0x32B, v0  }
0x12: {  	s6 =	sshll.u32 s3, $0x7;
	_ =	strace $0x80000047;
	s7 =	ssub.s32 $0x2, s3;
	v48 =	vadd.s32 $0x64B, v0;
	v49 =	vadd.s32 $0x96B, v0;
	v50 =	vadd.s32 $0xC, v0  }
0x13: {  	s9 =	smul.u32 $0xC800, s3;
	s3 =	sadd.s32 $0x7C00, s4;
	s5 =	sor.u32 s6, s5;
	v51 =	vadd.s32 $0x32C, v0;
	v52 =	vadd.s32 $0x64C, v0;
	v53 =	vadd.s32 $0x96C, v0  }
0x14: {  	s8 =	sshrl.u32 s7, $0x1;
	s6 =	sadd.s32 s31, s4;
	v54 =	vadd.s32 $0xD, v0;
	v55 =	vadd.s32 $0x32D, v0;
	v56 =	vadd.s32 $0x64D, v0;
	s5 =	smul.u32 $0x7, s5  }
0x15: {  	v57 =	vadd.s32 $0x96D, v0;
	v58 =	vadd.s32 $0xE, v0;
	v1 =	vadd.s32 $0x96F, v0;
	s7 =	ssub.s32 s7, s8;
	s6 =	sadd.s32 s9, s6;
	s8 =	simm.s32 $0x32  }
0x16: {  	v59 =	vadd.s32 $0x32E, v0;
	v60 =	vadd.s32 $0x64E, v0;
	v61 =	vadd.s32 $0x96E, v0;
	s9 =	simm.s32 $0x1C00;
	[tilespmem:$0x1FFE0] =	vst v1;
	s6 =	sadd.s32 $0xCB200, s6;
	s5 =	sadd.s32 s5, s4  }
0x17: {  	v62 =	vadd.s32 $0xF, v0;
	v63 =	vadd.s32 $0x32F, v0;
	v3 =	vadd.s32 $0x64F, v0;
	[tilespmem:$0x1FFF0] =	vst v2;
	s4 =	sadd.s32 $0xC00, s5;
	s5 =	smax.u32 s7, $0x1;
	s7 =	simm.s32 $0x3  }
.LBB2_1:
0x18: {  	[tilespmem:s2], [sflag:$0x3] =	stream.linear.gather [hbm4b:s4+s2], $0x1C00, $0x38;
	[tilespmem:$0xE400] =	vst v63  }
0x19: {  	_ =	swait.ge [sflag:s7], $0x1C00  }
0x1a: {  	[sflag:s7] =	ssyncset.done $0x0  }
0x1b: {  	[sflag:s7] =	ssyncadd.s32 $0xFFFFE400  }
0x1c: {  	[tilespmem:s9], [sflag:$0x1] =	stream.indirect.gather [hbm4b:s3+s8], $0x40, s2, s8, $0xb8;
	[tilespmem:$0xE400] =	vst v63  }
0x1d: {  	_ = 	snop  }
0x1e: {  	[tilespmem:s11], [sflag:$0x1] =	stream.indirect.gather [hbm4b:s3+s8], $0x40, s10, s8, $0xb8;
	[tilespmem:$0xE400] =	vst v63  }
0x1f: {  	_ = 	snop  }
0x20: {  	[tilespmem:s13], [sflag:$0x1] =	stream.indirect.gather [hbm4b:s3+s8], $0x40, s12, s8, $0xb8;
	[tilespmem:$0xE400] =	vst v63  }
0x21: {  	_ = 	snop  }
0x22: {  	[tilespmem:s15], [sflag:$0x1] =	stream.indirect.gather [hbm4b:s3+s8], $0x40, s14, s8, $0xb8;
	[tilespmem:$0xE400] =	vst v63  }
0x23: {  	_ = 	snop  }
0x24: {  	[tilespmem:s17], [sflag:$0x1] =	stream.indirect.gather [hbm4b:s3+s8], $0x40, s16, s8, $0xb8;
	[tilespmem:$0xE400] =	vst v63  }
0x25: {  	_ = 	snop  }
0x26: {  	[tilespmem:s19], [sflag:$0x1] =	stream.indirect.gather [hbm4b:s3+s8], $0x40, s18, s8, $0xb8;
	[tilespmem:$0xE400] =	vst v63  }
0x27: {  	_ = 	snop  }
0x28: {  	[tilespmem:s21], [sflag:$0x1] =	stream.indirect.gather [hbm4b:s3+s8], $0x40, s20, s8, $0xb8;
	[tilespmem:$0xE400] =	vst v63  }
0x29: {  	s28 =	smov.u32 s6;
	s29 =	simm.s32 $0x0  }
0x2a: {  	[tilespmem:s23], [sflag:$0x1] =	stream.indirect.gather [hbm4b:s3+s8], $0x40, s22, s8, $0xb8;
	[tilespmem:$0xE400] =	vst v63  }
.LBB2_2:
0x2b: {  	_ =	swait.ge [sflag:s24], $0xC80  }
0x2c: {  	p0 =	slt.u32 s29, $0x8;
	[sflag:s24] =	ssyncset.done $0x0  }
0x2d: {  	s30 =	simm.s32 @!p0 $0x2;
	[sflag:s24] =	ssyncadd.s32 $0xFFFFF380  }
0x2e: {  	s31 =	sand.u32 $0x7, s29;
	_ =	swait.ge @!p0 [sflag:s30], $0xC80  }
0x2f: {  	s31 =	smul.u32 $0xC80, s31;
	[sflag:s30] =	ssyncset.done @!p0 $0x0  }
0x30: {  	[sflag:s30] =	ssyncadd.s32 @!p0 $0xFFFFF380  }
0x31: {  	v1 =	vld [tilespmem:s31+$0x1C00];
	_ =	sdelay $0x3  }
0x32: {  	s30 =	sor.u32 $0x8000, s31  }
0x33: {  	[tilespmem:v0+s30+$0x0] =	vst.idx.msk $0xffff, v1  }
0x34: {  	v1 =	vld [tilespmem:s31+$0x1C10];
	_ =	sdelay $0x4  }
0x35: {  	[tilespmem:v2+s30+$0x0] =	vst.idx.msk $0xffff, v1  }
0x36: {  	v1 =	vld [tilespmem:s31+$0x1C20];
	_ =	sdelay $0x4  }
0x37: {  	[tilespmem:v4+s30+$0x0] =	vst.idx.msk $0xffff, v1  }
0x38: {  	v1 =	vld [tilespmem:s31+$0x1C30];
	_ =	sdelay $0x4  }
0x39: {  	[tilespmem:v5+s30+$0x0] =	vst.idx.msk $0xffff, v1  }
0x3a: {  	v1 =	vld [tilespmem:s31+$0x1C40];
	_ =	sdelay $0x4  }
0x3b: {  	[tilespmem:v6+s30+$0x0] =	vst.idx.msk $0xffff, v1  }
0x3c: {  	v1 =	vld [tilespmem:s31+$0x1C50];
	_ =	sdelay $0x4  }
0x3d: {  	[tilespmem:v7+s30+$0x0] =	vst.idx.msk $0xffff, v1  }
0x3e: {  	v1 =	vld [tilespmem:s31+$0x1C60];
	_ =	sdelay $0x4  }
0x3f: {  	[tilespmem:v8+s30+$0x0] =	vst.idx.msk $0xffff, v1  }
0x40: {  	v1 =	vld [tilespmem:s31+$0x1C70];
	_ =	sdelay $0x4  }
0x41: {  	[tilespmem:v9+s30+$0x0] =	vst.idx.msk $0xffff, v1  }
0x42: {  	v1 =	vld [tilespmem:s31+$0x1C80];
	_ =	sdelay $0x4  }
0x43: {  	[tilespmem:v10+s30+$0x0] =	vst.idx.msk $0xffff, v1  }
0x44: {  	v1 =	vld [tilespmem:s31+$0x1C90];
	_ =	sdelay $0x4  }
0x45: {  	[tilespmem:v11+s30+$0x0] =	vst.idx.msk $0xffff, v1  }
0x46: {  	v1 =	vld [tilespmem:s31+$0x1CA0];
	_ =	sdelay $0x4  }
0x47: {  	[tilespmem:v12+s30+$0x0] =	vst.idx.msk $0xffff, v1  }
0x48: {  	v1 =	vld [tilespmem:s31+$0x1CB0];
	_ =	sdelay $0x4  }
0x49: {  	[tilespmem:v13+s30+$0x0] =	vst.idx.msk $0xffff, v1  }
0x4a: {  	v1 =	vld [tilespmem:s31+$0x1CC0];
	_ =	sdelay $0x4  }
0x4b: {  	[tilespmem:v14+s30+$0x0] =	vst.idx.msk $0xffff, v1  }
0x4c: {  	v1 =	vld [tilespmem:s31+$0x1CD0];
	_ =	sdelay $0x4  }
0x4d: {  	[tilespmem:v15+s30+$0x0] =	vst.idx.msk $0xffff, v1  }
0x4e: {  	v1 =	vld [tilespmem:s31+$0x1CE0];
	_ =	sdelay $0x4  }
0x4f: {  	[tilespmem:v16+s30+$0x0] =	vst.idx.msk $0xffff, v1  }
0x50: {  	v1 =	vld [tilespmem:s31+$0x1CF0];
	_ =	sdelay $0x4  }
0x51: {  	[tilespmem:v17+s30+$0x0] =	vst.idx.msk $0xffff, v1  }
0x52: {  	v1 =	vld [tilespmem:s31+$0x1D00];
	_ =	sdelay $0x4  }
0x53: {  	[tilespmem:v18+s30+$0x0] =	vst.idx.msk $0xffff, v1  }
0x54: {  	v1 =	vld [tilespmem:s31+$0x1D10];
	_ =	sdelay $0x4  }
0x55: {  	[tilespmem:v19+s30+$0x0] =	vst.idx.msk $0xffff, v1  }
0x56: {  	v1 =	vld [tilespmem:s31+$0x1D20];
	_ =	sdelay $0x4  }
0x57: {  	[tilespmem:v20+s30+$0x0] =	vst.idx.msk $0xffff, v1  }
0x58: {  	v1 =	vld [tilespmem:s31+$0x1D30];
	_ =	sdelay $0x4  }
0x59: {  	[tilespmem:v21+s30+$0x0] =	vst.idx.msk $0xffff, v1  }
0x5a: {  	v1 =	vld [tilespmem:s31+$0x1D40];
	_ =	sdelay $0x4  }
0x5b: {  	[tilespmem:v22+s30+$0x0] =	vst.idx.msk $0xffff, v1  }
0x5c: {  	v1 =	vld [tilespmem:s31+$0x1D50];
	_ =	sdelay $0x4  }
0x5d: {  	[tilespmem:v23+s30+$0x0] =	vst.idx.msk $0xffff, v1  }
0x5e: {  	v1 =	vld [tilespmem:s31+$0x1D60];
	_ =	sdelay $0x4  }
0x5f: {  	[tilespmem:v24+s30+$0x0] =	vst.idx.msk $0xffff, v1  }
0x60: {  	v1 =	vld [tilespmem:s31+$0x1D70];
	_ =	sdelay $0x4  }
0x61: {  	[tilespmem:v25+s30+$0x0] =	vst.idx.msk $0xffff, v1  }
0x62: {  	v1 =	vld [tilespmem:s31+$0x1D80];
	_ =	sdelay $0x4  }
0x63: {  	[tilespmem:v26+s30+$0x0] =	vst.idx.msk $0xffff, v1  }
0x64: {  	v1 =	vld [tilespmem:s31+$0x1D90];
	_ =	sdelay $0x4  }
0x65: {  	[tilespmem:v27+s30+$0x0] =	vst.idx.msk $0xffff, v1  }
0x66: {  	v1 =	vld [tilespmem:s31+$0x1DA0];
	_ =	sdelay $0x4  }
0x67: {  	[tilespmem:v28+s30+$0x0] =	vst.idx.msk $0xffff, v1  }
0x68: {  	v1 =	vld [tilespmem:s31+$0x1DB0];
	_ =	sdelay $0x4  }
0x69: {  	[tilespmem:v29+s30+$0x0] =	vst.idx.msk $0xffff, v1  }
0x6a: {  	v1 =	vld [tilespmem:s31+$0x1DC0];
	_ =	sdelay $0x4  }
0x6b: {  	[tilespmem:v30+s30+$0x0] =	vst.idx.msk $0xffff, v1  }
0x6c: {  	v1 =	vld [tilespmem:s31+$0x1DD0];
	_ =	sdelay $0x4  }
0x6d: {  	[tilespmem:v31+s30+$0x0] =	vst.idx.msk $0xffff, v1  }
0x6e: {  	v1 =	vld [tilespmem:s31+$0x1DE0];
	_ =	sdelay $0x4  }
0x6f: {  	[tilespmem:v32+s30+$0x0] =	vst.idx.msk $0xffff, v1  }
0x70: {  	v1 =	vld [tilespmem:s31+$0x1DF0];
	_ =	sdelay $0x4  }
0x71: {  	[tilespmem:v33+s30+$0x0] =	vst.idx.msk $0xffff, v1  }
0x72: {  	v1 =	vld [tilespmem:s31+$0x1E00];
	_ =	sdelay $0x4  }
0x73: {  	[tilespmem:v34+s30+$0x0] =	vst.idx.msk $0xffff, v1  }
0x74: {  	v1 =	vld [tilespmem:s31+$0x1E10];
	_ =	sdelay $0x4  }
0x75: {  	[tilespmem:v35+s30+$0x0] =	vst.idx.msk $0xffff, v1  }
0x76: {  	v1 =	vld [tilespmem:s31+$0x1E20];
	_ =	sdelay $0x4  }
0x77: {  	[tilespmem:v36+s30+$0x0] =	vst.idx.msk $0xffff, v1  }
0x78: {  	v1 =	vld [tilespmem:s31+$0x1E30];
	_ =	sdelay $0x4  }
0x79: {  	[tilespmem:v37+s30+$0x0] =	vst.idx.msk $0xffff, v1  }
0x7a: {  	v1 =	vld [tilespmem:s31+$0x1E40];
	_ =	sdelay $0x4  }
0x7b: {  	[tilespmem:v38+s30+$0x0] =	vst.idx.msk $0xffff, v1  }
0x7c: {  	v1 =	vld [tilespmem:s31+$0x1E50];
	_ =	sdelay $0x4  }
0x7d: {  	[tilespmem:v39+s30+$0x0] =	vst.idx.msk $0xffff, v1  }
0x7e: {  	v1 =	vld [tilespmem:s31+$0x1E60];
	_ =	sdelay $0x4  }
0x7f: {  	[tilespmem:v40+s30+$0x0] =	vst.idx.msk $0xffff, v1  }
0x80: {  	v1 =	vld [tilespmem:s31+$0x1E70];
	_ =	sdelay $0x4  }
0x81: {  	[tilespmem:v41+s30+$0x0] =	vst.idx.msk $0xffff, v1  }
0x82: {  	v1 =	vld [tilespmem:s31+$0x1E80];
	_ =	sdelay $0x4  }
0x83: {  	[tilespmem:v42+s30+$0x0] =	vst.idx.msk $0xffff, v1  }
0x84: {  	v1 =	vld [tilespmem:s31+$0x1E90];
	_ =	sdelay $0x4  }
0x85: {  	[tilespmem:v43+s30+$0x0] =	vst.idx.msk $0xffff, v1  }
0x86: {  	v1 =	vld [tilespmem:s31+$0x1EA0];
	_ =	sdelay $0x4  }
0x87: {  	[tilespmem:v44+s30+$0x0] =	vst.idx.msk $0xffff, v1  }
0x88: {  	v1 =	vld [tilespmem:s31+$0x1EB0];
	_ =	sdelay $0x4  }
0x89: {  	[tilespmem:v45+s30+$0x0] =	vst.idx.msk $0xffff, v1  }
0x8a: {  	v1 =	vld [tilespmem:s31+$0x1EC0];
	_ =	sdelay $0x4  }
0x8b: {  	[tilespmem:v46+s30+$0x0] =	vst.idx.msk $0xffff, v1  }
0x8c: {  	v1 =	vld [tilespmem:s31+$0x1ED0];
	_ =	sdelay $0x4  }
0x8d: {  	[tilespmem:v47+s30+$0x0] =	vst.idx.msk $0xffff, v1  }
0x8e: {  	v1 =	vld [tilespmem:s31+$0x1EE0];
	_ =	sdelay $0x4  }
0x8f: {  	[tilespmem:v48+s30+$0x0] =	vst.idx.msk $0xffff, v1  }
0x90: {  	v1 =	vld [tilespmem:s31+$0x1EF0];
	_ =	sdelay $0x4  }
0x91: {  	[tilespmem:v49+s30+$0x0] =	vst.idx.msk $0xffff, v1  }
0x92: {  	v1 =	vld [tilespmem:s31+$0x1F00];
	_ =	sdelay $0x4  }
0x93: {  	[tilespmem:v50+s30+$0x0] =	vst.idx.msk $0xffff, v1  }
0x94: {  	v1 =	vld [tilespmem:s31+$0x1F10];
	_ =	sdelay $0x4  }
0x95: {  	[tilespmem:v51+s30+$0x0] =	vst.idx.msk $0xffff, v1  }
0x96: {  	v1 =	vld [tilespmem:s31+$0x1F20];
	_ =	sdelay $0x4  }
0x97: {  	[tilespmem:v52+s30+$0x0] =	vst.idx.msk $0xffff, v1  }
0x98: {  	v1 =	vld [tilespmem:s31+$0x1F30];
	_ =	sdelay $0x4  }
0x99: {  	[tilespmem:v53+s30+$0x0] =	vst.idx.msk $0xffff, v1  }
0x9a: {  	v1 =	vld [tilespmem:s31+$0x1F40];
	_ =	sdelay $0x4  }
0x9b: {  	[tilespmem:v54+s30+$0x0] =	vst.idx.msk $0xffff, v1  }
0x9c: {  	v1 =	vld [tilespmem:s31+$0x1F50];
	_ =	sdelay $0x4  }
0x9d: {  	[tilespmem:v55+s30+$0x0] =	vst.idx.msk $0xffff, v1  }
0x9e: {  	v1 =	vld [tilespmem:s31+$0x1F60];
	_ =	sdelay $0x4  }
0x9f: {  	[tilespmem:v56+s30+$0x0] =	vst.idx.msk $0xffff, v1  }
0xa0: {  	v1 =	vld [tilespmem:s31+$0x1F70];
	_ =	sdelay $0x4  }
0xa1: {  	[tilespmem:v57+s30+$0x0] =	vst.idx.msk $0xffff, v1  }
0xa2: {  	v1 =	vld [tilespmem:s31+$0x1F80];
	_ =	sdelay $0x4  }
0xa3: {  	[tilespmem:v58+s30+$0x0] =	vst.idx.msk $0xffff, v1  }
0xa4: {  	v1 =	vld [tilespmem:s31+$0x1F90];
	_ =	sdelay $0x4  }
0xa5: {  	[tilespmem:v59+s30+$0x0] =	vst.idx.msk $0xffff, v1  }
0xa6: {  	v1 =	vld [tilespmem:s31+$0x1FA0];
	_ =	sdelay $0x4  }
0xa7: {  	[tilespmem:v60+s30+$0x0] =	vst.idx.msk $0xffff, v1  }
0xa8: {  	v1 =	vld [tilespmem:s31+$0x1FB0];
	_ =	sdelay $0x4  }
0xa9: {  	[tilespmem:v61+s30+$0x0] =	vst.idx.msk $0xffff, v1  }
0xaa: {  	v1 =	vld [tilespmem:s31+$0x1FC0];
	_ =	sdelay $0x4  }
0xab: {  	[tilespmem:v62+s30+$0x0] =	vst.idx.msk $0xffff, v1  }
0xac: {  	v1 =	vld [tilespmem:s31+$0x1FD0];
	_ =	sdelay $0x4  }
0xad: {  	[tilespmem:v63+s30+$0x0] =	vst.idx.msk $0xffff, v1  }
0xae: {  	v1 =	vld [tilespmem:s31+$0x1FE0];
	_ =	sdelay $0x2  }
0xaf: {  	v2 =	vld [tilespmem:$0x1FFE0];
	_ =	sdelay $0x1  }
0xb0: {  	[tilespmem:v3+s30+$0x0] =	vst.idx.msk $0xffff, v1  }
0xb1: {  	v1 =	vld [tilespmem:s31+$0x1FF0];
	_ =	sdelay $0x4  }
0xb2: {  	[tilespmem:v2+s30+$0x0] =	vst.idx.msk $0xffff, v1  }
0xb3: {  	v2 =	vadd.s32 $0x10, v0;
	v1 =	vld [tilespmem:s31+$0x2000];
	_ =	sdelay $0x4  }
0xb4: {  	[tilespmem:v2+s30+$0x0] =	vst.idx.msk $0xffff, v1  }
0xb5: {  	v2 =	vadd.s32 $0x330, v0;
	v1 =	vld [tilespmem:s31+$0x2010];
	_ =	sdelay $0x4  }
0xb6: {  	[tilespmem:v2+s30+$0x0] =	vst.idx.msk $0xffff, v1  }
0xb7: {  	v2 =	vadd.s32 $0x650, v0;
	v1 =	vld [tilespmem:s31+$0x2020];
	_ =	sdelay $0x4  }
0xb8: {  	[tilespmem:v2+s30+$0x0] =	vst.idx.msk $0xffff, v1  }
0xb9: {  	v2 =	vadd.s32 $0x970, v0;
	v1 =	vld [tilespmem:s31+$0x2030];
	_ =	sdelay $0x4  }
0xba: {  	[tilespmem:v2+s30+$0x0] =	vst.idx.msk $0xffff, v1  }
0xbb: {  	v2 =	vadd.s32 $0x11, v0;
	v1 =	vld [tilespmem:s31+$0x2040];
	_ =	sdelay $0x4  }
0xbc: {  	[tilespmem:v2+s30+$0x0] =	vst.idx.msk $0xffff, v1  }
0xbd: {  	v2 =	vadd.s32 $0x331, v0;
	v1 =	vld [tilespmem:s31+$0x2050];
	_ =	sdelay $0x4  }
0xbe: {  	[tilespmem:v2+s30+$0x0] =	vst.idx.msk $0xffff, v1  }
0xbf: {  	v2 =	vadd.s32 $0x651, v0;
	v1 =	vld [tilespmem:s31+$0x2060];
	_ =	sdelay $0x4  }
0xc0: {  	[tilespmem:v2+s30+$0x0] =	vst.idx.msk $0xffff, v1  }
0xc1: {  	v2 =	vadd.s32 $0x971, v0;
	v1 =	vld [tilespmem:s31+$0x2070];
	_ =	sdelay $0x4  }
0xc2: {  	[tilespmem:v2+s30+$0x0] =	vst.idx.msk $0xffff, v1  }
0xc3: {  	v2 =	vadd.s32 $0x12, v0;
	v1 =	vld [tilespmem:s31+$0x2080];
	_ =	sdelay $0x4  }
0xc4: {  	[tilespmem:v2+s30+$0x0] =	vst.idx.msk $0xffff, v1  }
0xc5: {  	v2 =	vadd.s32 $0x332, v0;
	v1 =	vld [tilespmem:s31+$0x2090];
	_ =	sdelay $0x4  }
0xc6: {  	[tilespmem:v2+s30+$0x0] =	vst.idx.msk $0xffff, v1  }
0xc7: {  	v2 =	vadd.s32 $0x652, v0;
	v1 =	vld [tilespmem:s31+$0x20A0];
	_ =	sdelay $0x4  }
0xc8: {  	[tilespmem:v2+s30+$0x0] =	vst.idx.msk $0xffff, v1  }
0xc9: {  	v2 =	vadd.s32 $0x972, v0;
	v1 =	vld [tilespmem:s31+$0x20B0];
	_ =	sdelay $0x4  }
0xca: {  	[tilespmem:v2+s30+$0x0] =	vst.idx.msk $0xffff, v1  }
0xcb: {  	v2 =	vadd.s32 $0x13, v0;
	v1 =	vld [tilespmem:s31+$0x20C0];
	_ =	sdelay $0x4  }
0xcc: {  	[tilespmem:v2+s30+$0x0] =	vst.idx.msk $0xffff, v1  }
0xcd: {  	v2 =	vadd.s32 $0x333, v0;
	v1 =	vld [tilespmem:s31+$0x20D0];
	_ =	sdelay $0x4  }
0xce: {  	[tilespmem:v2+s30+$0x0] =	vst.idx.msk $0xffff, v1  }
0xcf: {  	v2 =	vadd.s32 $0x653, v0;
	v1 =	vld [tilespmem:s31+$0x20E0];
	_ =	sdelay $0x4  }
0xd0: {  	[tilespmem:v2+s30+$0x0] =	vst.idx.msk $0xffff, v1  }
0xd1: {  	v2 =	vadd.s32 $0x973, v0;
	v1 =	vld [tilespmem:s31+$0x20F0];
	_ =	sdelay $0x4  }
0xd2: {  	[tilespmem:v2+s30+$0x0] =	vst.idx.msk $0xffff, v1  }
0xd3: {  	v2 =	vadd.s32 $0x14, v0;
	v1 =	vld [tilespmem:s31+$0x2100];
	_ =	sdelay $0x4  }
0xd4: {  	[tilespmem:v2+s30+$0x0] =	vst.idx.msk $0xffff, v1  }
0xd5: {  	v2 =	vadd.s32 $0x334, v0;
	v1 =	vld [tilespmem:s31+$0x2110];
	_ =	sdelay $0x4  }
0xd6: {  	[tilespmem:v2+s30+$0x0] =	vst.idx.msk $0xffff, v1  }
0xd7: {  	v2 =	vadd.s32 $0x654, v0;
	v1 =	vld [tilespmem:s31+$0x2120];
	_ =	sdelay $0x4  }
0xd8: {  	[tilespmem:v2+s30+$0x0] =	vst.idx.msk $0xffff, v1  }
0xd9: {  	v2 =	vadd.s32 $0x974, v0;
	v1 =	vld [tilespmem:s31+$0x2130];
	_ =	sdelay $0x4  }
0xda: {  	[tilespmem:v2+s30+$0x0] =	vst.idx.msk $0xffff, v1  }
0xdb: {  	v2 =	vadd.s32 $0x15, v0;
	v1 =	vld [tilespmem:s31+$0x2140];
	_ =	sdelay $0x4  }
0xdc: {  	[tilespmem:v2+s30+$0x0] =	vst.idx.msk $0xffff, v1  }
0xdd: {  	v2 =	vadd.s32 $0x335, v0;
	v1 =	vld [tilespmem:s31+$0x2150];
	_ =	sdelay $0x4  }
0xde: {  	[tilespmem:v2+s30+$0x0] =	vst.idx.msk $0xffff, v1  }
0xdf: {  	v2 =	vadd.s32 $0x655, v0;
	v1 =	vld [tilespmem:s31+$0x2160];
	_ =	sdelay $0x4  }
0xe0: {  	[tilespmem:v2+s30+$0x0] =	vst.idx.msk $0xffff, v1  }
0xe1: {  	v2 =	vadd.s32 $0x975, v0;
	v1 =	vld [tilespmem:s31+$0x2170];
	_ =	sdelay $0x4  }
0xe2: {  	[tilespmem:v2+s30+$0x0] =	vst.idx.msk $0xffff, v1  }
0xe3: {  	v2 =	vadd.s32 $0x16, v0;
	v1 =	vld [tilespmem:s31+$0x2180];
	_ =	sdelay $0x4  }
0xe4: {  	[tilespmem:v2+s30+$0x0] =	vst.idx.msk $0xffff, v1  }
0xe5: {  	v2 =	vadd.s32 $0x336, v0;
	v1 =	vld [tilespmem:s31+$0x2190];
	_ =	sdelay $0x4  }
0xe6: {  	[tilespmem:v2+s30+$0x0] =	vst.idx.msk $0xffff, v1  }
0xe7: {  	v2 =	vadd.s32 $0x656, v0;
	v1 =	vld [tilespmem:s31+$0x21A0];
	_ =	sdelay $0x4  }
0xe8: {  	[tilespmem:v2+s30+$0x0] =	vst.idx.msk $0xffff, v1  }
0xe9: {  	v2 =	vadd.s32 $0x976, v0;
	v1 =	vld [tilespmem:s31+$0x21B0];
	_ =	sdelay $0x4  }
0xea: {  	[tilespmem:v2+s30+$0x0] =	vst.idx.msk $0xffff, v1  }
0xeb: {  	v2 =	vadd.s32 $0x17, v0;
	v1 =	vld [tilespmem:s31+$0x21C0];
	_ =	sdelay $0x4  }
0xec: {  	[tilespmem:v2+s30+$0x0] =	vst.idx.msk $0xffff, v1  }
0xed: {  	v2 =	vadd.s32 $0x337, v0;
	v1 =	vld [tilespmem:s31+$0x21D0];
	_ =	sdelay $0x4  }
0xee: {  	[tilespmem:v2+s30+$0x0] =	vst.idx.msk $0xffff, v1  }
0xef: {  	v2 =	vadd.s32 $0x657, v0;
	v1 =	vld [tilespmem:s31+$0x21E0];
	_ =	sdelay $0x4  }
0xf0: {  	[tilespmem:v2+s30+$0x0] =	vst.idx.msk $0xffff, v1  }
0xf1: {  	v2 =	vadd.s32 $0x977, v0;
	v1 =	vld [tilespmem:s31+$0x21F0];
	_ =	sdelay $0x4  }
0xf2: {  	[tilespmem:v2+s30+$0x0] =	vst.idx.msk $0xffff, v1  }
0xf3: {  	v2 =	vadd.s32 $0x18, v0;
	v1 =	vld [tilespmem:s31+$0x2200];
	_ =	sdelay $0x4  }
0xf4: {  	[tilespmem:v2+s30+$0x0] =	vst.idx.msk $0xffff, v1  }
0xf5: {  	v2 =	vadd.s32 $0x338, v0;
	v1 =	vld [tilespmem:s31+$0x2210];
	_ =	sdelay $0x4  }
0xf6: {  	[tilespmem:v2+s30+$0x0] =	vst.idx.msk $0xffff, v1  }
0xf7: {  	v2 =	vadd.s32 $0x658, v0;
	v1 =	vld [tilespmem:s31+$0x2220];
	_ =	sdelay $0x4  }
0xf8: {  	[tilespmem:v2+s30+$0x0] =	vst.idx.msk $0xffff, v1  }
0xf9: {  	v2 =	vadd.s32 $0x978, v0;
	v1 =	vld [tilespmem:s31+$0x2230];
	_ =	sdelay $0x4  }
0xfa: {  	[tilespmem:v2+s30+$0x0] =	vst.idx.msk $0xffff, v1  }
0xfb: {  	v2 =	vadd.s32 $0x19, v0;
	v1 =	vld [tilespmem:s31+$0x2240];
	_ =	sdelay $0x4  }
0xfc: {  	[tilespmem:v2+s30+$0x0] =	vst.idx.msk $0xffff, v1  }
0xfd: {  	v2 =	vadd.s32 $0x339, v0;
	v1 =	vld [tilespmem:s31+$0x2250];
	_ =	sdelay $0x4  }
0xfe: {  	[tilespmem:v2+s30+$0x0] =	vst.idx.msk $0xffff, v1  }
0xff: {  	v2 =	vadd.s32 $0x659, v0;
	v1 =	vld [tilespmem:s31+$0x2260];
	_ =	sdelay $0x4  }
0x100: {  	[tilespmem:v2+s30+$0x0] =	vst.idx.msk $0xffff, v1  }
0x101: {  	v2 =	vadd.s32 $0x979, v0;
	v1 =	vld [tilespmem:s31+$0x2270];
	_ =	sdelay $0x4  }
0x102: {  	[tilespmem:v2+s30+$0x0] =	vst.idx.msk $0xffff, v1  }
0x103: {  	v2 =	vadd.s32 $0x1A, v0;
	v1 =	vld [tilespmem:s31+$0x2280];
	_ =	sdelay $0x4  }
0x104: {  	[tilespmem:v2+s30+$0x0] =	vst.idx.msk $0xffff, v1  }
0x105: {  	v2 =	vadd.s32 $0x33A, v0;
	v1 =	vld [tilespmem:s31+$0x2290];
	_ =	sdelay $0x4  }
0x106: {  	[tilespmem:v2+s30+$0x0] =	vst.idx.msk $0xffff, v1  }
0x107: {  	v2 =	vadd.s32 $0x65A, v0;
	v1 =	vld [tilespmem:s31+$0x22A0];
	_ =	sdelay $0x4  }
0x108: {  	[tilespmem:v2+s30+$0x0] =	vst.idx.msk $0xffff, v1  }
0x109: {  	v2 =	vadd.s32 $0x97A, v0;
	v1 =	vld [tilespmem:s31+$0x22B0];
	_ =	sdelay $0x4  }
0x10a: {  	[tilespmem:v2+s30+$0x0] =	vst.idx.msk $0xffff, v1  }
0x10b: {  	v2 =	vadd.s32 $0x1B, v0;
	v1 =	vld [tilespmem:s31+$0x22C0];
	_ =	sdelay $0x4  }
0x10c: {  	[tilespmem:v2+s30+$0x0] =	vst.idx.msk $0xffff, v1  }
0x10d: {  	v2 =	vadd.s32 $0x33B, v0;
	v1 =	vld [tilespmem:s31+$0x22D0];
	_ =	sdelay $0x4  }
0x10e: {  	[tilespmem:v2+s30+$0x0] =	vst.idx.msk $0xffff, v1  }
0x10f: {  	v2 =	vadd.s32 $0x65B, v0;
	v1 =	vld [tilespmem:s31+$0x22E0];
	_ =	sdelay $0x4  }
0x110: {  	[tilespmem:v2+s30+$0x0] =	vst.idx.msk $0xffff, v1  }
0x111: {  	v2 =	vadd.s32 $0x97B, v0;
	v1 =	vld [tilespmem:s31+$0x22F0];
	_ =	sdelay $0x4  }
0x112: {  	[tilespmem:v2+s30+$0x0] =	vst.idx.msk $0xffff, v1  }
0x113: {  	v2 =	vadd.s32 $0x1C, v0;
	v1 =	vld [tilespmem:s31+$0x2300];
	_ =	sdelay $0x4  }
0x114: {  	[tilespmem:v2+s30+$0x0] =	vst.idx.msk $0xffff, v1  }
0x115: {  	v2 =	vadd.s32 $0x33C, v0;
	v1 =	vld [tilespmem:s31+$0x2310];
	_ =	sdelay $0x4  }
0x116: {  	[tilespmem:v2+s30+$0x0] =	vst.idx.msk $0xffff, v1  }
0x117: {  	v2 =	vadd.s32 $0x65C, v0;
	v1 =	vld [tilespmem:s31+$0x2320];
	_ =	sdelay $0x4  }
0x118: {  	[tilespmem:v2+s30+$0x0] =	vst.idx.msk $0xffff, v1  }
0x119: {  	v2 =	vadd.s32 $0x97C, v0;
	v1 =	vld [tilespmem:s31+$0x2330];
	_ =	sdelay $0x4  }
0x11a: {  	[tilespmem:v2+s30+$0x0] =	vst.idx.msk $0xffff, v1  }
0x11b: {  	v2 =	vadd.s32 $0x1D, v0;
	v1 =	vld [tilespmem:s31+$0x2340];
	_ =	sdelay $0x4  }
0x11c: {  	[tilespmem:v2+s30+$0x0] =	vst.idx.msk $0xffff, v1  }
0x11d: {  	v2 =	vadd.s32 $0x33D, v0;
	v1 =	vld [tilespmem:s31+$0x2350];
	_ =	sdelay $0x4  }
0x11e: {  	[tilespmem:v2+s30+$0x0] =	vst.idx.msk $0xffff, v1  }
0x11f: {  	v2 =	vadd.s32 $0x65D, v0;
	v1 =	vld [tilespmem:s31+$0x2360];
	_ =	sdelay $0x4  }
0x120: {  	[tilespmem:v2+s30+$0x0] =	vst.idx.msk $0xffff, v1  }
0x121: {  	v2 =	vadd.s32 $0x97D, v0;
	v1 =	vld [tilespmem:s31+$0x2370];
	_ =	sdelay $0x4  }
0x122: {  	[tilespmem:v2+s30+$0x0] =	vst.idx.msk $0xffff, v1  }
0x123: {  	v2 =	vadd.s32 $0x1E, v0;
	v1 =	vld [tilespmem:s31+$0x2380];
	_ =	sdelay $0x4  }
0x124: {  	[tilespmem:v2+s30+$0x0] =	vst.idx.msk $0xffff, v1  }
0x125: {  	v2 =	vadd.s32 $0x33E, v0;
	v1 =	vld [tilespmem:s31+$0x2390];
	_ =	sdelay $0x4  }
0x126: {  	[tilespmem:v2+s30+$0x0] =	vst.idx.msk $0xffff, v1  }
0x127: {  	v2 =	vadd.s32 $0x65E, v0;
	v1 =	vld [tilespmem:s31+$0x23A0];
	_ =	sdelay $0x4  }
0x128: {  	[tilespmem:v2+s30+$0x0] =	vst.idx.msk $0xffff, v1  }
0x129: {  	v2 =	vadd.s32 $0x97E, v0;
	v1 =	vld [tilespmem:s31+$0x23B0];
	_ =	sdelay $0x4  }
0x12a: {  	[tilespmem:v2+s30+$0x0] =	vst.idx.msk $0xffff, v1  }
0x12b: {  	v2 =	vadd.s32 $0x1F, v0;
	v1 =	vld [tilespmem:s31+$0x23C0];
	_ =	sdelay $0x4  }
0x12c: {  	[tilespmem:v2+s30+$0x0] =	vst.idx.msk $0xffff, v1  }
0x12d: {  	v2 =	vadd.s32 $0x33F, v0;
	v1 =	vld [tilespmem:s31+$0x23D0];
	_ =	sdelay $0x4  }
0x12e: {  	[tilespmem:v2+s30+$0x0] =	vst.idx.msk $0xffff, v1  }
0x12f: {  	v2 =	vadd.s32 $0x65F, v0;
	v1 =	vld [tilespmem:s31+$0x23E0];
	_ =	sdelay $0x4  }
0x130: {  	[tilespmem:v2+s30+$0x0] =	vst.idx.msk $0xffff, v1  }
0x131: {  	v2 =	vadd.s32 $0x97F, v0;
	v1 =	vld [tilespmem:s31+$0x23F0];
	_ =	sdelay $0x4  }
0x132: {  	[tilespmem:v2+s30+$0x0] =	vst.idx.msk $0xffff, v1  }
0x133: {  	v2 =	vadd.s32 $0x20, v0;
	v1 =	vld [tilespmem:s31+$0x2400];
	_ =	sdelay $0x4  }
0x134: {  	[tilespmem:v2+s30+$0x0] =	vst.idx.msk $0xffff, v1  }
0x135: {  	v2 =	vadd.s32 $0x340, v0;
	v1 =	vld [tilespmem:s31+$0x2410];
	_ =	sdelay $0x4  }
0x136: {  	[tilespmem:v2+s30+$0x0] =	vst.idx.msk $0xffff, v1  }
0x137: {  	v2 =	vadd.s32 $0x660, v0;
	v1 =	vld [tilespmem:s31+$0x2420];
	_ =	sdelay $0x4  }
0x138: {  	[tilespmem:v2+s30+$0x0] =	vst.idx.msk $0xffff, v1  }
0x139: {  	v2 =	vadd.s32 $0x980, v0;
	v1 =	vld [tilespmem:s31+$0x2430];
	_ =	sdelay $0x4  }
0x13a: {  	[tilespmem:v2+s30+$0x0] =	vst.idx.msk $0xffff, v1  }
0x13b: {  	v2 =	vadd.s32 $0x21, v0;
	v1 =	vld [tilespmem:s31+$0x2440];
	_ =	sdelay $0x4  }
0x13c: {  	[tilespmem:v2+s30+$0x0] =	vst.idx.msk $0xffff, v1  }
0x13d: {  	v2 =	vadd.s32 $0x341, v0;
	v1 =	vld [tilespmem:s31+$0x2450];
	_ =	sdelay $0x4  }
0x13e: {  	[tilespmem:v2+s30+$0x0] =	vst.idx.msk $0xffff, v1  }
0x13f: {  	v2 =	vadd.s32 $0x661, v0;
	v1 =	vld [tilespmem:s31+$0x2460];
	_ =	sdelay $0x4  }
0x140: {  	[tilespmem:v2+s30+$0x0] =	vst.idx.msk $0xffff, v1  }
0x141: {  	v2 =	vadd.s32 $0x981, v0;
	v1 =	vld [tilespmem:s31+$0x2470];
	_ =	sdelay $0x4  }
0x142: {  	[tilespmem:v2+s30+$0x0] =	vst.idx.msk $0xffff, v1  }
0x143: {  	v2 =	vadd.s32 $0x22, v0;
	v1 =	vld [tilespmem:s31+$0x2480];
	_ =	sdelay $0x4  }
0x144: {  	[tilespmem:v2+s30+$0x0] =	vst.idx.msk $0xffff, v1  }
0x145: {  	v2 =	vadd.s32 $0x342, v0;
	v1 =	vld [tilespmem:s31+$0x2490];
	_ =	sdelay $0x4  }
0x146: {  	[tilespmem:v2+s30+$0x0] =	vst.idx.msk $0xffff, v1  }
0x147: {  	v2 =	vadd.s32 $0x662, v0;
	v1 =	vld [tilespmem:s31+$0x24A0];
	_ =	sdelay $0x4  }
0x148: {  	[tilespmem:v2+s30+$0x0] =	vst.idx.msk $0xffff, v1  }
0x149: {  	v2 =	vadd.s32 $0x982, v0;
	v1 =	vld [tilespmem:s31+$0x24B0];
	_ =	sdelay $0x4  }
0x14a: {  	[tilespmem:v2+s30+$0x0] =	vst.idx.msk $0xffff, v1  }
0x14b: {  	v2 =	vadd.s32 $0x23, v0;
	v1 =	vld [tilespmem:s31+$0x24C0];
	_ =	sdelay $0x4  }
0x14c: {  	[tilespmem:v2+s30+$0x0] =	vst.idx.msk $0xffff, v1  }
0x14d: {  	v2 =	vadd.s32 $0x343, v0;
	v1 =	vld [tilespmem:s31+$0x24D0];
	_ =	sdelay $0x4  }
0x14e: {  	[tilespmem:v2+s30+$0x0] =	vst.idx.msk $0xffff, v1  }
0x14f: {  	v2 =	vadd.s32 $0x663, v0;
	v1 =	vld [tilespmem:s31+$0x24E0];
	_ =	sdelay $0x4  }
0x150: {  	[tilespmem:v2+s30+$0x0] =	vst.idx.msk $0xffff, v1  }
0x151: {  	v2 =	vadd.s32 $0x983, v0;
	v1 =	vld [tilespmem:s31+$0x24F0];
	_ =	sdelay $0x4  }
0x152: {  	[tilespmem:v2+s30+$0x0] =	vst.idx.msk $0xffff, v1  }
0x153: {  	v2 =	vadd.s32 $0x24, v0;
	v1 =	vld [tilespmem:s31+$0x2500];
	_ =	sdelay $0x4  }
0x154: {  	[tilespmem:v2+s30+$0x0] =	vst.idx.msk $0xffff, v1  }
0x155: {  	v2 =	vadd.s32 $0x344, v0;
	v1 =	vld [tilespmem:s31+$0x2510];
	_ =	sdelay $0x4  }
0x156: {  	[tilespmem:v2+s30+$0x0] =	vst.idx.msk $0xffff, v1  }
0x157: {  	v2 =	vadd.s32 $0x664, v0;
	v1 =	vld [tilespmem:s31+$0x2520];
	_ =	sdelay $0x4  }
0x158: {  	[tilespmem:v2+s30+$0x0] =	vst.idx.msk $0xffff, v1  }
0x159: {  	v2 =	vadd.s32 $0x984, v0;
	v1 =	vld [tilespmem:s31+$0x2530];
	_ =	sdelay $0x4  }
0x15a: {  	[tilespmem:v2+s30+$0x0] =	vst.idx.msk $0xffff, v1  }
0x15b: {  	v2 =	vadd.s32 $0x25, v0;
	v1 =	vld [tilespmem:s31+$0x2540];
	_ =	sdelay $0x4  }
0x15c: {  	[tilespmem:v2+s30+$0x0] =	vst.idx.msk $0xffff, v1  }
0x15d: {  	v2 =	vadd.s32 $0x345, v0;
	v1 =	vld [tilespmem:s31+$0x2550];
	_ =	sdelay $0x4  }
0x15e: {  	[tilespmem:v2+s30+$0x0] =	vst.idx.msk $0xffff, v1  }
0x15f: {  	v2 =	vadd.s32 $0x665, v0;
	v1 =	vld [tilespmem:s31+$0x2560];
	_ =	sdelay $0x4  }
0x160: {  	[tilespmem:v2+s30+$0x0] =	vst.idx.msk $0xffff, v1  }
0x161: {  	v2 =	vadd.s32 $0x985, v0;
	v1 =	vld [tilespmem:s31+$0x2570];
	_ =	sdelay $0x4  }
0x162: {  	[tilespmem:v2+s30+$0x0] =	vst.idx.msk $0xffff, v1  }
0x163: {  	v2 =	vadd.s32 $0x26, v0;
	v1 =	vld [tilespmem:s31+$0x2580];
	_ =	sdelay $0x4  }
0x164: {  	[tilespmem:v2+s30+$0x0] =	vst.idx.msk $0xffff, v1  }
0x165: {  	v2 =	vadd.s32 $0x346, v0;
	v1 =	vld [tilespmem:s31+$0x2590];
	_ =	sdelay $0x4  }
0x166: {  	[tilespmem:v2+s30+$0x0] =	vst.idx.msk $0xffff, v1  }
0x167: {  	v2 =	vadd.s32 $0x666, v0;
	v1 =	vld [tilespmem:s31+$0x25A0];
	_ =	sdelay $0x4  }
0x168: {  	[tilespmem:v2+s30+$0x0] =	vst.idx.msk $0xffff, v1  }
0x169: {  	v2 =	vadd.s32 $0x986, v0;
	v1 =	vld [tilespmem:s31+$0x25B0];
	_ =	sdelay $0x4  }
0x16a: {  	[tilespmem:v2+s30+$0x0] =	vst.idx.msk $0xffff, v1  }
0x16b: {  	v2 =	vadd.s32 $0x27, v0;
	v1 =	vld [tilespmem:s31+$0x25C0];
	_ =	sdelay $0x4  }
0x16c: {  	[tilespmem:v2+s30+$0x0] =	vst.idx.msk $0xffff, v1  }
0x16d: {  	v2 =	vadd.s32 $0x347, v0;
	v1 =	vld [tilespmem:s31+$0x25D0];
	_ =	sdelay $0x4  }
0x16e: {  	[tilespmem:v2+s30+$0x0] =	vst.idx.msk $0xffff, v1  }
0x16f: {  	v2 =	vadd.s32 $0x667, v0;
	v1 =	vld [tilespmem:s31+$0x25E0];
	_ =	sdelay $0x4  }
0x170: {  	[tilespmem:v2+s30+$0x0] =	vst.idx.msk $0xffff, v1  }
0x171: {  	v2 =	vadd.s32 $0x987, v0;
	v1 =	vld [tilespmem:s31+$0x25F0];
	_ =	sdelay $0x4  }
0x172: {  	[tilespmem:v2+s30+$0x0] =	vst.idx.msk $0xffff, v1  }
0x173: {  	v2 =	vadd.s32 $0x28, v0;
	v1 =	vld [tilespmem:s31+$0x2600];
	_ =	sdelay $0x4  }
0x174: {  	[tilespmem:v2+s30+$0x0] =	vst.idx.msk $0xffff, v1  }
0x175: {  	v2 =	vadd.s32 $0x348, v0;
	v1 =	vld [tilespmem:s31+$0x2610];
	_ =	sdelay $0x4  }
0x176: {  	[tilespmem:v2+s30+$0x0] =	vst.idx.msk $0xffff, v1  }
0x177: {  	v2 =	vadd.s32 $0x668, v0;
	v1 =	vld [tilespmem:s31+$0x2620];
	_ =	sdelay $0x4  }
0x178: {  	[tilespmem:v2+s30+$0x0] =	vst.idx.msk $0xffff, v1  }
0x179: {  	v2 =	vadd.s32 $0x988, v0;
	v1 =	vld [tilespmem:s31+$0x2630];
	_ =	sdelay $0x4  }
0x17a: {  	[tilespmem:v2+s30+$0x0] =	vst.idx.msk $0xffff, v1  }
0x17b: {  	v2 =	vadd.s32 $0x29, v0;
	v1 =	vld [tilespmem:s31+$0x2640];
	_ =	sdelay $0x4  }
0x17c: {  	[tilespmem:v2+s30+$0x0] =	vst.idx.msk $0xffff, v1  }
0x17d: {  	v2 =	vadd.s32 $0x349, v0;
	v1 =	vld [tilespmem:s31+$0x2650];
	_ =	sdelay $0x4  }
0x17e: {  	[tilespmem:v2+s30+$0x0] =	vst.idx.msk $0xffff, v1  }
0x17f: {  	v2 =	vadd.s32 $0x669, v0;
	v1 =	vld [tilespmem:s31+$0x2660];
	_ =	sdelay $0x4  }
0x180: {  	[tilespmem:v2+s30+$0x0] =	vst.idx.msk $0xffff, v1  }
0x181: {  	v2 =	vadd.s32 $0x989, v0;
	v1 =	vld [tilespmem:s31+$0x2670];
	_ =	sdelay $0x4  }
0x182: {  	[tilespmem:v2+s30+$0x0] =	vst.idx.msk $0xffff, v1  }
0x183: {  	v2 =	vadd.s32 $0x2A, v0;
	v1 =	vld [tilespmem:s31+$0x2680];
	_ =	sdelay $0x4  }
0x184: {  	[tilespmem:v2+s30+$0x0] =	vst.idx.msk $0xffff, v1  }
0x185: {  	v2 =	vadd.s32 $0x34A, v0;
	v1 =	vld [tilespmem:s31+$0x2690];
	_ =	sdelay $0x4  }
0x186: {  	[tilespmem:v2+s30+$0x0] =	vst.idx.msk $0xffff, v1  }
0x187: {  	v2 =	vadd.s32 $0x66A, v0;
	v1 =	vld [tilespmem:s31+$0x26A0];
	_ =	sdelay $0x4  }
0x188: {  	[tilespmem:v2+s30+$0x0] =	vst.idx.msk $0xffff, v1  }
0x189: {  	v2 =	vadd.s32 $0x98A, v0;
	v1 =	vld [tilespmem:s31+$0x26B0];
	_ =	sdelay $0x4  }
0x18a: {  	[tilespmem:v2+s30+$0x0] =	vst.idx.msk $0xffff, v1  }
0x18b: {  	v2 =	vadd.s32 $0x2B, v0;
	v1 =	vld [tilespmem:s31+$0x26C0];
	_ =	sdelay $0x4  }
0x18c: {  	[tilespmem:v2+s30+$0x0] =	vst.idx.msk $0xffff, v1  }
0x18d: {  	v2 =	vadd.s32 $0x34B, v0;
	v1 =	vld [tilespmem:s31+$0x26D0];
	_ =	sdelay $0x4  }
0x18e: {  	[tilespmem:v2+s30+$0x0] =	vst.idx.msk $0xffff, v1  }
0x18f: {  	v2 =	vadd.s32 $0x66B, v0;
	v1 =	vld [tilespmem:s31+$0x26E0];
	_ =	sdelay $0x4  }
0x190: {  	[tilespmem:v2+s30+$0x0] =	vst.idx.msk $0xffff, v1  }
0x191: {  	v2 =	vadd.s32 $0x98B, v0;
	v1 =	vld [tilespmem:s31+$0x26F0];
	_ =	sdelay $0x4  }
0x192: {  	[tilespmem:v2+s30+$0x0] =	vst.idx.msk $0xffff, v1  }
0x193: {  	v2 =	vadd.s32 $0x2C, v0;
	v1 =	vld [tilespmem:s31+$0x2700];
	_ =	sdelay $0x4  }
0x194: {  	[tilespmem:v2+s30+$0x0] =	vst.idx.msk $0xffff, v1  }
0x195: {  	v2 =	vadd.s32 $0x34C, v0;
	v1 =	vld [tilespmem:s31+$0x2710];
	_ =	sdelay $0x4  }
0x196: {  	[tilespmem:v2+s30+$0x0] =	vst.idx.msk $0xffff, v1  }
0x197: {  	v2 =	vadd.s32 $0x66C, v0;
	v1 =	vld [tilespmem:s31+$0x2720];
	_ =	sdelay $0x4  }
0x198: {  	[tilespmem:v2+s30+$0x0] =	vst.idx.msk $0xffff, v1  }
0x199: {  	v2 =	vadd.s32 $0x98C, v0;
	v1 =	vld [tilespmem:s31+$0x2730];
	_ =	sdelay $0x4  }
0x19a: {  	[tilespmem:v2+s30+$0x0] =	vst.idx.msk $0xffff, v1  }
0x19b: {  	v2 =	vadd.s32 $0x2D, v0;
	v1 =	vld [tilespmem:s31+$0x2740];
	_ =	sdelay $0x4  }
0x19c: {  	[tilespmem:v2+s30+$0x0] =	vst.idx.msk $0xffff, v1  }
0x19d: {  	v2 =	vadd.s32 $0x34D, v0;
	v1 =	vld [tilespmem:s31+$0x2750];
	_ =	sdelay $0x4  }
0x19e: {  	[tilespmem:v2+s30+$0x0] =	vst.idx.msk $0xffff, v1  }
0x19f: {  	v2 =	vadd.s32 $0x66D, v0;
	v1 =	vld [tilespmem:s31+$0x2760];
	_ =	sdelay $0x4  }
0x1a0: {  	[tilespmem:v2+s30+$0x0] =	vst.idx.msk $0xffff, v1  }
0x1a1: {  	v2 =	vadd.s32 $0x98D, v0;
	v1 =	vld [tilespmem:s31+$0x2770];
	_ =	sdelay $0x4  }
0x1a2: {  	[tilespmem:v2+s30+$0x0] =	vst.idx.msk $0xffff, v1  }
0x1a3: {  	v2 =	vadd.s32 $0x2E, v0;
	v1 =	vld [tilespmem:s31+$0x2780];
	_ =	sdelay $0x4  }
0x1a4: {  	[tilespmem:v2+s30+$0x0] =	vst.idx.msk $0xffff, v1  }
0x1a5: {  	v2 =	vadd.s32 $0x34E, v0;
	v1 =	vld [tilespmem:s31+$0x2790];
	_ =	sdelay $0x4  }
0x1a6: {  	[tilespmem:v2+s30+$0x0] =	vst.idx.msk $0xffff, v1  }
0x1a7: {  	v2 =	vadd.s32 $0x66E, v0;
	v1 =	vld [tilespmem:s31+$0x27A0];
	_ =	sdelay $0x4  }
0x1a8: {  	[tilespmem:v2+s30+$0x0] =	vst.idx.msk $0xffff, v1  }
0x1a9: {  	v2 =	vadd.s32 $0x98E, v0;
	v1 =	vld [tilespmem:s31+$0x27B0];
	_ =	sdelay $0x4  }
0x1aa: {  	[tilespmem:v2+s30+$0x0] =	vst.idx.msk $0xffff, v1  }
0x1ab: {  	v2 =	vadd.s32 $0x2F, v0;
	v1 =	vld [tilespmem:s31+$0x27C0];
	_ =	sdelay $0x4  }
0x1ac: {  	[tilespmem:v2+s30+$0x0] =	vst.idx.msk $0xffff, v1  }
0x1ad: {  	v2 =	vadd.s32 $0x34F, v0;
	v1 =	vld [tilespmem:s31+$0x27D0];
	_ =	sdelay $0x4  }
0x1ae: {  	[tilespmem:v2+s30+$0x0] =	vst.idx.msk $0xffff, v1  }
0x1af: {  	v2 =	vadd.s32 $0x66F, v0;
	v1 =	vld [tilespmem:s31+$0x27E0];
	_ =	sdelay $0x4  }
0x1b0: {  	[tilespmem:v2+s30+$0x0] =	vst.idx.msk $0xffff, v1  }
0x1b1: {  	v2 =	vadd.s32 $0x98F, v0;
	v1 =	vld [tilespmem:s31+$0x27F0];
	_ =	sdelay $0x4  }
0x1b2: {  	[tilespmem:v2+s30+$0x0] =	vst.idx.msk $0xffff, v1  }
0x1b3: {  	v2 =	vadd.s32 $0x30, v0;
	v1 =	vld [tilespmem:s31+$0x2800];
	_ =	sdelay $0x4  }
0x1b4: {  	[tilespmem:v2+s30+$0x0] =	vst.idx.msk $0xffff, v1  }
0x1b5: {  	v2 =	vadd.s32 $0x350, v0;
	v1 =	vld [tilespmem:s31+$0x2810];
	_ =	sdelay $0x4  }
0x1b6: {  	[tilespmem:v2+s30+$0x0] =	vst.idx.msk $0xffff, v1  }
0x1b7: {  	v2 =	vadd.s32 $0x670, v0;
	v1 =	vld [tilespmem:s31+$0x2820];
	_ =	sdelay $0x4  }
0x1b8: {  	[tilespmem:v2+s30+$0x0] =	vst.idx.msk $0xffff, v1  }
0x1b9: {  	v2 =	vadd.s32 $0x990, v0;
	v1 =	vld [tilespmem:s31+$0x2830];
	_ =	sdelay $0x4  }
0x1ba: {  	[tilespmem:v2+s30+$0x0] =	vst.idx.msk $0xffff, v1  }
0x1bb: {  	v2 =	vadd.s32 $0x31, v0;
	v1 =	vld [tilespmem:s31+$0x2840];
	_ =	sdelay $0x4  }
0x1bc: {  	[tilespmem:v2+s30+$0x0] =	vst.idx.msk $0xffff, v1  }
0x1bd: {  	v2 =	vadd.s32 $0x351, v0;
	v1 =	vld [tilespmem:s31+$0x2850];
	_ =	sdelay $0x4  }
0x1be: {  	[tilespmem:v2+s30+$0x0] =	vst.idx.msk $0xffff, v1  }
0x1bf: {  	v2 =	vadd.s32 $0x671, v0;
	v1 =	vld [tilespmem:s31+$0x2860];
	_ =	sdelay $0x4  }
0x1c0: {  	[tilespmem:v2+s30+$0x0] =	vst.idx.msk $0xffff, v1  }
0x1c1: {  	v2 =	vadd.s32 $0x991, v0;
	v1 =	vld [tilespmem:s31+$0x2870]  }
0x1c2: {  	s31 =	smin.u32 s29, $0x77  }
0x1c3: {  	s29 =	sadd.s32 $0x1, s29;
	s1 =	sand.u32 $0x7, s31;
	s31 =	smul.u32 $0xE0, s31  }
0x1c4: {  	p0 =	sne.s32 s29, $0x80;
	s1 =	smul.u32 $0x3200, s1  }
.Ltmp0:
0x1c5: {  	_ = 	snop;
	(pc) =	sbr.rel @p0 .LBB2_2-.Ltmp0, $4  }
0x1c6: {  	s31 =	sshrl.u32 s31, $0x2;
	s1 =	sshrl.u32 s1, $0x2;
	[tilespmem:v2+s30+$0x0] =	vst.idx.msk $0xffff, v1  }
0x1c7: {  	[hbm4b:s28+s2] =	stream.linear.scatter [tilespmem:s30], [sflag:$0x2], $0xC80, $0x38;
	[tilespmem:$0xE400] =	vst v63  }
0x1c8: {  	s1 =	sadd.s32 $0x1C00, s1;
	s30 =	sadd.s32 $0x1C0, s31;
	s28 =	sadd.s32 $0x190, s28  }
0x1c9: {  	v2 =	vld [tilespmem:$0x1FFF0];
	[tilespmem:s1], [sflag:$0x1] =	stream.indirect.gather [hbm4b:s3+s8], $0x40, s30, s8, $0xb8  }
0x1ca: {  	_ =	swait.ge [sflag:s24], $0xC80  }
0x1cb: {  	[sflag:s24] =	ssyncset.done $0x0  }
0x1cc: {  	[sflag:s24] =	ssyncadd.s32 $0xFFFFF380  }
0x1cd: {  	_ =	swait.ge [sflag:s25], $0xC80  }
0x1ce: {  	[sflag:s25] =	ssyncset.done $0x0  }
0x1cf: {  	[sflag:s25] =	ssyncadd.s32 $0xFFFFF380  }
0x1d0: {  	_ =	swait.ge [sflag:s24], $0xC80  }
0x1d1: {  	[sflag:s24] =	ssyncset.done $0x0  }
0x1d2: {  	[sflag:s24] =	ssyncadd.s32 $0xFFFFF380  }
0x1d3: {  	_ =	swait.ge [sflag:s25], $0xC80  }
0x1d4: {  	[sflag:s25] =	ssyncset.done $0x0  }
0x1d5: {  	[sflag:s25] =	ssyncadd.s32 $0xFFFFF380  }
0x1d6: {  	_ =	swait.ge [sflag:s24], $0xC80  }
0x1d7: {  	[sflag:s24] =	ssyncset.done $0x0  }
0x1d8: {  	[sflag:s24] =	ssyncadd.s32 $0xFFFFF380  }
0x1d9: {  	_ =	swait.ge [sflag:s25], $0xC80  }
0x1da: {  	[sflag:s25] =	ssyncset.done $0x0  }
0x1db: {  	[sflag:s25] =	ssyncadd.s32 $0xFFFFF380  }
0x1dc: {  	_ =	swait.ge [sflag:s24], $0xC80  }
0x1dd: {  	[sflag:s24] =	ssyncset.done $0x0  }
0x1de: {  	[sflag:s24] =	ssyncadd.s32 $0xFFFFF380  }
0x1df: {  	_ =	swait.ge [sflag:s25], $0xC80  }
0x1e0: {  	[sflag:s25] =	ssyncset.done $0x0  }
0x1e1: {  	[sflag:s25] =	ssyncadd.s32 $0xFFFFF380  }
0x1e2: {  	_ =	swait.ge [sflag:s24], $0xC80  }
0x1e3: {  	[sflag:s24] =	ssyncset.done $0x0  }
0x1e4: {  	[sflag:s24] =	ssyncadd.s32 $0xFFFFF380  }
0x1e5: {  	_ =	swait.ge [sflag:s25], $0xC80  }
0x1e6: {  	[sflag:s25] =	ssyncset.done $0x0  }
0x1e7: {  	[sflag:s25] =	ssyncadd.s32 $0xFFFFF380  }
0x1e8: {  	_ =	swait.ge [sflag:s24], $0xC80  }
0x1e9: {  	[sflag:s24] =	ssyncset.done $0x0  }
0x1ea: {  	[sflag:s24] =	ssyncadd.s32 $0xFFFFF380  }
0x1eb: {  	_ =	swait.ge [sflag:s25], $0xC80  }
0x1ec: {  	[sflag:s25] =	ssyncset.done $0x0  }
0x1ed: {  	[sflag:s25] =	ssyncadd.s32 $0xFFFFF380  }
0x1ee: {  	_ =	swait.ge [sflag:s24], $0xC80  }
0x1ef: {  	[sflag:s24] =	ssyncset.done $0x0  }
0x1f0: {  	[sflag:s24] =	ssyncadd.s32 $0xFFFFF380  }
0x1f1: {  	_ =	swait.ge [sflag:s25], $0xC80  }
0x1f2: {  	[sflag:s25] =	ssyncset.done $0x0  }
0x1f3: {  	s26 =	sadd.s32 $0x1, s26;
	[sflag:s25] =	ssyncadd.s32 $0xFFFFF380  }
0x1f4: {  	p0 =	sne.s32 s26, s5;
	_ =	swait.ge [sflag:s24], $0xC80  }
.Ltmp1:
0x1f5: {  	[sflag:s24] =	ssyncset.done $0x0;
	(pc) =	sbr.rel @p0 .LBB2_1-.Ltmp1, $4  }
0x1f6: {  	[sflag:s24] =	ssyncadd.s32 $0xFFFFF380  }
0x1f7: {  	_ =	swait.ge [sflag:s25], $0xC80  }
0x1f8: {  	[sflag:s25] =	ssyncset.done $0x0  }
0x1f9: {  	[sflag:s25] =	ssyncadd.s32 $0xFFFFF380  }
0x1fa: {  	_ =	sfence.sel $0x180000  }
0x1fb: {  	[bflag:$0x0] =	sbarrier.arrive $0xFFFF  }
0x1fc: {  	_ =	strace $0x90000047  }
0x1fd: {  	[bflag:$0x2] =	sbarrier.arrive $0xFFFF  }
0x1fe: {  	p0 =	sne.s32 s0, $0x0;
	s0 =	rddreg [dreg:$0x1]  }
0x1ff: {  	s0 =	sadd.s32 @!p0 $0x100000, s0  }
0x200: {  	[sflag:s0] =	ssyncadd.tile.s32 @!p0 $0x1;
	_ =	shalt  }
.Lfunc_end2:
_tile_overlayer_lowered:
.L_overlay_start_2:
0x201: {  	(tag) =	ssettag $0x2  }
0x202: {  	s0 =	rddreg [dreg:$0x0];
	s2 =	stileid.u32  }
0x203: {  	s1 =	rddreg [dreg:$0x1];
	p0 =	sne.s32 s2, $0x0  }
0x204: {  	s3 =	rddreg [dreg:$0x2];
	[bflag:$0x3] =	sbarrier.arrive $0xFFFF;
	s2 =	simm.s32 @!p0 $0x1C03  }
0x205: {  	[timem:s3], [sflag:s2] =	dma.local @!p0 [hbm:s0], s1  }
0x206: {  	s0 =	simm.s32 @!p0 $0x3  }
0x207: {  	_ =	swait.ge @!p0 [sflag:s0], s1  }
0x208: {  	s1 =	ssub.s32 @!p0 $0x0, s1;
	[sflag:s0] =	ssyncset.done @!p0 $0x0  }
0x209: {  	[sflag:s0] =	ssyncadd.s32 @!p0 s1  }
0x20a: {  	[bflag:$0x3] =	sbarrier.arrive $0xFFFF  }
0x20b: {  	_ =	shalt  }

// kernel: sparse-core-data-format-call.1.cloned.1.call-start
scs
called_computation.1_lowered:
.L_overlay_start_0:
0x0: {  	s2 =	sld [smem:$0x3FD9]  }
0x1: {  	s3 =	sld [smem:$0x3FFE];
	_ =	sdelay $0x1  }
0x2: {  	s1 =	srdreg.scid  }
0x3: {  	s0 =	sand.u32 $0x1, s1  }
0x4: {  	s18 =	sshll.u32 s0, $0xA;
	s2 =	sadd.s32 s3, s2  }
0x5: {  	s2 =	sadd.s32 s2, s18  }
0x6: {  	[smem:$0x3FC6] =	sst s2  }
0x7: {  	_ = 	snop  }
0x8: {  	s2 =	sld [smem:$0x3FD0];
	(tm) =	ssettm $0x1  }
0x9: {  	s19 =	sld [smem:$0x3FFB];
	_ =	sdelay $0x3  }
0xa: {  	_ =	strace s19  }
0xb: {  	s3 =	sld [smem:$0x3FFC];
	_ =	sdelay $0x3  }
0xc: {  	_ =	strace s3  }
0xd: {  	s3 =	sld [smem:$0x3FFD];
	_ =	sdelay $0x3  }
0xe: {  	_ =	strace s3  }
0xf: {  	_ =	strace $0x8FFFFFFF  }
0x10: {  	s20 =	sld [smem:$0x3FDB];
	_ =	sdelay $0x1  }
0x11: {  	s4 =	simm.s32 $_scs_section_size  }
0x12: {  	s5 =	simm.s32 $_size__tile_overlayer_lowered;
	s6 =	simm.s32 $_tile_overlayer_lowered  }
0x13: {  	s23 =	simm.s32 $0x1BFF;
	s22 =	sshll.u32 s6, $0x1;
	s3 =	sadd.s32 s4, s20  }
0x14: {  	s7 =	simm.s32 $0x0;
	s21 =	sshll.u32 s5, $0x1;
	s5 =	sadd.s32 s22, s3  }
0x15: {  	[timem:s7], [sflag:s23] =	dma.local [hbm:s5], s21  }
0x16: {  	_ =	swait.ge [sflag:s23], s21  }
0x17: {  	s4 =	ssub.s32 $0x0, s21;
	[sflag:s23] =	ssyncset.done $0x0  }
0x18: {  	[sflag:s23] =	ssyncadd.s32 s4;
	_ =	sdelay $0x1  }
0x19: {  	s24 =	simm.s32 $0x1B8B  }
0x1a: {  	_ =	swait.ge [sflag:s24], $0x1  }
0x1b: {  	[sflag:s24] =	ssyncset.done $0x0  }
0x1c: {  	s26 =	simm.s32 $0x1B8E;
	s25 =	sld [smem:$0x3FFE];
	[sflag:s24] =	ssyncadd.s32 $0xFFFFFFFF  }
0x1d: {  	s27 =	simm.s32 $execute0_lowered;
	[smem:$0x3FD2] =	sst s26  }
0x1e: {  	s5 =	sshll.u32 s27, $0x1;
	_ =	strace $0x80000049;
	[dreg:$0x1] =	wrdreg $0xFFFFFFFF  }
0x1f: {  	s28 =	simm.s32 $_size_execute0_lowered;
	s3 =	sadd.s32 s3, s5;
	[dreg:$0x0] =	wrdreg $0x0  }
0x20: {  	s5 =	sshll.u32 s28, $0x1;
	[dreg:$0x2] =	wrdreg s3  }
0x21: {  	[dreg:$0x3] =	wrdreg s5  }
0x22: {  	[dreg:$0x4] =	wrdreg $0xC0  }
0x23: {  	_ =	task [dreg:s7], $0x5FFFF  }
0x24: {  	[dreg:$0x1] =	wrdreg $0xFFFFFFFF  }
0x25: {  	[dreg:$0x0] =	wrdreg $0x60  }
0x26: {  	[dreg:$0x2] =	wrdreg s2  }
0x27: {  	[dreg:$0x3] =	wrdreg s25  }
0x28: {  	[dreg:$0x4] =	wrdreg $0x9  }
0x29: {  	_ =	task.clear_ibuf [dreg:s7], $0x5FFFF;
	_ =	strace $0x90000049  }
0x2a: {  	s29 =	simm.s32 $0x9;
	_ =	strace $0x8000004B  }
0x2b: {  	_ =	swait.ge [sflag:s29], $0x1  }
0x2c: {  	[sflag:s29] =	ssyncadd.s32 $0xFFFFFFFF  }
0x2d: {  	_ =	strace $0x9000004B  }
0x2e: {  	_ =	sfence  }
0x2f: {  	s30 =	sld [smem:$0x0];
	_ =	sdelay $0x2  }
0x30: {  	s31 =	sshll.u32 s1, $0xD;
	s1 =	sshrl.u32 s1, $0x2  }
0x31: {  	s3 =	sand.u32 $0x4000, s31;
	s1 =	sadd.s32 s1, s30  }
0x32: {  	s0 =	sor.u32 s3, s0;
	s1 =	sshll.u32 s1, $0x11  }
0x33: {  	s0 =	sor.u32 s1, s0  }
0x34: {  	s0 =	sadd.s32 $0x8F2B, s0  }
0x35: {  	[sflag:s0] =	ssyncadd.remote.s32 $0x1  }
0x36: {  	_ =	sfence.sel $0xFFFF  }
0x37: {  	[dreg:$0x0] =	wrdreg $0xFFFFFFFF;
	(pc) =	sbr.abs _section_cstart, $3  }
0x38: {  	[dreg:$0x1] =	wrdreg $0xFFFFFFFF  }
0x39: {  	_ =	task.clear_ibuf [dreg:s7], $0x2FFFF;
	_ =	strace $0x9FFFFFFF  }
0x3a: {  	(tm) =	ssettm $0x7FFFFFFF  }
0x3b: {  	_ =	shalt  }
tec
execute0_lowered:
.L_overlay_start_1:
0x0: {  	(tag) =	ssettag $0x1  }
0x1: {  	s0 =	srdreg.scid  }
0x2: {  	s1 =	sshll.u32 s0, $0x4  }
0x3: {  	s0 =	stileid.u32;
	s1 =	sand.u32 $0x10, s1  }
0x4: {  	s3 =	rddreg [dreg:$0x0];
	s1 =	sor.u32 s0, s1  }
0x5: {  	s6 =	rddreg [dreg:$0x1];
	s2 =	sshll.u32 s1, $0x7  }
0x6: {  	s7 =	simm.s32 $0x2;
	s13 =	simm.s32 $0x0;
	s1 =	ssub.s32 $0x1000, s2  }
0x7: {  	s8 =	simm.s32 $0x8000;
	s12 =	simm.s32 $0x0;
	s4 =	sand.u32 $0xF80, s1  }
0x8: {  	s9 =	simm.s32 $0x0;
	p0 =	sne.s32 s4, $0x0;
	s4 =	simm.s32 $0x1  }
.Ltmp0:
0x9: {  	s5 =	sshrl.u32 s1, $0xC;
	s4 =	simm.s32 @!p0 $0x0;
	(pc) =	sbr.rel .LBB1_1-.Ltmp0, $4  }
0xa: {  	s11 =	simm.s32 $0x0;
	s1 =	rddreg [dreg:$0x2];
	s5 =	sadd.s32 s4, s5  }
0xb: {  	_ =	strace $0x8000004A;
	s4 =	simm.s32 $0x1;
	s5 =	smul.u32 $0x19, s5  }
0xc: {  	s6 =	sadd.s32 $0xC00, s6;
	s10 =	smov.u32 s2;
	[sflag:s4] =	ssyncpa.u1 $0x0  }
0xd: {  	p0 =	por $0x0, $0x0;
	[sflag:s7] =	ssyncpa.u1 $0x0;
	s7 =	sadd.s32 $0x1, s5  }
.LBB1_4:
0xe: {  	v5 =	vld [tilespmem:s16+$0xFFFFFFD0];
	[tilespmem:s17+$0x2040 ss:$0x81] =	vst.msk $0xffff, v3  }
0xf: {  	v58 =	vld [tilespmem:s16+$0xFFFFFFE0];
	[tilespmem:s17+$0x2850 ss:$0x81] =	vst.msk $0xffff, v4;
	s19 =	sshll.u32 s13, $0xC;
	s20 =	sshll.u32 s12, $0x3  }
0x10: {  	s18 =	sshra.s32 s18, $0x2;
	v59 =	vld [tilespmem:s16+$0xFFFFFFF0];
	[tilespmem:s17+$0x3060 ss:$0x81] =	vst.msk $0xffff, v2;
	s19 =	sand.u32 $0xFFFF8000, s19;
	s21 =	sand.u32 $0xFFFFFC00, s20  }
0x11: {  	[tilespmem:s17+$0x0 ss:$0x81] =	vst.msk $0xffff, v0;
	v60 =	vld [tilespmem:s16+$0x0];
	s15 =	sadd.s32 s18, s15;
	s25 =	sadd.s32 s21, s19  }
0x12: {  	v61 =	vld [tilespmem:s16+$0x10];
	[tilespmem:s15+$0x3870 ss:$0x81] =	vst.msk $0xffff, v1;
	s17 =	sshrl.u32 s25, $0xC  }
0x13: {  	v62 =	vld [tilespmem:s16+$0x20];
	s26 =	smulhi.u32 $0x147AE2, s17;
	[tilespmem:s15+$0x810 ss:$0x81] =	vst.msk $0xffff, v5  }
0x14: {  	v63 =	vld [tilespmem:s16+$0xFFFFFFC0];
	s27 =	sand.u32 $0x78, s12;
	s28 =	sshll.u32 s13, $0x7;
	s29 =	sand.u32 $0xC00, s20;
	[tilespmem:s15+$0x1020 ss:$0x81] =	vst.msk $0xffff, v58  }
0x15: {  	s13 =	sand.u32 $0x380, s28;
	s16 =	sor.u32 s27, s29;
	[tilespmem:s15+$0x1830 ss:$0x81] =	vst.msk $0xffff, v59;
	s18 =	smul.u32 $0xC80, s26  }
0x16: {  	s13 =	sor.u32 s13, s16;
	[tilespmem:s15+$0x2040 ss:$0x81] =	vst.msk $0xffff, v60  }
0x17: {  	s31 =	sand.u32 $0x7, s12;
	s13 =	sshrl.u32 s13, $0x3;
	[tilespmem:s15+$0x2850 ss:$0x81] =	vst.msk $0xffff, v61;
	s30 =	ssub.s32 s17, s18  }
0x18: {  	s12 =	sshll.u32 s31, $0x12;
	[tilespmem:s15+$0x3060 ss:$0x81] =	vst.msk $0xffff, v62;
	s13 =	sadd.s32 s6, s13;
	s16 =	sshll.u32 s30, $0x9  }
0x19: {  	s12 =	sor.u32 $0x400, s12;
	[tilespmem:s15+$0x0 ss:$0x81] =	vst.msk $0xffff, v63;
	s13 =	sadd.s32 s16, s13  }
0x1a: {  	[hbm4b:s13+s12] =	stream.strided.scatter [tilespmem:s14], [sflag:$0x2], $0x4000, s8, s12, $0x20;
	[tilespmem:$0x10100] =	vst v63  }
.LBB1_5:
0x1b: {  	s14 =	sadd.s32 $0x80, s9  }
0x1c: {  	s12 =	sadd.s32 $0x1000, s10;
	s16 =	smov.u32 s10;
	p2 =	sgt.s32 s14, $0xC7F  }
0x1d: {  	s16 =	smov.u32 @p2 s12  }
0x1e: {  	s14 =	simm.s32 @p2 $0x0;
	p2 =	sgt.s32 s16, $0xFFF  }
0x1f: {  	s16 =	smov.u32 @p2 s2;
	p2 =	sne.s32 s11, s7  }
.Ltmp1:
0x20: {  	p1 =	slt.u32 s11, $0x2;
	(pc) =	sbr.rel @!p2 .LBB1_6-.Ltmp1, $4  }
0x21: {  	s15 =	simm.s32 @!p1 $0x2  }
0x22: {  	s13 =	smov.u32 s9;
	p0 =	por !p0, !p0;
	_ =	swait.ge @!p1 [sflag:s15], $0x4000  }
0x23: {  	s12 =	smov.u32 s10;
	[sflag:s15] =	ssyncset.done @!p1 $0x0;
	s9 =	smov.u32 s14  }
0x24: {  	s11 =	sadd.s32 $0x1, s11;
	[sflag:s15] =	ssyncadd.s32 @!p1 $0xFFFFC000;
	s10 =	smov.u32 s16  }
.LBB1_1:
0x25: {  	p1 =	sge.u32 s11, s5  }
0x26: {  	s14 =	sshrl.u32 @!p1 s10, $0x3  }
0x27: {  	s15 =	sshll.u32 @!p1 s9, $0x3;
	s14 =	smul.u32 @!p1 $0x6400, s14  }
0x28: {  	s16 =	sshll.u32 @!p1 s10, $0x7;
	s15 =	sand.u32 @!p1 $0xFFFFFC00, s15  }
0x29: {  	s14 =	sadd.s32 @!p1 s14, s15;
	s15 =	sand.u32 @!p1 $0x380, s16  }
0x2a: {  	s16 =	sand.u32 @!p1 $0x7F, s9;
	s14 =	sor.u32 @!p1 s15, s14  }
0x2b: {  	s15 =	sor.u32 @!p1 s16, s14  }
0x2c: {  	s16 =	smulhi.u32 @!p1 $0x51EB851F, s15;
	_ =	sdelay $0x1  }
0x2d: {  	s14 =	smulhi.u32 @!p1 $0x51EB851F, s14;
	s16 =	sshrl.u32 @!p1 s16, $0xA  }
0x2e: {  	s16 =	smul.u32 @!p1 $0xC80, s16  }
0x2f: {  	s31 =	sadd.s32 $0xFFFFFFFF, s11;
	s17 =	sxor.u32 @!p1 $0xFFFFFFFF, s11;
	s14 =	sshrl.u32 @!p1 s14, $0xA  }
0x30: {  	s17 =	sshll.u32 @!p1 s17, $0xE;
	s14 =	sand.u32 @!p1 $0xFFF, s14;
	s15 =	ssub.s32 @!p1 s15, s16  }
0x31: {  	s14 =	smul.u32 @!p1 $0x190, s14;
	s16 =	sshrl.u32 @!p1 s15, $0x3;
	s15 =	sand.u32 @!p1 $0x7, s15  }
0x32: {  	s17 =	sand.u32 @!p1 $0x4000, s17;
	s16 =	sadd.s32 @!p1 s3, s16;
	s15 =	sshll.u32 @!p1 s15, $0x12  }
0x33: {  	s14 =	sadd.s32 @!p1 s14, s16;
	s15 =	sor.u32 @!p1 $0x400, s15;
	s16 =	simm.s32 @!p1 $0x6400  }
0x34: {  	[tilespmem:s17], [sflag:$0x1] =	stream.strided.gather @!p1 [hbm4b:s14+s15], $0x4000, s16, s15, $0x38;
	[tilespmem:$0x10100] =	vst v63  }
0x35: {  	p1 =	sge.u32 s31, s5  }
.Ltmp2:
0x36: {  	_ = 	snop;
	(pc) =	sbr.rel @p1 .LBB1_5-.Ltmp2, $1  }
0x37: {  	_ =	sdelay $0x3  }
0x38: {  	s14 =	simm.s32 $0x1  }
0x39: {  	_ =	swait.ge [sflag:s4], $0x4000;
	s14 =	simm.s32 @!p0 $0x0  }
0x3a: {  	[sflag:s4] =	ssyncset.done $0x0;
	s15 =	sshll.u32 s14, $0xE  }
0x3b: {  	[sflag:s4] =	ssyncadd.s32 $0xFFFFC000;
	s16 =	sor.u32 $0x40, s15  }
0x3c: {  	s14 =	smul.u32 $0x10200, s14;
	v0 =	vld [tilespmem:s16+$0x30]  }
0x3d: {  	v1 =	vld [tilespmem:s16+$0xFFFFFFD0]  }
0x3e: {  	s14 =	sshrl.u32 s14, $0x2;
	v5 =	vld [tilespmem:s16+$0xFFFFFFE0]  }
0x3f: {  	v6 =	vld [tilespmem:s16+$0xFFFFFFF0];
	s15 =	sor.u32 $0x8000, s14  }
0x40: {  	s31 =	sand.u32 $0x1, s11;
	v3 =	vld [tilespmem:s16+$0x0];
	s17 =	sadd.s32 $0x0, s15  }
0x41: {  	v4 =	vld [tilespmem:s16+$0x10];
	s14 =	smul.u32 $0x10200, s31;
	[tilespmem:s17+$0x3870 ss:$0x81] =	vst.msk $0xffff, v0  }
0x42: {  	v2 =	vld [tilespmem:s16+$0x20];
	[tilespmem:s17+$0x810 ss:$0x81] =	vst.msk $0xffff, v1  }
0x43: {  	s14 =	sshrl.u32 s14, $0x2;
	v0 =	vld [tilespmem:s16+$0xFFFFFFC0];
	[tilespmem:s17+$0x1020 ss:$0x81] =	vst.msk $0xffff, v5;
	s16 =	sadd.s32 $0x80, s16  }
0x44: {  	s18 =	simm.s32 $0x4;
	s19 =	simm.s32 $0x8;
	s14 =	sor.u32 $0x8000, s14;
	[tilespmem:s17+$0x1830 ss:$0x81] =	vst.msk $0xffff, v6;
	v1 =	vld [tilespmem:s16+$0x30]  }
.LBB1_3:
0x45: {  	p1 =	sne.s32 s19, $0x1FC;
	v5 =	vld [tilespmem:s16+$0xFFFFFFD0];
	[tilespmem:s17+$0x2040 ss:$0x81] =	vst.msk $0xffff, v3  }
0x46: {  	v6 =	vld [tilespmem:s16+$0xFFFFFFE0];
	[tilespmem:s17+$0x2850 ss:$0x81] =	vst.msk $0xffff, v4  }
0x47: {  	s20 =	sshra.s32 s18, $0x2;
	s18 =	smov.u32 s19;
	v7 =	vld [tilespmem:s16+$0xFFFFFFF0];
	[tilespmem:s17+$0x3060 ss:$0x81] =	vst.msk $0xffff, v2  }
.Ltmp3:
0x48: {  	v3 =	vld [tilespmem:s16+$0x0];
	[tilespmem:s17+$0x0 ss:$0x81] =	vst.msk $0xffff, v0;
	s17 =	sadd.s32 s20, s15;
	(pc) =	sbr.rel @p1 .LBB1_3-.Ltmp3, $4  }
0x49: {  	v4 =	vld [tilespmem:s16+$0x10];
	[tilespmem:s17+$0x3870 ss:$0x81] =	vst.msk $0xffff, v1  }
0x4a: {  	[tilespmem:s17+$0x810 ss:$0x81] =	vst.msk $0xffff, v5;
	v2 =	vld [tilespmem:s16+$0x20]  }
0x4b: {  	v0 =	vld [tilespmem:s16+$0xFFFFFFC0];
	[tilespmem:s17+$0x1020 ss:$0x81] =	vst.msk $0xffff, v6;
	s16 =	sadd.s32 $0x80, s16  }
0x4c: {  	s19 =	sadd.s32 $0x4, s19;
	v1 =	vld [tilespmem:s16+$0x30];
	[tilespmem:s17+$0x1830 ss:$0x81] =	vst.msk $0xffff, v7  }
.Ltmp4:
0x4d: {  	_ = 	snop;
	(pc) =	sbr.rel .LBB1_4-.Ltmp4, $1  }
0x4e: {  	_ =	sdelay $0x3  }
.LBB1_6:
0x4f: {  	_ =	sfence.sel $0x180000  }
0x50: {  	s2 =	simm.s32 $0x1;
	[bflag:$0x0] =	sbarrier.arrive $0xFFFF  }
0x51: {  	s31 =	simm.s32 $0x2;
	[sflag:s2] =	ssyncpa.u1 $0x1  }
0x52: {  	[sflag:s31] =	ssyncpa.u1 $0x1  }
0x53: {  	p0 =	sne.s32 s0, $0x0;
	_ =	strace $0x9000004A  }
0x54: {  	s0 =	sadd.s32 @!p0 $0x100000, s1;
	[bflag:$0x2] =	sbarrier.arrive $0xFFFF  }
0x55: {  	[sflag:s0] =	ssyncadd.tile.s32 @!p0 $0x1;
	_ =	shalt  }
.Lfunc_end1:
_tile_overlayer_lowered:
.L_overlay_start_2:
0x56: {  	(tag) =	ssettag $0x2  }
0x57: {  	s0 =	rddreg [dreg:$0x0];
	s2 =	stileid.u32  }
0x58: {  	s1 =	rddreg [dreg:$0x1];
	p0 =	sne.s32 s2, $0x0  }
0x59: {  	s3 =	rddreg [dreg:$0x2];
	[bflag:$0x3] =	sbarrier.arrive $0xFFFF;
	s2 =	simm.s32 @!p0 $0x1C01  }
0x5a: {  	[timem:s3], [sflag:s2] =	dma.local @!p0 [hbm:s0], s1  }
0x5b: {  	s0 =	simm.s32 @!p0 $0x1  }
0x5c: {  	_ =	swait.ge @!p0 [sflag:s0], s1  }
0x5d: {  	s1 =	ssub.s32 @!p0 $0x0, s1;
	[sflag:s0] =	ssyncset.done @!p0 $0x0  }
0x5e: {  	[sflag:s0] =	ssyncadd.s32 @!p0 s1  }
0x5f: {  	[bflag:$0x3] =	sbarrier.arrive $0xFFFF  }
0x60: {  	_ =	shalt  }

// kernel: sparse-core-data-format-call.cloned.1.call-start
scs
called_computation_lowered:
.L_overlay_start_0:
0x0: {  	s2 =	sld [smem:$0x3FD9]  }
0x1: {  	s3 =	sld [smem:$0x3FFE];
	_ =	sdelay $0x1  }
0x2: {  	s1 =	srdreg.scid  }
0x3: {  	s0 =	sand.u32 $0x1, s1  }
0x4: {  	s18 =	sshll.u32 s0, $0xA;
	s2 =	sadd.s32 s3, s2  }
0x5: {  	s2 =	sadd.s32 s2, s18  }
0x6: {  	[smem:$0x3FC6] =	sst s2  }
0x7: {  	_ = 	snop  }
0x8: {  	s2 =	sld [smem:$0x3FD0];
	(tm) =	ssettm $0x1  }
0x9: {  	s19 =	sld [smem:$0x3FFB];
	_ =	sdelay $0x3  }
0xa: {  	_ =	strace s19  }
0xb: {  	s3 =	sld [smem:$0x3FFC];
	_ =	sdelay $0x3  }
0xc: {  	_ =	strace s3  }
0xd: {  	s3 =	sld [smem:$0x3FFD];
	_ =	sdelay $0x3  }
0xe: {  	_ =	strace s3  }
0xf: {  	_ =	strace $0x8FFFFFFF  }
0x10: {  	s20 =	sld [smem:$0x3FDB];
	_ =	sdelay $0x1  }
0x11: {  	s4 =	simm.s32 $_scs_section_size  }
0x12: {  	s5 =	simm.s32 $_size__tile_overlayer_lowered;
	s6 =	simm.s32 $_tile_overlayer_lowered  }
0x13: {  	s23 =	simm.s32 $0x1BFF;
	s22 =	sshll.u32 s6, $0x1;
	s3 =	sadd.s32 s4, s20  }
0x14: {  	s7 =	simm.s32 $0x0;
	s21 =	sshll.u32 s5, $0x1;
	s5 =	sadd.s32 s22, s3  }
0x15: {  	[timem:s7], [sflag:s23] =	dma.local [hbm:s5], s21  }
0x16: {  	_ =	swait.ge [sflag:s23], s21  }
0x17: {  	s4 =	ssub.s32 $0x0, s21;
	[sflag:s23] =	ssyncset.done $0x0  }
0x18: {  	[sflag:s23] =	ssyncadd.s32 s4;
	_ =	sdelay $0x1  }
0x19: {  	s24 =	simm.s32 $0x1B8B  }
0x1a: {  	_ =	swait.ge [sflag:s24], $0x1  }
0x1b: {  	[sflag:s24] =	ssyncset.done $0x0  }
0x1c: {  	s26 =	simm.s32 $0x1B8E;
	s25 =	sld [smem:$0x3FFE];
	[sflag:s24] =	ssyncadd.s32 $0xFFFFFFFF  }
0x1d: {  	s27 =	simm.s32 $execute0_lowered;
	[smem:$0x3FD2] =	sst s26  }
0x1e: {  	s5 =	sshll.u32 s27, $0x1;
	_ =	strace $0x8000004C;
	[dreg:$0x1] =	wrdreg $0xFFFFFFFF  }
0x1f: {  	s28 =	simm.s32 $_size_execute0_lowered;
	s3 =	sadd.s32 s3, s5;
	[dreg:$0x0] =	wrdreg $0x0  }
0x20: {  	s5 =	sshll.u32 s28, $0x1;
	[dreg:$0x2] =	wrdreg s3  }
0x21: {  	[dreg:$0x3] =	wrdreg s5  }
0x22: {  	[dreg:$0x4] =	wrdreg $0xC0  }
0x23: {  	_ =	task [dreg:s7], $0x5FFFF  }
0x24: {  	[dreg:$0x1] =	wrdreg $0xFFFFFFFF  }
0x25: {  	[dreg:$0x0] =	wrdreg $0x60  }
0x26: {  	[dreg:$0x2] =	wrdreg s25  }
0x27: {  	[dreg:$0x3] =	wrdreg s2  }
0x28: {  	[dreg:$0x4] =	wrdreg $0x9  }
0x29: {  	_ =	task.clear_ibuf [dreg:s7], $0x5FFFF;
	_ =	strace $0x9000004C  }
0x2a: {  	s29 =	simm.s32 $0x9;
	_ =	strace $0x8000004E  }
0x2b: {  	_ =	swait.ge [sflag:s29], $0x1  }
0x2c: {  	[sflag:s29] =	ssyncadd.s32 $0xFFFFFFFF  }
0x2d: {  	_ =	strace $0x9000004E  }
0x2e: {  	_ =	sfence  }
0x2f: {  	s30 =	sld [smem:$0x0];
	_ =	sdelay $0x2  }
0x30: {  	s31 =	sshll.u32 s1, $0xD;
	s1 =	sshrl.u32 s1, $0x2  }
0x31: {  	s3 =	sand.u32 $0x4000, s31;
	s1 =	sadd.s32 s1, s30  }
0x32: {  	s0 =	sor.u32 s3, s0;
	s1 =	sshll.u32 s1, $0x11  }
0x33: {  	s0 =	sor.u32 s1, s0  }
0x34: {  	s0 =	sadd.s32 $0x8F2B, s0  }
0x35: {  	[sflag:s0] =	ssyncadd.remote.s32 $0x1  }
0x36: {  	_ =	sfence.sel $0xFFFF  }
0x37: {  	[dreg:$0x0] =	wrdreg $0xFFFFFFFF;
	(pc) =	sbr.abs _section_cstart, $3  }
0x38: {  	[dreg:$0x1] =	wrdreg $0xFFFFFFFF  }
0x39: {  	_ =	task.clear_ibuf [dreg:s7], $0x2FFFF;
	_ =	strace $0x9FFFFFFF  }
0x3a: {  	(tm) =	ssettm $0x7FFFFFFF  }
0x3b: {  	_ =	shalt  }
tec
execute0_lowered:
.L_overlay_start_1:
0x0: {  	(tag) =	ssettag $0x1  }
0x1: {  	s0 =	srdreg.scid  }
0x2: {  	s1 =	sshll.u32 s0, $0x4  }
0x3: {  	s7 =	rddreg [dreg:$0x0];
	s0 =	stileid.u32;
	s1 =	sand.u32 $0x10, s1  }
0x4: {  	s3 =	rddreg [dreg:$0x1];
	s8 =	simm.s32 $0x1;
	s6 =	sor.u32 s0, s1  }
0x5: {  	s31 =	simm.s32 $0x2;
	s15 =	simm.s32 $0x0;
	s2 =	sshll.u32 s6, $0x7  }
0x6: {  	s10 =	simm.s32 $0x400;
	s11 =	simm.s32 $0x8000;
	s5 =	ssub.s32 $0x1000, s2  }
0x7: {  	s16 =	simm.s32 $0x0;
	s17 =	simm.s32 $0x0;
	s4 =	sand.u32 $0xF80, s5  }
0x8: {  	s12 =	simm.s32 $0x0;
	s13 =	simm.s32 $0x0;
	p0 =	sne.s32 s4, $0x0  }
.Ltmp0:
0x9: {  	s5 =	sshrl.u32 s5, $0xC;
	s8 =	simm.s32 @!p0 $0x0;
	(pc) =	sbr.rel .LBB1_1-.Ltmp0, $4  }
0xa: {  	s14 =	simm.s32 $0x0;
	s1 =	rddreg [dreg:$0x2];
	s5 =	sadd.s32 s8, s5  }
0xb: {  	_ =	strace $0x8000004D;
	s4 =	simm.s32 $0x1;
	s5 =	smul.u32 $0x19, s5  }
0xc: {  	s7 =	sadd.s32 $0x190C00, s7;
	s6 =	sshll.u32 s6, $0xA;
	[sflag:s4] =	ssyncpa.u1 $0x0  }
0xd: {  	[sflag:s31] =	ssyncpa.u1 $0x0;
	s8 =	sand.u32 $0xC00, s6;
	s9 =	sadd.s32 $0x1, s5  }
.LBB1_7:
0xe: {  	s18 =	sadd.s32 $0x2, s12  }
0xf: {  	s16 =	sadd.s32 $0x40, s13;
	s19 =	smov.u32 s13;
	p1 =	sgt.s32 s18, $0x31  }
0x10: {  	s19 =	smov.u32 @p1 s16  }
0x11: {  	s18 =	simm.s32 @p1 $0x0;
	p1 =	sgt.s32 s19, $0x3F  }
0x12: {  	s19 =	simm.s32 @p1 $0x0;
	p1 =	sne.s32 s14, s9  }
.Ltmp1:
0x13: {  	p0 =	slt.u32 s14, $0x2;
	(pc) =	sbr.rel @!p1 .LBB1_8-.Ltmp1, $4  }
0x14: {  	s15 =	simm.s32 @!p0 $0x2  }
0x15: {  	s17 =	smov.u32 s13;
	_ =	swait.ge @!p0 [sflag:s15], $0x4000;
	s16 =	smov.u32 s12  }
0x16: {  	[sflag:s15] =	ssyncset.done @!p0 $0x0;
	s12 =	smov.u32 s18;
	s14 =	sadd.s32 $0x1, s14  }
0x17: {  	[sflag:s15] =	ssyncadd.s32 @!p0 $0xFFFFC000;
	s15 =	smov.u32 s2;
	s13 =	smov.u32 s19  }
.LBB1_1:
0x18: {  	p0 =	sge.u32 s14, s5  }
0x19: {  	s18 =	sshll.u32 @!p0 s12, $0xC  }
0x1a: {  	s18 =	sand.u32 @!p0 $0xFFFF8000, s18  }
0x1b: {  	s18 =	sor.u32 @!p0 s6, s18  }
0x1c: {  	s18 =	sshrl.u32 @!p0 s18, $0xC  }
0x1d: {  	s20 =	sshll.u32 @!p0 s12, $0x7;
	s19 =	smulhi.u32 @!p0 $0x4924925, s18  }
0x1e: {  	s21 =	smul.u32 @!p0 $0x7000, s13;
	s20 =	sand.u32 @!p0 $0x380, s20  }
0x1f: {  	s20 =	sor.u32 @!p0 s8, s20;
	s19 =	smul.u32 @!p0 $0x38, s19  }
0x20: {  	s31 =	sadd.s32 $0xFFFFFFFF, s14;
	s21 =	sadd.s32 @!p0 s7, s21;
	s20 =	sshrl.u32 @!p0 s20, $0x3  }
0x21: {  	s20 =	sadd.s32 @!p0 s20, s21;
	s18 =	ssub.s32 @!p0 s18, s19;
	s19 =	sxor.u32 @!p0 $0xFFFFFFFF, s14  }
0x22: {  	s21 =	simm.s32 @!p0 $0x38000;
	s19 =	sshll.u32 @!p0 s19, $0xE;
	s18 =	sshll.u32 @!p0 s18, $0x9  }
0x23: {  	s19 =	sand.u32 @!p0 $0x4000, s19;
	s18 =	sadd.s32 @!p0 s18, s20;
	s20 =	simm.s32 @!p0 $0x100  }
0x24: {  	[tilespmem:s19], [sflag:$0x1] =	stream.strided.gather @!p0 [hbm4b:s18+s20], $0x4000, s21, s20, $0x38;
	[tilespmem:$0x10000] =	vst v63  }
0x25: {  	p0 =	sge.u32 s31, s5  }
.Ltmp2:
0x26: {  	_ = 	snop;
	(pc) =	sbr.rel @p0 .LBB1_7-.Ltmp2, $1  }
0x27: {  	_ =	sdelay $0x3  }
0x28: {  	_ =	swait.ge [sflag:s4], $0x4000;
	s18 =	sshll.u32 s14, $0xE  }
0x29: {  	[sflag:s4] =	ssyncset.done $0x0;
	s19 =	sand.u32 $0x4000, s18  }
0x2a: {  	s20 =	simm.s32 $0x0;
	[sflag:s4] =	ssyncadd.s32 $0xFFFFC000;
	s18 =	sor.u32 $0x8000, s19  }
.LBB1_3:
0x2b: {  	s21 =	sshll.u32 s20, $0x8  }
0x2c: {  	s21 =	sand.u32 $0x3FFFFF00, s21  }
0x2d: {  	s22 =	sshll.u32 s20, $0x7;
	s21 =	sadd.s32 s21, s19  }
0x2e: {  	s22 =	sand.u32 $0x3FFFFF80, s22;
	v0 =	vmov s21  }
0x2f: {  	s22 =	sadd.s32 s22, s18  }
0x30: {  	p0 =	por $0x1, $0x1;
	v1 =	vmov s22;
	s21 =	simm.s32 $0x0  }
.LBB1_4:
0x31: {  	s22 =	sshll.u32 s21, $0x7  }
0x32: {  	s22 =	sand.u32 $0x3FFFFF80, s22  }
0x33: {  	v2 =	vld.idx.msk [tilespmem:v0+s22+$0x0 ss:$0x1], $0xffff  }
0x34: {  	v3 =	vld.idx.msk [tilespmem:v0+s22+$0x10 ss:$0x1], $0xffff  }
0x35: {  	v4 =	vld.idx.msk [tilespmem:v0+s22+$0x20 ss:$0x1], $0xffff  }
0x36: {  	s31 =	sshll.u32 s21, $0xD;
	v5 =	vld.idx.msk [tilespmem:v0+s22+$0x30 ss:$0x1], $0xffff  }
0x37: {  	s21 =	sand.u32 $0x3FFFE000, s31;
	v6 =	vld.idx.msk [tilespmem:v0+s22+$0x40 ss:$0x1], $0xffff  }
0x38: {  	v63 =	vld.idx.msk [tilespmem:v0+s22+$0x70 ss:$0x1], $0xffff;
	[tilespmem:v1+s21+$0x0 ss:$0x1] =	vst.idx.msk $0xffff, v2  }
0x39: {  	v2 =	vld.idx.msk [tilespmem:v0+s22+$0x50 ss:$0x1], $0xffff;
	[tilespmem:v1+s21+$0x10 ss:$0x1] =	vst.idx.msk $0xffff, v3  }
0x3a: {  	p1 =	por p0, p0;
	v3 =	vld.idx.msk [tilespmem:v0+s22+$0x60 ss:$0x1], $0xffff;
	[tilespmem:v1+s21+$0x20 ss:$0x1] =	vst.idx.msk $0xffff, v4  }
.Ltmp3:
0x3b: {  	[tilespmem:v1+s21+$0x30 ss:$0x1] =	vst.idx.msk $0xffff, v5;
	(pc) =	sbr.rel @p1 .LBB1_4-.Ltmp3, $4  }
0x3c: {  	[tilespmem:v1+s21+$0x40 ss:$0x1] =	vst.idx.msk $0xffff, v6  }
0x3d: {  	[tilespmem:v1+s21+$0x70 ss:$0x1] =	vst.idx.msk $0xffff, v63  }
0x3e: {  	[tilespmem:v1+s21+$0x50 ss:$0x1] =	vst.idx.msk $0xffff, v2  }
0x3f: {  	p0 =	por $0x0, $0x0;
	[tilespmem:v1+s21+$0x60 ss:$0x1] =	vst.idx.msk $0xffff, v3;
	s21 =	simm.s32 $0x1  }
0x40: {  	s20 =	sadd.s32 $0x1, s20  }
0x41: {  	p0 =	sne.s32 s20, $0x40  }
.Ltmp4:
0x42: {  	_ = 	snop;
	(pc) =	sbr.rel @p0 .LBB1_3-.Ltmp4, $1  }
0x43: {  	_ =	sdelay $0x3  }
0x44: {  	s19 =	sshll.u32 s15, $0x3;
	s20 =	sshll.u32 s17, $0x7;
	s29 =	sshll.u32 s17, $0x9  }
0x45: {  	s16 =	sshll.u32 s16, $0xF;
	s20 =	sand.u32 $0x380, s20;
	s19 =	sand.u32 $0xC00, s19  }
.Ltmp5:
0x46: {  	s17 =	sand.u32 $0x7000, s29;
	s19 =	sor.u32 s20, s19;
	(pc) =	sbr.rel .LBB1_7-.Ltmp5, $4  }
0x47: {  	s16 =	sadd.s32 s3, s16;
	s30 =	sadd.s32 s15, s17;
	s31 =	sshrl.u32 s19, $0x3  }
0x48: {  	s15 =	sand.u32 $0x7E00, s30;
	s16 =	sadd.s32 s31, s16  }
0x49: {  	s15 =	sadd.s32 s15, s16  }
0x4a: {  	[hbm4b:s15+s10] =	stream.strided.scatter [tilespmem:s18], [sflag:$0x2], $0x4000, s11, s10, $0x38;
	[tilespmem:$0x10000] =	vst v63  }
.LBB1_8:
0x4b: {  	_ =	sfence.sel $0x180000  }
0x4c: {  	s2 =	simm.s32 $0x1;
	[bflag:$0x0] =	sbarrier.arrive $0xFFFF  }
0x4d: {  	s31 =	simm.s32 $0x2;
	[sflag:s2] =	ssyncpa.u1 $0x1  }
0x4e: {  	[sflag:s31] =	ssyncpa.u1 $0x1  }
0x4f: {  	p0 =	sne.s32 s0, $0x0;
	_ =	strace $0x9000004D  }
0x50: {  	s0 =	sadd.s32 @!p0 $0x100000, s1;
	[bflag:$0x2] =	sbarrier.arrive $0xFFFF  }
0x51: {  	[sflag:s0] =	ssyncadd.tile.s32 @!p0 $0x1;
	_ =	shalt  }
.Lfunc_end1:
_tile_overlayer_lowered:
.L_overlay_start_2:
0x52: {  	(tag) =	ssettag $0x2  }
0x53: {  	s0 =	rddreg [dreg:$0x0];
	s2 =	stileid.u32  }
0x54: {  	s1 =	rddreg [dreg:$0x1];
	p0 =	sne.s32 s2, $0x0  }
0x55: {  	s3 =	rddreg [dreg:$0x2];
	[bflag:$0x3] =	sbarrier.arrive $0xFFFF;
	s2 =	simm.s32 @!p0 $0x1C01  }
0x56: {  	[timem:s3], [sflag:s2] =	dma.local @!p0 [hbm:s0], s1  }
0x57: {  	s0 =	simm.s32 @!p0 $0x1  }
0x58: {  	_ =	swait.ge @!p0 [sflag:s0], s1  }
0x59: {  	s1 =	ssub.s32 @!p0 $0x0, s1;
	[sflag:s0] =	ssyncset.done @!p0 $0x0  }
0x5a: {  	[sflag:s0] =	ssyncadd.s32 @!p0 s1  }
0x5b: {  	[bflag:$0x3] =	sbarrier.arrive $0xFFFF  }
0x5c: {  	_ =	shalt  }

</sc_bundles>
